<compile_context>
chip_gen: v7x
topology: tpu7x:2x2x1
jax: 0.10.2.dev20260603
libtpu: 0.0.44.dev20260713+nightly
codegen_flags: <defaults>
</compile_context>

<pallas_src>
import functools

import jax
import jax.numpy as jnp
from jax import lax
from jax.experimental import pallas as pl
from jax.experimental.pallas import tpu as pltpu
from jax.experimental.pallas import tpu_sc as plsc

N_BUCKETS = 1000000
BDIM = 32
DMODEL = 128
MULT = 1056
GUARD = 8


def _gather_body(ids_hbm, table_hbm, emb_hbm, ids_v, idx_v, rows_a, rows_b,
                 gsem_a, gsem_b, stage_sem, *, total, chunk, seq_len, gb, kf):
    nc = 2
    wid = lax.axis_index("s") * nc + lax.axis_index("c")
    rows_per_tile = chunk // seq_len
    base = wid * chunk
    bigb = gb * kf
    nbig = chunk // bigb

    pltpu.async_copy(
        ids_hbm.at[pl.ds(wid * rows_per_tile, rows_per_tile), :],
        ids_v.at[pl.ds(0, rows_per_tile), pl.ds(GUARD, seq_len)],
        stage_sem,
    ).wait()

    lanes = lax.iota(jnp.int32, 16)
    tstarts = list(range(0, seq_len - 16, 16)) + [seq_len - 16]

    def hash_body(r, carry):
        for t0 in tstarts:
            curr = ids_v[r, pl.ds(t0 + GUARD, 16)]
            prev = ids_v[r, pl.ds(t0 + GUARD - 1, 16)]
            if t0 == 0:
                prev = jnp.where(lanes == 0, 0, prev)
            h = (prev * MULT + curr) % N_BUCKETS
            idx_v[pl.ds(r * seq_len + t0, 16)] = h
        return carry

    lax.fori_loop(0, rows_per_tile, hash_body, 0)

    def fire(buf, gsem, c):
        for k in range(kf):
            idx_slice = idx_v.at[pl.ds(c * bigb + k * gb, gb)]
            pltpu.async_copy(
                table_hbm.at[idx_slice], buf.at[pl.ds(k * gb, gb)], gsem
            )

    def drain(buf, gsem):
        pltpu.make_async_copy(emb_hbm.at[pl.ds(0, bigb)], buf, gsem).wait()

    def out_copy(buf, c):
        pltpu.sync_copy(buf, emb_hbm.at[pl.ds(base + c * bigb, bigb)])

    fire(rows_a, gsem_a, 0)

    def pipe_body(p, carry):
        ca = 2 * p
        fire(rows_b, gsem_b, ca + 1)
        drain(rows_a, gsem_a)
        out_copy(rows_a, ca)
        fire(rows_a, gsem_a, ca + 2)
        drain(rows_b, gsem_b)
        out_copy(rows_b, ca + 1)
        return carry

    lax.fori_loop(0, (nbig - 1) // 2, pipe_body, 0)

    drain(rows_a, gsem_a)
    out_copy(rows_a, nbig - 1)


def _proj_body(x_ref, w_ref, o_ref, *, blk):
    y = lax.dot_general(
        x_ref[...], w_ref[...],
        (((1,), (0,)), ((), ())),
        preferred_element_type=jnp.float32,
    )
    o_ref[...] = y.reshape(4 * blk, DMODEL)


def _proj_body2(prev_hbm, x_ref, w_ref, o_ref, *, blk):
    del prev_hbm
    y = lax.dot_general(
        x_ref[...], w_ref[...],
        (((1,), (0,)), ((), ())),
        preferred_element_type=jnp.float32,
    )
    o_ref[...] = y.reshape(4 * blk, DMODEL)


@jax.jit
def kernel(input_ids, bigram_table, proj_w):
    batch, seq_len = input_ids.shape
    total = batch * seq_len
    total4 = total // 4
    nw = 32
    gb = 128
    kf = 4

    hbatch = batch // 2
    htotal = total // 2
    chunk = htotal // nw

    mesh = plsc.VectorSubcoreMesh(core_axis_name="c", subcore_axis_name="s")
    sc_gather = functools.partial(
        pl.kernel,
        mesh=mesh,
        out_type=jax.ShapeDtypeStruct((htotal, BDIM), jnp.float32),
        scratch_types=[
            pltpu.VMEM((hbatch // nw, seq_len + GUARD), jnp.int32),
            pltpu.VMEM((chunk,), jnp.int32),
            pltpu.VMEM((gb * kf, BDIM), jnp.float32),
            pltpu.VMEM((gb * kf, BDIM), jnp.float32),
            pltpu.SemaphoreType.DMA,
            pltpu.SemaphoreType.DMA,
            pltpu.SemaphoreType.DMA,
        ],
        compiler_params=pltpu.CompilerParams(use_tc_tiling_on_sc=False),
    )(functools.partial(_gather_body, total=htotal, chunk=chunk,
                        seq_len=seq_len, gb=gb, kf=kf))

    emb4_a = sc_gather(input_ids[:hbatch], bigram_table).reshape(
        htotal // 4, DMODEL)
    emb4_b = sc_gather(input_ids[hbatch:], bigram_table).reshape(
        htotal // 4, DMODEL)

    wt = proj_w.T
    w4 = jnp.zeros((DMODEL, 4 * DMODEL), jnp.float32)
    for k in range(4):
        w4 = lax.dynamic_update_slice(w4, wt, (BDIM * k, DMODEL * k))

    blk = 512
    hgrid = htotal // 4 // blk
    out1 = pl.pallas_call(
        functools.partial(_proj_body, blk=blk),
        grid=(hgrid,),
        in_specs=[
            pl.BlockSpec((blk, DMODEL), lambda i: (i, 0)),
            pl.BlockSpec((DMODEL, 4 * DMODEL), lambda i: (0, 0)),
        ],
        out_specs=pl.BlockSpec((4 * blk, DMODEL), lambda i: (i, 0)),
        out_shape=jax.ShapeDtypeStruct((total, DMODEL), jnp.float32),
    )(emb4_a, w4)

    out = pl.pallas_call(
        functools.partial(_proj_body2, blk=blk),
        grid=(hgrid,),
        in_specs=[
            pl.BlockSpec(memory_space=pl.ANY),
            pl.BlockSpec((blk, DMODEL), lambda i: (i, 0)),
            pl.BlockSpec((DMODEL, 4 * DMODEL), lambda i: (0, 0)),
        ],
        out_specs=pl.BlockSpec((4 * blk, DMODEL),
                               lambda i: (i + hgrid, 0)),
        out_shape=jax.ShapeDtypeStruct((total, DMODEL), jnp.float32),
        input_output_aliases={0: 0},
    )(out1, emb4_b, w4)

    return out.reshape(batch, seq_len, DMODEL)

# --- scband reference (transcript-rebuilt; emitter-appended) ---
"""Pipeline reference for scband-bigram-hash-embedding-68685116998077 (READ-ONLY COPY).

The authoritative reference and input builder live on the scoring server;
editing this copy changes nothing except your own understanding.
"""

import jax, jax.numpy as jnp
import numpy as np

NUM_BUCKETS = 1000000
BIGRAM_DIM = 32
D_MODEL = 128
BATCH = 4096
SEQ_LEN = 200
VOCAB = 100000


def setup_inputs(seed: int = 0) -> dict:
    key = jax.random.key(seed)
    k1, k2, k3 = jax.random.split(key, 3)
    input_ids = jax.random.randint(k1, (BATCH, SEQ_LEN), 0, VOCAB, dtype=jnp.int32)
    bigram_table = jax.random.normal(k2, (NUM_BUCKETS, BIGRAM_DIM), dtype=jnp.float32) * 0.02
    proj_w = jax.random.normal(k3, (D_MODEL, BIGRAM_DIM), dtype=jnp.float32) * 0.02
    return {"input_ids": input_ids, "bigram_table": bigram_table, "proj_w": proj_w}


def reference(input_ids, bigram_table, proj_w):
    batch_size = input_ids.shape[0]
    prev_ids = jnp.concatenate(
        [jnp.zeros((batch_size, 1), dtype=input_ids.dtype), input_ids[:, :-1]], axis=1
    )
    hash_val = (prev_ids * 1056 + input_ids) % NUM_BUCKETS
    bigram_emb = jnp.take(bigram_table, hash_val, axis=0)
    return bigram_emb @ proj_w.T

if __name__ == "__main__":
    import jax
    _d = setup_inputs()
    print(jax.jit(kernel)(*tuple(_d.values())))

</pallas_src>

<mosaic_0001>
#map = affine_map<(d0, d1) -> (0, 0)>
module attributes {stable_mosaic.version = 14 : i64} {
  func.func @_gather_body(%arg0: i32, %arg1: i32, %arg2: memref<2048x200xi32, #tpu.memory_space<hbm>>, %arg3: memref<1000000x32xf32, #tpu.memory_space<hbm>>, %arg4: memref<409600x32xf32, #tpu.memory_space<hbm>>, %arg5: memref<64x208xi32, #tpu.memory_space<vmem>>, %arg6: memref<12800xi32, #tpu.memory_space<vmem>>, %arg7: memref<512x32xf32, #tpu.memory_space<vmem>>, %arg8: memref<512x32xf32, #tpu.memory_space<vmem>>, %arg9: memref<!tpu.dma_semaphore, #tpu.memory_space<semaphore_mem>>, %arg10: memref<!tpu.dma_semaphore, #tpu.memory_space<semaphore_mem>>, %arg11: memref<!tpu.dma_semaphore, #tpu.memory_space<semaphore_mem>>) attributes {dimension_semantics = [#tpu.dimension_semantics<core_parallel>, #tpu.dimension_semantics<subcore_parallel>], iteration_bounds = array<i64: 2, 16>, scalar_prefetch = 0 : i64, scratch_operands = 7 : i64, tpu.core_type = #tpu.core_type<sc_vector_subcore>, window_params = [{transform_indices = #map}, {transform_indices = #map}, {transform_indices = #map}]} {
    %mul3A = arith.constant 2 : i32
    %mul3A_0 = arith.muli %arg1, %mul3A : i32
    %add3A = arith.addi %mul3A_0, %arg0 : i32
    %mul3A_1 = arith.constant 12800 : i32
    %mul3A_2 = arith.muli %add3A, %mul3A_1 : i32
    %mul3A_3 = arith.constant 64 : i32
    %mul3A_4 = arith.muli %add3A, %mul3A_3 : i32
    %dma_start3A = arith.constant 0 : i32
    %dma_start3A_5 = arith.constant 8 : i32
    %dma_start3A_6 = tpu.memref_slice %arg5[%dma_start3A, %dma_start3A_5] : memref<64x208xi32, #tpu.memory_space<vmem>> -> memref<64x200xi32, #tpu.memory_space<vmem>>
    %dma_start3A_7 = arith.constant 0 : i32
    %dma_start3A_8 = tpu.memref_slice %arg2[%mul3A_4, %dma_start3A_7] : memref<2048x200xi32, #tpu.memory_space<hbm>> -> memref<64x200xi32, #tpu.memory_space<hbm>>
    %dma_start3A_9 = arith.constant 0 : i32
    %dma_start3A_10 = arith.constant 8 : i32
    %dma_start3A_11 = tpu.memref_slice %arg5[%dma_start3A_9, %dma_start3A_10] : memref<64x208xi32, #tpu.memory_space<vmem>> -> memref<64x200xi32, #tpu.memory_space<vmem>>
    %dma_start3A_12 = arith.constant 0 : i32
    %dma_start3A_13 = tpu.memref_slice %arg2[%mul3A_4, %dma_start3A_12] : memref<2048x200xi32, #tpu.memory_space<hbm>> -> memref<64x200xi32, #tpu.memory_space<hbm>>
    tpu.enqueue_dma source(%dma_start3A_13 : memref<64x200xi32, #tpu.memory_space<hbm>>) target(%dma_start3A_11 : memref<64x200xi32, #tpu.memory_space<vmem>>) target_semaphore(%arg11 : memref<!tpu.dma_semaphore, #tpu.memory_space<semaphore_mem>>)
    %dma_wait3A = arith.constant 0 : i32
    %dma_wait3A_14 = arith.constant 8 : i32
    %dma_wait3A_15 = tpu.memref_slice %arg5[%dma_wait3A, %dma_wait3A_14] : memref<64x208xi32, #tpu.memory_space<vmem>> -> memref<64x200xi32, #tpu.memory_space<vmem>>
    %dma_wait3A_16 = arith.constant 0 : i32
    %dma_wait3A_17 = tpu.memref_slice %arg2[%mul3A_4, %dma_wait3A_16] : memref<2048x200xi32, #tpu.memory_space<hbm>> -> memref<64x200xi32, #tpu.memory_space<hbm>>
    %dma_wait3A_18 = arith.constant 0 : i32
    %dma_wait3A_19 = arith.constant 8 : i32
    %dma_wait3A_20 = tpu.memref_slice %arg5[%dma_wait3A_18, %dma_wait3A_19] : memref<64x208xi32, #tpu.memory_space<vmem>> -> memref<64x200xi32, #tpu.memory_space<vmem>>
    %dma_wait3A_21 = arith.constant 0 : i32
    %dma_wait3A_22 = tpu.memref_slice %arg2[%mul3A_4, %dma_wait3A_21] : memref<2048x200xi32, #tpu.memory_space<hbm>> -> memref<64x200xi32, #tpu.memory_space<hbm>>
    tpu.wait_dma2 semaphore(%arg11 : memref<!tpu.dma_semaphore, #tpu.memory_space<semaphore_mem>>) src(%dma_wait3A_22 : memref<64x200xi32, #tpu.memory_space<hbm>>) dst(%dma_wait3A_20 : memref<64x200xi32, #tpu.memory_space<vmem>>)
    %iota3A = tpu.iota {dimensions = array<i32: 0>} : vector<16xi32>
    %scan3A = arith.constant 0 : i32
    %scan3A_23 = arith.constant 0 : i32
    %scan3A_24 = arith.constant 64 : i32
    %scan3A_25 = arith.addi %scan3A_23, %scan3A_24 : i32
    %scan3A_26 = arith.constant 1 : i32
    scf.for %scan3A_74 = %scan3A_23 to %scan3A_25 step %scan3A_26  : i32 {
      %get3A = arith.index_cast %scan3A_74 : i32 to index
      %get3A_75 = arith.constant 8 : index
      %get3A_76 = tpu.vector_load %arg5[%get3A, %get3A_75] {strides = array<i32>} : memref<64x208xi32, #tpu.memory_space<vmem>>, vector<1x16xi32>,
      %get3A_77 = vector.shape_cast %get3A_76 : vector<1x16xi32> to vector<16xi32>
      %get3A_78 = arith.index_cast %scan3A_74 : i32 to index
      %get3A_79 = arith.constant 7 : index
      %get3A_80 = tpu.vector_load %arg5[%get3A_78, %get3A_79] {strides = array<i32>} : memref<64x208xi32, #tpu.memory_space<vmem>>, vector<1x16xi32>,
      %get3A_81 = vector.shape_cast %get3A_80 : vector<1x16xi32> to vector<16xi32>
      %eq3A = arith.constant 0 : i32
      %eq3A_82 = vector.broadcast %eq3A : i32 to vector<16xi32>
      %eq3A_83 = arith.cmpi eq, %iota3A, %eq3A_82 : vector<16xi32>
      %jit3A = arith.constant 0 : i32
      %broadcast_in_dim3A = vector.broadcast %jit3A : i32 to vector<16xi32>
      %select_n3A = arith.select %eq3A_83, %broadcast_in_dim3A, %get3A_81 : vector<16xi1>, vector<16xi32>
      %mul3A_84 = arith.constant 1056 : i32
      %mul3A_85 = vector.broadcast %mul3A_84 : i32 to vector<16xi32>
      %mul3A_86 = arith.muli %select_n3A, %mul3A_85 : vector<16xi32>
      %add3A_87 = arith.addi %mul3A_86, %get3A_77 : vector<16xi32>
      %jit3A_88 = arith.constant 1000000 : i32
      %eq3A_89 = arith.constant 0 : i32
      %eq3A_90 = arith.cmpi eq, %jit3A_88, %eq3A_89 : i32
      %jit3A_91 = arith.constant 1 : i32
      %select_n3A_92 = arith.select %eq3A_90, %jit3A_91, %jit3A_88 : i32
      %rem3A = vector.broadcast %select_n3A_92 : i32 to vector<16xi32>
      %rem3A_93 = arith.remsi %add3A_87, %rem3A : vector<16xi32>
      %ne3A = arith.constant 0 : i32
      %ne3A_94 = vector.broadcast %ne3A : i32 to vector<16xi32>
      %ne3A_95 = arith.cmpi ne, %rem3A_93, %ne3A_94 : vector<16xi32>
      %lt3A = arith.constant 0 : i32
      %lt3A_96 = vector.broadcast %lt3A : i32 to vector<16xi32>
      %lt3A_97 = arith.cmpi slt, %rem3A_93, %lt3A_96 : vector<16xi32>
      %lt3A_98 = arith.constant 0 : i32
      %lt3A_99 = arith.cmpi slt, %select_n3A_92, %lt3A_98 : i32
      %ne3A_100 = vector.broadcast %lt3A_99 : i1 to vector<16xi1>
      %ne3A_101 = vector.broadcast %ne3A_100 : vector<16xi1> to vector<16xi1>
      %ne3A_102 = arith.xori %lt3A_97, %ne3A_101 : vector<16xi1>
      %and3A = arith.andi %ne3A_102, %ne3A_95 : vector<16xi1>
      %add3A_103 = vector.broadcast %select_n3A_92 : i32 to vector<16xi32>
      %add3A_104 = arith.addi %rem3A_93, %add3A_103 : vector<16xi32>
      %select_n3A_105 = arith.select %and3A, %add3A_104, %rem3A_93 : vector<16xi1>, vector<16xi32>
      %mul3A_106 = arith.constant 200 : i32
      %mul3A_107 = arith.muli %scan3A_74, %mul3A_106 : i32
      %add3A_108 = arith.constant 0 : i32
      %add3A_109 = arith.addi %mul3A_107, %add3A_108 : i32
      %swap3A = arith.index_cast %add3A_109 : i32 to index
      %swap3A_110 = tpu.vector_load %arg6[%swap3A] {strides = array<i32>} : memref<12800xi32, #tpu.memory_space<vmem>>, vector<16xi32>,
      %swap3A_111 = vector.shape_cast %swap3A_110 : vector<16xi32> to vector<16xi32>
      %swap3A_112 = vector.shape_cast %select_n3A_105 : vector<16xi32> to vector<16xi32>
      tpu.vector_store %arg6[%swap3A], %swap3A_112 {strides = array<i32>} : memref<12800xi32, #tpu.memory_space<vmem>>, vector<16xi32>,
      %get3A_113 = arith.index_cast %scan3A_74 : i32 to index
      %get3A_114 = arith.constant 24 : index
      %get3A_115 = tpu.vector_load %arg5[%get3A_113, %get3A_114] {strides = array<i32>} : memref<64x208xi32, #tpu.memory_space<vmem>>, vector<1x16xi32>,
      %get3A_116 = vector.shape_cast %get3A_115 : vector<1x16xi32> to vector<16xi32>
      %get3A_117 = arith.index_cast %scan3A_74 : i32 to index
      %get3A_118 = arith.constant 23 : index
      %get3A_119 = tpu.vector_load %arg5[%get3A_117, %get3A_118] {strides = array<i32>} : memref<64x208xi32, #tpu.memory_space<vmem>>, vector<1x16xi32>,
      %get3A_120 = vector.shape_cast %get3A_119 : vector<1x16xi32> to vector<16xi32>
      %mul3A_121 = arith.constant 1056 : i32
      %mul3A_122 = vector.broadcast %mul3A_121 : i32 to vector<16xi32>
      %mul3A_123 = arith.muli %get3A_120, %mul3A_122 : vector<16xi32>
      %add3A_124 = arith.addi %mul3A_123, %get3A_116 : vector<16xi32>
      %jit3A_125 = arith.constant 1000000 : i32
      %eq3A_126 = arith.constant 0 : i32
      %eq3A_127 = arith.cmpi eq, %jit3A_125, %eq3A_126 : i32
      %jit3A_128 = arith.constant 1 : i32
      %select_n3A_129 = arith.select %eq3A_127, %jit3A_128, %jit3A_125 : i32
      %rem3A_130 = vector.broadcast %select_n3A_129 : i32 to vector<16xi32>
      %rem3A_131 = arith.remsi %add3A_124, %rem3A_130 : vector<16xi32>
      %ne3A_132 = arith.constant 0 : i32
      %ne3A_133 = vector.broadcast %ne3A_132 : i32 to vector<16xi32>
      %ne3A_134 = arith.cmpi ne, %rem3A_131, %ne3A_133 : vector<16xi32>
      %lt3A_135 = arith.constant 0 : i32
      %lt3A_136 = vector.broadcast %lt3A_135 : i32 to vector<16xi32>
      %lt3A_137 = arith.cmpi slt, %rem3A_131, %lt3A_136 : vector<16xi32>
      %lt3A_138 = arith.constant 0 : i32
      %lt3A_139 = arith.cmpi slt, %select_n3A_129, %lt3A_138 : i32
      %ne3A_140 = vector.broadcast %lt3A_139 : i1 to vector<16xi1>
      %ne3A_141 = vector.broadcast %ne3A_140 : vector<16xi1> to vector<16xi1>
      %ne3A_142 = arith.xori %lt3A_137, %ne3A_141 : vector<16xi1>
      %and3A_143 = arith.andi %ne3A_142, %ne3A_134 : vector<16xi1>
      %add3A_144 = vector.broadcast %select_n3A_129 : i32 to vector<16xi32>
      %add3A_145 = arith.addi %rem3A_131, %add3A_144 : vector<16xi32>
      %select_n3A_146 = arith.select %and3A_143, %add3A_145, %rem3A_131 : vector<16xi1>, vector<16xi32>
      %mul3A_147 = arith.constant 200 : i32
      %mul3A_148 = arith.muli %scan3A_74, %mul3A_147 : i32
      %add3A_149 = arith.constant 16 : i32
      %add3A_150 = arith.addi %mul3A_148, %add3A_149 : i32
      %swap3A_151 = arith.index_cast %add3A_150 : i32 to index
      %swap3A_152 = tpu.vector_load %arg6[%swap3A_151] {strides = array<i32>} : memref<12800xi32, #tpu.memory_space<vmem>>, vector<16xi32>,
      %swap3A_153 = vector.shape_cast %swap3A_152 : vector<16xi32> to vector<16xi32>
      %swap3A_154 = vector.shape_cast %select_n3A_146 : vector<16xi32> to vector<16xi32>
      tpu.vector_store %arg6[%swap3A_151], %swap3A_154 {strides = array<i32>} : memref<12800xi32, #tpu.memory_space<vmem>>, vector<16xi32>,
      %get3A_155 = arith.index_cast %scan3A_74 : i32 to index
      %get3A_156 = arith.constant 40 : index
      %get3A_157 = tpu.vector_load %arg5[%get3A_155, %get3A_156] {strides = array<i32>} : memref<64x208xi32, #tpu.memory_space<vmem>>, vector<1x16xi32>,
      %get3A_158 = vector.shape_cast %get3A_157 : vector<1x16xi32> to vector<16xi32>
      %get3A_159 = arith.index_cast %scan3A_74 : i32 to index
      %get3A_160 = arith.constant 39 : index
      %get3A_161 = tpu.vector_load %arg5[%get3A_159, %get3A_160] {strides = array<i32>} : memref<64x208xi32, #tpu.memory_space<vmem>>, vector<1x16xi32>,
      %get3A_162 = vector.shape_cast %get3A_161 : vector<1x16xi32> to vector<16xi32>
      %mul3A_163 = arith.constant 1056 : i32
      %mul3A_164 = vector.broadcast %mul3A_163 : i32 to vector<16xi32>
      %mul3A_165 = arith.muli %get3A_162, %mul3A_164 : vector<16xi32>
      %add3A_166 = arith.addi %mul3A_165, %get3A_158 : vector<16xi32>
      %jit3A_167 = arith.constant 1000000 : i32
      %eq3A_168 = arith.constant 0 : i32
      %eq3A_169 = arith.cmpi eq, %jit3A_167, %eq3A_168 : i32
      %jit3A_170 = arith.constant 1 : i32
      %select_n3A_171 = arith.select %eq3A_169, %jit3A_170, %jit3A_167 : i32
      %rem3A_172 = vector.broadcast %select_n3A_171 : i32 to vector<16xi32>
      %rem3A_173 = arith.remsi %add3A_166, %rem3A_172 : vector<16xi32>
      %ne3A_174 = arith.constant 0 : i32
      %ne3A_175 = vector.broadcast %ne3A_174 : i32 to vector<16xi32>
      %ne3A_176 = arith.cmpi ne, %rem3A_173, %ne3A_175 : vector<16xi32>
      %lt3A_177 = arith.constant 0 : i32
      %lt3A_178 = vector.broadcast %lt3A_177 : i32 to vector<16xi32>
      %lt3A_179 = arith.cmpi slt, %rem3A_173, %lt3A_178 : vector<16xi32>
      %lt3A_180 = arith.constant 0 : i32
      %lt3A_181 = arith.cmpi slt, %select_n3A_171, %lt3A_180 : i32
      %ne3A_182 = vector.broadcast %lt3A_181 : i1 to vector<16xi1>
      %ne3A_183 = vector.broadcast %ne3A_182 : vector<16xi1> to vector<16xi1>
      %ne3A_184 = arith.xori %lt3A_179, %ne3A_183 : vector<16xi1>
      %and3A_185 = arith.andi %ne3A_184, %ne3A_176 : vector<16xi1>
      %add3A_186 = vector.broadcast %select_n3A_171 : i32 to vector<16xi32>
      %add3A_187 = arith.addi %rem3A_173, %add3A_186 : vector<16xi32>
      %select_n3A_188 = arith.select %and3A_185, %add3A_187, %rem3A_173 : vector<16xi1>, vector<16xi32>
      %mul3A_189 = arith.constant 200 : i32
      %mul3A_190 = arith.muli %scan3A_74, %mul3A_189 : i32
      %add3A_191 = arith.constant 32 : i32
      %add3A_192 = arith.addi %mul3A_190, %add3A_191 : i32
      %swap3A_193 = arith.index_cast %add3A_192 : i32 to index
      %swap3A_194 = tpu.vector_load %arg6[%swap3A_193] {strides = array<i32>} : memref<12800xi32, #tpu.memory_space<vmem>>, vector<16xi32>,
      %swap3A_195 = vector.shape_cast %swap3A_194 : vector<16xi32> to vector<16xi32>
      %swap3A_196 = vector.shape_cast %select_n3A_188 : vector<16xi32> to vector<16xi32>
      tpu.vector_store %arg6[%swap3A_193], %swap3A_196 {strides = array<i32>} : memref<12800xi32, #tpu.memory_space<vmem>>, vector<16xi32>,
      %get3A_197 = arith.index_cast %scan3A_74 : i32 to index
      %get3A_198 = arith.constant 56 : index
      %get3A_199 = tpu.vector_load %arg5[%get3A_197, %get3A_198] {strides = array<i32>} : memref<64x208xi32, #tpu.memory_space<vmem>>, vector<1x16xi32>,
      %get3A_200 = vector.shape_cast %get3A_199 : vector<1x16xi32> to vector<16xi32>
      %get3A_201 = arith.index_cast %scan3A_74 : i32 to index
      %get3A_202 = arith.constant 55 : index
      %get3A_203 = tpu.vector_load %arg5[%get3A_201, %get3A_202] {strides = array<i32>} : memref<64x208xi32, #tpu.memory_space<vmem>>, vector<1x16xi32>,
      %get3A_204 = vector.shape_cast %get3A_203 : vector<1x16xi32> to vector<16xi32>
      %mul3A_205 = arith.constant 1056 : i32
      %mul3A_206 = vector.broadcast %mul3A_205 : i32 to vector<16xi32>
      %mul3A_207 = arith.muli %get3A_204, %mul3A_206 : vector<16xi32>
      %add3A_208 = arith.addi %mul3A_207, %get3A_200 : vector<16xi32>
      %jit3A_209 = arith.constant 1000000 : i32
      %eq3A_210 = arith.constant 0 : i32
      %eq3A_211 = arith.cmpi eq, %jit3A_209, %eq3A_210 : i32
      %jit3A_212 = arith.constant 1 : i32
      %select_n3A_213 = arith.select %eq3A_211, %jit3A_212, %jit3A_209 : i32
      %rem3A_214 = vector.broadcast %select_n3A_213 : i32 to vector<16xi32>
      %rem3A_215 = arith.remsi %add3A_208, %rem3A_214 : vector<16xi32>
      %ne3A_216 = arith.constant 0 : i32
      %ne3A_217 = vector.broadcast %ne3A_216 : i32 to vector<16xi32>
      %ne3A_218 = arith.cmpi ne, %rem3A_215, %ne3A_217 : vector<16xi32>
      %lt3A_219 = arith.constant 0 : i32
      %lt3A_220 = vector.broadcast %lt3A_219 : i32 to vector<16xi32>
      %lt3A_221 = arith.cmpi slt, %rem3A_215, %lt3A_220 : vector<16xi32>
      %lt3A_222 = arith.constant 0 : i32
      %lt3A_223 = arith.cmpi slt, %select_n3A_213, %lt3A_222 : i32
      %ne3A_224 = vector.broadcast %lt3A_223 : i1 to vector<16xi1>
      %ne3A_225 = vector.broadcast %ne3A_224 : vector<16xi1> to vector<16xi1>
      %ne3A_226 = arith.xori %lt3A_221, %ne3A_225 : vector<16xi1>
      %and3A_227 = arith.andi %ne3A_226, %ne3A_218 : vector<16xi1>
      %add3A_228 = vector.broadcast %select_n3A_213 : i32 to vector<16xi32>
      %add3A_229 = arith.addi %rem3A_215, %add3A_228 : vector<16xi32>
      %select_n3A_230 = arith.select %and3A_227, %add3A_229, %rem3A_215 : vector<16xi1>, vector<16xi32>
      %mul3A_231 = arith.constant 200 : i32
      %mul3A_232 = arith.muli %scan3A_74, %mul3A_231 : i32
      %add3A_233 = arith.constant 48 : i32
      %add3A_234 = arith.addi %mul3A_232, %add3A_233 : i32
      %swap3A_235 = arith.index_cast %add3A_234 : i32 to index
      %swap3A_236 = tpu.vector_load %arg6[%swap3A_235] {strides = array<i32>} : memref<12800xi32, #tpu.memory_space<vmem>>, vector<16xi32>,
      %swap3A_237 = vector.shape_cast %swap3A_236 : vector<16xi32> to vector<16xi32>
      %swap3A_238 = vector.shape_cast %select_n3A_230 : vector<16xi32> to vector<16xi32>
      tpu.vector_store %arg6[%swap3A_235], %swap3A_238 {strides = array<i32>} : memref<12800xi32, #tpu.memory_space<vmem>>, vector<16xi32>,
      %get3A_239 = arith.index_cast %scan3A_74 : i32 to index
      %get3A_240 = arith.constant 72 : index
      %get3A_241 = tpu.vector_load %arg5[%get3A_239, %get3A_240] {strides = array<i32>} : memref<64x208xi32, #tpu.memory_space<vmem>>, vector<1x16xi32>,
      %get3A_242 = vector.shape_cast %get3A_241 : vector<1x16xi32> to vector<16xi32>
      %get3A_243 = arith.index_cast %scan3A_74 : i32 to index
      %get3A_244 = arith.constant 71 : index
      %get3A_245 = tpu.vector_load %arg5[%get3A_243, %get3A_244] {strides = array<i32>} : memref<64x208xi32, #tpu.memory_space<vmem>>, vector<1x16xi32>,
      %get3A_246 = vector.shape_cast %get3A_245 : vector<1x16xi32> to vector<16xi32>
      %mul3A_247 = arith.constant 1056 : i32
      %mul3A_248 = vector.broadcast %mul3A_247 : i32 to vector<16xi32>
      %mul3A_249 = arith.muli %get3A_246, %mul3A_248 : vector<16xi32>
      %add3A_250 = arith.addi %mul3A_249, %get3A_242 : vector<16xi32>
      %jit3A_251 = arith.constant 1000000 : i32
      %eq3A_252 = arith.constant 0 : i32
      %eq3A_253 = arith.cmpi eq, %jit3A_251, %eq3A_252 : i32
      %jit3A_254 = arith.constant 1 : i32
      %select_n3A_255 = arith.select %eq3A_253, %jit3A_254, %jit3A_251 : i32
      %rem3A_256 = vector.broadcast %select_n3A_255 : i32 to vector<16xi32>
      %rem3A_257 = arith.remsi %add3A_250, %rem3A_256 : vector<16xi32>
      %ne3A_258 = arith.constant 0 : i32
      %ne3A_259 = vector.broadcast %ne3A_258 : i32 to vector<16xi32>
      %ne3A_260 = arith.cmpi ne, %rem3A_257, %ne3A_259 : vector<16xi32>
      %lt3A_261 = arith.constant 0 : i32
      %lt3A_262 = vector.broadcast %lt3A_261 : i32 to vector<16xi32>
      %lt3A_263 = arith.cmpi slt, %rem3A_257, %lt3A_262 : vector<16xi32>
      %lt3A_264 = arith.constant 0 : i32
      %lt3A_265 = arith.cmpi slt, %select_n3A_255, %lt3A_264 : i32
      %ne3A_266 = vector.broadcast %lt3A_265 : i1 to vector<16xi1>
      %ne3A_267 = vector.broadcast %ne3A_266 : vector<16xi1> to vector<16xi1>
      %ne3A_268 = arith.xori %lt3A_263, %ne3A_267 : vector<16xi1>
      %and3A_269 = arith.andi %ne3A_268, %ne3A_260 : vector<16xi1>
      %add3A_270 = vector.broadcast %select_n3A_255 : i32 to vector<16xi32>
      %add3A_271 = arith.addi %rem3A_257, %add3A_270 : vector<16xi32>
      %select_n3A_272 = arith.select %and3A_269, %add3A_271, %rem3A_257 : vector<16xi1>, vector<16xi32>
      %mul3A_273 = arith.constant 200 : i32
      %mul3A_274 = arith.muli %scan3A_74, %mul3A_273 : i32
      %add3A_275 = arith.constant 64 : i32
      %add3A_276 = arith.addi %mul3A_274, %add3A_275 : i32
      %swap3A_277 = arith.index_cast %add3A_276 : i32 to index
      %swap3A_278 = tpu.vector_load %arg6[%swap3A_277] {strides = array<i32>} : memref<12800xi32, #tpu.memory_space<vmem>>, vector<16xi32>,
      %swap3A_279 = vector.shape_cast %swap3A_278 : vector<16xi32> to vector<16xi32>
      %swap3A_280 = vector.shape_cast %select_n3A_272 : vector<16xi32> to vector<16xi32>
      tpu.vector_store %arg6[%swap3A_277], %swap3A_280 {strides = array<i32>} : memref<12800xi32, #tpu.memory_space<vmem>>, vector<16xi32>,
      %get3A_281 = arith.index_cast %scan3A_74 : i32 to index
      %get3A_282 = arith.constant 88 : index
      %get3A_283 = tpu.vector_load %arg5[%get3A_281, %get3A_282] {strides = array<i32>} : memref<64x208xi32, #tpu.memory_space<vmem>>, vector<1x16xi32>,
      %get3A_284 = vector.shape_cast %get3A_283 : vector<1x16xi32> to vector<16xi32>
      %get3A_285 = arith.index_cast %scan3A_74 : i32 to index
      %get3A_286 = arith.constant 87 : index
      %get3A_287 = tpu.vector_load %arg5[%get3A_285, %get3A_286] {strides = array<i32>} : memref<64x208xi32, #tpu.memory_space<vmem>>, vector<1x16xi32>,
      %get3A_288 = vector.shape_cast %get3A_287 : vector<1x16xi32> to vector<16xi32>
      %mul3A_289 = arith.constant 1056 : i32
      %mul3A_290 = vector.broadcast %mul3A_289 : i32 to vector<16xi32>
      %mul3A_291 = arith.muli %get3A_288, %mul3A_290 : vector<16xi32>
      %add3A_292 = arith.addi %mul3A_291, %get3A_284 : vector<16xi32>
      %jit3A_293 = arith.constant 1000000 : i32
      %eq3A_294 = arith.constant 0 : i32
      %eq3A_295 = arith.cmpi eq, %jit3A_293, %eq3A_294 : i32
      %jit3A_296 = arith.constant 1 : i32
      %select_n3A_297 = arith.select %eq3A_295, %jit3A_296, %jit3A_293 : i32
      %rem3A_298 = vector.broadcast %select_n3A_297 : i32 to vector<16xi32>
      %rem3A_299 = arith.remsi %add3A_292, %rem3A_298 : vector<16xi32>
      %ne3A_300 = arith.constant 0 : i32
      %ne3A_301 = vector.broadcast %ne3A_300 : i32 to vector<16xi32>
      %ne3A_302 = arith.cmpi ne, %rem3A_299, %ne3A_301 : vector<16xi32>
      %lt3A_303 = arith.constant 0 : i32
      %lt3A_304 = vector.broadcast %lt3A_303 : i32 to vector<16xi32>
      %lt3A_305 = arith.cmpi slt, %rem3A_299, %lt3A_304 : vector<16xi32>
      %lt3A_306 = arith.constant 0 : i32
      %lt3A_307 = arith.cmpi slt, %select_n3A_297, %lt3A_306 : i32
      %ne3A_308 = vector.broadcast %lt3A_307 : i1 to vector<16xi1>
      %ne3A_309 = vector.broadcast %ne3A_308 : vector<16xi1> to vector<16xi1>
      %ne3A_310 = arith.xori %lt3A_305, %ne3A_309 : vector<16xi1>
      %and3A_311 = arith.andi %ne3A_310, %ne3A_302 : vector<16xi1>
      %add3A_312 = vector.broadcast %select_n3A_297 : i32 to vector<16xi32>
      %add3A_313 = arith.addi %rem3A_299, %add3A_312 : vector<16xi32>
      %select_n3A_314 = arith.select %and3A_311, %add3A_313, %rem3A_299 : vector<16xi1>, vector<16xi32>
      %mul3A_315 = arith.constant 200 : i32
      %mul3A_316 = arith.muli %scan3A_74, %mul3A_315 : i32
      %add3A_317 = arith.constant 80 : i32
      %add3A_318 = arith.addi %mul3A_316, %add3A_317 : i32
      %swap3A_319 = arith.index_cast %add3A_318 : i32 to index
      %swap3A_320 = tpu.vector_load %arg6[%swap3A_319] {strides = array<i32>} : memref<12800xi32, #tpu.memory_space<vmem>>, vector<16xi32>,
      %swap3A_321 = vector.shape_cast %swap3A_320 : vector<16xi32> to vector<16xi32>
      %swap3A_322 = vector.shape_cast %select_n3A_314 : vector<16xi32> to vector<16xi32>
      tpu.vector_store %arg6[%swap3A_319], %swap3A_322 {strides = array<i32>} : memref<12800xi32, #tpu.memory_space<vmem>>, vector<16xi32>,
      %get3A_323 = arith.index_cast %scan3A_74 : i32 to index
      %get3A_324 = arith.constant 104 : index
      %get3A_325 = tpu.vector_load %arg5[%get3A_323, %get3A_324] {strides = array<i32>} : memref<64x208xi32, #tpu.memory_space<vmem>>, vector<1x16xi32>,
      %get3A_326 = vector.shape_cast %get3A_325 : vector<1x16xi32> to vector<16xi32>
      %get3A_327 = arith.index_cast %scan3A_74 : i32 to index
      %get3A_328 = arith.constant 103 : index
      %get3A_329 = tpu.vector_load %arg5[%get3A_327, %get3A_328] {strides = array<i32>} : memref<64x208xi32, #tpu.memory_space<vmem>>, vector<1x16xi32>,
      %get3A_330 = vector.shape_cast %get3A_329 : vector<1x16xi32> to vector<16xi32>
      %mul3A_331 = arith.constant 1056 : i32
      %mul3A_332 = vector.broadcast %mul3A_331 : i32 to vector<16xi32>
      %mul3A_333 = arith.muli %get3A_330, %mul3A_332 : vector<16xi32>
      %add3A_334 = arith.addi %mul3A_333, %get3A_326 : vector<16xi32>
      %jit3A_335 = arith.constant 1000000 : i32
      %eq3A_336 = arith.constant 0 : i32
      %eq3A_337 = arith.cmpi eq, %jit3A_335, %eq3A_336 : i32
      %jit3A_338 = arith.constant 1 : i32
      %select_n3A_339 = arith.select %eq3A_337, %jit3A_338, %jit3A_335 : i32
      %rem3A_340 = vector.broadcast %select_n3A_339 : i32 to vector<16xi32>
      %rem3A_341 = arith.remsi %add3A_334, %rem3A_340 : vector<16xi32>
      %ne3A_342 = arith.constant 0 : i32
      %ne3A_343 = vector.broadcast %ne3A_342 : i32 to vector<16xi32>
      %ne3A_344 = arith.cmpi ne, %rem3A_341, %ne3A_343 : vector<16xi32>
      %lt3A_345 = arith.constant 0 : i32
      %lt3A_346 = vector.broadcast %lt3A_345 : i32 to vector<16xi32>
      %lt3A_347 = arith.cmpi slt, %rem3A_341, %lt3A_346 : vector<16xi32>
      %lt3A_348 = arith.constant 0 : i32
      %lt3A_349 = arith.cmpi slt, %select_n3A_339, %lt3A_348 : i32
      %ne3A_350 = vector.broadcast %lt3A_349 : i1 to vector<16xi1>
      %ne3A_351 = vector.broadcast %ne3A_350 : vector<16xi1> to vector<16xi1>
      %ne3A_352 = arith.xori %lt3A_347, %ne3A_351 : vector<16xi1>
      %and3A_353 = arith.andi %ne3A_352, %ne3A_344 : vector<16xi1>
      %add3A_354 = vector.broadcast %select_n3A_339 : i32 to vector<16xi32>
      %add3A_355 = arith.addi %rem3A_341, %add3A_354 : vector<16xi32>
      %select_n3A_356 = arith.select %and3A_353, %add3A_355, %rem3A_341 : vector<16xi1>, vector<16xi32>
      %mul3A_357 = arith.constant 200 : i32
      %mul3A_358 = arith.muli %scan3A_74, %mul3A_357 : i32
      %add3A_359 = arith.constant 96 : i32
      %add3A_360 = arith.addi %mul3A_358, %add3A_359 : i32
      %swap3A_361 = arith.index_cast %add3A_360 : i32 to index
      %swap3A_362 = tpu.vector_load %arg6[%swap3A_361] {strides = array<i32>} : memref<12800xi32, #tpu.memory_space<vmem>>, vector<16xi32>,
      %swap3A_363 = vector.shape_cast %swap3A_362 : vector<16xi32> to vector<16xi32>
      %swap3A_364 = vector.shape_cast %select_n3A_356 : vector<16xi32> to vector<16xi32>
      tpu.vector_store %arg6[%swap3A_361], %swap3A_364 {strides = array<i32>} : memref<12800xi32, #tpu.memory_space<vmem>>, vector<16xi32>,
      %get3A_365 = arith.index_cast %scan3A_74 : i32 to index
      %get3A_366 = arith.constant 120 : index
      %get3A_367 = tpu.vector_load %arg5[%get3A_365, %get3A_366] {strides = array<i32>} : memref<64x208xi32, #tpu.memory_space<vmem>>, vector<1x16xi32>,
      %get3A_368 = vector.shape_cast %get3A_367 : vector<1x16xi32> to vector<16xi32>
      %get3A_369 = arith.index_cast %scan3A_74 : i32 to index
      %get3A_370 = arith.constant 119 : index
      %get3A_371 = tpu.vector_load %arg5[%get3A_369, %get3A_370] {strides = array<i32>} : memref<64x208xi32, #tpu.memory_space<vmem>>, vector<1x16xi32>,
      %get3A_372 = vector.shape_cast %get3A_371 : vector<1x16xi32> to vector<16xi32>
      %mul3A_373 = arith.constant 1056 : i32
      %mul3A_374 = vector.broadcast %mul3A_373 : i32 to vector<16xi32>
      %mul3A_375 = arith.muli %get3A_372, %mul3A_374 : vector<16xi32>
      %add3A_376 = arith.addi %mul3A_375, %get3A_368 : vector<16xi32>
      %jit3A_377 = arith.constant 1000000 : i32
      %eq3A_378 = arith.constant 0 : i32
      %eq3A_379 = arith.cmpi eq, %jit3A_377, %eq3A_378 : i32
      %jit3A_380 = arith.constant 1 : i32
      %select_n3A_381 = arith.select %eq3A_379, %jit3A_380, %jit3A_377 : i32
      %rem3A_382 = vector.broadcast %select_n3A_381 : i32 to vector<16xi32>
      %rem3A_383 = arith.remsi %add3A_376, %rem3A_382 : vector<16xi32>
      %ne3A_384 = arith.constant 0 : i32
      %ne3A_385 = vector.broadcast %ne3A_384 : i32 to vector<16xi32>
      %ne3A_386 = arith.cmpi ne, %rem3A_383, %ne3A_385 : vector<16xi32>
      %lt3A_387 = arith.constant 0 : i32
      %lt3A_388 = vector.broadcast %lt3A_387 : i32 to vector<16xi32>
      %lt3A_389 = arith.cmpi slt, %rem3A_383, %lt3A_388 : vector<16xi32>
      %lt3A_390 = arith.constant 0 : i32
      %lt3A_391 = arith.cmpi slt, %select_n3A_381, %lt3A_390 : i32
      %ne3A_392 = vector.broadcast %lt3A_391 : i1 to vector<16xi1>
      %ne3A_393 = vector.broadcast %ne3A_392 : vector<16xi1> to vector<16xi1>
      %ne3A_394 = arith.xori %lt3A_389, %ne3A_393 : vector<16xi1>
      %and3A_395 = arith.andi %ne3A_394, %ne3A_386 : vector<16xi1>
      %add3A_396 = vector.broadcast %select_n3A_381 : i32 to vector<16xi32>
      %add3A_397 = arith.addi %rem3A_383, %add3A_396 : vector<16xi32>
      %select_n3A_398 = arith.select %and3A_395, %add3A_397, %rem3A_383 : vector<16xi1>, vector<16xi32>
      %mul3A_399 = arith.constant 200 : i32
      %mul3A_400 = arith.muli %scan3A_74, %mul3A_399 : i32
      %add3A_401 = arith.constant 112 : i32
      %add3A_402 = arith.addi %mul3A_400, %add3A_401 : i32
      %swap3A_403 = arith.index_cast %add3A_402 : i32 to index
      %swap3A_404 = tpu.vector_load %arg6[%swap3A_403] {strides = array<i32>} : memref<12800xi32, #tpu.memory_space<vmem>>, vector<16xi32>,
      %swap3A_405 = vector.shape_cast %swap3A_404 : vector<16xi32> to vector<16xi32>
      %swap3A_406 = vector.shape_cast %select_n3A_398 : vector<16xi32> to vector<16xi32>
      tpu.vector_store %arg6[%swap3A_403], %swap3A_406 {strides = array<i32>} : memref<12800xi32, #tpu.memory_space<vmem>>, vector<16xi32>,
      %get3A_407 = arith.index_cast %scan3A_74 : i32 to index
      %get3A_408 = arith.constant 136 : index
      %get3A_409 = tpu.vector_load %arg5[%get3A_407, %get3A_408] {strides = array<i32>} : memref<64x208xi32, #tpu.memory_space<vmem>>, vector<1x16xi32>,
      %get3A_410 = vector.shape_cast %get3A_409 : vector<1x16xi32> to vector<16xi32>
      %get3A_411 = arith.index_cast %scan3A_74 : i32 to index
      %get3A_412 = arith.constant 135 : index
      %get3A_413 = tpu.vector_load %arg5[%get3A_411, %get3A_412] {strides = array<i32>} : memref<64x208xi32, #tpu.memory_space<vmem>>, vector<1x16xi32>,
      %get3A_414 = vector.shape_cast %get3A_413 : vector<1x16xi32> to vector<16xi32>
      %mul3A_415 = arith.constant 1056 : i32
      %mul3A_416 = vector.broadcast %mul3A_415 : i32 to vector<16xi32>
      %mul3A_417 = arith.muli %get3A_414, %mul3A_416 : vector<16xi32>
      %add3A_418 = arith.addi %mul3A_417, %get3A_410 : vector<16xi32>
      %jit3A_419 = arith.constant 1000000 : i32
      %eq3A_420 = arith.constant 0 : i32
      %eq3A_421 = arith.cmpi eq, %jit3A_419, %eq3A_420 : i32
      %jit3A_422 = arith.constant 1 : i32
      %select_n3A_423 = arith.select %eq3A_421, %jit3A_422, %jit3A_419 : i32
      %rem3A_424 = vector.broadcast %select_n3A_423 : i32 to vector<16xi32>
      %rem3A_425 = arith.remsi %add3A_418, %rem3A_424 : vector<16xi32>
      %ne3A_426 = arith.constant 0 : i32
      %ne3A_427 = vector.broadcast %ne3A_426 : i32 to vector<16xi32>
      %ne3A_428 = arith.cmpi ne, %rem3A_425, %ne3A_427 : vector<16xi32>
      %lt3A_429 = arith.constant 0 : i32
      %lt3A_430 = vector.broadcast %lt3A_429 : i32 to vector<16xi32>
      %lt3A_431 = arith.cmpi slt, %rem3A_425, %lt3A_430 : vector<16xi32>
      %lt3A_432 = arith.constant 0 : i32
      %lt3A_433 = arith.cmpi slt, %select_n3A_423, %lt3A_432 : i32
      %ne3A_434 = vector.broadcast %lt3A_433 : i1 to vector<16xi1>
      %ne3A_435 = vector.broadcast %ne3A_434 : vector<16xi1> to vector<16xi1>
      %ne3A_436 = arith.xori %lt3A_431, %ne3A_435 : vector<16xi1>
      %and3A_437 = arith.andi %ne3A_436, %ne3A_428 : vector<16xi1>
      %add3A_438 = vector.broadcast %select_n3A_423 : i32 to vector<16xi32>
      %add3A_439 = arith.addi %rem3A_425, %add3A_438 : vector<16xi32>
      %select_n3A_440 = arith.select %and3A_437, %add3A_439, %rem3A_425 : vector<16xi1>, vector<16xi32>
      %mul3A_441 = arith.constant 200 : i32
      %mul3A_442 = arith.muli %scan3A_74, %mul3A_441 : i32
      %add3A_443 = arith.constant 128 : i32
      %add3A_444 = arith.addi %mul3A_442, %add3A_443 : i32
      %swap3A_445 = arith.index_cast %add3A_444 : i32 to index
      %swap3A_446 = tpu.vector_load %arg6[%swap3A_445] {strides = array<i32>} : memref<12800xi32, #tpu.memory_space<vmem>>, vector<16xi32>,
      %swap3A_447 = vector.shape_cast %swap3A_446 : vector<16xi32> to vector<16xi32>
      %swap3A_448 = vector.shape_cast %select_n3A_440 : vector<16xi32> to vector<16xi32>
      tpu.vector_store %arg6[%swap3A_445], %swap3A_448 {strides = array<i32>} : memref<12800xi32, #tpu.memory_space<vmem>>, vector<16xi32>,
      %get3A_449 = arith.index_cast %scan3A_74 : i32 to index
      %get3A_450 = arith.constant 152 : index
      %get3A_451 = tpu.vector_load %arg5[%get3A_449, %get3A_450] {strides = array<i32>} : memref<64x208xi32, #tpu.memory_space<vmem>>, vector<1x16xi32>,
      %get3A_452 = vector.shape_cast %get3A_451 : vector<1x16xi32> to vector<16xi32>
      %get3A_453 = arith.index_cast %scan3A_74 : i32 to index
      %get3A_454 = arith.constant 151 : index
      %get3A_455 = tpu.vector_load %arg5[%get3A_453, %get3A_454] {strides = array<i32>} : memref<64x208xi32, #tpu.memory_space<vmem>>, vector<1x16xi32>,
      %get3A_456 = vector.shape_cast %get3A_455 : vector<1x16xi32> to vector<16xi32>
      %mul3A_457 = arith.constant 1056 : i32
      %mul3A_458 = vector.broadcast %mul3A_457 : i32 to vector<16xi32>
      %mul3A_459 = arith.muli %get3A_456, %mul3A_458 : vector<16xi32>
      %add3A_460 = arith.addi %mul3A_459, %get3A_452 : vector<16xi32>
      %jit3A_461 = arith.constant 1000000 : i32
      %eq3A_462 = arith.constant 0 : i32
      %eq3A_463 = arith.cmpi eq, %jit3A_461, %eq3A_462 : i32
      %jit3A_464 = arith.constant 1 : i32
      %select_n3A_465 = arith.select %eq3A_463, %jit3A_464, %jit3A_461 : i32
      %rem3A_466 = vector.broadcast %select_n3A_465 : i32 to vector<16xi32>
      %rem3A_467 = arith.remsi %add3A_460, %rem3A_466 : vector<16xi32>
      %ne3A_468 = arith.constant 0 : i32
      %ne3A_469 = vector.broadcast %ne3A_468 : i32 to vector<16xi32>
      %ne3A_470 = arith.cmpi ne, %rem3A_467, %ne3A_469 : vector<16xi32>
      %lt3A_471 = arith.constant 0 : i32
      %lt3A_472 = vector.broadcast %lt3A_471 : i32 to vector<16xi32>
      %lt3A_473 = arith.cmpi slt, %rem3A_467, %lt3A_472 : vector<16xi32>
      %lt3A_474 = arith.constant 0 : i32
      %lt3A_475 = arith.cmpi slt, %select_n3A_465, %lt3A_474 : i32
      %ne3A_476 = vector.broadcast %lt3A_475 : i1 to vector<16xi1>
      %ne3A_477 = vector.broadcast %ne3A_476 : vector<16xi1> to vector<16xi1>
      %ne3A_478 = arith.xori %lt3A_473, %ne3A_477 : vector<16xi1>
      %and3A_479 = arith.andi %ne3A_478, %ne3A_470 : vector<16xi1>
      %add3A_480 = vector.broadcast %select_n3A_465 : i32 to vector<16xi32>
      %add3A_481 = arith.addi %rem3A_467, %add3A_480 : vector<16xi32>
      %select_n3A_482 = arith.select %and3A_479, %add3A_481, %rem3A_467 : vector<16xi1>, vector<16xi32>
      %mul3A_483 = arith.constant 200 : i32
      %mul3A_484 = arith.muli %scan3A_74, %mul3A_483 : i32
      %add3A_485 = arith.constant 144 : i32
      %add3A_486 = arith.addi %mul3A_484, %add3A_485 : i32
      %swap3A_487 = arith.index_cast %add3A_486 : i32 to index
      %swap3A_488 = tpu.vector_load %arg6[%swap3A_487] {strides = array<i32>} : memref<12800xi32, #tpu.memory_space<vmem>>, vector<16xi32>,
      %swap3A_489 = vector.shape_cast %swap3A_488 : vector<16xi32> to vector<16xi32>
      %swap3A_490 = vector.shape_cast %select_n3A_482 : vector<16xi32> to vector<16xi32>
      tpu.vector_store %arg6[%swap3A_487], %swap3A_490 {strides = array<i32>} : memref<12800xi32, #tpu.memory_space<vmem>>, vector<16xi32>,
      %get3A_491 = arith.index_cast %scan3A_74 : i32 to index
      %get3A_492 = arith.constant 168 : index
      %get3A_493 = tpu.vector_load %arg5[%get3A_491, %get3A_492] {strides = array<i32>} : memref<64x208xi32, #tpu.memory_space<vmem>>, vector<1x16xi32>,
      %get3A_494 = vector.shape_cast %get3A_493 : vector<1x16xi32> to vector<16xi32>
      %get3A_495 = arith.index_cast %scan3A_74 : i32 to index
      %get3A_496 = arith.constant 167 : index
      %get3A_497 = tpu.vector_load %arg5[%get3A_495, %get3A_496] {strides = array<i32>} : memref<64x208xi32, #tpu.memory_space<vmem>>, vector<1x16xi32>,
      %get3A_498 = vector.shape_cast %get3A_497 : vector<1x16xi32> to vector<16xi32>
      %mul3A_499 = arith.constant 1056 : i32
      %mul3A_500 = vector.broadcast %mul3A_499 : i32 to vector<16xi32>
      %mul3A_501 = arith.muli %get3A_498, %mul3A_500 : vector<16xi32>
      %add3A_502 = arith.addi %mul3A_501, %get3A_494 : vector<16xi32>
      %jit3A_503 = arith.constant 1000000 : i32
      %eq3A_504 = arith.constant 0 : i32
      %eq3A_505 = arith.cmpi eq, %jit3A_503, %eq3A_504 : i32
      %jit3A_506 = arith.constant 1 : i32
      %select_n3A_507 = arith.select %eq3A_505, %jit3A_506, %jit3A_503 : i32
      %rem3A_508 = vector.broadcast %select_n3A_507 : i32 to vector<16xi32>
      %rem3A_509 = arith.remsi %add3A_502, %rem3A_508 : vector<16xi32>
      %ne3A_510 = arith.constant 0 : i32
      %ne3A_511 = vector.broadcast %ne3A_510 : i32 to vector<16xi32>
      %ne3A_512 = arith.cmpi ne, %rem3A_509, %ne3A_511 : vector<16xi32>
      %lt3A_513 = arith.constant 0 : i32
      %lt3A_514 = vector.broadcast %lt3A_513 : i32 to vector<16xi32>
      %lt3A_515 = arith.cmpi slt, %rem3A_509, %lt3A_514 : vector<16xi32>
      %lt3A_516 = arith.constant 0 : i32
      %lt3A_517 = arith.cmpi slt, %select_n3A_507, %lt3A_516 : i32
      %ne3A_518 = vector.broadcast %lt3A_517 : i1 to vector<16xi1>
      %ne3A_519 = vector.broadcast %ne3A_518 : vector<16xi1> to vector<16xi1>
      %ne3A_520 = arith.xori %lt3A_515, %ne3A_519 : vector<16xi1>
      %and3A_521 = arith.andi %ne3A_520, %ne3A_512 : vector<16xi1>
      %add3A_522 = vector.broadcast %select_n3A_507 : i32 to vector<16xi32>
      %add3A_523 = arith.addi %rem3A_509, %add3A_522 : vector<16xi32>
      %select_n3A_524 = arith.select %and3A_521, %add3A_523, %rem3A_509 : vector<16xi1>, vector<16xi32>
      %mul3A_525 = arith.constant 200 : i32
      %mul3A_526 = arith.muli %scan3A_74, %mul3A_525 : i32
      %add3A_527 = arith.constant 160 : i32
      %add3A_528 = arith.addi %mul3A_526, %add3A_527 : i32
      %swap3A_529 = arith.index_cast %add3A_528 : i32 to index
      %swap3A_530 = tpu.vector_load %arg6[%swap3A_529] {strides = array<i32>} : memref<12800xi32, #tpu.memory_space<vmem>>, vector<16xi32>,
      %swap3A_531 = vector.shape_cast %swap3A_530 : vector<16xi32> to vector<16xi32>
      %swap3A_532 = vector.shape_cast %select_n3A_524 : vector<16xi32> to vector<16xi32>
      tpu.vector_store %arg6[%swap3A_529], %swap3A_532 {strides = array<i32>} : memref<12800xi32, #tpu.memory_space<vmem>>, vector<16xi32>,
      %get3A_533 = arith.index_cast %scan3A_74 : i32 to index
      %get3A_534 = arith.constant 184 : index
      %get3A_535 = tpu.vector_load %arg5[%get3A_533, %get3A_534] {strides = array<i32>} : memref<64x208xi32, #tpu.memory_space<vmem>>, vector<1x16xi32>,
      %get3A_536 = vector.shape_cast %get3A_535 : vector<1x16xi32> to vector<16xi32>
      %get3A_537 = arith.index_cast %scan3A_74 : i32 to index
      %get3A_538 = arith.constant 183 : index
      %get3A_539 = tpu.vector_load %arg5[%get3A_537, %get3A_538] {strides = array<i32>} : memref<64x208xi32, #tpu.memory_space<vmem>>, vector<1x16xi32>,
      %get3A_540 = vector.shape_cast %get3A_539 : vector<1x16xi32> to vector<16xi32>
      %mul3A_541 = arith.constant 1056 : i32
      %mul3A_542 = vector.broadcast %mul3A_541 : i32 to vector<16xi32>
      %mul3A_543 = arith.muli %get3A_540, %mul3A_542 : vector<16xi32>
      %add3A_544 = arith.addi %mul3A_543, %get3A_536 : vector<16xi32>
      %jit3A_545 = arith.constant 1000000 : i32
      %eq3A_546 = arith.constant 0 : i32
      %eq3A_547 = arith.cmpi eq, %jit3A_545, %eq3A_546 : i32
      %jit3A_548 = arith.constant 1 : i32
      %select_n3A_549 = arith.select %eq3A_547, %jit3A_548, %jit3A_545 : i32
      %rem3A_550 = vector.broadcast %select_n3A_549 : i32 to vector<16xi32>
      %rem3A_551 = arith.remsi %add3A_544, %rem3A_550 : vector<16xi32>
      %ne3A_552 = arith.constant 0 : i32
      %ne3A_553 = vector.broadcast %ne3A_552 : i32 to vector<16xi32>
      %ne3A_554 = arith.cmpi ne, %rem3A_551, %ne3A_553 : vector<16xi32>
      %lt3A_555 = arith.constant 0 : i32
      %lt3A_556 = vector.broadcast %lt3A_555 : i32 to vector<16xi32>
      %lt3A_557 = arith.cmpi slt, %rem3A_551, %lt3A_556 : vector<16xi32>
      %lt3A_558 = arith.constant 0 : i32
      %lt3A_559 = arith.cmpi slt, %select_n3A_549, %lt3A_558 : i32
      %ne3A_560 = vector.broadcast %lt3A_559 : i1 to vector<16xi1>
      %ne3A_561 = vector.broadcast %ne3A_560 : vector<16xi1> to vector<16xi1>
      %ne3A_562 = arith.xori %lt3A_557, %ne3A_561 : vector<16xi1>
      %and3A_563 = arith.andi %ne3A_562, %ne3A_554 : vector<16xi1>
      %add3A_564 = vector.broadcast %select_n3A_549 : i32 to vector<16xi32>
      %add3A_565 = arith.addi %rem3A_551, %add3A_564 : vector<16xi32>
      %select_n3A_566 = arith.select %and3A_563, %add3A_565, %rem3A_551 : vector<16xi1>, vector<16xi32>
      %mul3A_567 = arith.constant 200 : i32
      %mul3A_568 = arith.muli %scan3A_74, %mul3A_567 : i32
      %add3A_569 = arith.constant 176 : i32
      %add3A_570 = arith.addi %mul3A_568, %add3A_569 : i32
      %swap3A_571 = arith.index_cast %add3A_570 : i32 to index
      %swap3A_572 = tpu.vector_load %arg6[%swap3A_571] {strides = array<i32>} : memref<12800xi32, #tpu.memory_space<vmem>>, vector<16xi32>,
      %swap3A_573 = vector.shape_cast %swap3A_572 : vector<16xi32> to vector<16xi32>
      %swap3A_574 = vector.shape_cast %select_n3A_566 : vector<16xi32> to vector<16xi32>
      tpu.vector_store %arg6[%swap3A_571], %swap3A_574 {strides = array<i32>} : memref<12800xi32, #tpu.memory_space<vmem>>, vector<16xi32>,
      %get3A_575 = arith.index_cast %scan3A_74 : i32 to index
      %get3A_576 = arith.constant 192 : index
      %get3A_577 = tpu.vector_load %arg5[%get3A_575, %get3A_576] {strides = array<i32>} : memref<64x208xi32, #tpu.memory_space<vmem>>, vector<1x16xi32>,
      %get3A_578 = vector.shape_cast %get3A_577 : vector<1x16xi32> to vector<16xi32>
      %get3A_579 = arith.index_cast %scan3A_74 : i32 to index
      %get3A_580 = arith.constant 191 : index
      %get3A_581 = tpu.vector_load %arg5[%get3A_579, %get3A_580] {strides = array<i32>} : memref<64x208xi32, #tpu.memory_space<vmem>>, vector<1x16xi32>,
      %get3A_582 = vector.shape_cast %get3A_581 : vector<1x16xi32> to vector<16xi32>
      %mul3A_583 = arith.constant 1056 : i32
      %mul3A_584 = vector.broadcast %mul3A_583 : i32 to vector<16xi32>
      %mul3A_585 = arith.muli %get3A_582, %mul3A_584 : vector<16xi32>
      %add3A_586 = arith.addi %mul3A_585, %get3A_578 : vector<16xi32>
      %jit3A_587 = arith.constant 1000000 : i32
      %eq3A_588 = arith.constant 0 : i32
      %eq3A_589 = arith.cmpi eq, %jit3A_587, %eq3A_588 : i32
      %jit3A_590 = arith.constant 1 : i32
      %select_n3A_591 = arith.select %eq3A_589, %jit3A_590, %jit3A_587 : i32
      %rem3A_592 = vector.broadcast %select_n3A_591 : i32 to vector<16xi32>
      %rem3A_593 = arith.remsi %add3A_586, %rem3A_592 : vector<16xi32>
      %ne3A_594 = arith.constant 0 : i32
      %ne3A_595 = vector.broadcast %ne3A_594 : i32 to vector<16xi32>
      %ne3A_596 = arith.cmpi ne, %rem3A_593, %ne3A_595 : vector<16xi32>
      %lt3A_597 = arith.constant 0 : i32
      %lt3A_598 = vector.broadcast %lt3A_597 : i32 to vector<16xi32>
      %lt3A_599 = arith.cmpi slt, %rem3A_593, %lt3A_598 : vector<16xi32>
      %lt3A_600 = arith.constant 0 : i32
      %lt3A_601 = arith.cmpi slt, %select_n3A_591, %lt3A_600 : i32
      %ne3A_602 = vector.broadcast %lt3A_601 : i1 to vector<16xi1>
      %ne3A_603 = vector.broadcast %ne3A_602 : vector<16xi1> to vector<16xi1>
      %ne3A_604 = arith.xori %lt3A_599, %ne3A_603 : vector<16xi1>
      %and3A_605 = arith.andi %ne3A_604, %ne3A_596 : vector<16xi1>
      %add3A_606 = vector.broadcast %select_n3A_591 : i32 to vector<16xi32>
      %add3A_607 = arith.addi %rem3A_593, %add3A_606 : vector<16xi32>
      %select_n3A_608 = arith.select %and3A_605, %add3A_607, %rem3A_593 : vector<16xi1>, vector<16xi32>
      %mul3A_609 = arith.constant 200 : i32
      %mul3A_610 = arith.muli %scan3A_74, %mul3A_609 : i32
      %add3A_611 = arith.constant 184 : i32
      %add3A_612 = arith.addi %mul3A_610, %add3A_611 : i32
      %swap3A_613 = arith.index_cast %add3A_612 : i32 to index
      %swap3A_614 = tpu.vector_load %arg6[%swap3A_613] {strides = array<i32>} : memref<12800xi32, #tpu.memory_space<vmem>>, vector<16xi32>,
      %swap3A_615 = vector.shape_cast %swap3A_614 : vector<16xi32> to vector<16xi32>
      %swap3A_616 = vector.shape_cast %select_n3A_608 : vector<16xi32> to vector<16xi32>
      tpu.vector_store %arg6[%swap3A_613], %swap3A_616 {strides = array<i32>} : memref<12800xi32, #tpu.memory_space<vmem>>, vector<16xi32>,
    }
    %scan3A_27 = arith.constant 64 : i32
    %dma_start3A_28 = arith.constant 0 : i32
    %dma_start3A_29 = arith.constant 0 : i32
    %dma_start3A_30 = tpu.memref_slice %arg7[%dma_start3A_28, %dma_start3A_29] : memref<512x32xf32, #tpu.memory_space<vmem>> -> memref<128x32xf32, #tpu.memory_space<vmem>>
    %dma_start3A_31 = arith.constant 0 : i32
    %dma_start3A_32 = tpu.memref_slice %arg6[%dma_start3A_31] : memref<12800xi32, #tpu.memory_space<vmem>> -> memref<128xi32, #tpu.memory_space<vmem>>
    %dma_start3A_33 = arith.constant 0 : i32
    %dma_start3A_34 = arith.constant 0 : i32
    %dma_start3A_35 = tpu.memref_slice %arg3[%dma_start3A_33, %dma_start3A_34] : memref<1000000x32xf32, #tpu.memory_space<hbm>> -> memref<1000000x32xf32, #tpu.memory_space<hbm>>
    tpu.enqueue_indirect_dma source(%dma_start3A_35 : memref<1000000x32xf32, #tpu.memory_space<hbm>>) target(%dma_start3A_30 : memref<128x32xf32, #tpu.memory_space<vmem>>) offsets(%dma_start3A_32 : memref<128xi32, #tpu.memory_space<vmem>>) semaphore(%arg9 : memref<!tpu.dma_semaphore, #tpu.memory_space<semaphore_mem>>)
    %dma_start3A_36 = arith.constant 128 : i32
    %dma_start3A_37 = arith.constant 0 : i32
    %dma_start3A_38 = tpu.memref_slice %arg7[%dma_start3A_36, %dma_start3A_37] : memref<512x32xf32, #tpu.memory_space<vmem>> -> memref<128x32xf32, #tpu.memory_space<vmem>>
    %dma_start3A_39 = arith.constant 128 : i32
    %dma_start3A_40 = tpu.memref_slice %arg6[%dma_start3A_39] : memref<12800xi32, #tpu.memory_space<vmem>> -> memref<128xi32, #tpu.memory_space<vmem>>
    %dma_start3A_41 = arith.constant 0 : i32
    %dma_start3A_42 = arith.constant 0 : i32
    %dma_start3A_43 = tpu.memref_slice %arg3[%dma_start3A_41, %dma_start3A_42] : memref<1000000x32xf32, #tpu.memory_space<hbm>> -> memref<1000000x32xf32, #tpu.memory_space<hbm>>
    tpu.enqueue_indirect_dma source(%dma_start3A_43 : memref<1000000x32xf32, #tpu.memory_space<hbm>>) target(%dma_start3A_38 : memref<128x32xf32, #tpu.memory_space<vmem>>) offsets(%dma_start3A_40 : memref<128xi32, #tpu.memory_space<vmem>>) semaphore(%arg9 : memref<!tpu.dma_semaphore, #tpu.memory_space<semaphore_mem>>)
    %dma_start3A_44 = arith.constant 256 : i32
    %dma_start3A_45 = arith.constant 0 : i32
    %dma_start3A_46 = tpu.memref_slice %arg7[%dma_start3A_44, %dma_start3A_45] : memref<512x32xf32, #tpu.memory_space<vmem>> -> memref<128x32xf32, #tpu.memory_space<vmem>>
    %dma_start3A_47 = arith.constant 256 : i32
    %dma_start3A_48 = tpu.memref_slice %arg6[%dma_start3A_47] : memref<12800xi32, #tpu.memory_space<vmem>> -> memref<128xi32, #tpu.memory_space<vmem>>
    %dma_start3A_49 = arith.constant 0 : i32
    %dma_start3A_50 = arith.constant 0 : i32
    %dma_start3A_51 = tpu.memref_slice %arg3[%dma_start3A_49, %dma_start3A_50] : memref<1000000x32xf32, #tpu.memory_space<hbm>> -> memref<1000000x32xf32, #tpu.memory_space<hbm>>
    tpu.enqueue_indirect_dma source(%dma_start3A_51 : memref<1000000x32xf32, #tpu.memory_space<hbm>>) target(%dma_start3A_46 : memref<128x32xf32, #tpu.memory_space<vmem>>) offsets(%dma_start3A_48 : memref<128xi32, #tpu.memory_space<vmem>>) semaphore(%arg9 : memref<!tpu.dma_semaphore, #tpu.memory_space<semaphore_mem>>)
    %dma_start3A_52 = arith.constant 384 : i32
    %dma_start3A_53 = arith.constant 0 : i32
    %dma_start3A_54 = tpu.memref_slice %arg7[%dma_start3A_52, %dma_start3A_53] : memref<512x32xf32, #tpu.memory_space<vmem>> -> memref<128x32xf32, #tpu.memory_space<vmem>>
    %dma_start3A_55 = arith.constant 384 : i32
    %dma_start3A_56 = tpu.memref_slice %arg6[%dma_start3A_55] : memref<12800xi32, #tpu.memory_space<vmem>> -> memref<128xi32, #tpu.memory_space<vmem>>
    %dma_start3A_57 = arith.constant 0 : i32
    %dma_start3A_58 = arith.constant 0 : i32
    %dma_start3A_59 = tpu.memref_slice %arg3[%dma_start3A_57, %dma_start3A_58] : memref<1000000x32xf32, #tpu.memory_space<hbm>> -> memref<1000000x32xf32, #tpu.memory_space<hbm>>
    tpu.enqueue_indirect_dma source(%dma_start3A_59 : memref<1000000x32xf32, #tpu.memory_space<hbm>>) target(%dma_start3A_54 : memref<128x32xf32, #tpu.memory_space<vmem>>) offsets(%dma_start3A_56 : memref<128xi32, #tpu.memory_space<vmem>>) semaphore(%arg9 : memref<!tpu.dma_semaphore, #tpu.memory_space<semaphore_mem>>)
    %scan3A_60 = arith.constant 0 : i32
    %scan3A_61 = arith.constant 0 : i32
    %scan3A_62 = arith.constant 12 : i32
    %scan3A_63 = arith.addi %scan3A_61, %scan3A_62 : i32
    %scan3A_64 = arith.constant 1 : i32
    scf.for %scan3A_74 = %scan3A_61 to %scan3A_63 step %scan3A_64  : i32 {
      %mul3A_75 = arith.constant 2 : i32
      %mul3A_76 = arith.muli %mul3A_75, %scan3A_74 : i32
      %add3A_77 = arith.constant 1 : i32
      %add3A_78 = arith.addi %mul3A_76, %add3A_77 : i32
      %mul3A_79 = arith.constant 512 : i32
      %mul3A_80 = arith.muli %add3A_78, %mul3A_79 : i32
      %add3A_81 = arith.constant 0 : i32
      %add3A_82 = arith.addi %mul3A_80, %add3A_81 : i32
      %dma_start3A_83 = arith.constant 0 : i32
      %dma_start3A_84 = arith.constant 0 : i32
      %dma_start3A_85 = tpu.memref_slice %arg8[%dma_start3A_83, %dma_start3A_84] : memref<512x32xf32, #tpu.memory_space<vmem>> -> memref<128x32xf32, #tpu.memory_space<vmem>>
      %dma_start3A_86 = tpu.memref_slice %arg6[%add3A_82] : memref<12800xi32, #tpu.memory_space<vmem>> -> memref<128xi32, #tpu.memory_space<vmem>>
      %dma_start3A_87 = arith.constant 0 : i32
      %dma_start3A_88 = arith.constant 0 : i32
      %dma_start3A_89 = tpu.memref_slice %arg3[%dma_start3A_87, %dma_start3A_88] : memref<1000000x32xf32, #tpu.memory_space<hbm>> -> memref<1000000x32xf32, #tpu.memory_space<hbm>>
      tpu.enqueue_indirect_dma source(%dma_start3A_89 : memref<1000000x32xf32, #tpu.memory_space<hbm>>) target(%dma_start3A_85 : memref<128x32xf32, #tpu.memory_space<vmem>>) offsets(%dma_start3A_86 : memref<128xi32, #tpu.memory_space<vmem>>) semaphore(%arg10 : memref<!tpu.dma_semaphore, #tpu.memory_space<semaphore_mem>>)
      %mul3A_90 = arith.constant 512 : i32
      %mul3A_91 = arith.muli %add3A_78, %mul3A_90 : i32
      %add3A_92 = arith.constant 128 : i32
      %add3A_93 = arith.addi %mul3A_91, %add3A_92 : i32
      %dma_start3A_94 = arith.constant 128 : i32
      %dma_start3A_95 = arith.constant 0 : i32
      %dma_start3A_96 = tpu.memref_slice %arg8[%dma_start3A_94, %dma_start3A_95] : memref<512x32xf32, #tpu.memory_space<vmem>> -> memref<128x32xf32, #tpu.memory_space<vmem>>
      %dma_start3A_97 = tpu.memref_slice %arg6[%add3A_93] : memref<12800xi32, #tpu.memory_space<vmem>> -> memref<128xi32, #tpu.memory_space<vmem>>
      %dma_start3A_98 = arith.constant 0 : i32
      %dma_start3A_99 = arith.constant 0 : i32
      %dma_start3A_100 = tpu.memref_slice %arg3[%dma_start3A_98, %dma_start3A_99] : memref<1000000x32xf32, #tpu.memory_space<hbm>> -> memref<1000000x32xf32, #tpu.memory_space<hbm>>
      tpu.enqueue_indirect_dma source(%dma_start3A_100 : memref<1000000x32xf32, #tpu.memory_space<hbm>>) target(%dma_start3A_96 : memref<128x32xf32, #tpu.memory_space<vmem>>) offsets(%dma_start3A_97 : memref<128xi32, #tpu.memory_space<vmem>>) semaphore(%arg10 : memref<!tpu.dma_semaphore, #tpu.memory_space<semaphore_mem>>)
      %mul3A_101 = arith.constant 512 : i32
      %mul3A_102 = arith.muli %add3A_78, %mul3A_101 : i32
      %add3A_103 = arith.constant 256 : i32
      %add3A_104 = arith.addi %mul3A_102, %add3A_103 : i32
      %dma_start3A_105 = arith.constant 256 : i32
      %dma_start3A_106 = arith.constant 0 : i32
      %dma_start3A_107 = tpu.memref_slice %arg8[%dma_start3A_105, %dma_start3A_106] : memref<512x32xf32, #tpu.memory_space<vmem>> -> memref<128x32xf32, #tpu.memory_space<vmem>>
      %dma_start3A_108 = tpu.memref_slice %arg6[%add3A_104] : memref<12800xi32, #tpu.memory_space<vmem>> -> memref<128xi32, #tpu.memory_space<vmem>>
      %dma_start3A_109 = arith.constant 0 : i32
      %dma_start3A_110 = arith.constant 0 : i32
      %dma_start3A_111 = tpu.memref_slice %arg3[%dma_start3A_109, %dma_start3A_110] : memref<1000000x32xf32, #tpu.memory_space<hbm>> -> memref<1000000x32xf32, #tpu.memory_space<hbm>>
      tpu.enqueue_indirect_dma source(%dma_start3A_111 : memref<1000000x32xf32, #tpu.memory_space<hbm>>) target(%dma_start3A_107 : memref<128x32xf32, #tpu.memory_space<vmem>>) offsets(%dma_start3A_108 : memref<128xi32, #tpu.memory_space<vmem>>) semaphore(%arg10 : memref<!tpu.dma_semaphore, #tpu.memory_space<semaphore_mem>>)
      %mul3A_112 = arith.constant 512 : i32
      %mul3A_113 = arith.muli %add3A_78, %mul3A_112 : i32
      %add3A_114 = arith.constant 384 : i32
      %add3A_115 = arith.addi %mul3A_113, %add3A_114 : i32
      %dma_start3A_116 = arith.constant 384 : i32
      %dma_start3A_117 = arith.constant 0 : i32
      %dma_start3A_118 = tpu.memref_slice %arg8[%dma_start3A_116, %dma_start3A_117] : memref<512x32xf32, #tpu.memory_space<vmem>> -> memref<128x32xf32, #tpu.memory_space<vmem>>
      %dma_start3A_119 = tpu.memref_slice %arg6[%add3A_115] : memref<12800xi32, #tpu.memory_space<vmem>> -> memref<128xi32, #tpu.memory_space<vmem>>
      %dma_start3A_120 = arith.constant 0 : i32
      %dma_start3A_121 = arith.constant 0 : i32
      %dma_start3A_122 = tpu.memref_slice %arg3[%dma_start3A_120, %dma_start3A_121] : memref<1000000x32xf32, #tpu.memory_space<hbm>> -> memref<1000000x32xf32, #tpu.memory_space<hbm>>
      tpu.enqueue_indirect_dma source(%dma_start3A_122 : memref<1000000x32xf32, #tpu.memory_space<hbm>>) target(%dma_start3A_118 : memref<128x32xf32, #tpu.memory_space<vmem>>) offsets(%dma_start3A_119 : memref<128xi32, #tpu.memory_space<vmem>>) semaphore(%arg10 : memref<!tpu.dma_semaphore, #tpu.memory_space<semaphore_mem>>)
      %dma_wait3A_123 = arith.constant 0 : i32
      %dma_wait3A_124 = arith.constant 0 : i32
      %dma_wait3A_125 = tpu.memref_slice %arg4[%dma_wait3A_123, %dma_wait3A_124] : memref<409600x32xf32, #tpu.memory_space<hbm>> -> memref<512x32xf32, #tpu.memory_space<hbm>>
      %dma_wait3A_126 = arith.constant 0 : i32
      %dma_wait3A_127 = arith.constant 0 : i32
      %dma_wait3A_128 = tpu.memref_slice %arg4[%dma_wait3A_126, %dma_wait3A_127] : memref<409600x32xf32, #tpu.memory_space<hbm>> -> memref<512x32xf32, #tpu.memory_space<hbm>>
      tpu.wait_dma2 semaphore(%arg9 : memref<!tpu.dma_semaphore, #tpu.memory_space<semaphore_mem>>) src(%dma_wait3A_128 : memref<512x32xf32, #tpu.memory_space<hbm>>) dst(%arg7 : memref<512x32xf32, #tpu.memory_space<vmem>>)
      %mul3A_129 = arith.constant 512 : i32
      %mul3A_130 = arith.muli %mul3A_76, %mul3A_129 : i32
      %add3A_131 = arith.addi %mul3A_2, %mul3A_130 : i32
      "tpu.region"() ({
        %run_scoped3A = tpu.sem_alloc : memref<!tpu.dma_semaphore, #tpu.memory_space<semaphore_mem>>
        %dma_start3A_189 = arith.constant 0 : i32
        %dma_start3A_190 = tpu.memref_slice %arg4[%add3A_131, %dma_start3A_189] : memref<409600x32xf32, #tpu.memory_space<hbm>> -> memref<512x32xf32, #tpu.memory_space<hbm>>
        %dma_start3A_191 = arith.constant 0 : i32
        %dma_start3A_192 = tpu.memref_slice %arg4[%add3A_131, %dma_start3A_191] : memref<409600x32xf32, #tpu.memory_space<hbm>> -> memref<512x32xf32, #tpu.memory_space<hbm>>
        tpu.enqueue_dma source(%arg7 : memref<512x32xf32, #tpu.memory_space<vmem>>) target(%dma_start3A_192 : memref<512x32xf32, #tpu.memory_space<hbm>>) target_semaphore(%run_scoped3A : memref<!tpu.dma_semaphore, #tpu.memory_space<semaphore_mem>>)
        %dma_wait3A_193 = arith.constant 0 : i32
        %dma_wait3A_194 = tpu.memref_slice %arg4[%add3A_131, %dma_wait3A_193] : memref<409600x32xf32, #tpu.memory_space<hbm>> -> memref<512x32xf32, #tpu.memory_space<hbm>>
        %dma_wait3A_195 = arith.constant 0 : i32
        %dma_wait3A_196 = tpu.memref_slice %arg4[%add3A_131, %dma_wait3A_195] : memref<409600x32xf32, #tpu.memory_space<hbm>> -> memref<512x32xf32, #tpu.memory_space<hbm>>
        tpu.wait_dma2 semaphore(%run_scoped3A : memref<!tpu.dma_semaphore, #tpu.memory_space<semaphore_mem>>) src(%arg7 : memref<512x32xf32, #tpu.memory_space<vmem>>) dst(%dma_wait3A_196 : memref<512x32xf32, #tpu.memory_space<hbm>>)
        tpu.yield
      }) : () -> ()
      %add3A_132 = arith.constant 2 : i32
      %add3A_133 = arith.addi %mul3A_76, %add3A_132 : i32
      %mul3A_134 = arith.constant 512 : i32
      %mul3A_135 = arith.muli %add3A_133, %mul3A_134 : i32
      %add3A_136 = arith.constant 0 : i32
      %add3A_137 = arith.addi %mul3A_135, %add3A_136 : i32
      %dma_start3A_138 = arith.constant 0 : i32
      %dma_start3A_139 = arith.constant 0 : i32
      %dma_start3A_140 = tpu.memref_slice %arg7[%dma_start3A_138, %dma_start3A_139] : memref<512x32xf32, #tpu.memory_space<vmem>> -> memref<128x32xf32, #tpu.memory_space<vmem>>
      %dma_start3A_141 = tpu.memref_slice %arg6[%add3A_137] : memref<12800xi32, #tpu.memory_space<vmem>> -> memref<128xi32, #tpu.memory_space<vmem>>
      %dma_start3A_142 = arith.constant 0 : i32
      %dma_start3A_143 = arith.constant 0 : i32
      %dma_start3A_144 = tpu.memref_slice %arg3[%dma_start3A_142, %dma_start3A_143] : memref<1000000x32xf32, #tpu.memory_space<hbm>> -> memref<1000000x32xf32, #tpu.memory_space<hbm>>
      tpu.enqueue_indirect_dma source(%dma_start3A_144 : memref<1000000x32xf32, #tpu.memory_space<hbm>>) target(%dma_start3A_140 : memref<128x32xf32, #tpu.memory_space<vmem>>) offsets(%dma_start3A_141 : memref<128xi32, #tpu.memory_space<vmem>>) semaphore(%arg9 : memref<!tpu.dma_semaphore, #tpu.memory_space<semaphore_mem>>)
      %mul3A_145 = arith.constant 512 : i32
      %mul3A_146 = arith.muli %add3A_133, %mul3A_145 : i32
      %add3A_147 = arith.constant 128 : i32
      %add3A_148 = arith.addi %mul3A_146, %add3A_147 : i32
      %dma_start3A_149 = arith.constant 128 : i32
      %dma_start3A_150 = arith.constant 0 : i32
      %dma_start3A_151 = tpu.memref_slice %arg7[%dma_start3A_149, %dma_start3A_150] : memref<512x32xf32, #tpu.memory_space<vmem>> -> memref<128x32xf32, #tpu.memory_space<vmem>>
      %dma_start3A_152 = tpu.memref_slice %arg6[%add3A_148] : memref<12800xi32, #tpu.memory_space<vmem>> -> memref<128xi32, #tpu.memory_space<vmem>>
      %dma_start3A_153 = arith.constant 0 : i32
      %dma_start3A_154 = arith.constant 0 : i32
      %dma_start3A_155 = tpu.memref_slice %arg3[%dma_start3A_153, %dma_start3A_154] : memref<1000000x32xf32, #tpu.memory_space<hbm>> -> memref<1000000x32xf32, #tpu.memory_space<hbm>>
      tpu.enqueue_indirect_dma source(%dma_start3A_155 : memref<1000000x32xf32, #tpu.memory_space<hbm>>) target(%dma_start3A_151 : memref<128x32xf32, #tpu.memory_space<vmem>>) offsets(%dma_start3A_152 : memref<128xi32, #tpu.memory_space<vmem>>) semaphore(%arg9 : memref<!tpu.dma_semaphore, #tpu.memory_space<semaphore_mem>>)
      %mul3A_156 = arith.constant 512 : i32
      %mul3A_157 = arith.muli %add3A_133, %mul3A_156 : i32
      %add3A_158 = arith.constant 256 : i32
      %add3A_159 = arith.addi %mul3A_157, %add3A_158 : i32
      %dma_start3A_160 = arith.constant 256 : i32
      %dma_start3A_161 = arith.constant 0 : i32
      %dma_start3A_162 = tpu.memref_slice %arg7[%dma_start3A_160, %dma_start3A_161] : memref<512x32xf32, #tpu.memory_space<vmem>> -> memref<128x32xf32, #tpu.memory_space<vmem>>
      %dma_start3A_163 = tpu.memref_slice %arg6[%add3A_159] : memref<12800xi32, #tpu.memory_space<vmem>> -> memref<128xi32, #tpu.memory_space<vmem>>
      %dma_start3A_164 = arith.constant 0 : i32
      %dma_start3A_165 = arith.constant 0 : i32
      %dma_start3A_166 = tpu.memref_slice %arg3[%dma_start3A_164, %dma_start3A_165] : memref<1000000x32xf32, #tpu.memory_space<hbm>> -> memref<1000000x32xf32, #tpu.memory_space<hbm>>
      tpu.enqueue_indirect_dma source(%dma_start3A_166 : memref<1000000x32xf32, #tpu.memory_space<hbm>>) target(%dma_start3A_162 : memref<128x32xf32, #tpu.memory_space<vmem>>) offsets(%dma_start3A_163 : memref<128xi32, #tpu.memory_space<vmem>>) semaphore(%arg9 : memref<!tpu.dma_semaphore, #tpu.memory_space<semaphore_mem>>)
      %mul3A_167 = arith.constant 512 : i32
      %mul3A_168 = arith.muli %add3A_133, %mul3A_167 : i32
      %add3A_169 = arith.constant 384 : i32
      %add3A_170 = arith.addi %mul3A_168, %add3A_169 : i32
      %dma_start3A_171 = arith.constant 384 : i32
      %dma_start3A_172 = arith.constant 0 : i32
      %dma_start3A_173 = tpu.memref_slice %arg7[%dma_start3A_171, %dma_start3A_172] : memref<512x32xf32, #tpu.memory_space<vmem>> -> memref<128x32xf32, #tpu.memory_space<vmem>>
      %dma_start3A_174 = tpu.memref_slice %arg6[%add3A_170] : memref<12800xi32, #tpu.memory_space<vmem>> -> memref<128xi32, #tpu.memory_space<vmem>>
      %dma_start3A_175 = arith.constant 0 : i32
      %dma_start3A_176 = arith.constant 0 : i32
      %dma_start3A_177 = tpu.memref_slice %arg3[%dma_start3A_175, %dma_start3A_176] : memref<1000000x32xf32, #tpu.memory_space<hbm>> -> memref<1000000x32xf32, #tpu.memory_space<hbm>>
      tpu.enqueue_indirect_dma source(%dma_start3A_177 : memref<1000000x32xf32, #tpu.memory_space<hbm>>) target(%dma_start3A_173 : memref<128x32xf32, #tpu.memory_space<vmem>>) offsets(%dma_start3A_174 : memref<128xi32, #tpu.memory_space<vmem>>) semaphore(%arg9 : memref<!tpu.dma_semaphore, #tpu.memory_space<semaphore_mem>>)
      %dma_wait3A_178 = arith.constant 0 : i32
      %dma_wait3A_179 = arith.constant 0 : i32
      %dma_wait3A_180 = tpu.memref_slice %arg4[%dma_wait3A_178, %dma_wait3A_179] : memref<409600x32xf32, #tpu.memory_space<hbm>> -> memref<512x32xf32, #tpu.memory_space<hbm>>
      %dma_wait3A_181 = arith.constant 0 : i32
      %dma_wait3A_182 = arith.constant 0 : i32
      %dma_wait3A_183 = tpu.memref_slice %arg4[%dma_wait3A_181, %dma_wait3A_182] : memref<409600x32xf32, #tpu.memory_space<hbm>> -> memref<512x32xf32, #tpu.memory_space<hbm>>
      tpu.wait_dma2 semaphore(%arg10 : memref<!tpu.dma_semaphore, #tpu.memory_space<semaphore_mem>>) src(%dma_wait3A_183 : memref<512x32xf32, #tpu.memory_space<hbm>>) dst(%arg8 : memref<512x32xf32, #tpu.memory_space<vmem>>)
      %add3A_184 = arith.constant 1 : i32
      %add3A_185 = arith.addi %mul3A_76, %add3A_184 : i32
      %mul3A_186 = arith.constant 512 : i32
      %mul3A_187 = arith.muli %add3A_185, %mul3A_186 : i32
      %add3A_188 = arith.addi %mul3A_2, %mul3A_187 : i32
      "tpu.region"() ({
        %run_scoped3A = tpu.sem_alloc : memref<!tpu.dma_semaphore, #tpu.memory_space<semaphore_mem>>
        %dma_start3A_189 = arith.constant 0 : i32
        %dma_start3A_190 = tpu.memref_slice %arg4[%add3A_188, %dma_start3A_189] : memref<409600x32xf32, #tpu.memory_space<hbm>> -> memref<512x32xf32, #tpu.memory_space<hbm>>
        %dma_start3A_191 = arith.constant 0 : i32
        %dma_start3A_192 = tpu.memref_slice %arg4[%add3A_188, %dma_start3A_191] : memref<409600x32xf32, #tpu.memory_space<hbm>> -> memref<512x32xf32, #tpu.memory_space<hbm>>
        tpu.enqueue_dma source(%arg8 : memref<512x32xf32, #tpu.memory_space<vmem>>) target(%dma_start3A_192 : memref<512x32xf32, #tpu.memory_space<hbm>>) target_semaphore(%run_scoped3A : memref<!tpu.dma_semaphore, #tpu.memory_space<semaphore_mem>>)
        %dma_wait3A_193 = arith.constant 0 : i32
        %dma_wait3A_194 = tpu.memref_slice %arg4[%add3A_188, %dma_wait3A_193] : memref<409600x32xf32, #tpu.memory_space<hbm>> -> memref<512x32xf32, #tpu.memory_space<hbm>>
        %dma_wait3A_195 = arith.constant 0 : i32
        %dma_wait3A_196 = tpu.memref_slice %arg4[%add3A_188, %dma_wait3A_195] : memref<409600x32xf32, #tpu.memory_space<hbm>> -> memref<512x32xf32, #tpu.memory_space<hbm>>
        tpu.wait_dma2 semaphore(%run_scoped3A : memref<!tpu.dma_semaphore, #tpu.memory_space<semaphore_mem>>) src(%arg8 : memref<512x32xf32, #tpu.memory_space<vmem>>) dst(%dma_wait3A_196 : memref<512x32xf32, #tpu.memory_space<hbm>>)
        tpu.yield
      }) : () -> ()
    }
    %scan3A_65 = arith.constant 12 : i32
    %dma_wait3A_66 = arith.constant 0 : i32
    %dma_wait3A_67 = arith.constant 0 : i32
    %dma_wait3A_68 = tpu.memref_slice %arg4[%dma_wait3A_66, %dma_wait3A_67] : memref<409600x32xf32, #tpu.memory_space<hbm>> -> memref<512x32xf32, #tpu.memory_space<hbm>>
    %dma_wait3A_69 = arith.constant 0 : i32
    %dma_wait3A_70 = arith.constant 0 : i32
    %dma_wait3A_71 = tpu.memref_slice %arg4[%dma_wait3A_69, %dma_wait3A_70] : memref<409600x32xf32, #tpu.memory_space<hbm>> -> memref<512x32xf32, #tpu.memory_space<hbm>>
    tpu.wait_dma2 semaphore(%arg9 : memref<!tpu.dma_semaphore, #tpu.memory_space<semaphore_mem>>) src(%dma_wait3A_71 : memref<512x32xf32, #tpu.memory_space<hbm>>) dst(%arg7 : memref<512x32xf32, #tpu.memory_space<vmem>>)
    %add3A_72 = arith.constant 12288 : i32
    %add3A_73 = arith.addi %mul3A_2, %add3A_72 : i32
    "tpu.region"() ({
      %run_scoped3A = tpu.sem_alloc : memref<!tpu.dma_semaphore, #tpu.memory_space<semaphore_mem>>
      %dma_start3A_74 = arith.constant 0 : i32
      %dma_start3A_75 = tpu.memref_slice %arg4[%add3A_73, %dma_start3A_74] : memref<409600x32xf32, #tpu.memory_space<hbm>> -> memref<512x32xf32, #tpu.memory_space<hbm>>
      %dma_start3A_76 = arith.constant 0 : i32
      %dma_start3A_77 = tpu.memref_slice %arg4[%add3A_73, %dma_start3A_76] : memref<409600x32xf32, #tpu.memory_space<hbm>> -> memref<512x32xf32, #tpu.memory_space<hbm>>
      tpu.enqueue_dma source(%arg7 : memref<512x32xf32, #tpu.memory_space<vmem>>) target(%dma_start3A_77 : memref<512x32xf32, #tpu.memory_space<hbm>>) target_semaphore(%run_scoped3A : memref<!tpu.dma_semaphore, #tpu.memory_space<semaphore_mem>>)
      %dma_wait3A_78 = arith.constant 0 : i32
      %dma_wait3A_79 = tpu.memref_slice %arg4[%add3A_73, %dma_wait3A_78] : memref<409600x32xf32, #tpu.memory_space<hbm>> -> memref<512x32xf32, #tpu.memory_space<hbm>>
      %dma_wait3A_80 = arith.constant 0 : i32
      %dma_wait3A_81 = tpu.memref_slice %arg4[%add3A_73, %dma_wait3A_80] : memref<409600x32xf32, #tpu.memory_space<hbm>> -> memref<512x32xf32, #tpu.memory_space<hbm>>
      tpu.wait_dma2 semaphore(%run_scoped3A : memref<!tpu.dma_semaphore, #tpu.memory_space<semaphore_mem>>) src(%arg7 : memref<512x32xf32, #tpu.memory_space<vmem>>) dst(%dma_wait3A_81 : memref<512x32xf32, #tpu.memory_space<hbm>>)
      tpu.yield
    }) : () -> ()
    return
  }
}

#map = affine_map<(d0, d1) -> (0, 0)>
module attributes {stable_mosaic.version = 14 : i64} {
  func.func @_gather_body(%arg0: i32, %arg1: i32, %arg2: memref<2048x200xi32, #tpu.memory_space<hbm>>, %arg3: memref<1000000x32xf32, #tpu.memory_space<hbm>>, %arg4: memref<409600x32xf32, #tpu.memory_space<hbm>>, %arg5: memref<64x208xi32, #tpu.memory_space<vmem>>, %arg6: memref<12800xi32, #tpu.memory_space<vmem>>, %arg7: memref<512x32xf32, #tpu.memory_space<vmem>>, %arg8: memref<512x32xf32, #tpu.memory_space<vmem>>, %arg9: memref<!tpu.dma_semaphore, #tpu.memory_space<semaphore_mem>>, %arg10: memref<!tpu.dma_semaphore, #tpu.memory_space<semaphore_mem>>, %arg11: memref<!tpu.dma_semaphore, #tpu.memory_space<semaphore_mem>>) attributes {dimension_semantics = [#tpu.dimension_semantics<core_parallel>, #tpu.dimension_semantics<subcore_parallel>], iteration_bounds = array<i64: 2, 16>, scalar_prefetch = 0 : i64, scratch_operands = 7 : i64, tpu.core_type = #tpu.core_type<sc_vector_subcore>, window_params = [{transform_indices = #map}, {transform_indices = #map}, {transform_indices = #map}]} {
    %mul3A = arith.constant 2 : i32
    %mul3A_0 = arith.muli %arg1, %mul3A : i32
    %add3A = arith.addi %mul3A_0, %arg0 : i32
    %mul3A_1 = arith.constant 12800 : i32
    %mul3A_2 = arith.muli %add3A, %mul3A_1 : i32
    %mul3A_3 = arith.constant 64 : i32
    %mul3A_4 = arith.muli %add3A, %mul3A_3 : i32
    %dma_start3A = arith.constant 0 : i32
    %dma_start3A_5 = arith.constant 8 : i32
    %dma_start3A_6 = tpu.memref_slice %arg5[%dma_start3A, %dma_start3A_5] : memref<64x208xi32, #tpu.memory_space<vmem>> -> memref<64x200xi32, #tpu.memory_space<vmem>>
    %dma_start3A_7 = arith.constant 0 : i32
    %dma_start3A_8 = tpu.memref_slice %arg2[%mul3A_4, %dma_start3A_7] : memref<2048x200xi32, #tpu.memory_space<hbm>> -> memref<64x200xi32, #tpu.memory_space<hbm>>
    %dma_start3A_9 = arith.constant 0 : i32
    %dma_start3A_10 = arith.constant 8 : i32
    %dma_start3A_11 = tpu.memref_slice %arg5[%dma_start3A_9, %dma_start3A_10] : memref<64x208xi32, #tpu.memory_space<vmem>> -> memref<64x200xi32, #tpu.memory_space<vmem>>
    %dma_start3A_12 = arith.constant 0 : i32
    %dma_start3A_13 = tpu.memref_slice %arg2[%mul3A_4, %dma_start3A_12] : memref<2048x200xi32, #tpu.memory_space<hbm>> -> memref<64x200xi32, #tpu.memory_space<hbm>>
    tpu.enqueue_dma source(%dma_start3A_13 : memref<64x200xi32, #tpu.memory_space<hbm>>) target(%dma_start3A_11 : memref<64x200xi32, #tpu.memory_space<vmem>>) target_semaphore(%arg11 : memref<!tpu.dma_semaphore, #tpu.memory_space<semaphore_mem>>)
    %dma_wait3A = arith.constant 0 : i32
    %dma_wait3A_14 = arith.constant 8 : i32
    %dma_wait3A_15 = tpu.memref_slice %arg5[%dma_wait3A, %dma_wait3A_14] : memref<64x208xi32, #tpu.memory_space<vmem>> -> memref<64x200xi32, #tpu.memory_space<vmem>>
    %dma_wait3A_16 = arith.constant 0 : i32
    %dma_wait3A_17 = tpu.memref_slice %arg2[%mul3A_4, %dma_wait3A_16] : memref<2048x200xi32, #tpu.memory_space<hbm>> -> memref<64x200xi32, #tpu.memory_space<hbm>>
    %dma_wait3A_18 = arith.constant 0 : i32
    %dma_wait3A_19 = arith.constant 8 : i32
    %dma_wait3A_20 = tpu.memref_slice %arg5[%dma_wait3A_18, %dma_wait3A_19] : memref<64x208xi32, #tpu.memory_space<vmem>> -> memref<64x200xi32, #tpu.memory_space<vmem>>
    %dma_wait3A_21 = arith.constant 0 : i32
    %dma_wait3A_22 = tpu.memref_slice %arg2[%mul3A_4, %dma_wait3A_21] : memref<2048x200xi32, #tpu.memory_space<hbm>> -> memref<64x200xi32, #tpu.memory_space<hbm>>
    tpu.wait_dma2 semaphore(%arg11 : memref<!tpu.dma_semaphore, #tpu.memory_space<semaphore_mem>>) src(%dma_wait3A_22 : memref<64x200xi32, #tpu.memory_space<hbm>>) dst(%dma_wait3A_20 : memref<64x200xi32, #tpu.memory_space<vmem>>)
    %iota3A = tpu.iota {dimensions = array<i32: 0>} : vector<16xi32>
    %scan3A = arith.constant 0 : i32
    %scan3A_23 = arith.constant 0 : i32
    %scan3A_24 = arith.constant 64 : i32
    %scan3A_25 = arith.addi %scan3A_23, %scan3A_24 : i32
    %scan3A_26 = arith.constant 1 : i32
    scf.for %scan3A_74 = %scan3A_23 to %scan3A_25 step %scan3A_26  : i32 {
      %get3A = arith.index_cast %scan3A_74 : i32 to index
      %get3A_75 = arith.constant 8 : index
      %get3A_76 = tpu.vector_load %arg5[%get3A, %get3A_75] {strides = array<i32>} : memref<64x208xi32, #tpu.memory_space<vmem>>, vector<1x16xi32>,
      %get3A_77 = vector.shape_cast %get3A_76 : vector<1x16xi32> to vector<16xi32>
      %get3A_78 = arith.index_cast %scan3A_74 : i32 to index
      %get3A_79 = arith.constant 7 : index
      %get3A_80 = tpu.vector_load %arg5[%get3A_78, %get3A_79] {strides = array<i32>} : memref<64x208xi32, #tpu.memory_space<vmem>>, vector<1x16xi32>,
      %get3A_81 = vector.shape_cast %get3A_80 : vector<1x16xi32> to vector<16xi32>
      %eq3A = arith.constant 0 : i32
      %eq3A_82 = vector.broadcast %eq3A : i32 to vector<16xi32>
      %eq3A_83 = arith.cmpi eq, %iota3A, %eq3A_82 : vector<16xi32>
      %jit3A = arith.constant 0 : i32
      %broadcast_in_dim3A = vector.broadcast %jit3A : i32 to vector<16xi32>
      %select_n3A = arith.select %eq3A_83, %broadcast_in_dim3A, %get3A_81 : vector<16xi1>, vector<16xi32>
      %mul3A_84 = arith.constant 1056 : i32
      %mul3A_85 = vector.broadcast %mul3A_84 : i32 to vector<16xi32>
      %mul3A_86 = arith.muli %select_n3A, %mul3A_85 : vector<16xi32>
      %add3A_87 = arith.addi %mul3A_86, %get3A_77 : vector<16xi32>
      %jit3A_88 = arith.constant 1000000 : i32
      %eq3A_89 = arith.constant 0 : i32
      %eq3A_90 = arith.cmpi eq, %jit3A_88, %eq3A_89 : i32
      %jit3A_91 = arith.constant 1 : i32
      %select_n3A_92 = arith.select %eq3A_90, %jit3A_91, %jit3A_88 : i32
      %rem3A = vector.broadcast %select_n3A_92 : i32 to vector<16xi32>
      %rem3A_93 = arith.remsi %add3A_87, %rem3A : vector<16xi32>
      %ne3A = arith.constant 0 : i32
      %ne3A_94 = vector.broadcast %ne3A : i32 to vector<16xi32>
      %ne3A_95 = arith.cmpi ne, %rem3A_93, %ne3A_94 : vector<16xi32>
      %lt3A = arith.constant 0 : i32
      %lt3A_96 = vector.broadcast %lt3A : i32 to vector<16xi32>
      %lt3A_97 = arith.cmpi slt, %rem3A_93, %lt3A_96 : vector<16xi32>
      %lt3A_98 = arith.constant 0 : i32
      %lt3A_99 = arith.cmpi slt, %select_n3A_92, %lt3A_98 : i32
      %ne3A_100 = vector.broadcast %lt3A_99 : i1 to vector<16xi1>
      %ne3A_101 = vector.broadcast %ne3A_100 : vector<16xi1> to vector<16xi1>
      %ne3A_102 = arith.xori %lt3A_97, %ne3A_101 : vector<16xi1>
      %and3A = arith.andi %ne3A_102, %ne3A_95 : vector<16xi1>
      %add3A_103 = vector.broadcast %select_n3A_92 : i32 to vector<16xi32>
      %add3A_104 = arith.addi %rem3A_93, %add3A_103 : vector<16xi32>
      %select_n3A_105 = arith.select %and3A, %add3A_104, %rem3A_93 : vector<16xi1>, vector<16xi32>
      %mul3A_106 = arith.constant 200 : i32
      %mul3A_107 = arith.muli %scan3A_74, %mul3A_106 : i32
      %add3A_108 = arith.constant 0 : i32
      %add3A_109 = arith.addi %mul3A_107, %add3A_108 : i32
      %swap3A = arith.index_cast %add3A_109 : i32 to index
      %swap3A_110 = tpu.vector_load %arg6[%swap3A] {strides = array<i32>} : memref<12800xi32, #tpu.memory_space<vmem>>, vector<16xi32>,
      %swap3A_111 = vector.shape_cast %swap3A_110 : vector<16xi32> to vector<16xi32>
      %swap3A_112 = vector.shape_cast %select_n3A_105 : vector<16xi32> to vector<16xi32>
      tpu.vector_store %arg6[%swap3A], %swap3A_112 {strides = array<i32>} : memref<12800xi32, #tpu.memory_space<vmem>>, vector<16xi32>,
      %get3A_113 = arith.index_cast %scan3A_74 : i32 to index
      %get3A_114 = arith.constant 24 : index
      %get3A_115 = tpu.vector_load %arg5[%get3A_113, %get3A_114] {strides = array<i32>} : memref<64x208xi32, #tpu.memory_space<vmem>>, vector<1x16xi32>,
      %get3A_116 = vector.shape_cast %get3A_115 : vector<1x16xi32> to vector<16xi32>
      %get3A_117 = arith.index_cast %scan3A_74 : i32 to index
      %get3A_118 = arith.constant 23 : index
      %get3A_119 = tpu.vector_load %arg5[%get3A_117, %get3A_118] {strides = array<i32>} : memref<64x208xi32, #tpu.memory_space<vmem>>, vector<1x16xi32>,
      %get3A_120 = vector.shape_cast %get3A_119 : vector<1x16xi32> to vector<16xi32>
      %mul3A_121 = arith.constant 1056 : i32
      %mul3A_122 = vector.broadcast %mul3A_121 : i32 to vector<16xi32>
      %mul3A_123 = arith.muli %get3A_120, %mul3A_122 : vector<16xi32>
      %add3A_124 = arith.addi %mul3A_123, %get3A_116 : vector<16xi32>
      %jit3A_125 = arith.constant 1000000 : i32
      %eq3A_126 = arith.constant 0 : i32
      %eq3A_127 = arith.cmpi eq, %jit3A_125, %eq3A_126 : i32
      %jit3A_128 = arith.constant 1 : i32
      %select_n3A_129 = arith.select %eq3A_127, %jit3A_128, %jit3A_125 : i32
      %rem3A_130 = vector.broadcast %select_n3A_129 : i32 to vector<16xi32>
      %rem3A_131 = arith.remsi %add3A_124, %rem3A_130 : vector<16xi32>
      %ne3A_132 = arith.constant 0 : i32
      %ne3A_133 = vector.broadcast %ne3A_132 : i32 to vector<16xi32>
      %ne3A_134 = arith.cmpi ne, %rem3A_131, %ne3A_133 : vector<16xi32>
      %lt3A_135 = arith.constant 0 : i32
      %lt3A_136 = vector.broadcast %lt3A_135 : i32 to vector<16xi32>
      %lt3A_137 = arith.cmpi slt, %rem3A_131, %lt3A_136 : vector<16xi32>
      %lt3A_138 = arith.constant 0 : i32
      %lt3A_139 = arith.cmpi slt, %select_n3A_129, %lt3A_138 : i32
      %ne3A_140 = vector.broadcast %lt3A_139 : i1 to vector<16xi1>
      %ne3A_141 = vector.broadcast %ne3A_140 : vector<16xi1> to vector<16xi1>
      %ne3A_142 = arith.xori %lt3A_137, %ne3A_141 : vector<16xi1>
      %and3A_143 = arith.andi %ne3A_142, %ne3A_134 : vector<16xi1>
      %add3A_144 = vector.broadcast %select_n3A_129 : i32 to vector<16xi32>
      %add3A_145 = arith.addi %rem3A_131, %add3A_144 : vector<16xi32>
      %select_n3A_146 = arith.select %and3A_143, %add3A_145, %rem3A_131 : vector<16xi1>, vector<16xi32>
      %mul3A_147 = arith.constant 200 : i32
      %mul3A_148 = arith.muli %scan3A_74, %mul3A_147 : i32
      %add3A_149 = arith.constant 16 : i32
      %add3A_150 = arith.addi %mul3A_148, %add3A_149 : i32
      %swap3A_151 = arith.index_cast %add3A_150 : i32 to index
      %swap3A_152 = tpu.vector_load %arg6[%swap3A_151] {strides = array<i32>} : memref<12800xi32, #tpu.memory_space<vmem>>, vector<16xi32>,
      %swap3A_153 = vector.shape_cast %swap3A_152 : vector<16xi32> to vector<16xi32>
      %swap3A_154 = vector.shape_cast %select_n3A_146 : vector<16xi32> to vector<16xi32>
      tpu.vector_store %arg6[%swap3A_151], %swap3A_154 {strides = array<i32>} : memref<12800xi32, #tpu.memory_space<vmem>>, vector<16xi32>,
      %get3A_155 = arith.index_cast %scan3A_74 : i32 to index
      %get3A_156 = arith.constant 40 : index
      %get3A_157 = tpu.vector_load %arg5[%get3A_155, %get3A_156] {strides = array<i32>} : memref<64x208xi32, #tpu.memory_space<vmem>>, vector<1x16xi32>,
      %get3A_158 = vector.shape_cast %get3A_157 : vector<1x16xi32> to vector<16xi32>
      %get3A_159 = arith.index_cast %scan3A_74 : i32 to index
      %get3A_160 = arith.constant 39 : index
      %get3A_161 = tpu.vector_load %arg5[%get3A_159, %get3A_160] {strides = array<i32>} : memref<64x208xi32, #tpu.memory_space<vmem>>, vector<1x16xi32>,
      %get3A_162 = vector.shape_cast %get3A_161 : vector<1x16xi32> to vector<16xi32>
      %mul3A_163 = arith.constant 1056 : i32
      %mul3A_164 = vector.broadcast %mul3A_163 : i32 to vector<16xi32>
      %mul3A_165 = arith.muli %get3A_162, %mul3A_164 : vector<16xi32>
      %add3A_166 = arith.addi %mul3A_165, %get3A_158 : vector<16xi32>
      %jit3A_167 = arith.constant 1000000 : i32
      %eq3A_168 = arith.constant 0 : i32
      %eq3A_169 = arith.cmpi eq, %jit3A_167, %eq3A_168 : i32
      %jit3A_170 = arith.constant 1 : i32
      %select_n3A_171 = arith.select %eq3A_169, %jit3A_170, %jit3A_167 : i32
      %rem3A_172 = vector.broadcast %select_n3A_171 : i32 to vector<16xi32>
      %rem3A_173 = arith.remsi %add3A_166, %rem3A_172 : vector<16xi32>
      %ne3A_174 = arith.constant 0 : i32
      %ne3A_175 = vector.broadcast %ne3A_174 : i32 to vector<16xi32>
      %ne3A_176 = arith.cmpi ne, %rem3A_173, %ne3A_175 : vector<16xi32>
      %lt3A_177 = arith.constant 0 : i32
      %lt3A_178 = vector.broadcast %lt3A_177 : i32 to vector<16xi32>
      %lt3A_179 = arith.cmpi slt, %rem3A_173, %lt3A_178 : vector<16xi32>
      %lt3A_180 = arith.constant 0 : i32
      %lt3A_181 = arith.cmpi slt, %select_n3A_171, %lt3A_180 : i32
      %ne3A_182 = vector.broadcast %lt3A_181 : i1 to vector<16xi1>
      %ne3A_183 = vector.broadcast %ne3A_182 : vector<16xi1> to vector<16xi1>
      %ne3A_184 = arith.xori %lt3A_179, %ne3A_183 : vector<16xi1>
      %and3A_185 = arith.andi %ne3A_184, %ne3A_176 : vector<16xi1>
      %add3A_186 = vector.broadcast %select_n3A_171 : i32 to vector<16xi32>
      %add3A_187 = arith.addi %rem3A_173, %add3A_186 : vector<16xi32>
      %select_n3A_188 = arith.select %and3A_185, %add3A_187, %rem3A_173 : vector<16xi1>, vector<16xi32>
      %mul3A_189 = arith.constant 200 : i32
      %mul3A_190 = arith.muli %scan3A_74, %mul3A_189 : i32
      %add3A_191 = arith.constant 32 : i32
      %add3A_192 = arith.addi %mul3A_190, %add3A_191 : i32
      %swap3A_193 = arith.index_cast %add3A_192 : i32 to index
      %swap3A_194 = tpu.vector_load %arg6[%swap3A_193] {strides = array<i32>} : memref<12800xi32, #tpu.memory_space<vmem>>, vector<16xi32>,
      %swap3A_195 = vector.shape_cast %swap3A_194 : vector<16xi32> to vector<16xi32>
      %swap3A_196 = vector.shape_cast %select_n3A_188 : vector<16xi32> to vector<16xi32>
      tpu.vector_store %arg6[%swap3A_193], %swap3A_196 {strides = array<i32>} : memref<12800xi32, #tpu.memory_space<vmem>>, vector<16xi32>,
      %get3A_197 = arith.index_cast %scan3A_74 : i32 to index
      %get3A_198 = arith.constant 56 : index
      %get3A_199 = tpu.vector_load %arg5[%get3A_197, %get3A_198] {strides = array<i32>} : memref<64x208xi32, #tpu.memory_space<vmem>>, vector<1x16xi32>,
      %get3A_200 = vector.shape_cast %get3A_199 : vector<1x16xi32> to vector<16xi32>
      %get3A_201 = arith.index_cast %scan3A_74 : i32 to index
      %get3A_202 = arith.constant 55 : index
      %get3A_203 = tpu.vector_load %arg5[%get3A_201, %get3A_202] {strides = array<i32>} : memref<64x208xi32, #tpu.memory_space<vmem>>, vector<1x16xi32>,
      %get3A_204 = vector.shape_cast %get3A_203 : vector<1x16xi32> to vector<16xi32>
      %mul3A_205 = arith.constant 1056 : i32
      %mul3A_206 = vector.broadcast %mul3A_205 : i32 to vector<16xi32>
      %mul3A_207 = arith.muli %get3A_204, %mul3A_206 : vector<16xi32>
      %add3A_208 = arith.addi %mul3A_207, %get3A_200 : vector<16xi32>
      %jit3A_209 = arith.constant 1000000 : i32
      %eq3A_210 = arith.constant 0 : i32
      %eq3A_211 = arith.cmpi eq, %jit3A_209, %eq3A_210 : i32
      %jit3A_212 = arith.constant 1 : i32
      %select_n3A_213 = arith.select %eq3A_211, %jit3A_212, %jit3A_209 : i32
      %rem3A_214 = vector.broadcast %select_n3A_213 : i32 to vector<16xi32>
      %rem3A_215 = arith.remsi %add3A_208, %rem3A_214 : vector<16xi32>
      %ne3A_216 = arith.constant 0 : i32
      %ne3A_217 = vector.broadcast %ne3A_216 : i32 to vector<16xi32>
      %ne3A_218 = arith.cmpi ne, %rem3A_215, %ne3A_217 : vector<16xi32>
      %lt3A_219 = arith.constant 0 : i32
      %lt3A_220 = vector.broadcast %lt3A_219 : i32 to vector<16xi32>
      %lt3A_221 = arith.cmpi slt, %rem3A_215, %lt3A_220 : vector<16xi32>
      %lt3A_222 = arith.constant 0 : i32
      %lt3A_223 = arith.cmpi slt, %select_n3A_213, %lt3A_222 : i32
      %ne3A_224 = vector.broadcast %lt3A_223 : i1 to vector<16xi1>
      %ne3A_225 = vector.broadcast %ne3A_224 : vector<16xi1> to vector<16xi1>
      %ne3A_226 = arith.xori %lt3A_221, %ne3A_225 : vector<16xi1>
      %and3A_227 = arith.andi %ne3A_226, %ne3A_218 : vector<16xi1>
      %add3A_228 = vector.broadcast %select_n3A_213 : i32 to vector<16xi32>
      %add3A_229 = arith.addi %rem3A_215, %add3A_228 : vector<16xi32>
      %select_n3A_230 = arith.select %and3A_227, %add3A_229, %rem3A_215 : vector<16xi1>, vector<16xi32>
      %mul3A_231 = arith.constant 200 : i32
      %mul3A_232 = arith.muli %scan3A_74, %mul3A_231 : i32
      %add3A_233 = arith.constant 48 : i32
      %add3A_234 = arith.addi %mul3A_232, %add3A_233 : i32
      %swap3A_235 = arith.index_cast %add3A_234 : i32 to index
      %swap3A_236 = tpu.vector_load %arg6[%swap3A_235] {strides = array<i32>} : memref<12800xi32, #tpu.memory_space<vmem>>, vector<16xi32>,
      %swap3A_237 = vector.shape_cast %swap3A_236 : vector<16xi32> to vector<16xi32>
      %swap3A_238 = vector.shape_cast %select_n3A_230 : vector<16xi32> to vector<16xi32>
      tpu.vector_store %arg6[%swap3A_235], %swap3A_238 {strides = array<i32>} : memref<12800xi32, #tpu.memory_space<vmem>>, vector<16xi32>,
      %get3A_239 = arith.index_cast %scan3A_74 : i32 to index
      %get3A_240 = arith.constant 72 : index
      %get3A_241 = tpu.vector_load %arg5[%get3A_239, %get3A_240] {strides = array<i32>} : memref<64x208xi32, #tpu.memory_space<vmem>>, vector<1x16xi32>,
      %get3A_242 = vector.shape_cast %get3A_241 : vector<1x16xi32> to vector<16xi32>
      %get3A_243 = arith.index_cast %scan3A_74 : i32 to index
      %get3A_244 = arith.constant 71 : index
      %get3A_245 = tpu.vector_load %arg5[%get3A_243, %get3A_244] {strides = array<i32>} : memref<64x208xi32, #tpu.memory_space<vmem>>, vector<1x16xi32>,
      %get3A_246 = vector.shape_cast %get3A_245 : vector<1x16xi32> to vector<16xi32>
      %mul3A_247 = arith.constant 1056 : i32
      %mul3A_248 = vector.broadcast %mul3A_247 : i32 to vector<16xi32>
      %mul3A_249 = arith.muli %get3A_246, %mul3A_248 : vector<16xi32>
      %add3A_250 = arith.addi %mul3A_249, %get3A_242 : vector<16xi32>
      %jit3A_251 = arith.constant 1000000 : i32
      %eq3A_252 = arith.constant 0 : i32
      %eq3A_253 = arith.cmpi eq, %jit3A_251, %eq3A_252 : i32
      %jit3A_254 = arith.constant 1 : i32
      %select_n3A_255 = arith.select %eq3A_253, %jit3A_254, %jit3A_251 : i32
      %rem3A_256 = vector.broadcast %select_n3A_255 : i32 to vector<16xi32>
      %rem3A_257 = arith.remsi %add3A_250, %rem3A_256 : vector<16xi32>
      %ne3A_258 = arith.constant 0 : i32
      %ne3A_259 = vector.broadcast %ne3A_258 : i32 to vector<16xi32>
      %ne3A_260 = arith.cmpi ne, %rem3A_257, %ne3A_259 : vector<16xi32>
      %lt3A_261 = arith.constant 0 : i32
      %lt3A_262 = vector.broadcast %lt3A_261 : i32 to vector<16xi32>
      %lt3A_263 = arith.cmpi slt, %rem3A_257, %lt3A_262 : vector<16xi32>
      %lt3A_264 = arith.constant 0 : i32
      %lt3A_265 = arith.cmpi slt, %select_n3A_255, %lt3A_264 : i32
      %ne3A_266 = vector.broadcast %lt3A_265 : i1 to vector<16xi1>
      %ne3A_267 = vector.broadcast %ne3A_266 : vector<16xi1> to vector<16xi1>
      %ne3A_268 = arith.xori %lt3A_263, %ne3A_267 : vector<16xi1>
      %and3A_269 = arith.andi %ne3A_268, %ne3A_260 : vector<16xi1>
      %add3A_270 = vector.broadcast %select_n3A_255 : i32 to vector<16xi32>
      %add3A_271 = arith.addi %rem3A_257, %add3A_270 : vector<16xi32>
      %select_n3A_272 = arith.select %and3A_269, %add3A_271, %rem3A_257 : vector<16xi1>, vector<16xi32>
      %mul3A_273 = arith.constant 200 : i32
      %mul3A_274 = arith.muli %scan3A_74, %mul3A_273 : i32
      %add3A_275 = arith.constant 64 : i32
      %add3A_276 = arith.addi %mul3A_274, %add3A_275 : i32
      %swap3A_277 = arith.index_cast %add3A_276 : i32 to index
      %swap3A_278 = tpu.vector_load %arg6[%swap3A_277] {strides = array<i32>} : memref<12800xi32, #tpu.memory_space<vmem>>, vector<16xi32>,
      %swap3A_279 = vector.shape_cast %swap3A_278 : vector<16xi32> to vector<16xi32>
      %swap3A_280 = vector.shape_cast %select_n3A_272 : vector<16xi32> to vector<16xi32>
      tpu.vector_store %arg6[%swap3A_277], %swap3A_280 {strides = array<i32>} : memref<12800xi32, #tpu.memory_space<vmem>>, vector<16xi32>,
      %get3A_281 = arith.index_cast %scan3A_74 : i32 to index
      %get3A_282 = arith.constant 88 : index
      %get3A_283 = tpu.vector_load %arg5[%get3A_281, %get3A_282] {strides = array<i32>} : memref<64x208xi32, #tpu.memory_space<vmem>>, vector<1x16xi32>,
      %get3A_284 = vector.shape_cast %get3A_283 : vector<1x16xi32> to vector<16xi32>
      %get3A_285 = arith.index_cast %scan3A_74 : i32 to index
      %get3A_286 = arith.constant 87 : index
      %get3A_287 = tpu.vector_load %arg5[%get3A_285, %get3A_286] {strides = array<i32>} : memref<64x208xi32, #tpu.memory_space<vmem>>, vector<1x16xi32>,
      %get3A_288 = vector.shape_cast %get3A_287 : vector<1x16xi32> to vector<16xi32>
      %mul3A_289 = arith.constant 1056 : i32
      %mul3A_290 = vector.broadcast %mul3A_289 : i32 to vector<16xi32>
      %mul3A_291 = arith.muli %get3A_288, %mul3A_290 : vector<16xi32>
      %add3A_292 = arith.addi %mul3A_291, %get3A_284 : vector<16xi32>
      %jit3A_293 = arith.constant 1000000 : i32
      %eq3A_294 = arith.constant 0 : i32
      %eq3A_295 = arith.cmpi eq, %jit3A_293, %eq3A_294 : i32
      %jit3A_296 = arith.constant 1 : i32
      %select_n3A_297 = arith.select %eq3A_295, %jit3A_296, %jit3A_293 : i32
      %rem3A_298 = vector.broadcast %select_n3A_297 : i32 to vector<16xi32>
      %rem3A_299 = arith.remsi %add3A_292, %rem3A_298 : vector<16xi32>
      %ne3A_300 = arith.constant 0 : i32
      %ne3A_301 = vector.broadcast %ne3A_300 : i32 to vector<16xi32>
      %ne3A_302 = arith.cmpi ne, %rem3A_299, %ne3A_301 : vector<16xi32>
      %lt3A_303 = arith.constant 0 : i32
      %lt3A_304 = vector.broadcast %lt3A_303 : i32 to vector<16xi32>
      %lt3A_305 = arith.cmpi slt, %rem3A_299, %lt3A_304 : vector<16xi32>
      %lt3A_306 = arith.constant 0 : i32
      %lt3A_307 = arith.cmpi slt, %select_n3A_297, %lt3A_306 : i32
      %ne3A_308 = vector.broadcast %lt3A_307 : i1 to vector<16xi1>
      %ne3A_309 = vector.broadcast %ne3A_308 : vector<16xi1> to vector<16xi1>
      %ne3A_310 = arith.xori %lt3A_305, %ne3A_309 : vector<16xi1>
      %and3A_311 = arith.andi %ne3A_310, %ne3A_302 : vector<16xi1>
      %add3A_312 = vector.broadcast %select_n3A_297 : i32 to vector<16xi32>
      %add3A_313 = arith.addi %rem3A_299, %add3A_312 : vector<16xi32>
      %select_n3A_314 = arith.select %and3A_311, %add3A_313, %rem3A_299 : vector<16xi1>, vector<16xi32>
      %mul3A_315 = arith.constant 200 : i32
      %mul3A_316 = arith.muli %scan3A_74, %mul3A_315 : i32
      %add3A_317 = arith.constant 80 : i32
      %add3A_318 = arith.addi %mul3A_316, %add3A_317 : i32
      %swap3A_319 = arith.index_cast %add3A_318 : i32 to index
      %swap3A_320 = tpu.vector_load %arg6[%swap3A_319] {strides = array<i32>} : memref<12800xi32, #tpu.memory_space<vmem>>, vector<16xi32>,
      %swap3A_321 = vector.shape_cast %swap3A_320 : vector<16xi32> to vector<16xi32>
      %swap3A_322 = vector.shape_cast %select_n3A_314 : vector<16xi32> to vector<16xi32>
      tpu.vector_store %arg6[%swap3A_319], %swap3A_322 {strides = array<i32>} : memref<12800xi32, #tpu.memory_space<vmem>>, vector<16xi32>,
      %get3A_323 = arith.index_cast %scan3A_74 : i32 to index
      %get3A_324 = arith.constant 104 : index
      %get3A_325 = tpu.vector_load %arg5[%get3A_323, %get3A_324] {strides = array<i32>} : memref<64x208xi32, #tpu.memory_space<vmem>>, vector<1x16xi32>,
      %get3A_326 = vector.shape_cast %get3A_325 : vector<1x16xi32> to vector<16xi32>
      %get3A_327 = arith.index_cast %scan3A_74 : i32 to index
      %get3A_328 = arith.constant 103 : index
      %get3A_329 = tpu.vector_load %arg5[%get3A_327, %get3A_328] {strides = array<i32>} : memref<64x208xi32, #tpu.memory_space<vmem>>, vector<1x16xi32>,
      %get3A_330 = vector.shape_cast %get3A_329 : vector<1x16xi32> to vector<16xi32>
      %mul3A_331 = arith.constant 1056 : i32
      %mul3A_332 = vector.broadcast %mul3A_331 : i32 to vector<16xi32>
      %mul3A_333 = arith.muli %get3A_330, %mul3A_332 : vector<16xi32>
      %add3A_334 = arith.addi %mul3A_333, %get3A_326 : vector<16xi32>
      %jit3A_335 = arith.constant 1000000 : i32
      %eq3A_336 = arith.constant 0 : i32
      %eq3A_337 = arith.cmpi eq, %jit3A_335, %eq3A_336 : i32
      %jit3A_338 = arith.constant 1 : i32
      %select_n3A_339 = arith.select %eq3A_337, %jit3A_338, %jit3A_335 : i32
      %rem3A_340 = vector.broadcast %select_n3A_339 : i32 to vector<16xi32>
      %rem3A_341 = arith.remsi %add3A_334, %rem3A_340 : vector<16xi32>
      %ne3A_342 = arith.constant 0 : i32
      %ne3A_343 = vector.broadcast %ne3A_342 : i32 to vector<16xi32>
      %ne3A_344 = arith.cmpi ne, %rem3A_341, %ne3A_343 : vector<16xi32>
      %lt3A_345 = arith.constant 0 : i32
      %lt3A_346 = vector.broadcast %lt3A_345 : i32 to vector<16xi32>
      %lt3A_347 = arith.cmpi slt, %rem3A_341, %lt3A_346 : vector<16xi32>
      %lt3A_348 = arith.constant 0 : i32
      %lt3A_349 = arith.cmpi slt, %select_n3A_339, %lt3A_348 : i32
      %ne3A_350 = vector.broadcast %lt3A_349 : i1 to vector<16xi1>
      %ne3A_351 = vector.broadcast %ne3A_350 : vector<16xi1> to vector<16xi1>
      %ne3A_352 = arith.xori %lt3A_347, %ne3A_351 : vector<16xi1>
      %and3A_353 = arith.andi %ne3A_352, %ne3A_344 : vector<16xi1>
      %add3A_354 = vector.broadcast %select_n3A_339 : i32 to vector<16xi32>
      %add3A_355 = arith.addi %rem3A_341, %add3A_354 : vector<16xi32>
      %select_n3A_356 = arith.select %and3A_353, %add3A_355, %rem3A_341 : vector<16xi1>, vector<16xi32>
      %mul3A_357 = arith.constant 200 : i32
      %mul3A_358 = arith.muli %scan3A_74, %mul3A_357 : i32
      %add3A_359 = arith.constant 96 : i32
      %add3A_360 = arith.addi %mul3A_358, %add3A_359 : i32
      %swap3A_361 = arith.index_cast %add3A_360 : i32 to index
      %swap3A_362 = tpu.vector_load %arg6[%swap3A_361] {strides = array<i32>} : memref<12800xi32, #tpu.memory_space<vmem>>, vector<16xi32>,
      %swap3A_363 = vector.shape_cast %swap3A_362 : vector<16xi32> to vector<16xi32>
      %swap3A_364 = vector.shape_cast %select_n3A_356 : vector<16xi32> to vector<16xi32>
      tpu.vector_store %arg6[%swap3A_361], %swap3A_364 {strides = array<i32>} : memref<12800xi32, #tpu.memory_space<vmem>>, vector<16xi32>,
      %get3A_365 = arith.index_cast %scan3A_74 : i32 to index
      %get3A_366 = arith.constant 120 : index
      %get3A_367 = tpu.vector_load %arg5[%get3A_365, %get3A_366] {strides = array<i32>} : memref<64x208xi32, #tpu.memory_space<vmem>>, vector<1x16xi32>,
      %get3A_368 = vector.shape_cast %get3A_367 : vector<1x16xi32> to vector<16xi32>
      %get3A_369 = arith.index_cast %scan3A_74 : i32 to index
      %get3A_370 = arith.constant 119 : index
      %get3A_371 = tpu.vector_load %arg5[%get3A_369, %get3A_370] {strides = array<i32>} : memref<64x208xi32, #tpu.memory_space<vmem>>, vector<1x16xi32>,
      %get3A_372 = vector.shape_cast %get3A_371 : vector<1x16xi32> to vector<16xi32>
      %mul3A_373 = arith.constant 1056 : i32
      %mul3A_374 = vector.broadcast %mul3A_373 : i32 to vector<16xi32>
      %mul3A_375 = arith.muli %get3A_372, %mul3A_374 : vector<16xi32>
      %add3A_376 = arith.addi %mul3A_375, %get3A_368 : vector<16xi32>
      %jit3A_377 = arith.constant 1000000 : i32
      %eq3A_378 = arith.constant 0 : i32
      %eq3A_379 = arith.cmpi eq, %jit3A_377, %eq3A_378 : i32
      %jit3A_380 = arith.constant 1 : i32
      %select_n3A_381 = arith.select %eq3A_379, %jit3A_380, %jit3A_377 : i32
      %rem3A_382 = vector.broadcast %select_n3A_381 : i32 to vector<16xi32>
      %rem3A_383 = arith.remsi %add3A_376, %rem3A_382 : vector<16xi32>
      %ne3A_384 = arith.constant 0 : i32
      %ne3A_385 = vector.broadcast %ne3A_384 : i32 to vector<16xi32>
      %ne3A_386 = arith.cmpi ne, %rem3A_383, %ne3A_385 : vector<16xi32>
      %lt3A_387 = arith.constant 0 : i32
      %lt3A_388 = vector.broadcast %lt3A_387 : i32 to vector<16xi32>
      %lt3A_389 = arith.cmpi slt, %rem3A_383, %lt3A_388 : vector<16xi32>
      %lt3A_390 = arith.constant 0 : i32
      %lt3A_391 = arith.cmpi slt, %select_n3A_381, %lt3A_390 : i32
      %ne3A_392 = vector.broadcast %lt3A_391 : i1 to vector<16xi1>
      %ne3A_393 = vector.broadcast %ne3A_392 : vector<16xi1> to vector<16xi1>
      %ne3A_394 = arith.xori %lt3A_389, %ne3A_393 : vector<16xi1>
      %and3A_395 = arith.andi %ne3A_394, %ne3A_386 : vector<16xi1>
      %add3A_396 = vector.broadcast %select_n3A_381 : i32 to vector<16xi32>
      %add3A_397 = arith.addi %rem3A_383, %add3A_396 : vector<16xi32>
      %select_n3A_398 = arith.select %and3A_395, %add3A_397, %rem3A_383 : vector<16xi1>, vector<16xi32>
      %mul3A_399 = arith.constant 200 : i32
      %mul3A_400 = arith.muli %scan3A_74, %mul3A_399 : i32
      %add3A_401 = arith.constant 112 : i32
      %add3A_402 = arith.addi %mul3A_400, %add3A_401 : i32
      %swap3A_403 = arith.index_cast %add3A_402 : i32 to index
      %swap3A_404 = tpu.vector_load %arg6[%swap3A_403] {strides = array<i32>} : memref<12800xi32, #tpu.memory_space<vmem>>, vector<16xi32>,
      %swap3A_405 = vector.shape_cast %swap3A_404 : vector<16xi32> to vector<16xi32>
      %swap3A_406 = vector.shape_cast %select_n3A_398 : vector<16xi32> to vector<16xi32>
      tpu.vector_store %arg6[%swap3A_403], %swap3A_406 {strides = array<i32>} : memref<12800xi32, #tpu.memory_space<vmem>>, vector<16xi32>,
      %get3A_407 = arith.index_cast %scan3A_74 : i32 to index
      %get3A_408 = arith.constant 136 : index
      %get3A_409 = tpu.vector_load %arg5[%get3A_407, %get3A_408] {strides = array<i32>} : memref<64x208xi32, #tpu.memory_space<vmem>>, vector<1x16xi32>,
      %get3A_410 = vector.shape_cast %get3A_409 : vector<1x16xi32> to vector<16xi32>
      %get3A_411 = arith.index_cast %scan3A_74 : i32 to index
      %get3A_412 = arith.constant 135 : index
      %get3A_413 = tpu.vector_load %arg5[%get3A_411, %get3A_412] {strides = array<i32>} : memref<64x208xi32, #tpu.memory_space<vmem>>, vector<1x16xi32>,
      %get3A_414 = vector.shape_cast %get3A_413 : vector<1x16xi32> to vector<16xi32>
      %mul3A_415 = arith.constant 1056 : i32
      %mul3A_416 = vector.broadcast %mul3A_415 : i32 to vector<16xi32>
      %mul3A_417 = arith.muli %get3A_414, %mul3A_416 : vector<16xi32>
      %add3A_418 = arith.addi %mul3A_417, %get3A_410 : vector<16xi32>
      %jit3A_419 = arith.constant 1000000 : i32
      %eq3A_420 = arith.constant 0 : i32
      %eq3A_421 = arith.cmpi eq, %jit3A_419, %eq3A_420 : i32
      %jit3A_422 = arith.constant 1 : i32
      %select_n3A_423 = arith.select %eq3A_421, %jit3A_422, %jit3A_419 : i32
      %rem3A_424 = vector.broadcast %select_n3A_423 : i32 to vector<16xi32>
      %rem3A_425 = arith.remsi %add3A_418, %rem3A_424 : vector<16xi32>
      %ne3A_426 = arith.constant 0 : i32
      %ne3A_427 = vector.broadcast %ne3A_426 : i32 to vector<16xi32>
      %ne3A_428 = arith.cmpi ne, %rem3A_425, %ne3A_427 : vector<16xi32>
      %lt3A_429 = arith.constant 0 : i32
      %lt3A_430 = vector.broadcast %lt3A_429 : i32 to vector<16xi32>
      %lt3A_431 = arith.cmpi slt, %rem3A_425, %lt3A_430 : vector<16xi32>
      %lt3A_432 = arith.constant 0 : i32
      %lt3A_433 = arith.cmpi slt, %select_n3A_423, %lt3A_432 : i32
      %ne3A_434 = vector.broadcast %lt3A_433 : i1 to vector<16xi1>
      %ne3A_435 = vector.broadcast %ne3A_434 : vector<16xi1> to vector<16xi1>
      %ne3A_436 = arith.xori %lt3A_431, %ne3A_435 : vector<16xi1>
      %and3A_437 = arith.andi %ne3A_436, %ne3A_428 : vector<16xi1>
      %add3A_438 = vector.broadcast %select_n3A_423 : i32 to vector<16xi32>
      %add3A_439 = arith.addi %rem3A_425, %add3A_438 : vector<16xi32>
      %select_n3A_440 = arith.select %and3A_437, %add3A_439, %rem3A_425 : vector<16xi1>, vector<16xi32>
      %mul3A_441 = arith.constant 200 : i32
      %mul3A_442 = arith.muli %scan3A_74, %mul3A_441 : i32
      %add3A_443 = arith.constant 128 : i32
      %add3A_444 = arith.addi %mul3A_442, %add3A_443 : i32
      %swap3A_445 = arith.index_cast %add3A_444 : i32 to index
      %swap3A_446 = tpu.vector_load %arg6[%swap3A_445] {strides = array<i32>} : memref<12800xi32, #tpu.memory_space<vmem>>, vector<16xi32>,
      %swap3A_447 = vector.shape_cast %swap3A_446 : vector<16xi32> to vector<16xi32>
      %swap3A_448 = vector.shape_cast %select_n3A_440 : vector<16xi32> to vector<16xi32>
      tpu.vector_store %arg6[%swap3A_445], %swap3A_448 {strides = array<i32>} : memref<12800xi32, #tpu.memory_space<vmem>>, vector<16xi32>,
      %get3A_449 = arith.index_cast %scan3A_74 : i32 to index
      %get3A_450 = arith.constant 152 : index
      %get3A_451 = tpu.vector_load %arg5[%get3A_449, %get3A_450] {strides = array<i32>} : memref<64x208xi32, #tpu.memory_space<vmem>>, vector<1x16xi32>,
      %get3A_452 = vector.shape_cast %get3A_451 : vector<1x16xi32> to vector<16xi32>
      %get3A_453 = arith.index_cast %scan3A_74 : i32 to index
      %get3A_454 = arith.constant 151 : index
      %get3A_455 = tpu.vector_load %arg5[%get3A_453, %get3A_454] {strides = array<i32>} : memref<64x208xi32, #tpu.memory_space<vmem>>, vector<1x16xi32>,
      %get3A_456 = vector.shape_cast %get3A_455 : vector<1x16xi32> to vector<16xi32>
      %mul3A_457 = arith.constant 1056 : i32
      %mul3A_458 = vector.broadcast %mul3A_457 : i32 to vector<16xi32>
      %mul3A_459 = arith.muli %get3A_456, %mul3A_458 : vector<16xi32>
      %add3A_460 = arith.addi %mul3A_459, %get3A_452 : vector<16xi32>
      %jit3A_461 = arith.constant 1000000 : i32
      %eq3A_462 = arith.constant 0 : i32
      %eq3A_463 = arith.cmpi eq, %jit3A_461, %eq3A_462 : i32
      %jit3A_464 = arith.constant 1 : i32
      %select_n3A_465 = arith.select %eq3A_463, %jit3A_464, %jit3A_461 : i32
      %rem3A_466 = vector.broadcast %select_n3A_465 : i32 to vector<16xi32>
      %rem3A_467 = arith.remsi %add3A_460, %rem3A_466 : vector<16xi32>
      %ne3A_468 = arith.constant 0 : i32
      %ne3A_469 = vector.broadcast %ne3A_468 : i32 to vector<16xi32>
      %ne3A_470 = arith.cmpi ne, %rem3A_467, %ne3A_469 : vector<16xi32>
      %lt3A_471 = arith.constant 0 : i32
      %lt3A_472 = vector.broadcast %lt3A_471 : i32 to vector<16xi32>
      %lt3A_473 = arith.cmpi slt, %rem3A_467, %lt3A_472 : vector<16xi32>
      %lt3A_474 = arith.constant 0 : i32
      %lt3A_475 = arith.cmpi slt, %select_n3A_465, %lt3A_474 : i32
      %ne3A_476 = vector.broadcast %lt3A_475 : i1 to vector<16xi1>
      %ne3A_477 = vector.broadcast %ne3A_476 : vector<16xi1> to vector<16xi1>
      %ne3A_478 = arith.xori %lt3A_473, %ne3A_477 : vector<16xi1>
      %and3A_479 = arith.andi %ne3A_478, %ne3A_470 : vector<16xi1>
      %add3A_480 = vector.broadcast %select_n3A_465 : i32 to vector<16xi32>
      %add3A_481 = arith.addi %rem3A_467, %add3A_480 : vector<16xi32>
      %select_n3A_482 = arith.select %and3A_479, %add3A_481, %rem3A_467 : vector<16xi1>, vector<16xi32>
      %mul3A_483 = arith.constant 200 : i32
      %mul3A_484 = arith.muli %scan3A_74, %mul3A_483 : i32
      %add3A_485 = arith.constant 144 : i32
      %add3A_486 = arith.addi %mul3A_484, %add3A_485 : i32
      %swap3A_487 = arith.index_cast %add3A_486 : i32 to index
      %swap3A_488 = tpu.vector_load %arg6[%swap3A_487] {strides = array<i32>} : memref<12800xi32, #tpu.memory_space<vmem>>, vector<16xi32>,
      %swap3A_489 = vector.shape_cast %swap3A_488 : vector<16xi32> to vector<16xi32>
      %swap3A_490 = vector.shape_cast %select_n3A_482 : vector<16xi32> to vector<16xi32>
      tpu.vector_store %arg6[%swap3A_487], %swap3A_490 {strides = array<i32>} : memref<12800xi32, #tpu.memory_space<vmem>>, vector<16xi32>,
      %get3A_491 = arith.index_cast %scan3A_74 : i32 to index
      %get3A_492 = arith.constant 168 : index
      %get3A_493 = tpu.vector_load %arg5[%get3A_491, %get3A_492] {strides = array<i32>} : memref<64x208xi32, #tpu.memory_space<vmem>>, vector<1x16xi32>,
      %get3A_494 = vector.shape_cast %get3A_493 : vector<1x16xi32> to vector<16xi32>
      %get3A_495 = arith.index_cast %scan3A_74 : i32 to index
      %get3A_496 = arith.constant 167 : index
      %get3A_497 = tpu.vector_load %arg5[%get3A_495, %get3A_496] {strides = array<i32>} : memref<64x208xi32, #tpu.memory_space<vmem>>, vector<1x16xi32>,
      %get3A_498 = vector.shape_cast %get3A_497 : vector<1x16xi32> to vector<16xi32>
      %mul3A_499 = arith.constant 1056 : i32
      %mul3A_500 = vector.broadcast %mul3A_499 : i32 to vector<16xi32>
      %mul3A_501 = arith.muli %get3A_498, %mul3A_500 : vector<16xi32>
      %add3A_502 = arith.addi %mul3A_501, %get3A_494 : vector<16xi32>
      %jit3A_503 = arith.constant 1000000 : i32
      %eq3A_504 = arith.constant 0 : i32
      %eq3A_505 = arith.cmpi eq, %jit3A_503, %eq3A_504 : i32
      %jit3A_506 = arith.constant 1 : i32
      %select_n3A_507 = arith.select %eq3A_505, %jit3A_506, %jit3A_503 : i32
      %rem3A_508 = vector.broadcast %select_n3A_507 : i32 to vector<16xi32>
      %rem3A_509 = arith.remsi %add3A_502, %rem3A_508 : vector<16xi32>
      %ne3A_510 = arith.constant 0 : i32
      %ne3A_511 = vector.broadcast %ne3A_510 : i32 to vector<16xi32>
      %ne3A_512 = arith.cmpi ne, %rem3A_509, %ne3A_511 : vector<16xi32>
      %lt3A_513 = arith.constant 0 : i32
      %lt3A_514 = vector.broadcast %lt3A_513 : i32 to vector<16xi32>
      %lt3A_515 = arith.cmpi slt, %rem3A_509, %lt3A_514 : vector<16xi32>
      %lt3A_516 = arith.constant 0 : i32
      %lt3A_517 = arith.cmpi slt, %select_n3A_507, %lt3A_516 : i32
      %ne3A_518 = vector.broadcast %lt3A_517 : i1 to vector<16xi1>
      %ne3A_519 = vector.broadcast %ne3A_518 : vector<16xi1> to vector<16xi1>
      %ne3A_520 = arith.xori %lt3A_515, %ne3A_519 : vector<16xi1>
      %and3A_521 = arith.andi %ne3A_520, %ne3A_512 : vector<16xi1>
      %add3A_522 = vector.broadcast %select_n3A_507 : i32 to vector<16xi32>
      %add3A_523 = arith.addi %rem3A_509, %add3A_522 : vector<16xi32>
      %select_n3A_524 = arith.select %and3A_521, %add3A_523, %rem3A_509 : vector<16xi1>, vector<16xi32>
      %mul3A_525 = arith.constant 200 : i32
      %mul3A_526 = arith.muli %scan3A_74, %mul3A_525 : i32
      %add3A_527 = arith.constant 160 : i32
      %add3A_528 = arith.addi %mul3A_526, %add3A_527 : i32
      %swap3A_529 = arith.index_cast %add3A_528 : i32 to index
      %swap3A_530 = tpu.vector_load %arg6[%swap3A_529] {strides = array<i32>} : memref<12800xi32, #tpu.memory_space<vmem>>, vector<16xi32>,
      %swap3A_531 = vector.shape_cast %swap3A_530 : vector<16xi32> to vector<16xi32>
      %swap3A_532 = vector.shape_cast %select_n3A_524 : vector<16xi32> to vector<16xi32>
      tpu.vector_store %arg6[%swap3A_529], %swap3A_532 {strides = array<i32>} : memref<12800xi32, #tpu.memory_space<vmem>>, vector<16xi32>,
      %get3A_533 = arith.index_cast %scan3A_74 : i32 to index
      %get3A_534 = arith.constant 184 : index
      %get3A_535 = tpu.vector_load %arg5[%get3A_533, %get3A_534] {strides = array<i32>} : memref<64x208xi32, #tpu.memory_space<vmem>>, vector<1x16xi32>,
      %get3A_536 = vector.shape_cast %get3A_535 : vector<1x16xi32> to vector<16xi32>
      %get3A_537 = arith.index_cast %scan3A_74 : i32 to index
      %get3A_538 = arith.constant 183 : index
      %get3A_539 = tpu.vector_load %arg5[%get3A_537, %get3A_538] {strides = array<i32>} : memref<64x208xi32, #tpu.memory_space<vmem>>, vector<1x16xi32>,
      %get3A_540 = vector.shape_cast %get3A_539 : vector<1x16xi32> to vector<16xi32>
      %mul3A_541 = arith.constant 1056 : i32
      %mul3A_542 = vector.broadcast %mul3A_541 : i32 to vector<16xi32>
      %mul3A_543 = arith.muli %get3A_540, %mul3A_542 : vector<16xi32>
      %add3A_544 = arith.addi %mul3A_543, %get3A_536 : vector<16xi32>
      %jit3A_545 = arith.constant 1000000 : i32
      %eq3A_546 = arith.constant 0 : i32
      %eq3A_547 = arith.cmpi eq, %jit3A_545, %eq3A_546 : i32
      %jit3A_548 = arith.constant 1 : i32
      %select_n3A_549 = arith.select %eq3A_547, %jit3A_548, %jit3A_545 : i32
      %rem3A_550 = vector.broadcast %select_n3A_549 : i32 to vector<16xi32>
      %rem3A_551 = arith.remsi %add3A_544, %rem3A_550 : vector<16xi32>
      %ne3A_552 = arith.constant 0 : i32
      %ne3A_553 = vector.broadcast %ne3A_552 : i32 to vector<16xi32>
      %ne3A_554 = arith.cmpi ne, %rem3A_551, %ne3A_553 : vector<16xi32>
      %lt3A_555 = arith.constant 0 : i32
      %lt3A_556 = vector.broadcast %lt3A_555 : i32 to vector<16xi32>
      %lt3A_557 = arith.cmpi slt, %rem3A_551, %lt3A_556 : vector<16xi32>
      %lt3A_558 = arith.constant 0 : i32
      %lt3A_559 = arith.cmpi slt, %select_n3A_549, %lt3A_558 : i32
      %ne3A_560 = vector.broadcast %lt3A_559 : i1 to vector<16xi1>
      %ne3A_561 = vector.broadcast %ne3A_560 : vector<16xi1> to vector<16xi1>
      %ne3A_562 = arith.xori %lt3A_557, %ne3A_561 : vector<16xi1>
      %and3A_563 = arith.andi %ne3A_562, %ne3A_554 : vector<16xi1>
      %add3A_564 = vector.broadcast %select_n3A_549 : i32 to vector<16xi32>
      %add3A_565 = arith.addi %rem3A_551, %add3A_564 : vector<16xi32>
      %select_n3A_566 = arith.select %and3A_563, %add3A_565, %rem3A_551 : vector<16xi1>, vector<16xi32>
      %mul3A_567 = arith.constant 200 : i32
      %mul3A_568 = arith.muli %scan3A_74, %mul3A_567 : i32
      %add3A_569 = arith.constant 176 : i32
      %add3A_570 = arith.addi %mul3A_568, %add3A_569 : i32
      %swap3A_571 = arith.index_cast %add3A_570 : i32 to index
      %swap3A_572 = tpu.vector_load %arg6[%swap3A_571] {strides = array<i32>} : memref<12800xi32, #tpu.memory_space<vmem>>, vector<16xi32>,
      %swap3A_573 = vector.shape_cast %swap3A_572 : vector<16xi32> to vector<16xi32>
      %swap3A_574 = vector.shape_cast %select_n3A_566 : vector<16xi32> to vector<16xi32>
      tpu.vector_store %arg6[%swap3A_571], %swap3A_574 {strides = array<i32>} : memref<12800xi32, #tpu.memory_space<vmem>>, vector<16xi32>,
      %get3A_575 = arith.index_cast %scan3A_74 : i32 to index
      %get3A_576 = arith.constant 192 : index
      %get3A_577 = tpu.vector_load %arg5[%get3A_575, %get3A_576] {strides = array<i32>} : memref<64x208xi32, #tpu.memory_space<vmem>>, vector<1x16xi32>,
      %get3A_578 = vector.shape_cast %get3A_577 : vector<1x16xi32> to vector<16xi32>
      %get3A_579 = arith.index_cast %scan3A_74 : i32 to index
      %get3A_580 = arith.constant 191 : index
      %get3A_581 = tpu.vector_load %arg5[%get3A_579, %get3A_580] {strides = array<i32>} : memref<64x208xi32, #tpu.memory_space<vmem>>, vector<1x16xi32>,
      %get3A_582 = vector.shape_cast %get3A_581 : vector<1x16xi32> to vector<16xi32>
      %mul3A_583 = arith.constant 1056 : i32
      %mul3A_584 = vector.broadcast %mul3A_583 : i32 to vector<16xi32>
      %mul3A_585 = arith.muli %get3A_582, %mul3A_584 : vector<16xi32>
      %add3A_586 = arith.addi %mul3A_585, %get3A_578 : vector<16xi32>
      %jit3A_587 = arith.constant 1000000 : i32
      %eq3A_588 = arith.constant 0 : i32
      %eq3A_589 = arith.cmpi eq, %jit3A_587, %eq3A_588 : i32
      %jit3A_590 = arith.constant 1 : i32
      %select_n3A_591 = arith.select %eq3A_589, %jit3A_590, %jit3A_587 : i32
      %rem3A_592 = vector.broadcast %select_n3A_591 : i32 to vector<16xi32>
      %rem3A_593 = arith.remsi %add3A_586, %rem3A_592 : vector<16xi32>
      %ne3A_594 = arith.constant 0 : i32
      %ne3A_595 = vector.broadcast %ne3A_594 : i32 to vector<16xi32>
      %ne3A_596 = arith.cmpi ne, %rem3A_593, %ne3A_595 : vector<16xi32>
      %lt3A_597 = arith.constant 0 : i32
      %lt3A_598 = vector.broadcast %lt3A_597 : i32 to vector<16xi32>
      %lt3A_599 = arith.cmpi slt, %rem3A_593, %lt3A_598 : vector<16xi32>
      %lt3A_600 = arith.constant 0 : i32
      %lt3A_601 = arith.cmpi slt, %select_n3A_591, %lt3A_600 : i32
      %ne3A_602 = vector.broadcast %lt3A_601 : i1 to vector<16xi1>
      %ne3A_603 = vector.broadcast %ne3A_602 : vector<16xi1> to vector<16xi1>
      %ne3A_604 = arith.xori %lt3A_599, %ne3A_603 : vector<16xi1>
      %and3A_605 = arith.andi %ne3A_604, %ne3A_596 : vector<16xi1>
      %add3A_606 = vector.broadcast %select_n3A_591 : i32 to vector<16xi32>
      %add3A_607 = arith.addi %rem3A_593, %add3A_606 : vector<16xi32>
      %select_n3A_608 = arith.select %and3A_605, %add3A_607, %rem3A_593 : vector<16xi1>, vector<16xi32>
      %mul3A_609 = arith.constant 200 : i32
      %mul3A_610 = arith.muli %scan3A_74, %mul3A_609 : i32
      %add3A_611 = arith.constant 184 : i32
      %add3A_612 = arith.addi %mul3A_610, %add3A_611 : i32
      %swap3A_613 = arith.index_cast %add3A_612 : i32 to index
      %swap3A_614 = tpu.vector_load %arg6[%swap3A_613] {strides = array<i32>} : memref<12800xi32, #tpu.memory_space<vmem>>, vector<16xi32>,
      %swap3A_615 = vector.shape_cast %swap3A_614 : vector<16xi32> to vector<16xi32>
      %swap3A_616 = vector.shape_cast %select_n3A_608 : vector<16xi32> to vector<16xi32>
      tpu.vector_store %arg6[%swap3A_613], %swap3A_616 {strides = array<i32>} : memref<12800xi32, #tpu.memory_space<vmem>>, vector<16xi32>,
    }
    %scan3A_27 = arith.constant 64 : i32
    %dma_start3A_28 = arith.constant 0 : i32
    %dma_start3A_29 = arith.constant 0 : i32
    %dma_start3A_30 = tpu.memref_slice %arg7[%dma_start3A_28, %dma_start3A_29] : memref<512x32xf32, #tpu.memory_space<vmem>> -> memref<128x32xf32, #tpu.memory_space<vmem>>
    %dma_start3A_31 = arith.constant 0 : i32
    %dma_start3A_32 = tpu.memref_slice %arg6[%dma_start3A_31] : memref<12800xi32, #tpu.memory_space<vmem>> -> memref<128xi32, #tpu.memory_space<vmem>>
    %dma_start3A_33 = arith.constant 0 : i32
    %dma_start3A_34 = arith.constant 0 : i32
    %dma_start3A_35 = tpu.memref_slice %arg3[%dma_start3A_33, %dma_start3A_34] : memref<1000000x32xf32, #tpu.memory_space<hbm>> -> memref<1000000x32xf32, #tpu.memory_space<hbm>>
    tpu.enqueue_indirect_dma source(%dma_start3A_35 : memref<1000000x32xf32, #tpu.memory_space<hbm>>) target(%dma_start3A_30 : memref<128x32xf32, #tpu.memory_space<vmem>>) offsets(%dma_start3A_32 : memref<128xi32, #tpu.memory_space<vmem>>) semaphore(%arg9 : memref<!tpu.dma_semaphore, #tpu.memory_space<semaphore_mem>>)
    %dma_start3A_36 = arith.constant 128 : i32
    %dma_start3A_37 = arith.constant 0 : i32
    %dma_start3A_38 = tpu.memref_slice %arg7[%dma_start3A_36, %dma_start3A_37] : memref<512x32xf32, #tpu.memory_space<vmem>> -> memref<128x32xf32, #tpu.memory_space<vmem>>
    %dma_start3A_39 = arith.constant 128 : i32
    %dma_start3A_40 = tpu.memref_slice %arg6[%dma_start3A_39] : memref<12800xi32, #tpu.memory_space<vmem>> -> memref<128xi32, #tpu.memory_space<vmem>>
    %dma_start3A_41 = arith.constant 0 : i32
    %dma_start3A_42 = arith.constant 0 : i32
    %dma_start3A_43 = tpu.memref_slice %arg3[%dma_start3A_41, %dma_start3A_42] : memref<1000000x32xf32, #tpu.memory_space<hbm>> -> memref<1000000x32xf32, #tpu.memory_space<hbm>>
    tpu.enqueue_indirect_dma source(%dma_start3A_43 : memref<1000000x32xf32, #tpu.memory_space<hbm>>) target(%dma_start3A_38 : memref<128x32xf32, #tpu.memory_space<vmem>>) offsets(%dma_start3A_40 : memref<128xi32, #tpu.memory_space<vmem>>) semaphore(%arg9 : memref<!tpu.dma_semaphore, #tpu.memory_space<semaphore_mem>>)
    %dma_start3A_44 = arith.constant 256 : i32
    %dma_start3A_45 = arith.constant 0 : i32
    %dma_start3A_46 = tpu.memref_slice %arg7[%dma_start3A_44, %dma_start3A_45] : memref<512x32xf32, #tpu.memory_space<vmem>> -> memref<128x32xf32, #tpu.memory_space<vmem>>
    %dma_start3A_47 = arith.constant 256 : i32
    %dma_start3A_48 = tpu.memref_slice %arg6[%dma_start3A_47] : memref<12800xi32, #tpu.memory_space<vmem>> -> memref<128xi32, #tpu.memory_space<vmem>>
    %dma_start3A_49 = arith.constant 0 : i32
    %dma_start3A_50 = arith.constant 0 : i32
    %dma_start3A_51 = tpu.memref_slice %arg3[%dma_start3A_49, %dma_start3A_50] : memref<1000000x32xf32, #tpu.memory_space<hbm>> -> memref<1000000x32xf32, #tpu.memory_space<hbm>>
    tpu.enqueue_indirect_dma source(%dma_start3A_51 : memref<1000000x32xf32, #tpu.memory_space<hbm>>) target(%dma_start3A_46 : memref<128x32xf32, #tpu.memory_space<vmem>>) offsets(%dma_start3A_48 : memref<128xi32, #tpu.memory_space<vmem>>) semaphore(%arg9 : memref<!tpu.dma_semaphore, #tpu.memory_space<semaphore_mem>>)
    %dma_start3A_52 = arith.constant 384 : i32
    %dma_start3A_53 = arith.constant 0 : i32
    %dma_start3A_54 = tpu.memref_slice %arg7[%dma_start3A_52, %dma_start3A_53] : memref<512x32xf32, #tpu.memory_space<vmem>> -> memref<128x32xf32, #tpu.memory_space<vmem>>
    %dma_start3A_55 = arith.constant 384 : i32
    %dma_start3A_56 = tpu.memref_slice %arg6[%dma_start3A_55] : memref<12800xi32, #tpu.memory_space<vmem>> -> memref<128xi32, #tpu.memory_space<vmem>>
    %dma_start3A_57 = arith.constant 0 : i32
    %dma_start3A_58 = arith.constant 0 : i32
    %dma_start3A_59 = tpu.memref_slice %arg3[%dma_start3A_57, %dma_start3A_58] : memref<1000000x32xf32, #tpu.memory_space<hbm>> -> memref<1000000x32xf32, #tpu.memory_space<hbm>>
    tpu.enqueue_indirect_dma source(%dma_start3A_59 : memref<1000000x32xf32, #tpu.memory_space<hbm>>) target(%dma_start3A_54 : memref<128x32xf32, #tpu.memory_space<vmem>>) offsets(%dma_start3A_56 : memref<128xi32, #tpu.memory_space<vmem>>) semaphore(%arg9 : memref<!tpu.dma_semaphore, #tpu.memory_space<semaphore_mem>>)
    %scan3A_60 = arith.constant 0 : i32
    %scan3A_61 = arith.constant 0 : i32
    %scan3A_62 = arith.constant 12 : i32
    %scan3A_63 = arith.addi %scan3A_61, %scan3A_62 : i32
    %scan3A_64 = arith.constant 1 : i32
    scf.for %scan3A_74 = %scan3A_61 to %scan3A_63 step %scan3A_64  : i32 {
      %mul3A_75 = arith.constant 2 : i32
      %mul3A_76 = arith.muli %mul3A_75, %scan3A_74 : i32
      %add3A_77 = arith.constant 1 : i32
      %add3A_78 = arith.addi %mul3A_76, %add3A_77 : i32
      %mul3A_79 = arith.constant 512 : i32
      %mul3A_80 = arith.muli %add3A_78, %mul3A_79 : i32
      %add3A_81 = arith.constant 0 : i32
      %add3A_82 = arith.addi %mul3A_80, %add3A_81 : i32
      %dma_start3A_83 = arith.constant 0 : i32
      %dma_start3A_84 = arith.constant 0 : i32
      %dma_start3A_85 = tpu.memref_slice %arg8[%dma_start3A_83, %dma_start3A_84] : memref<512x32xf32, #tpu.memory_space<vmem>> -> memref<128x32xf32, #tpu.memory_space<vmem>>
      %dma_start3A_86 = tpu.memref_slice %arg6[%add3A_82] : memref<12800xi32, #tpu.memory_space<vmem>> -> memref<128xi32, #tpu.memory_space<vmem>>
      %dma_start3A_87 = arith.constant 0 : i32
      %dma_start3A_88 = arith.constant 0 : i32
      %dma_start3A_89 = tpu.memref_slice %arg3[%dma_start3A_87, %dma_start3A_88] : memref<1000000x32xf32, #tpu.memory_space<hbm>> -> memref<1000000x32xf32, #tpu.memory_space<hbm>>
      tpu.enqueue_indirect_dma source(%dma_start3A_89 : memref<1000000x32xf32, #tpu.memory_space<hbm>>) target(%dma_start3A_85 : memref<128x32xf32, #tpu.memory_space<vmem>>) offsets(%dma_start3A_86 : memref<128xi32, #tpu.memory_space<vmem>>) semaphore(%arg10 : memref<!tpu.dma_semaphore, #tpu.memory_space<semaphore_mem>>)
      %mul3A_90 = arith.constant 512 : i32
      %mul3A_91 = arith.muli %add3A_78, %mul3A_90 : i32
      %add3A_92 = arith.constant 128 : i32
      %add3A_93 = arith.addi %mul3A_91, %add3A_92 : i32
      %dma_start3A_94 = arith.constant 128 : i32
      %dma_start3A_95 = arith.constant 0 : i32
      %dma_start3A_96 = tpu.memref_slice %arg8[%dma_start3A_94, %dma_start3A_95] : memref<512x32xf32, #tpu.memory_space<vmem>> -> memref<128x32xf32, #tpu.memory_space<vmem>>
      %dma_start3A_97 = tpu.memref_slice %arg6[%add3A_93] : memref<12800xi32, #tpu.memory_space<vmem>> -> memref<128xi32, #tpu.memory_space<vmem>>
      %dma_start3A_98 = arith.constant 0 : i32
      %dma_start3A_99 = arith.constant 0 : i32
      %dma_start3A_100 = tpu.memref_slice %arg3[%dma_start3A_98, %dma_start3A_99] : memref<1000000x32xf32, #tpu.memory_space<hbm>> -> memref<1000000x32xf32, #tpu.memory_space<hbm>>
      tpu.enqueue_indirect_dma source(%dma_start3A_100 : memref<1000000x32xf32, #tpu.memory_space<hbm>>) target(%dma_start3A_96 : memref<128x32xf32, #tpu.memory_space<vmem>>) offsets(%dma_start3A_97 : memref<128xi32, #tpu.memory_space<vmem>>) semaphore(%arg10 : memref<!tpu.dma_semaphore, #tpu.memory_space<semaphore_mem>>)
      %mul3A_101 = arith.constant 512 : i32
      %mul3A_102 = arith.muli %add3A_78, %mul3A_101 : i32
      %add3A_103 = arith.constant 256 : i32
      %add3A_104 = arith.addi %mul3A_102, %add3A_103 : i32
      %dma_start3A_105 = arith.constant 256 : i32
      %dma_start3A_106 = arith.constant 0 : i32
      %dma_start3A_107 = tpu.memref_slice %arg8[%dma_start3A_105, %dma_start3A_106] : memref<512x32xf32, #tpu.memory_space<vmem>> -> memref<128x32xf32, #tpu.memory_space<vmem>>
      %dma_start3A_108 = tpu.memref_slice %arg6[%add3A_104] : memref<12800xi32, #tpu.memory_space<vmem>> -> memref<128xi32, #tpu.memory_space<vmem>>
      %dma_start3A_109 = arith.constant 0 : i32
      %dma_start3A_110 = arith.constant 0 : i32
      %dma_start3A_111 = tpu.memref_slice %arg3[%dma_start3A_109, %dma_start3A_110] : memref<1000000x32xf32, #tpu.memory_space<hbm>> -> memref<1000000x32xf32, #tpu.memory_space<hbm>>
      tpu.enqueue_indirect_dma source(%dma_start3A_111 : memref<1000000x32xf32, #tpu.memory_space<hbm>>) target(%dma_start3A_107 : memref<128x32xf32, #tpu.memory_space<vmem>>) offsets(%dma_start3A_108 : memref<128xi32, #tpu.memory_space<vmem>>) semaphore(%arg10 : memref<!tpu.dma_semaphore, #tpu.memory_space<semaphore_mem>>)
      %mul3A_112 = arith.constant 512 : i32
      %mul3A_113 = arith.muli %add3A_78, %mul3A_112 : i32
      %add3A_114 = arith.constant 384 : i32
      %add3A_115 = arith.addi %mul3A_113, %add3A_114 : i32
      %dma_start3A_116 = arith.constant 384 : i32
      %dma_start3A_117 = arith.constant 0 : i32
      %dma_start3A_118 = tpu.memref_slice %arg8[%dma_start3A_116, %dma_start3A_117] : memref<512x32xf32, #tpu.memory_space<vmem>> -> memref<128x32xf32, #tpu.memory_space<vmem>>
      %dma_start3A_119 = tpu.memref_slice %arg6[%add3A_115] : memref<12800xi32, #tpu.memory_space<vmem>> -> memref<128xi32, #tpu.memory_space<vmem>>
      %dma_start3A_120 = arith.constant 0 : i32
      %dma_start3A_121 = arith.constant 0 : i32
      %dma_start3A_122 = tpu.memref_slice %arg3[%dma_start3A_120, %dma_start3A_121] : memref<1000000x32xf32, #tpu.memory_space<hbm>> -> memref<1000000x32xf32, #tpu.memory_space<hbm>>
      tpu.enqueue_indirect_dma source(%dma_start3A_122 : memref<1000000x32xf32, #tpu.memory_space<hbm>>) target(%dma_start3A_118 : memref<128x32xf32, #tpu.memory_space<vmem>>) offsets(%dma_start3A_119 : memref<128xi32, #tpu.memory_space<vmem>>) semaphore(%arg10 : memref<!tpu.dma_semaphore, #tpu.memory_space<semaphore_mem>>)
      %dma_wait3A_123 = arith.constant 0 : i32
      %dma_wait3A_124 = arith.constant 0 : i32
      %dma_wait3A_125 = tpu.memref_slice %arg4[%dma_wait3A_123, %dma_wait3A_124] : memref<409600x32xf32, #tpu.memory_space<hbm>> -> memref<512x32xf32, #tpu.memory_space<hbm>>
      %dma_wait3A_126 = arith.constant 0 : i32
      %dma_wait3A_127 = arith.constant 0 : i32
      %dma_wait3A_128 = tpu.memref_slice %arg4[%dma_wait3A_126, %dma_wait3A_127] : memref<409600x32xf32, #tpu.memory_space<hbm>> -> memref<512x32xf32, #tpu.memory_space<hbm>>
      tpu.wait_dma2 semaphore(%arg9 : memref<!tpu.dma_semaphore, #tpu.memory_space<semaphore_mem>>) src(%dma_wait3A_128 : memref<512x32xf32, #tpu.memory_space<hbm>>) dst(%arg7 : memref<512x32xf32, #tpu.memory_space<vmem>>)
      %mul3A_129 = arith.constant 512 : i32
      %mul3A_130 = arith.muli %mul3A_76, %mul3A_129 : i32
      %add3A_131 = arith.addi %mul3A_2, %mul3A_130 : i32
      "tpu.region"() ({
        %run_scoped3A = tpu.sem_alloc : memref<!tpu.dma_semaphore, #tpu.memory_space<semaphore_mem>>
        %dma_start3A_189 = arith.constant 0 : i32
        %dma_start3A_190 = tpu.memref_slice %arg4[%add3A_131, %dma_start3A_189] : memref<409600x32xf32, #tpu.memory_space<hbm>> -> memref<512x32xf32, #tpu.memory_space<hbm>>
        %dma_start3A_191 = arith.constant 0 : i32
        %dma_start3A_192 = tpu.memref_slice %arg4[%add3A_131, %dma_start3A_191] : memref<409600x32xf32, #tpu.memory_space<hbm>> -> memref<512x32xf32, #tpu.memory_space<hbm>>
        tpu.enqueue_dma source(%arg7 : memref<512x32xf32, #tpu.memory_space<vmem>>) target(%dma_start3A_192 : memref<512x32xf32, #tpu.memory_space<hbm>>) target_semaphore(%run_scoped3A : memref<!tpu.dma_semaphore, #tpu.memory_space<semaphore_mem>>)
        %dma_wait3A_193 = arith.constant 0 : i32
        %dma_wait3A_194 = tpu.memref_slice %arg4[%add3A_131, %dma_wait3A_193] : memref<409600x32xf32, #tpu.memory_space<hbm>> -> memref<512x32xf32, #tpu.memory_space<hbm>>
        %dma_wait3A_195 = arith.constant 0 : i32
        %dma_wait3A_196 = tpu.memref_slice %arg4[%add3A_131, %dma_wait3A_195] : memref<409600x32xf32, #tpu.memory_space<hbm>> -> memref<512x32xf32, #tpu.memory_space<hbm>>
        tpu.wait_dma2 semaphore(%run_scoped3A : memref<!tpu.dma_semaphore, #tpu.memory_space<semaphore_mem>>) src(%arg7 : memref<512x32xf32, #tpu.memory_space<vmem>>) dst(%dma_wait3A_196 : memref<512x32xf32, #tpu.memory_space<hbm>>)
        tpu.yield
      }) : () -> ()
      %add3A_132 = arith.constant 2 : i32
      %add3A_133 = arith.addi %mul3A_76, %add3A_132 : i32
      %mul3A_134 = arith.constant 512 : i32
      %mul3A_135 = arith.muli %add3A_133, %mul3A_134 : i32
      %add3A_136 = arith.constant 0 : i32
      %add3A_137 = arith.addi %mul3A_135, %add3A_136 : i32
      %dma_start3A_138 = arith.constant 0 : i32
      %dma_start3A_139 = arith.constant 0 : i32
      %dma_start3A_140 = tpu.memref_slice %arg7[%dma_start3A_138, %dma_start3A_139] : memref<512x32xf32, #tpu.memory_space<vmem>> -> memref<128x32xf32, #tpu.memory_space<vmem>>
      %dma_start3A_141 = tpu.memref_slice %arg6[%add3A_137] : memref<12800xi32, #tpu.memory_space<vmem>> -> memref<128xi32, #tpu.memory_space<vmem>>
      %dma_start3A_142 = arith.constant 0 : i32
      %dma_start3A_143 = arith.constant 0 : i32
      %dma_start3A_144 = tpu.memref_slice %arg3[%dma_start3A_142, %dma_start3A_143] : memref<1000000x32xf32, #tpu.memory_space<hbm>> -> memref<1000000x32xf32, #tpu.memory_space<hbm>>
      tpu.enqueue_indirect_dma source(%dma_start3A_144 : memref<1000000x32xf32, #tpu.memory_space<hbm>>) target(%dma_start3A_140 : memref<128x32xf32, #tpu.memory_space<vmem>>) offsets(%dma_start3A_141 : memref<128xi32, #tpu.memory_space<vmem>>) semaphore(%arg9 : memref<!tpu.dma_semaphore, #tpu.memory_space<semaphore_mem>>)
      %mul3A_145 = arith.constant 512 : i32
      %mul3A_146 = arith.muli %add3A_133, %mul3A_145 : i32
      %add3A_147 = arith.constant 128 : i32
      %add3A_148 = arith.addi %mul3A_146, %add3A_147 : i32
      %dma_start3A_149 = arith.constant 128 : i32
      %dma_start3A_150 = arith.constant 0 : i32
      %dma_start3A_151 = tpu.memref_slice %arg7[%dma_start3A_149, %dma_start3A_150] : memref<512x32xf32, #tpu.memory_space<vmem>> -> memref<128x32xf32, #tpu.memory_space<vmem>>
      %dma_start3A_152 = tpu.memref_slice %arg6[%add3A_148] : memref<12800xi32, #tpu.memory_space<vmem>> -> memref<128xi32, #tpu.memory_space<vmem>>
      %dma_start3A_153 = arith.constant 0 : i32
      %dma_start3A_154 = arith.constant 0 : i32
      %dma_start3A_155 = tpu.memref_slice %arg3[%dma_start3A_153, %dma_start3A_154] : memref<1000000x32xf32, #tpu.memory_space<hbm>> -> memref<1000000x32xf32, #tpu.memory_space<hbm>>
      tpu.enqueue_indirect_dma source(%dma_start3A_155 : memref<1000000x32xf32, #tpu.memory_space<hbm>>) target(%dma_start3A_151 : memref<128x32xf32, #tpu.memory_space<vmem>>) offsets(%dma_start3A_152 : memref<128xi32, #tpu.memory_space<vmem>>) semaphore(%arg9 : memref<!tpu.dma_semaphore, #tpu.memory_space<semaphore_mem>>)
      %mul3A_156 = arith.constant 512 : i32
      %mul3A_157 = arith.muli %add3A_133, %mul3A_156 : i32
      %add3A_158 = arith.constant 256 : i32
      %add3A_159 = arith.addi %mul3A_157, %add3A_158 : i32
      %dma_start3A_160 = arith.constant 256 : i32
      %dma_start3A_161 = arith.constant 0 : i32
      %dma_start3A_162 = tpu.memref_slice %arg7[%dma_start3A_160, %dma_start3A_161] : memref<512x32xf32, #tpu.memory_space<vmem>> -> memref<128x32xf32, #tpu.memory_space<vmem>>
      %dma_start3A_163 = tpu.memref_slice %arg6[%add3A_159] : memref<12800xi32, #tpu.memory_space<vmem>> -> memref<128xi32, #tpu.memory_space<vmem>>
      %dma_start3A_164 = arith.constant 0 : i32
      %dma_start3A_165 = arith.constant 0 : i32
      %dma_start3A_166 = tpu.memref_slice %arg3[%dma_start3A_164, %dma_start3A_165] : memref<1000000x32xf32, #tpu.memory_space<hbm>> -> memref<1000000x32xf32, #tpu.memory_space<hbm>>
      tpu.enqueue_indirect_dma source(%dma_start3A_166 : memref<1000000x32xf32, #tpu.memory_space<hbm>>) target(%dma_start3A_162 : memref<128x32xf32, #tpu.memory_space<vmem>>) offsets(%dma_start3A_163 : memref<128xi32, #tpu.memory_space<vmem>>) semaphore(%arg9 : memref<!tpu.dma_semaphore, #tpu.memory_space<semaphore_mem>>)
      %mul3A_167 = arith.constant 512 : i32
      %mul3A_168 = arith.muli %add3A_133, %mul3A_167 : i32
      %add3A_169 = arith.constant 384 : i32
      %add3A_170 = arith.addi %mul3A_168, %add3A_169 : i32
      %dma_start3A_171 = arith.constant 384 : i32
      %dma_start3A_172 = arith.constant 0 : i32
      %dma_start3A_173 = tpu.memref_slice %arg7[%dma_start3A_171, %dma_start3A_172] : memref<512x32xf32, #tpu.memory_space<vmem>> -> memref<128x32xf32, #tpu.memory_space<vmem>>
      %dma_start3A_174 = tpu.memref_slice %arg6[%add3A_170] : memref<12800xi32, #tpu.memory_space<vmem>> -> memref<128xi32, #tpu.memory_space<vmem>>
      %dma_start3A_175 = arith.constant 0 : i32
      %dma_start3A_176 = arith.constant 0 : i32
      %dma_start3A_177 = tpu.memref_slice %arg3[%dma_start3A_175, %dma_start3A_176] : memref<1000000x32xf32, #tpu.memory_space<hbm>> -> memref<1000000x32xf32, #tpu.memory_space<hbm>>
      tpu.enqueue_indirect_dma source(%dma_start3A_177 : memref<1000000x32xf32, #tpu.memory_space<hbm>>) target(%dma_start3A_173 : memref<128x32xf32, #tpu.memory_space<vmem>>) offsets(%dma_start3A_174 : memref<128xi32, #tpu.memory_space<vmem>>) semaphore(%arg9 : memref<!tpu.dma_semaphore, #tpu.memory_space<semaphore_mem>>)
      %dma_wait3A_178 = arith.constant 0 : i32
      %dma_wait3A_179 = arith.constant 0 : i32
      %dma_wait3A_180 = tpu.memref_slice %arg4[%dma_wait3A_178, %dma_wait3A_179] : memref<409600x32xf32, #tpu.memory_space<hbm>> -> memref<512x32xf32, #tpu.memory_space<hbm>>
      %dma_wait3A_181 = arith.constant 0 : i32
      %dma_wait3A_182 = arith.constant 0 : i32
      %dma_wait3A_183 = tpu.memref_slice %arg4[%dma_wait3A_181, %dma_wait3A_182] : memref<409600x32xf32, #tpu.memory_space<hbm>> -> memref<512x32xf32, #tpu.memory_space<hbm>>
      tpu.wait_dma2 semaphore(%arg10 : memref<!tpu.dma_semaphore, #tpu.memory_space<semaphore_mem>>) src(%dma_wait3A_183 : memref<512x32xf32, #tpu.memory_space<hbm>>) dst(%arg8 : memref<512x32xf32, #tpu.memory_space<vmem>>)
      %add3A_184 = arith.constant 1 : i32
      %add3A_185 = arith.addi %mul3A_76, %add3A_184 : i32
      %mul3A_186 = arith.constant 512 : i32
      %mul3A_187 = arith.muli %add3A_185, %mul3A_186 : i32
      %add3A_188 = arith.addi %mul3A_2, %mul3A_187 : i32
      "tpu.region"() ({
        %run_scoped3A = tpu.sem_alloc : memref<!tpu.dma_semaphore, #tpu.memory_space<semaphore_mem>>
        %dma_start3A_189 = arith.constant 0 : i32
        %dma_start3A_190 = tpu.memref_slice %arg4[%add3A_188, %dma_start3A_189] : memref<409600x32xf32, #tpu.memory_space<hbm>> -> memref<512x32xf32, #tpu.memory_space<hbm>>
        %dma_start3A_191 = arith.constant 0 : i32
        %dma_start3A_192 = tpu.memref_slice %arg4[%add3A_188, %dma_start3A_191] : memref<409600x32xf32, #tpu.memory_space<hbm>> -> memref<512x32xf32, #tpu.memory_space<hbm>>
        tpu.enqueue_dma source(%arg8 : memref<512x32xf32, #tpu.memory_space<vmem>>) target(%dma_start3A_192 : memref<512x32xf32, #tpu.memory_space<hbm>>) target_semaphore(%run_scoped3A : memref<!tpu.dma_semaphore, #tpu.memory_space<semaphore_mem>>)
        %dma_wait3A_193 = arith.constant 0 : i32
        %dma_wait3A_194 = tpu.memref_slice %arg4[%add3A_188, %dma_wait3A_193] : memref<409600x32xf32, #tpu.memory_space<hbm>> -> memref<512x32xf32, #tpu.memory_space<hbm>>
        %dma_wait3A_195 = arith.constant 0 : i32
        %dma_wait3A_196 = tpu.memref_slice %arg4[%add3A_188, %dma_wait3A_195] : memref<409600x32xf32, #tpu.memory_space<hbm>> -> memref<512x32xf32, #tpu.memory_space<hbm>>
        tpu.wait_dma2 semaphore(%run_scoped3A : memref<!tpu.dma_semaphore, #tpu.memory_space<semaphore_mem>>) src(%arg8 : memref<512x32xf32, #tpu.memory_space<vmem>>) dst(%dma_wait3A_196 : memref<512x32xf32, #tpu.memory_space<hbm>>)
        tpu.yield
      }) : () -> ()
    }
    %scan3A_65 = arith.constant 12 : i32
    %dma_wait3A_66 = arith.constant 0 : i32
    %dma_wait3A_67 = arith.constant 0 : i32
    %dma_wait3A_68 = tpu.memref_slice %arg4[%dma_wait3A_66, %dma_wait3A_67] : memref<409600x32xf32, #tpu.memory_space<hbm>> -> memref<512x32xf32, #tpu.memory_space<hbm>>
    %dma_wait3A_69 = arith.constant 0 : i32
    %dma_wait3A_70 = arith.constant 0 : i32
    %dma_wait3A_71 = tpu.memref_slice %arg4[%dma_wait3A_69, %dma_wait3A_70] : memref<409600x32xf32, #tpu.memory_space<hbm>> -> memref<512x32xf32, #tpu.memory_space<hbm>>
    tpu.wait_dma2 semaphore(%arg9 : memref<!tpu.dma_semaphore, #tpu.memory_space<semaphore_mem>>) src(%dma_wait3A_71 : memref<512x32xf32, #tpu.memory_space<hbm>>) dst(%arg7 : memref<512x32xf32, #tpu.memory_space<vmem>>)
    %add3A_72 = arith.constant 12288 : i32
    %add3A_73 = arith.addi %mul3A_2, %add3A_72 : i32
    "tpu.region"() ({
      %run_scoped3A = tpu.sem_alloc : memref<!tpu.dma_semaphore, #tpu.memory_space<semaphore_mem>>
      %dma_start3A_74 = arith.constant 0 : i32
      %dma_start3A_75 = tpu.memref_slice %arg4[%add3A_73, %dma_start3A_74] : memref<409600x32xf32, #tpu.memory_space<hbm>> -> memref<512x32xf32, #tpu.memory_space<hbm>>
      %dma_start3A_76 = arith.constant 0 : i32
      %dma_start3A_77 = tpu.memref_slice %arg4[%add3A_73, %dma_start3A_76] : memref<409600x32xf32, #tpu.memory_space<hbm>> -> memref<512x32xf32, #tpu.memory_space<hbm>>
      tpu.enqueue_dma source(%arg7 : memref<512x32xf32, #tpu.memory_space<vmem>>) target(%dma_start3A_77 : memref<512x32xf32, #tpu.memory_space<hbm>>) target_semaphore(%run_scoped3A : memref<!tpu.dma_semaphore, #tpu.memory_space<semaphore_mem>>)
      %dma_wait3A_78 = arith.constant 0 : i32
      %dma_wait3A_79 = tpu.memref_slice %arg4[%add3A_73, %dma_wait3A_78] : memref<409600x32xf32, #tpu.memory_space<hbm>> -> memref<512x32xf32, #tpu.memory_space<hbm>>
      %dma_wait3A_80 = arith.constant 0 : i32
      %dma_wait3A_81 = tpu.memref_slice %arg4[%add3A_73, %dma_wait3A_80] : memref<409600x32xf32, #tpu.memory_space<hbm>> -> memref<512x32xf32, #tpu.memory_space<hbm>>
      tpu.wait_dma2 semaphore(%run_scoped3A : memref<!tpu.dma_semaphore, #tpu.memory_space<semaphore_mem>>) src(%arg7 : memref<512x32xf32, #tpu.memory_space<vmem>>) dst(%dma_wait3A_81 : memref<512x32xf32, #tpu.memory_space<hbm>>)
      tpu.yield
    }) : () -> ()
    return
  }
}

module attributes {stable_mosaic.version = 14 : i64} {
  func.func @_proj_body(%arg0: i32, %arg1: memref<512x128xf32, #tpu.memory_space<vmem>>, %arg2: memref<128x512xf32, #tpu.memory_space<vmem>>, %arg3: memref<2048x128xf32, #tpu.memory_space<vmem>>) attributes {dimension_semantics = [#tpu.dimension_semantics<arbitrary>], iteration_bounds = array<i64: 200>, scalar_prefetch = 0 : i64, scratch_operands = 0 : i64, tpu.core_type = #tpu.core_type<tc>, window_params = [{transform_indices = @transform_0, window_bounds = array<i64: 512, 128>}, {pipeline_mode = #tpu.pipeline_mode<synchronous>, transform_indices = @transform_1, window_bounds = array<i64: 128, 512>}, {transform_indices = @transform_2, window_bounds = array<i64: 2048, 128>}]} {
    %get3A = arith.constant 0 : index
    %get3A_0 = arith.constant 0 : index
    %get3A_1 = vector.load %arg1[%get3A, %get3A_0] : memref<512x128xf32, #tpu.memory_space<vmem>>, vector<512x128xf32>
    %get3A_2 = arith.constant 0 : index
    %get3A_3 = arith.constant 0 : index
    %get3A_4 = vector.load %arg2[%get3A_2, %get3A_3] : memref<128x512xf32, #tpu.memory_space<vmem>>, vector<128x512xf32>
    %dot_general3A = arith.constant dense<0.000000e+00> : vector<512x512xf32>
    %dot_general3A_5 = tpu.matmul %get3A_1, %get3A_4, %dot_general3A {dimension_numbers = #tpu.dot_dimension_numbers<[1], [0], [0], [1], [0, 0, 1, 1], [], []>, transpose_lhs_hint = false} : vector<512x128xf32>, vector<128x512xf32>, vector<512x512xf32> -> vector<512x512xf32>
    %reshape3A = vector.shape_cast %dot_general3A_5 : vector<512x512xf32> to vector<2048x128xf32>
    %swap3A = arith.constant 0 : index
    %swap3A_6 = arith.constant 0 : index
    %swap3A_7 = vector.load %arg3[%swap3A, %swap3A_6] : memref<2048x128xf32, #tpu.memory_space<vmem>>, vector<2048x128xf32>
    tpu.vector_store %arg3[%swap3A, %swap3A_6], %reshape3A {strides = array<i32>} : memref<2048x128xf32, #tpu.memory_space<vmem>>, vector<2048x128xf32>,
    return
  }
  func.func @transform_0(%arg0: i32) -> (i32, i32) {
    %c0_i32 = arith.constant 0 : i32
    %c0_i32_0 = arith.constant 0 : i32
    return %arg0, %c0_i32 : i32, i32
  }
  func.func @transform_1(%arg0: i32) -> (i32, i32) {
    %c0_i32 = arith.constant 0 : i32
    %c0_i32_0 = arith.constant 0 : i32
    %c0_i32_1 = arith.constant 0 : i32
    return %c0_i32, %c0_i32_0 : i32, i32
  }
  func.func @transform_2(%arg0: i32) -> (i32, i32) {
    %c0_i32 = arith.constant 0 : i32
    %c0_i32_0 = arith.constant 0 : i32
    return %arg0, %c0_i32 : i32, i32
  }
}

module attributes {stable_mosaic.version = 14 : i64} {
  func.func @_proj_body2(%arg0: i32, %arg1: memref<819200x128xf32, #tpu.memory_space<any>>, %arg2: memref<512x128xf32, #tpu.memory_space<vmem>>, %arg3: memref<128x512xf32, #tpu.memory_space<vmem>>, %arg4: memref<2048x128xf32, #tpu.memory_space<vmem>>) attributes {dimension_semantics = [#tpu.dimension_semantics<arbitrary>], iteration_bounds = array<i64: 200>, scalar_prefetch = 0 : i64, scratch_operands = 0 : i64, tpu.core_type = #tpu.core_type<tc>, window_params = [{}, {transform_indices = @transform_1, window_bounds = array<i64: 512, 128>}, {pipeline_mode = #tpu.pipeline_mode<synchronous>, transform_indices = @transform_2, window_bounds = array<i64: 128, 512>}, {transform_indices = @transform_3, window_bounds = array<i64: 2048, 128>}]} {
    %get3A = arith.constant 0 : index
    %get3A_0 = arith.constant 0 : index
    %get3A_1 = vector.load %arg2[%get3A, %get3A_0] : memref<512x128xf32, #tpu.memory_space<vmem>>, vector<512x128xf32>
    %get3A_2 = arith.constant 0 : index
    %get3A_3 = arith.constant 0 : index
    %get3A_4 = vector.load %arg3[%get3A_2, %get3A_3] : memref<128x512xf32, #tpu.memory_space<vmem>>, vector<128x512xf32>
    %dot_general3A = arith.constant dense<0.000000e+00> : vector<512x512xf32>
    %dot_general3A_5 = tpu.matmul %get3A_1, %get3A_4, %dot_general3A {dimension_numbers = #tpu.dot_dimension_numbers<[1], [0], [0], [1], [0, 0, 1, 1], [], []>, transpose_lhs_hint = false} : vector<512x128xf32>, vector<128x512xf32>, vector<512x512xf32> -> vector<512x512xf32>
    %reshape3A = vector.shape_cast %dot_general3A_5 : vector<512x512xf32> to vector<2048x128xf32>
    %swap3A = arith.constant 0 : index
    %swap3A_6 = arith.constant 0 : index
    %swap3A_7 = vector.load %arg4[%swap3A, %swap3A_6] : memref<2048x128xf32, #tpu.memory_space<vmem>>, vector<2048x128xf32>
    tpu.vector_store %arg4[%swap3A, %swap3A_6], %reshape3A {strides = array<i32>} : memref<2048x128xf32, #tpu.memory_space<vmem>>, vector<2048x128xf32>,
    return
  }
  func.func @transform_1(%arg0: i32) -> (i32, i32) {
    %c0_i32 = arith.constant 0 : i32
    %c0_i32_0 = arith.constant 0 : i32
    return %arg0, %c0_i32 : i32, i32
  }
  func.func @transform_2(%arg0: i32) -> (i32, i32) {
    %c0_i32 = arith.constant 0 : i32
    %c0_i32_0 = arith.constant 0 : i32
    %c0_i32_1 = arith.constant 0 : i32
    return %c0_i32, %c0_i32_0 : i32, i32
  }
  func.func @transform_3(%arg0: i32) -> (i32, i32) {
    %add3A = arith.constant 200 : i32
    %add3A_0 = arith.addi %arg0, %add3A : i32
    %c0_i32 = arith.constant 0 : i32
    %c0_i32_1 = arith.constant 0 : i32
    return %add3A_0, %c0_i32 : i32, i32
  }
}

</mosaic_0001>

<sc_bundles>
// kernel: kernel.6.cloned.1.call-start
scs
__scs_entry_jumppad:
0x0: {  	(pc) =	sbr.rel $0x88, $3  }
0x1: {  	(tag) =	ssettag $0x0;
	lr =	simm.s32 $0x1  }
0x2: {  	[smem:$0x3F9E] =	sst lr;
	_ =	strace $0xD0000000  }
0x3: {  	_ = 	snop  }
0x4: {  	_ = 	snop  }
0x5: {  	_ = 	snop  }
0x6: {  	_ = 	snop  }
0x7: {  	_ = 	snop  }
__scs_overlays_trampoline_lowered:
0x8: {  	[smem:$0x3FAD] =	sst s0  }
0x9: {  	[smem:$0x3FAE] =	sst s1  }
0xa: {  	[smem:$0x3FAF] =	sst s2  }
0xb: {  	[smem:$0x3FB0] =	sst s3  }
0xc: {  	[smem:$0x3FB1] =	sst s4  }
0xd: {  	[smem:$0x3FB2] =	sst s5  }
0xe: {  	[smem:$0x3FB3] =	sst s6  }
0xf: {  	[smem:$0x3FB4] =	sst s7  }
0x10: {  	[smem:$0x3FB5] =	sst s8  }
0x11: {  	[smem:$0x3FB6] =	sst s9;
	s0 =	simm.s32 @!p0 $0x0  }
0x12: {  	s1 =	sld [smem:$0x3F9C];
	s0 =	simm.s32 @p0 $0x1  }
0x13: {  	[smem:$0x3FB7] =	sst s0;
	s0 =	simm.s32 @!p1 $0x0  }
0x14: {  	s2 =	sld [smem:$0x3F9B];
	s0 =	simm.s32 @p1 $0x1  }
0x15: {  	[smem:$0x3FB8] =	sst s0;
	s0 =	simm.s32 @!p2 $0x0  }
0x16: {  	s3 =	sld [smem:$0x3FDB];
	s0 =	simm.s32 @p2 $0x1  }
0x17: {  	s4 =	simm.s32 $0x1BF5;
	[smem:$0x3FBA] =	sst s0  }
0x18: {  	s0 =	sld [smem:$0x3F9D];
	_ =	swait.ge [sflag:s4], $0x0  }
0x19: {  	s7 =	sld [smem:$0x3F9E]  }
0x1a: {  	s8 =	sadd.s32 $0xFFFFE003, lr  }
0x1b: {  	s9 =	sadd.s32 $0xFFFFFEF7, lr;
	s5 =	simm.s32 $0xFFFFFFFF;
	p2 =	slt.u32 s8, $0xFFFFF086  }
0x1c: {  	p1 =	slt.u32 s9, $0xF7A;
	s5 =	simm.s32 @!p2 $0x0  }
0x1d: {  	s5 =	simm.s32 @p1 $0x1;
	p0 =	seq.s32 s7, s2  }
0x1e: {  	s7 =	smul.u32 @!p0 $0xF7A, s2;
	p2 =	seq.s32 @!p0 s5, $0x0  }
0x1f: {  	s9 =	smul.u32 $0xF7A, s1;
	s8 =	simm.s32 @!p0 $0x1BF5;
	p2 =	por !p2, p0  }
0x20: {  	[sflag:s8] =	ssyncset.s32 @!p0 $0xFFFFF086;
	s6 =	sadd.s32 @!p0 s3, s7;
	s7 =	simm.s32 @!p0 $0x108  }
0x21: {  	s3 =	sadd.s32 s3, s9;
	s6 =	sadd.s32 @!p0 $0x88, s6;
	s7 =	simm.s32 @p2 $0x1082  }
0x22: {  	[simem:s7], [sflag:s8] =	dma.local @!p0 [hbm:s6], $0xF7A  }
0x23: {  	s9 =	sor.u32 $0xD0000000, s2;
	s6 =	simm.s32 $0x108;
	_ =	swait.ge @!p0 [sflag:s8], $0x0  }
0x24: {  	s3 =	sadd.s32 $0x88, s3;
	s6 =	simm.s32 @!p1 $0x1082;
	[sflag:s4] =	ssyncset.s32 $0xFFFFF086  }
0x25: {  	[simem:s6], [sflag:s4] =	dma.local [hbm:s3], $0xF7A  }
0x26: {  	[smem:$0x3F9E] =	sst s1;
	(tag) =	ssettag s2;
	_ =	strace s9  }
0x27: {  	s1 =	sld [smem:$0x3FAE]  }
0x28: {  	s2 =	sld [smem:$0x3FAF]  }
0x29: {  	s4 =	sld [smem:$0x3FB1]  }
0x2a: {  	p0 =	seq.s32 s5, $0x0;
	s5 =	sld [smem:$0x3FB2]  }
0x2b: {  	s6 =	sld [smem:$0x3FB3]  }
0x2c: {  	s7 =	sld [smem:$0x3FB4]  }
0x2d: {  	s3 =	simm.s32 $0x108;
	s8 =	sld [smem:$0x3FB5]  }
0x2e: {  	s3 =	simm.s32 @!p0 $0x1082;
	s9 =	sld [smem:$0x3FB6]  }
0x2f: {  	lr =	sadd.s32 s0, s3;
	s0 =	sld [smem:$0x3FAD]  }
0x30: {  	s3 =	sld [smem:$0x3FB0]  }
0x31: {  	[smem:$0x3FB9] =	sst s10  }
0x32: {  	s10 =	sld [smem:$0x3FB7];
	_ =	sdelay $0x3  }
0x33: {  	p0 =	seq.s32 s10, $0x1;
	s10 =	sld [smem:$0x3FB9];
	_ =	sdelay $0x3  }
0x34: {  	[smem:$0x3FB9] =	sst s10  }
0x35: {  	s10 =	sld [smem:$0x3FB8];
	_ =	sdelay $0x3  }
0x36: {  	p1 =	seq.s32 s10, $0x1;
	s10 =	sld [smem:$0x3FB9];
	_ =	sdelay $0x3  }
0x37: {  	[smem:$0x3FB9] =	sst s10  }
0x38: {  	s10 =	sld [smem:$0x3FBA]  }
0x39: {  	_ = 	snop;
	(pc) =	sbr.ind lr, $3  }
0x3a: {  	_ = 	snop  }
0x3b: {  	_ = 	snop  }
0x3c: {  	p2 =	seq.s32 s10, $0x1;
	s10 =	sld [smem:$0x3FB9]  }
0x3d: {  	_ =	shalt  }
0x3e: {  	_ =	shalt  }
0x3f: {  	_ =	shalt  }
0x40: {  	_ =	shalt  }
0x41: {  	_ =	shalt  }
0x42: {  	_ =	shalt  }
0x43: {  	_ =	shalt  }
0x44: {  	_ =	shalt  }
0x45: {  	_ =	shalt  }
0x46: {  	_ =	shalt  }
0x47: {  	_ =	shalt  }
0x48: {  	_ =	shalt  }
0x49: {  	_ =	shalt  }
0x4a: {  	_ =	shalt  }
0x4b: {  	_ =	shalt  }
0x4c: {  	_ =	shalt  }
0x4d: {  	_ =	shalt  }
0x4e: {  	_ =	shalt  }
0x4f: {  	_ =	shalt  }
0x50: {  	_ =	shalt  }
0x51: {  	_ =	shalt  }
0x52: {  	_ =	shalt  }
0x53: {  	_ =	shalt  }
0x54: {  	_ =	shalt  }
0x55: {  	_ =	shalt  }
0x56: {  	_ =	shalt  }
0x57: {  	_ =	shalt  }
0x58: {  	_ =	shalt  }
0x59: {  	_ =	shalt  }
0x5a: {  	_ =	shalt  }
0x5b: {  	_ =	shalt  }
0x5c: {  	_ =	shalt  }
0x5d: {  	_ =	shalt  }
0x5e: {  	_ =	shalt  }
0x5f: {  	_ =	shalt  }
0x60: {  	_ =	shalt  }
0x61: {  	_ =	shalt  }
0x62: {  	_ =	shalt  }
0x63: {  	_ =	shalt  }
0x64: {  	_ =	shalt  }
0x65: {  	_ =	shalt  }
0x66: {  	_ =	shalt  }
0x67: {  	_ =	shalt  }
0x68: {  	_ =	shalt  }
0x69: {  	_ =	shalt  }
0x6a: {  	_ =	shalt  }
0x6b: {  	_ =	shalt  }
0x6c: {  	_ =	shalt  }
0x6d: {  	_ =	shalt  }
0x6e: {  	_ =	shalt  }
0x6f: {  	_ =	shalt  }
0x70: {  	_ =	shalt  }
0x71: {  	_ =	shalt  }
0x72: {  	_ =	shalt  }
0x73: {  	_ =	shalt  }
0x74: {  	_ =	shalt  }
0x75: {  	_ =	shalt  }
0x76: {  	_ =	shalt  }
0x77: {  	_ =	shalt  }
0x78: {  	_ =	shalt  }
0x79: {  	_ =	shalt  }
0x7a: {  	_ =	shalt  }
0x7b: {  	_ =	shalt  }
0x7c: {  	_ =	shalt  }
0x7d: {  	_ =	shalt  }
0x7e: {  	_ =	shalt  }
0x7f: {  	_ =	shalt  }
0x80: {  	_ =	shalt  }
0x81: {  	_ =	shalt  }
0x82: {  	_ =	shalt  }
0x83: {  	_ =	shalt  }
0x84: {  	_ =	shalt  }
0x85: {  	_ =	shalt  }
0x86: {  	_ =	shalt  }
0x87: {  	_ =	shalt  }
.Lfunc_end0:
.L_simem_size_0:
called_computation_lowered:
.L_overlay_start_0:
0x88: {  	s2 =	sld [smem:$0x3FD9]  }
0x89: {  	s3 =	sld [smem:$0x3FFE];
	_ =	sdelay $0x1  }
0x8a: {  	s1 =	srdreg.scid  }
0x8b: {  	s0 =	sand.u32 $0x1, s1  }
0x8c: {  	s16 =	sshll.u32 s0, $0xA;
	s2 =	sadd.s32 s3, s2  }
0x8d: {  	s2 =	sadd.s32 s2, s16  }
0x8e: {  	[smem:$0x3FC5] =	sst s2  }
0x8f: {  	_ = 	snop  }
0x90: {  	(tm) =	ssettm $0x1  }
0x91: {  	s17 =	sld [smem:$0x3FFB];
	_ =	sdelay $0x3  }
0x92: {  	_ =	strace s17  }
0x93: {  	s2 =	sld [smem:$0x3FFC];
	_ =	sdelay $0x3  }
0x94: {  	_ =	strace s2  }
0x95: {  	s2 =	sld [smem:$0x3FFD];
	_ =	sdelay $0x3  }
0x96: {  	_ =	strace s2  }
0x97: {  	_ =	strace $0x8FFFFFFF  }
0x98: {  	s18 =	sld [smem:$0x3FDB];
	_ =	sdelay $0x1  }
0x99: {  	s19 =	simm.s32 $_scs_section_size  }
0x9a: {  	s4 =	simm.s32 $_size__tile_overlayer_lowered;
	s5 =	simm.s32 $_tile_overlayer_lowered  }
0x9b: {  	s22 =	simm.s32 $0x1BFF;
	s21 =	sshll.u32 s5, $0x1;
	s2 =	sadd.s32 s19, s18  }
0x9c: {  	s6 =	simm.s32 $0x0;
	s20 =	sshll.u32 s4, $0x1;
	s4 =	sadd.s32 s21, s2  }
0x9d: {  	[timem:s6], [sflag:s22] =	dma.local [hbm:s4], s20  }
0x9e: {  	_ =	swait.ge [sflag:s22], s20  }
0x9f: {  	s3 =	ssub.s32 $0x0, s20;
	[sflag:s22] =	ssyncset.done $0x0  }
0xa0: {  	[sflag:s22] =	ssyncadd.s32 s3;
	_ =	sdelay $0x1  }
0xa1: {  	s23 =	simm.s32 $0x1B8B  }
0xa2: {  	_ =	swait.ge [sflag:s23], $0x1  }
0xa3: {  	[sflag:s23] =	ssyncset.done $0x0  }
0xa4: {  	s25 =	simm.s32 $0x1B8E;
	s24 =	sld [smem:$0x3FFE];
	[sflag:s23] =	ssyncadd.s32 $0xFFFFFFFF  }
0xa5: {  	s26 =	simm.s32 $execute0_lowered;
	[smem:$0x3FD2] =	sst s25  }
0xa6: {  	s4 =	sshll.u32 s26, $0x1;
	_ =	strace $0x80000046;
	[dreg:$0x1] =	wrdreg $0xFFFFFFFF  }
0xa7: {  	s28 =	simm.s32 $_size_execute0_lowered;
	s2 =	sadd.s32 s2, s4;
	[dreg:$0x0] =	wrdreg $0x0  }
0xa8: {  	s4 =	sshll.u32 s28, $0x1;
	[dreg:$0x2] =	wrdreg s2  }
0xa9: {  	[dreg:$0x3] =	wrdreg s4  }
0xaa: {  	[dreg:$0x4] =	wrdreg $0xC0  }
0xab: {  	_ =	task [dreg:s6], $0x5FFFF  }
0xac: {  	[dreg:$0x1] =	wrdreg $0xFFFFFFFF  }
0xad: {  	[dreg:$0x0] =	wrdreg $0x60  }
0xae: {  	[dreg:$0x2] =	wrdreg s24  }
0xaf: {  	[dreg:$0x3] =	wrdreg $0x9  }
0xb0: {  	_ =	task.clear_ibuf [dreg:s6], $0x4FFFF;
	_ =	strace $0x90000046  }
0xb1: {  	s29 =	simm.s32 $0x9;
	_ =	strace $0x80000048  }
0xb2: {  	_ =	swait.ge [sflag:s29], $0x1  }
0xb3: {  	[sflag:s29] =	ssyncadd.s32 $0xFFFFFFFF  }
0xb4: {  	_ =	strace $0x90000048  }
0xb5: {  	_ =	sfence  }
0xb6: {  	s30 =	sld [smem:$0x0];
	_ =	sdelay $0x2  }
0xb7: {  	s31 =	sshll.u32 s1, $0xD;
	s1 =	sshrl.u32 s1, $0x2  }
0xb8: {  	s3 =	sand.u32 $0x4000, s31;
	s1 =	sadd.s32 s1, s30  }
0xb9: {  	s0 =	sor.u32 s3, s0;
	s1 =	sshll.u32 s1, $0x11  }
0xba: {  	s0 =	sor.u32 s1, s0  }
0xbb: {  	s0 =	sadd.s32 $0x8F2B, s0  }
0xbc: {  	[sflag:s0] =	ssyncadd.remote.s32 $0x1  }
0xbd: {  	_ =	sfence.sel $0xFFFF  }
0xbe: {  	[dreg:$0x0] =	wrdreg $0xFFFFFFFF;
	(pc) =	sbr.abs _section_cstart, $3  }
0xbf: {  	[dreg:$0x1] =	wrdreg $0xFFFFFFFF  }
0xc0: {  	_ =	task.clear_ibuf [dreg:s6], $0x2FFFF;
	_ =	strace $0x9FFFFFFF  }
0xc1: {  	(tm) =	ssettm $0x7FFFFFFF  }
tec
execute0_lowered:
.L_overlay_start_1:
0x0: {  	(tag) =	ssettag $0x1  }
0x1: {  	s0 =	srdreg.scid;
	s2 =	stileid.u32  }
0x2: {  	s4 =	rddreg [dreg:$0x0];
	s12 =	simm.s32 $0x0;
	s5 =	smul.u32 $0xC8000, s2  }
0x3: {  	s24 =	simm.s32 $0x4;
	s0 =	sand.u32 $0x1, s0;
	s8 =	smul.u32 $0x6400, s2  }
0x4: {  	s1 =	sshll.u32 s2, $0x1;
	[smem:$0x7FF] =	sst s12;
	s10 =	smul.u32 $0x3200, s0  }
0x5: {  	s1 =	sor.u32 s0, s1;
	s7 =	ssub.s32 $0x2, s0;
	s0 =	smul.u32 $0x64000, s0  }
0x6: {  	s11 =	sadd.s32 $0xD600, s4;
	s3 =	smul.u32 $0x640, s1;
	s9 =	sshrl.u32 s7, $0x1  }
0x7: {  	_ =	strace $0x80000047;
	s1 =	smul.u32 $0x64000, s1;
	s7 =	ssub.s32 s7, s9  }
0x8: {  	s25 =	sadd.s32 s10, s8;
	s0 =	sadd.s32 s0, s5;
	s6 =	sadd.s32 s3, s4  }
0x9: {  	v1 =	vimm.s32 $0xECA86420;
	s1 =	sshrl.u32 s1, $0x3;
	s26 =	sshll.u32 s25, $0x2;
	s29 =	smax.u32 s7, $0x1  }
0xa: {  	v0 =	vlaneseq.u32;
	vm0 =	vcmask $0xB08;
	vm1 =	vcmask $0x1310;
	s0 =	sshrl.u32 s0, $0x3;
	s2 =	sadd.s32 $0xE00, s6;
	[dreg:$0x4] =	wrdreg s29  }
0xb: {  	vm2 =	vcmask $0x1B18;
	vm8 =	vmmov $0xff;
	vm4 =	vcmask $0x300;
	s1 =	sadd.s32 s11, s1;
	s30 =	sadd.s32 s0, s11;
	[dreg:$0x2] =	wrdreg s2  }
0xc: {  	vm5 =	vcmask $0x2320;
	vm6 =	vcmask $0x2B28;
	v1 =	vunpack.c.l.s4.s8 v1;
	s28 =	sadd.s32 s11, s26;
	s1 =	sadd.s32 $0xC000, s1;
	[dreg:$0x5] =	wrdreg s30  }
0xd: {  	vm7 =	vcmask $0x3330;
	vm10 =	vcmask $0x3B38;
	vm14 =	vcmask $0x1F1C;
	s10 =	simm.s32 $0x80;
	s31 =	sadd.s32 $0x800, s28;
	[dreg:$0x3] =	wrdreg s1  }
0xe: {  	vm15 =	vcmask $0x2724;
	v2 =	vmul.u32 $0x2, v0;
	v1 =	vunpack.c.0.s8.s32 v1;
	s3 =	sadd.s32 $0xF4FA00, s4;
	s1 =	simm.s32 $0x0;
	[dreg:$0x6] =	wrdreg s31  }
.LBB2_1:
0xf: {  	[dreg:$0x7] =	wrdreg s1;
	s0 =	simm.s32 $0x8  }
0x10: {  	s1 =	simm.s32 $0x19;
	s6 =	sadd.s32 $0x0, s2;
	s5 =	simm.s32 $0xD8  }
.LBB2_2:
0x11: {  	[tilespmem:s0], [sflag:$0x3] =	stream.linear.gather [hbm4b:s6+s12], $0xC8, $0x38;
	[tilespmem:$0xE600] =	vst v63  }
0x12: {  	s6 =	smov.u32 s1;
	s0 =	smov.u32 s5;
	p0 =	sne.s32 s1, $0x627  }
.Ltmp0:
0x13: {  	s1 =	sadd.s32 $0x19, s1;
	(pc) =	sbr.rel @p0 .LBB2_2-.Ltmp0, $2  }
0x14: {  	_ =	sdelay $0x2  }
0x15: {  	s5 =	sadd.s32 $0xD0, s5;
	s6 =	sadd.s32 s6, s2  }
0x16: {  	[tilespmem:s0], [sflag:$0x3] =	stream.linear.gather [hbm4b:s6+s12], $0xC8, $0x38;
	[tilespmem:$0xE600] =	vst v63  }
0x17: {  	s30 =	simm.s32 $0x3  }
0x18: {  	_ =	swait.ge [sflag:s30], $0x3200  }
0x19: {  	s31 =	simm.s32 $0x0;
	[sflag:s30] =	ssyncset.done $0x0  }
0x1a: {  	s0 =	simm.s32 $0x67;
	[dreg:$0x8] =	wrdreg s31;
	[sflag:s30] =	ssyncadd.s32 $0xFFFFCE00  }
.LBB2_4:
0x1b: {  	v3 =	vld [tilespmem:s0+$0xFFFFFFA0];
	_ =	sdelay $0x2  }
0x1c: {  	v4 =	vld [tilespmem:s0+$0xFFFFFFA1]  }
0x1d: {  	vm9 =	veq.s32 v0, $0x0  }
0x1e: {  	v3 =	vsel vm9, $0x0, v3  }
0x1f: {  	v3 =	vmul.u32 $0x420, v3;
	_ =	sdelay $0x1  }
0x20: {  	v3 =	vadd.s32 v4, v3  }
0x21: {  	(v2sf) =	vpush v3, $0xD;
	_ =	sdelay $0x1  }
0x22: {  	(v2sf) =	vpush v3, $0xC;
	_ =	sdelay $0x1  }
0x23: {  	(v2sf) =	vpush v3, $0xE;
	_ =	sdelay $0x1  }
0x24: {  	(v2sf) =	vpush v3, $0xF;
	_ =	sdelay $0x1  }
0x25: {  	(v2sf) =	vpush v3, $0x9;
	_ =	sdelay $0x1  }
0x26: {  	(v2sf) =	vpush v3, $0x8;
	_ =	sdelay $0x1  }
0x27: {  	(v2sf) =	vpush v3, $0xA;
	_ =	sdelay $0x1  }
0x28: {  	(v2sf) =	vpush v3, $0xB  }
0x29: {  	s2 =	spop (v2sf)  }
0x2a: {  	[dreg:$0x9] =	wrdreg s0;
	(v2sf) =	vpush v3, $0x0;
	s1 =	smulhi.u32 $0x431BDE83, s2;
	s0 =	sshra.s32 s2, $0x1F  }
0x2b: {  	s5 =	spop (v2sf);
	(v2sf) =	vpush v3, $0x1;
	s0 =	smul.u32 $0x431BDE83, s0  }
0x2c: {  	s9 =	smulhi.u32 $0x431BDE83, s5;
	s5 =	sshra.s32 s5, $0x1F;
	(v2sf) =	vpush v3, $0x2  }
0x2d: {  	s6 =	spop (v2sf);
	s5 =	smul.u32 $0x431BDE83, s5;
	(v2sf) =	vpush v3, $0x3  }
0x2e: {  	s11 =	smulhi.u32 $0x431BDE83, s6;
	s6 =	sshra.s32 s6, $0x1F;
	(v2sf) =	vpush v3, $0x4  }
0x2f: {  	s4 =	spop (v2sf);
	s13 =	smul.u32 $0x431BDE83, s6;
	(v2sf) =	vpush v3, $0x5  }
0x30: {  	s7 =	smulhi.u32 $0x431BDE83, s4;
	s8 =	sshra.s32 s4, $0x1F;
	(v2sf) =	vpush v3, $0x6  }
0x31: {  	s30 =	sadd.s32 s0, s1;
	s17 =	spop (v2sf);
	s15 =	smul.u32 $0x431BDE83, s8;
	(v2sf) =	vpush v3, $0x7  }
0x32: {  	s6 =	sshrl.u32 s30, $0x1F;
	s12 =	smulhi.u32 $0x431BDE83, s17;
	s17 =	sshra.s32 s17, $0x1F  }
0x33: {  	s0 =	sadd.s32 s5, s9;
	s18 =	spop (v2sf);
	s9 =	smul.u32 $0x431BDE83, s17  }
0x34: {  	s14 =	sshrl.u32 s0, $0x1F;
	s19 =	smulhi.u32 $0x431BDE83, s18;
	s22 =	sshra.s32 s18, $0x1F  }
0x35: {  	s31 =	sadd.s32 s13, s11;
	s23 =	spop (v2sf);
	s17 =	smul.u32 $0x431BDE83, s22  }
0x36: {  	s1 =	sadd.s32 s15, s7;
	s15 =	smulhi.u32 $0x431BDE83, s23;
	s11 =	sshra.s32 s23, $0x1F  }
0x37: {  	s0 =	sshra.s32 s0, $0x12;
	s20 =	spop (v2sf);
	s16 =	smul.u32 $0x431BDE83, s11  }
0x38: {  	s26 =	sshrl.u32 s31, $0x1F;
	s18 =	smulhi.u32 $0x431BDE83, s20;
	s25 =	sshra.s32 s20, $0x1F  }
0x39: {  	s28 =	sshrl.u32 s1, $0x1F;
	s20 =	smul.u32 $0x431BDE83, s25;
	s29 =	spop (v2sf)  }
0x3a: {  	s21 =	smulhi.u32 $0x431BDE83, s29;
	s5 =	sshra.s32 s29, $0x1F;
	s22 =	spop (v2sf)  }
0x3b: {  	s11 =	sadd.s32 s9, s12;
	s4 =	smul.u32 $0x431BDE83, s5;
	s2 =	spop (v2sf)  }
0x3c: {  	s7 =	smulhi.u32 $0x431BDE83, s22;
	s23 =	sshra.s32 s22, $0x1F;
	s22 =	spop (v2sf)  }
0x3d: {  	s17 =	sadd.s32 s17, s19;
	s12 =	smul.u32 $0x431BDE83, s23;
	s19 =	spop (v2sf)  }
0x3e: {  	s29 =	smulhi.u32 $0x431BDE83, s2;
	s25 =	sshra.s32 s2, $0x1F;
	s2 =	spop (v2sf)  }
0x3f: {  	s5 =	sadd.s32 s16, s15;
	s15 =	smul.u32 $0x431BDE83, s25;
	s16 =	spop (v2sf)  }
0x40: {  	s13 =	sadd.s32 s20, s18;
	s18 =	smulhi.u32 $0x431BDE83, s22;
	s23 =	spop (v2sf)  }
0x41: {  	s9 =	sshrl.u32 s11, $0x1F;
	s25 =	smulhi.u32 $0x431BDE83, s23;
	s20 =	sshra.s32 s23, $0x1F  }
0x42: {  	v5 =	vmov s14;
	s8 =	sshrl.u32 s17, $0x1F;
	s4 =	sadd.s32 s4, s21;
	s20 =	smul.u32 $0x431BDE83, s20  }
0x43: {  	v5 =	vsel vm0, s6, v5;
	s7 =	sadd.s32 s12, s7;
	s6 =	smulhi.u32 $0x431BDE83, s2;
	s2 =	sshra.s32 s2, $0x1F  }
0x44: {  	s29 =	sadd.s32 s15, s29;
	s2 =	smul.u32 $0x431BDE83, s2;
	s15 =	sadd.s32 s20, s25  }
0x45: {  	v5 =	vsel vm1, s26, v5;
	s26 =	sshra.s32 s29, $0x12;
	s23 =	sshra.s32 s22, $0x1F;
	s21 =	sshra.s32 s15, $0x1F  }
0x46: {  	vm11 =	vcmask $0x704;
	s22 =	sshrl.u32 s5, $0x1F;
	s12 =	smul.u32 $0x431BDE83, s23;
	s25 =	sshra.s32 s4, $0x12;
	v34 =	vmov s21  }
0x47: {  	vm12 =	vcmask $0xF0C;
	vm13 =	vcmask $0x1714;
	s23 =	sshrl.u32 s13, $0x1F;
	s20 =	sshrl.u32 s4, $0x1F;
	s4 =	sshra.s32 s4, $0x1F;
	v4 =	vsel vm4, s25, v34  }
0x48: {  	vm3 =	vcmask $0x2F2C;
	s12 =	sadd.s32 s12, s18;
	s18 =	smulhi.u32 $0x431BDE83, s19;
	v6 =	vmov s20;
	s25 =	sshra.s32 s7, $0x12;
	v4 =	vsel vm11, s4, v4  }
0x49: {  	vm9 =	vcmask $0x3734;
	s19 =	sshra.s32 s19, $0x1F;
	s21 =	sshrl.u32 s7, $0x1F;
	v6 =	vnsel vm4, $0x0, v6;
	s7 =	sshra.s32 s7, $0x1F;
	v4 =	vsel vm0, s25, v4  }
0x4a: {  	v7 =	vmov s8;
	s2 =	sadd.s32 s2, s6;
	s14 =	smul.u32 $0x431BDE83, s19;
	s19 =	sshrl.u32 s29, $0x1F;
	v6 =	vsel vm0, s21, v6;
	v4 =	vsel vm12, s7, v4  }
0x4b: {  	v7 =	vsel vm0, s9, v7;
	v6 =	vsel vm1, s19, v6;
	s19 =	sshra.s32 s29, $0x1F;
	s25 =	smulhi.u32 $0x431BDE83, s16;
	s16 =	sshra.s32 s16, $0x1F;
	v4 =	vsel vm1, s26, v4  }
0x4c: {  	v5 =	vsel vm2, s28, v5;
	v7 =	vsel vm1, s22, v7;
	s28 =	sadd.s32 s14, s18;
	s21 =	sshra.s32 s12, $0x12;
	s18 =	smul.u32 $0x431BDE83, s16;
	v4 =	vsel vm13, s19, v4  }
0x4d: {  	v35 =	vmov s0;
	v7 =	vsel vm2, s23, v7;
	s20 =	sshrl.u32 s12, $0x1F;
	s22 =	sshra.s32 s12, $0x1F;
	s29 =	sshra.s32 s30, $0x12;
	v4 =	vsel vm2, s21, v4  }
0x4e: {  	v5 =	vcombine.low v7, v5;
	v6 =	vsel vm2, s20, v6;
	s20 =	sshrl.u32 s28, $0x1F;
	s7 =	sadd.s32 s18, s25;
	s25 =	sshra.s32 s28, $0x12;
	v4 =	vsel vm14, s22, v4  }
0x4f: {  	s6 =	sshrl.u32 s2, $0x1F;
	v7 =	vsel vm0, s29, v35;
	v6 =	vsel vm5, s20, v6;
	s26 =	sshra.s32 s17, $0x12;
	s28 =	sshra.s32 s28, $0x1F;
	v4 =	vsel vm5, s25, v4  }
0x50: {  	s9 =	sshra.s32 s31, $0x12;
	s30 =	sshra.s32 s11, $0x12;
	v6 =	vsel vm6, s6, v6;
	s6 =	sshra.s32 s2, $0x12;
	v8 =	vmov s26;
	v4 =	vsel vm15, s28, v4  }
0x51: {  	s1 =	sshra.s32 s1, $0x12;
	s11 =	sshra.s32 s5, $0x12;
	v7 =	vsel vm1, s9, v7;
	s2 =	sshra.s32 s2, $0x1F;
	v8 =	vsel vm0, s30, v8;
	v4 =	vsel vm6, s6, v4  }
0x52: {  	s12 =	sshra.s32 s13, $0x12;
	v7 =	vsel vm2, s1, v7;
	s23 =	sshrl.u32 s7, $0x1F;
	s13 =	sshra.s32 s7, $0x12;
	v8 =	vsel vm1, s11, v8;
	v4 =	vsel vm3, s2, v4  }
0x53: {  	s14 =	sshrl.u32 s15, $0x1F;
	s16 =	sshra.s32 s7, $0x1F;
	v6 =	vsel vm7, s23, v6;
	v8 =	vsel vm2, s12, v8;
	v4 =	vsel vm7, s13, v4  }
0x54: {  	s17 =	sshra.s32 s15, $0x12;
	v6 =	vsel vm10, s14, v6;
	v7 =	vcombine.low v8, v7;
	v4 =	vsel vm9, s16, v4  }
0x55: {  	v5 =	vperm.xlane v5, v1;
	v6 =	vperm.xlane v6, v2;
	v4 =	vsel vm10, s17, v4  }
0x56: {  	v7 =	vperm.xlane v7, v1;
	v4 =	vperm.xlane v4, v2;
	_ =	sdelay $0x1  }
0x57: {  	v5 =	vsel vm8, v6, v5;
	v4 =	vsel vm8, v4, v7  }
0x58: {  	v4 =	vadd.s32 v5, v4  }
0x59: {  	v4 =	vmul.u32 $0xF4240, v4;
	_ =	sdelay $0x1  }
0x5a: {  	v3 =	vsub.s32 v3, v4  }
0x5b: {  	s18 =	rddreg [dreg:$0x8];
	vm9 =	vlt.s32 v3, $0x0;
	v4 =	vadd.s32 $0xF4240, v3  }
0x5c: {  	s30 =	sshra.s32 s18, $0x2;
	v3 =	vsel vm9, v4, v3  }
0x5d: {  	s19 =	rddreg [dreg:$0x9];
	[tilespmem:s30+$0x3400] =	vst v3  }
0x5e: {  	v3 =	vld [tilespmem:s19+$0xFFFFFFB0]  }
0x5f: {  	s20 =	rddreg [dreg:$0x9]  }
0x60: {  	v36 =	vld [tilespmem:s20+$0xFFFFFFB1];
	_ =	sdelay $0x2  }
0x61: {  	v3 =	vmul.u32 $0x420, v3;
	_ =	sdelay $0x1  }
0x62: {  	v3 =	vadd.s32 v36, v3  }
0x63: {  	(v2sf) =	vpush v3, $0xD;
	_ =	sdelay $0x1  }
0x64: {  	(v2sf) =	vpush v3, $0xC;
	_ =	sdelay $0x1  }
0x65: {  	(v2sf) =	vpush v3, $0xE;
	_ =	sdelay $0x1  }
0x66: {  	(v2sf) =	vpush v3, $0xF;
	_ =	sdelay $0x1  }
0x67: {  	(v2sf) =	vpush v3, $0x9;
	_ =	sdelay $0x1  }
0x68: {  	(v2sf) =	vpush v3, $0x8;
	_ =	sdelay $0x1  }
0x69: {  	(v2sf) =	vpush v3, $0xA;
	_ =	sdelay $0x1  }
0x6a: {  	(v2sf) =	vpush v3, $0xB  }
0x6b: {  	s21 =	spop (v2sf)  }
0x6c: {  	(v2sf) =	vpush v3, $0x0;
	s22 =	smulhi.u32 $0x431BDE83, s21;
	s0 =	sshra.s32 s21, $0x1F  }
0x6d: {  	s23 =	spop (v2sf);
	s0 =	smul.u32 $0x431BDE83, s0  }
0x6e: {  	(v2sf) =	vpush v3, $0x1;
	s25 =	smulhi.u32 $0x431BDE83, s23;
	s2 =	sshra.s32 s23, $0x1F  }
0x6f: {  	(v2sf) =	vpush v3, $0x2;
	s26 =	spop (v2sf);
	s2 =	smul.u32 $0x431BDE83, s2  }
0x70: {  	(v2sf) =	vpush v3, $0x3;
	s28 =	smulhi.u32 $0x431BDE83, s26;
	s5 =	sshra.s32 s26, $0x1F  }
0x71: {  	(v2sf) =	vpush v3, $0x4;
	s29 =	spop (v2sf);
	s5 =	smul.u32 $0x431BDE83, s5  }
0x72: {  	(v2sf) =	vpush v3, $0x5;
	s31 =	smulhi.u32 $0x431BDE83, s29;
	s7 =	sshra.s32 s29, $0x1F  }
0x73: {  	(v2sf) =	vpush v3, $0x6;
	s12 =	spop (v2sf);
	s7 =	smul.u32 $0x431BDE83, s7  }
0x74: {  	[dreg:$0x8] =	wrdreg s18;
	(v2sf) =	vpush v3, $0x7;
	s13 =	smulhi.u32 $0x431BDE83, s12;
	s9 =	sshra.s32 s12, $0x1F  }
0x75: {  	s1 =	sadd.s32 s0, s22;
	s19 =	spop (v2sf);
	s14 =	smul.u32 $0x431BDE83, s9  }
0x76: {  	s11 =	sadd.s32 s2, s25;
	s20 =	smulhi.u32 $0x431BDE83, s19;
	s0 =	sshra.s32 s19, $0x1F  }
0x77: {  	s9 =	sshrl.u32 s1, $0x1F;
	s23 =	spop (v2sf);
	s21 =	smul.u32 $0x431BDE83, s0  }
0x78: {  	s4 =	sshrl.u32 s11, $0x1F;
	s15 =	smulhi.u32 $0x431BDE83, s23;
	s25 =	sshra.s32 s23, $0x1F  }
0x79: {  	s0 =	sadd.s32 s5, s28;
	s26 =	spop (v2sf);
	s5 =	smul.u32 $0x431BDE83, s25  }
0x7a: {  	s1 =	sshra.s32 s1, $0x12;
	s17 =	smulhi.u32 $0x431BDE83, s26;
	s6 =	sshra.s32 s26, $0x1F  }
0x7b: {  	s31 =	sadd.s32 s7, s31;
	s28 =	spop (v2sf);
	s7 =	smul.u32 $0x431BDE83, s6  }
0x7c: {  	s16 =	sshrl.u32 s0, $0x1F;
	s18 =	smulhi.u32 $0x431BDE83, s28;
	s6 =	sshra.s32 s28, $0x1F  }
0x7d: {  	s8 =	sshrl.u32 s31, $0x1F;
	s22 =	spop (v2sf);
	s29 =	smul.u32 $0x431BDE83, s6  }
0x7e: {  	s13 =	sadd.s32 s14, s13;
	s19 =	smulhi.u32 $0x431BDE83, s22;
	s25 =	spop (v2sf)  }
0x7f: {  	s23 =	sshra.s32 s22, $0x1F;
	s6 =	sadd.s32 s21, s20;
	s26 =	spop (v2sf)  }
0x80: {  	s2 =	smul.u32 $0x431BDE83, s23;
	s21 =	sshra.s32 s25, $0x1F;
	s22 =	spop (v2sf)  }
0x81: {  	s15 =	sadd.s32 s5, s15;
	s5 =	smul.u32 $0x431BDE83, s21;
	s21 =	spop (v2sf)  }
0x82: {  	s20 =	smulhi.u32 $0x431BDE83, s25;
	s14 =	sshra.s32 s26, $0x1F;
	s25 =	spop (v2sf)  }
0x83: {  	s17 =	sadd.s32 s7, s17;
	s7 =	smul.u32 $0x431BDE83, s14;
	s28 =	spop (v2sf)  }
0x84: {  	s12 =	sadd.s32 s29, s18;
	s29 =	smulhi.u32 $0x431BDE83, s28;
	s14 =	sshra.s32 s28, $0x1F  }
0x85: {  	s0 =	sshra.s32 s0, $0x12;
	s2 =	sadd.s32 s2, s19;
	s14 =	smul.u32 $0x431BDE83, s14  }
0x86: {  	v38 =	vmov s4;
	s19 =	sshrl.u32 s6, $0x1F;
	s4 =	sshra.s32 s12, $0x1F;
	s20 =	sadd.s32 s5, s20  }
0x87: {  	s6 =	sshra.s32 s6, $0x12;
	v40 =	vmov s19;
	s19 =	sshra.s32 s20, $0x1F;
	s5 =	sadd.s32 s14, s29  }
0x88: {  	s23 =	smulhi.u32 $0x431BDE83, s26;
	s18 =	sshra.s32 s22, $0x1F;
	s29 =	sshra.s32 s5, $0x1F  }
0x89: {  	s26 =	sshrl.u32 s13, $0x1F;
	s18 =	smul.u32 $0x431BDE83, s18;
	v37 =	vmov s29;
	s29 =	sshra.s32 s12, $0x12  }
0x8a: {  	v5 =	vsel vm0, s9, v38;
	v7 =	vsel vm0, s26, v40;
	s26 =	sshra.s32 s11, $0x12;
	s14 =	smulhi.u32 $0x431BDE83, s22;
	s22 =	sshrl.u32 s12, $0x1F;
	v4 =	vsel vm4, s29, v37  }
0x8b: {  	v5 =	vsel vm1, s16, v5;
	s9 =	sshra.s32 s21, $0x1F;
	s7 =	sadd.s32 s7, s23;
	v39 =	vmov s22;
	s22 =	sshra.s32 s2, $0x12;
	v4 =	vsel vm11, s4, v4  }
0x8c: {  	v5 =	vsel vm2, s8, v5;
	s8 =	smulhi.u32 $0x431BDE83, s25;
	s12 =	sshrl.u32 s2, $0x1F;
	v6 =	vnsel vm4, $0x0, v39;
	s2 =	sshra.s32 s2, $0x1F;
	v4 =	vsel vm0, s22, v4  }
0x8d: {  	s29 =	sshrl.u32 s20, $0x1F;
	v6 =	vsel vm0, s12, v6;
	s22 =	sshra.s32 s25, $0x1F;
	s25 =	sshra.s32 s20, $0x12;
	v4 =	vsel vm12, s2, v4  }
0x8e: {  	v42 =	vmov s6;
	s28 =	sshrl.u32 s15, $0x1F;
	s4 =	smulhi.u32 $0x431BDE83, s21;
	s21 =	sshrl.u32 s7, $0x1F;
	v6 =	vsel vm1, s29, v6;
	v4 =	vsel vm1, s25, v4  }
0x8f: {  	s23 =	sshrl.u32 s17, $0x1F;
	s9 =	smul.u32 $0x431BDE83, s9;
	v7 =	vsel vm1, s28, v7;
	v6 =	vsel vm2, s21, v6;
	s21 =	sshra.s32 s7, $0x12;
	v4 =	vsel vm13, s19, v4  }
0x90: {  	v41 =	vmov s26;
	v7 =	vsel vm2, s23, v7;
	s14 =	sadd.s32 s18, s14;
	s12 =	smul.u32 $0x431BDE83, s22;
	s22 =	sshra.s32 s7, $0x1F;
	v4 =	vsel vm2, s21, v4  }
0x91: {  	v5 =	vcombine.low v7, v5;
	v7 =	vsel vm0, s1, v41;
	s20 =	sshrl.u32 s14, $0x1F;
	s4 =	sadd.s32 s9, s4;
	s25 =	sshra.s32 s14, $0x12;
	v4 =	vsel vm14, s22, v4  }
0x92: {  	v7 =	vsel vm1, s0, v7;
	s28 =	sshra.s32 s14, $0x1F;
	s29 =	sshra.s32 s13, $0x12;
	v6 =	vsel vm5, s20, v6;
	s9 =	sshrl.u32 s4, $0x1F;
	v4 =	vsel vm5, s25, v4  }
0x93: {  	s11 =	sshra.s32 s15, $0x12;
	s13 =	sshra.s32 s31, $0x12;
	v8 =	vsel vm0, s29, v42;
	v6 =	vsel vm6, s9, v6;
	s9 =	sshra.s32 s4, $0x12;
	v4 =	vsel vm15, s28, v4  }
0x94: {  	v7 =	vsel vm2, s13, v7;
	v8 =	vsel vm1, s11, v8;
	s14 =	sshra.s32 s17, $0x12;
	s8 =	sadd.s32 s12, s8;
	s12 =	sshra.s32 s4, $0x1F;
	v4 =	vsel vm6, s9, v4  }
0x95: {  	vm12 =	vmmov vm3;
	v8 =	vsel vm2, s14, v8;
	s15 =	sshra.s32 s8, $0x12;
	v4 =	vsel vm3, s12, v4  }
0x96: {  	s23 =	sshrl.u32 s8, $0x1F;
	s17 =	sshra.s32 s8, $0x1F;
	v7 =	vcombine.low v8, v7;
	vm3 =	vcmask $0x3734;
	v4 =	vsel vm7, s15, v4  }
0x97: {  	s16 =	sshrl.u32 s5, $0x1F;
	s18 =	sshra.s32 s5, $0x12;
	v5 =	vperm.xlane v5, v1;
	v6 =	vsel vm7, s23, v6;
	v4 =	vsel vm3, s17, v4  }
0x98: {  	v6 =	vsel vm10, s16, v6;
	v7 =	vperm.xlane v7, v1;
	v4 =	vsel vm10, s18, v4  }
0x99: {  	v6 =	vperm.xlane v6, v2;
	v4 =	vperm.xlane v4, v2;
	_ =	sdelay $0x1  }
0x9a: {  	v5 =	vsel vm8, v6, v5;
	v4 =	vsel vm8, v4, v7  }
0x9b: {  	v4 =	vadd.s32 v5, v4  }
0x9c: {  	v4 =	vmul.u32 $0xF4240, v4;
	_ =	sdelay $0x1  }
0x9d: {  	v3 =	vsub.s32 v3, v4  }
0x9e: {  	vm9 =	vlt.s32 v3, $0x0;
	v4 =	vadd.s32 $0xF4240, v3  }
0x9f: {  	v3 =	vsel vm9, v4, v3  }
0xa0: {  	s19 =	rddreg [dreg:$0x9];
	[tilespmem:s30+$0x3410] =	vst v3  }
0xa1: {  	v3 =	vld [tilespmem:s19+$0xFFFFFFC0]  }
0xa2: {  	s20 =	rddreg [dreg:$0x9]  }
0xa3: {  	v43 =	vld [tilespmem:s20+$0xFFFFFFC1];
	_ =	sdelay $0x2  }
0xa4: {  	v3 =	vmul.u32 $0x420, v3;
	_ =	sdelay $0x1  }
0xa5: {  	v3 =	vadd.s32 v43, v3  }
0xa6: {  	(v2sf) =	vpush v3, $0xD;
	_ =	sdelay $0x1  }
0xa7: {  	(v2sf) =	vpush v3, $0xC;
	_ =	sdelay $0x1  }
0xa8: {  	(v2sf) =	vpush v3, $0xE;
	_ =	sdelay $0x1  }
0xa9: {  	(v2sf) =	vpush v3, $0xF;
	_ =	sdelay $0x1  }
0xaa: {  	(v2sf) =	vpush v3, $0x9;
	_ =	sdelay $0x1  }
0xab: {  	(v2sf) =	vpush v3, $0x8;
	_ =	sdelay $0x1  }
0xac: {  	(v2sf) =	vpush v3, $0xA;
	_ =	sdelay $0x1  }
0xad: {  	(v2sf) =	vpush v3, $0xB  }
0xae: {  	s21 =	spop (v2sf)  }
0xaf: {  	(v2sf) =	vpush v3, $0x0;
	s22 =	smulhi.u32 $0x431BDE83, s21;
	s0 =	sshra.s32 s21, $0x1F  }
0xb0: {  	s23 =	spop (v2sf);
	s0 =	smul.u32 $0x431BDE83, s0  }
0xb1: {  	(v2sf) =	vpush v3, $0x1;
	s25 =	smulhi.u32 $0x431BDE83, s23;
	s2 =	sshra.s32 s23, $0x1F  }
0xb2: {  	(v2sf) =	vpush v3, $0x2;
	s26 =	spop (v2sf);
	s2 =	smul.u32 $0x431BDE83, s2  }
0xb3: {  	(v2sf) =	vpush v3, $0x3;
	s28 =	smulhi.u32 $0x431BDE83, s26;
	s5 =	sshra.s32 s26, $0x1F  }
0xb4: {  	(v2sf) =	vpush v3, $0x4;
	s29 =	spop (v2sf);
	s5 =	smul.u32 $0x431BDE83, s5  }
0xb5: {  	(v2sf) =	vpush v3, $0x5;
	s31 =	smulhi.u32 $0x431BDE83, s29;
	s7 =	sshra.s32 s29, $0x1F  }
0xb6: {  	(v2sf) =	vpush v3, $0x6;
	s12 =	spop (v2sf);
	s7 =	smul.u32 $0x431BDE83, s7  }
0xb7: {  	(v2sf) =	vpush v3, $0x7;
	s13 =	smulhi.u32 $0x431BDE83, s12;
	s9 =	sshra.s32 s12, $0x1F  }
0xb8: {  	s1 =	sadd.s32 s0, s22;
	s19 =	spop (v2sf);
	s14 =	smul.u32 $0x431BDE83, s9  }
0xb9: {  	s11 =	sadd.s32 s2, s25;
	s20 =	smulhi.u32 $0x431BDE83, s19;
	s0 =	sshra.s32 s19, $0x1F  }
0xba: {  	s9 =	sshrl.u32 s1, $0x1F;
	s23 =	spop (v2sf);
	s21 =	smul.u32 $0x431BDE83, s0  }
0xbb: {  	s4 =	sshrl.u32 s11, $0x1F;
	s15 =	smulhi.u32 $0x431BDE83, s23;
	s25 =	sshra.s32 s23, $0x1F  }
0xbc: {  	s0 =	sadd.s32 s5, s28;
	s26 =	spop (v2sf);
	s5 =	smul.u32 $0x431BDE83, s25  }
0xbd: {  	s1 =	sshra.s32 s1, $0x12;
	s17 =	smulhi.u32 $0x431BDE83, s26;
	s6 =	sshra.s32 s26, $0x1F  }
0xbe: {  	s31 =	sadd.s32 s7, s31;
	s28 =	spop (v2sf);
	s7 =	smul.u32 $0x431BDE83, s6  }
0xbf: {  	s16 =	sshrl.u32 s0, $0x1F;
	s18 =	smulhi.u32 $0x431BDE83, s28;
	s6 =	sshra.s32 s28, $0x1F  }
0xc0: {  	s8 =	sshrl.u32 s31, $0x1F;
	s22 =	spop (v2sf);
	s29 =	smul.u32 $0x431BDE83, s6  }
0xc1: {  	s13 =	sadd.s32 s14, s13;
	s19 =	smulhi.u32 $0x431BDE83, s22;
	s25 =	spop (v2sf)  }
0xc2: {  	s23 =	sshra.s32 s22, $0x1F;
	s6 =	sadd.s32 s21, s20;
	s26 =	spop (v2sf)  }
0xc3: {  	s2 =	smul.u32 $0x431BDE83, s23;
	s21 =	sshra.s32 s25, $0x1F;
	s22 =	spop (v2sf)  }
0xc4: {  	s15 =	sadd.s32 s5, s15;
	s5 =	smul.u32 $0x431BDE83, s21;
	s21 =	spop (v2sf)  }
0xc5: {  	s20 =	smulhi.u32 $0x431BDE83, s25;
	s14 =	sshra.s32 s26, $0x1F;
	s25 =	spop (v2sf)  }
0xc6: {  	s17 =	sadd.s32 s7, s17;
	s7 =	smul.u32 $0x431BDE83, s14;
	s28 =	spop (v2sf)  }
0xc7: {  	s12 =	sadd.s32 s29, s18;
	s29 =	smulhi.u32 $0x431BDE83, s28;
	s14 =	sshra.s32 s28, $0x1F  }
0xc8: {  	s0 =	sshra.s32 s0, $0x12;
	s2 =	sadd.s32 s2, s19;
	s14 =	smul.u32 $0x431BDE83, s14  }
0xc9: {  	v45 =	vmov s4;
	s19 =	sshrl.u32 s6, $0x1F;
	s4 =	sshra.s32 s12, $0x1F;
	s20 =	sadd.s32 s5, s20  }
0xca: {  	s6 =	sshra.s32 s6, $0x12;
	v47 =	vmov s19;
	s19 =	sshra.s32 s20, $0x1F;
	s5 =	sadd.s32 s14, s29  }
0xcb: {  	s23 =	smulhi.u32 $0x431BDE83, s26;
	s18 =	sshra.s32 s22, $0x1F;
	s29 =	sshra.s32 s5, $0x1F  }
0xcc: {  	v5 =	vsel vm0, s9, v45;
	s26 =	sshrl.u32 s13, $0x1F;
	s18 =	smul.u32 $0x431BDE83, s18;
	v44 =	vmov s29;
	s29 =	sshra.s32 s12, $0x12  }
0xcd: {  	v5 =	vsel vm1, s16, v5;
	v7 =	vsel vm0, s26, v47;
	s26 =	sshra.s32 s11, $0x12;
	s14 =	smulhi.u32 $0x431BDE83, s22;
	s22 =	sshrl.u32 s12, $0x1F;
	v4 =	vsel vm4, s29, v44  }
0xce: {  	v5 =	vsel vm2, s8, v5;
	s9 =	sshra.s32 s21, $0x1F;
	s7 =	sadd.s32 s7, s23;
	v46 =	vmov s22;
	s22 =	sshra.s32 s2, $0x12;
	v4 =	vsel vm11, s4, v4  }
0xcf: {  	s8 =	smulhi.u32 $0x431BDE83, s25;
	s12 =	sshrl.u32 s2, $0x1F;
	v6 =	vnsel vm4, $0x0, v46;
	s2 =	sshra.s32 s2, $0x1F;
	vm11 =	vcmask $0xF0C;
	v4 =	vsel vm0, s22, v4  }
0xd0: {  	s29 =	sshrl.u32 s20, $0x1F;
	v6 =	vsel vm0, s12, v6;
	s22 =	sshra.s32 s25, $0x1F;
	s25 =	sshra.s32 s20, $0x12;
	v4 =	vsel vm11, s2, v4  }
0xd1: {  	s28 =	sshrl.u32 s15, $0x1F;
	s4 =	smulhi.u32 $0x431BDE83, s21;
	s21 =	sshrl.u32 s7, $0x1F;
	v6 =	vsel vm1, s29, v6;
	v4 =	vsel vm1, s25, v4  }
0xd2: {  	s23 =	sshrl.u32 s17, $0x1F;
	s9 =	smul.u32 $0x431BDE83, s9;
	v7 =	vsel vm1, s28, v7;
	v6 =	vsel vm2, s21, v6;
	s21 =	sshra.s32 s7, $0x12;
	v4 =	vsel vm13, s19, v4  }
0xd3: {  	v49 =	vmov s6;
	v7 =	vsel vm2, s23, v7;
	s14 =	sadd.s32 s18, s14;
	s12 =	smul.u32 $0x431BDE83, s22;
	s22 =	sshra.s32 s7, $0x1F;
	v4 =	vsel vm2, s21, v4  }
0xd4: {  	v48 =	vmov s26;
	v5 =	vcombine.low v7, v5;
	s20 =	sshrl.u32 s14, $0x1F;
	s4 =	sadd.s32 s9, s4;
	s25 =	sshra.s32 s14, $0x12;
	v4 =	vsel vm14, s22, v4  }
0xd5: {  	v7 =	vsel vm0, s1, v48;
	s28 =	sshra.s32 s14, $0x1F;
	s29 =	sshra.s32 s13, $0x12;
	v6 =	vsel vm5, s20, v6;
	s9 =	sshrl.u32 s4, $0x1F;
	v4 =	vsel vm5, s25, v4  }
0xd6: {  	s11 =	sshra.s32 s15, $0x12;
	s13 =	sshra.s32 s31, $0x12;
	v8 =	vsel vm0, s29, v49;
	v6 =	vsel vm6, s9, v6;
	s9 =	sshra.s32 s4, $0x12;
	v4 =	vsel vm15, s28, v4  }
0xd7: {  	v7 =	vsel vm1, s0, v7;
	v8 =	vsel vm1, s11, v8;
	s14 =	sshra.s32 s17, $0x12;
	s8 =	sadd.s32 s12, s8;
	s12 =	sshra.s32 s4, $0x1F;
	v4 =	vsel vm6, s9, v4  }
0xd8: {  	v7 =	vsel vm2, s13, v7;
	v8 =	vsel vm2, s14, v8;
	s15 =	sshra.s32 s8, $0x12;
	v4 =	vsel vm12, s12, v4  }
0xd9: {  	s23 =	sshrl.u32 s8, $0x1F;
	s17 =	sshra.s32 s8, $0x1F;
	v7 =	vcombine.low v8, v7;
	v4 =	vsel vm7, s15, v4  }
0xda: {  	s16 =	sshrl.u32 s5, $0x1F;
	s18 =	sshra.s32 s5, $0x12;
	v5 =	vperm.xlane v5, v1;
	v6 =	vsel vm7, s23, v6;
	v4 =	vsel vm3, s17, v4  }
0xdb: {  	v6 =	vsel vm10, s16, v6;
	v7 =	vperm.xlane v7, v1;
	v4 =	vsel vm10, s18, v4  }
0xdc: {  	v6 =	vperm.xlane v6, v2;
	v4 =	vperm.xlane v4, v2;
	_ =	sdelay $0x1  }
0xdd: {  	v5 =	vsel vm8, v6, v5;
	v4 =	vsel vm8, v4, v7  }
0xde: {  	v4 =	vadd.s32 v5, v4  }
0xdf: {  	v4 =	vmul.u32 $0xF4240, v4;
	_ =	sdelay $0x1  }
0xe0: {  	v3 =	vsub.s32 v3, v4  }
0xe1: {  	vm9 =	vlt.s32 v3, $0x0;
	v4 =	vadd.s32 $0xF4240, v3  }
0xe2: {  	v3 =	vsel vm9, v4, v3  }
0xe3: {  	s19 =	rddreg [dreg:$0x9];
	[tilespmem:s30+$0x3420] =	vst v3  }
0xe4: {  	v3 =	vld [tilespmem:s19+$0xFFFFFFD0]  }
0xe5: {  	s20 =	rddreg [dreg:$0x9]  }
0xe6: {  	v50 =	vld [tilespmem:s20+$0xFFFFFFD1];
	_ =	sdelay $0x2  }
0xe7: {  	v3 =	vmul.u32 $0x420, v3;
	_ =	sdelay $0x1  }
0xe8: {  	v3 =	vadd.s32 v50, v3  }
0xe9: {  	(v2sf) =	vpush v3, $0xD;
	_ =	sdelay $0x1  }
0xea: {  	(v2sf) =	vpush v3, $0xC;
	_ =	sdelay $0x1  }
0xeb: {  	(v2sf) =	vpush v3, $0xE;
	_ =	sdelay $0x1  }
0xec: {  	(v2sf) =	vpush v3, $0xF;
	_ =	sdelay $0x1  }
0xed: {  	(v2sf) =	vpush v3, $0x9;
	_ =	sdelay $0x1  }
0xee: {  	(v2sf) =	vpush v3, $0x8;
	_ =	sdelay $0x1  }
0xef: {  	(v2sf) =	vpush v3, $0xA;
	_ =	sdelay $0x1  }
0xf0: {  	(v2sf) =	vpush v3, $0xB  }
0xf1: {  	s21 =	spop (v2sf)  }
0xf2: {  	(v2sf) =	vpush v3, $0x0;
	s22 =	smulhi.u32 $0x431BDE83, s21;
	s0 =	sshra.s32 s21, $0x1F  }
0xf3: {  	s23 =	spop (v2sf);
	s0 =	smul.u32 $0x431BDE83, s0  }
0xf4: {  	(v2sf) =	vpush v3, $0x1;
	s25 =	smulhi.u32 $0x431BDE83, s23;
	s2 =	sshra.s32 s23, $0x1F  }
0xf5: {  	(v2sf) =	vpush v3, $0x2;
	s26 =	spop (v2sf);
	s2 =	smul.u32 $0x431BDE83, s2  }
0xf6: {  	(v2sf) =	vpush v3, $0x3;
	s28 =	smulhi.u32 $0x431BDE83, s26;
	s5 =	sshra.s32 s26, $0x1F  }
0xf7: {  	(v2sf) =	vpush v3, $0x4;
	s29 =	spop (v2sf);
	s5 =	smul.u32 $0x431BDE83, s5  }
0xf8: {  	(v2sf) =	vpush v3, $0x5;
	s31 =	smulhi.u32 $0x431BDE83, s29;
	s7 =	sshra.s32 s29, $0x1F  }
0xf9: {  	(v2sf) =	vpush v3, $0x6;
	s12 =	spop (v2sf);
	s7 =	smul.u32 $0x431BDE83, s7  }
0xfa: {  	(v2sf) =	vpush v3, $0x7;
	s13 =	smulhi.u32 $0x431BDE83, s12;
	s9 =	sshra.s32 s12, $0x1F  }
0xfb: {  	s1 =	sadd.s32 s0, s22;
	s19 =	spop (v2sf);
	s14 =	smul.u32 $0x431BDE83, s9  }
0xfc: {  	s11 =	sadd.s32 s2, s25;
	s20 =	smulhi.u32 $0x431BDE83, s19;
	s0 =	sshra.s32 s19, $0x1F  }
0xfd: {  	s9 =	sshrl.u32 s1, $0x1F;
	s23 =	spop (v2sf);
	s21 =	smul.u32 $0x431BDE83, s0  }
0xfe: {  	s4 =	sshrl.u32 s11, $0x1F;
	s15 =	smulhi.u32 $0x431BDE83, s23;
	s25 =	sshra.s32 s23, $0x1F  }
0xff: {  	s0 =	sadd.s32 s5, s28;
	s26 =	spop (v2sf);
	s5 =	smul.u32 $0x431BDE83, s25  }
0x100: {  	s1 =	sshra.s32 s1, $0x12;
	s17 =	smulhi.u32 $0x431BDE83, s26;
	s6 =	sshra.s32 s26, $0x1F  }
0x101: {  	s31 =	sadd.s32 s7, s31;
	s28 =	spop (v2sf);
	s7 =	smul.u32 $0x431BDE83, s6  }
0x102: {  	s16 =	sshrl.u32 s0, $0x1F;
	s18 =	smulhi.u32 $0x431BDE83, s28;
	s6 =	sshra.s32 s28, $0x1F  }
0x103: {  	s8 =	sshrl.u32 s31, $0x1F;
	s22 =	spop (v2sf);
	s29 =	smul.u32 $0x431BDE83, s6  }
0x104: {  	s13 =	sadd.s32 s14, s13;
	s19 =	smulhi.u32 $0x431BDE83, s22;
	s25 =	spop (v2sf)  }
0x105: {  	s23 =	sshra.s32 s22, $0x1F;
	s6 =	sadd.s32 s21, s20;
	s26 =	spop (v2sf)  }
0x106: {  	s2 =	smul.u32 $0x431BDE83, s23;
	s21 =	sshra.s32 s25, $0x1F;
	s22 =	spop (v2sf)  }
0x107: {  	s15 =	sadd.s32 s5, s15;
	s5 =	smul.u32 $0x431BDE83, s21;
	s21 =	spop (v2sf)  }
0x108: {  	s20 =	smulhi.u32 $0x431BDE83, s25;
	s14 =	sshra.s32 s26, $0x1F;
	s25 =	spop (v2sf)  }
0x109: {  	s17 =	sadd.s32 s7, s17;
	s7 =	smul.u32 $0x431BDE83, s14;
	s28 =	spop (v2sf)  }
0x10a: {  	s12 =	sadd.s32 s29, s18;
	s29 =	smulhi.u32 $0x431BDE83, s28;
	s14 =	sshra.s32 s28, $0x1F  }
0x10b: {  	s0 =	sshra.s32 s0, $0x12;
	s2 =	sadd.s32 s2, s19;
	s14 =	smul.u32 $0x431BDE83, s14  }
0x10c: {  	v52 =	vmov s4;
	s19 =	sshrl.u32 s6, $0x1F;
	s4 =	sshra.s32 s12, $0x1F;
	s20 =	sadd.s32 s5, s20  }
0x10d: {  	s6 =	sshra.s32 s6, $0x12;
	v54 =	vmov s19;
	s19 =	sshra.s32 s20, $0x1F;
	s5 =	sadd.s32 s14, s29  }
0x10e: {  	s23 =	smulhi.u32 $0x431BDE83, s26;
	s18 =	sshra.s32 s22, $0x1F;
	s29 =	sshra.s32 s5, $0x1F  }
0x10f: {  	vm9 =	vcmask $0x704;
	s26 =	sshrl.u32 s13, $0x1F;
	s18 =	smul.u32 $0x431BDE83, s18;
	v51 =	vmov s29;
	s29 =	sshra.s32 s12, $0x12  }
0x110: {  	v5 =	vsel vm0, s9, v52;
	v7 =	vsel vm0, s26, v54;
	s26 =	sshra.s32 s11, $0x12;
	s14 =	smulhi.u32 $0x431BDE83, s22;
	s22 =	sshrl.u32 s12, $0x1F;
	v4 =	vsel vm4, s29, v51  }
0x111: {  	v5 =	vsel vm1, s16, v5;
	s9 =	sshra.s32 s21, $0x1F;
	s7 =	sadd.s32 s7, s23;
	v53 =	vmov s22;
	s22 =	sshra.s32 s2, $0x12;
	v4 =	vsel vm9, s4, v4  }
0x112: {  	v5 =	vsel vm2, s8, v5;
	s8 =	smulhi.u32 $0x431BDE83, s25;
	s12 =	sshrl.u32 s2, $0x1F;
	v6 =	vnsel vm4, $0x0, v53;
	s2 =	sshra.s32 s2, $0x1F;
	v4 =	vsel vm0, s22, v4  }
0x113: {  	s29 =	sshrl.u32 s20, $0x1F;
	v6 =	vsel vm0, s12, v6;
	s22 =	sshra.s32 s25, $0x1F;
	s25 =	sshra.s32 s20, $0x12;
	v4 =	vsel vm11, s2, v4  }
0x114: {  	s28 =	sshrl.u32 s15, $0x1F;
	s4 =	smulhi.u32 $0x431BDE83, s21;
	s21 =	sshrl.u32 s7, $0x1F;
	v6 =	vsel vm1, s29, v6;
	v4 =	vsel vm1, s25, v4  }
0x115: {  	s23 =	sshrl.u32 s17, $0x1F;
	s9 =	smul.u32 $0x431BDE83, s9;
	v7 =	vsel vm1, s28, v7;
	v6 =	vsel vm2, s21, v6;
	s21 =	sshra.s32 s7, $0x12;
	v4 =	vsel vm13, s19, v4  }
0x116: {  	v56 =	vmov s6;
	v7 =	vsel vm2, s23, v7;
	s14 =	sadd.s32 s18, s14;
	s12 =	smul.u32 $0x431BDE83, s22;
	s22 =	sshra.s32 s7, $0x1F;
	v4 =	vsel vm2, s21, v4  }
0x117: {  	v55 =	vmov s26;
	v5 =	vcombine.low v7, v5;
	s20 =	sshrl.u32 s14, $0x1F;
	s4 =	sadd.s32 s9, s4;
	s25 =	sshra.s32 s14, $0x12;
	v4 =	vsel vm14, s22, v4  }
0x118: {  	v7 =	vsel vm0, s1, v55;
	s28 =	sshra.s32 s14, $0x1F;
	s29 =	sshra.s32 s13, $0x12;
	v6 =	vsel vm5, s20, v6;
	s9 =	sshrl.u32 s4, $0x1F;
	v4 =	vsel vm5, s25, v4  }
0x119: {  	s11 =	sshra.s32 s15, $0x12;
	s13 =	sshra.s32 s31, $0x12;
	v8 =	vsel vm0, s29, v56;
	v6 =	vsel vm6, s9, v6;
	s9 =	sshra.s32 s4, $0x12;
	v4 =	vsel vm15, s28, v4  }
0x11a: {  	v7 =	vsel vm1, s0, v7;
	v8 =	vsel vm1, s11, v8;
	s14 =	sshra.s32 s17, $0x12;
	s8 =	sadd.s32 s12, s8;
	s12 =	sshra.s32 s4, $0x1F;
	v4 =	vsel vm6, s9, v4  }
0x11b: {  	v7 =	vsel vm2, s13, v7;
	v8 =	vsel vm2, s14, v8;
	s15 =	sshra.s32 s8, $0x12;
	v4 =	vsel vm12, s12, v4  }
0x11c: {  	s23 =	sshrl.u32 s8, $0x1F;
	s17 =	sshra.s32 s8, $0x1F;
	v7 =	vcombine.low v8, v7;
	v4 =	vsel vm7, s15, v4  }
0x11d: {  	s16 =	sshrl.u32 s5, $0x1F;
	s18 =	sshra.s32 s5, $0x12;
	v5 =	vperm.xlane v5, v1;
	v6 =	vsel vm7, s23, v6;
	v4 =	vsel vm3, s17, v4  }
0x11e: {  	v6 =	vsel vm10, s16, v6;
	v7 =	vperm.xlane v7, v1;
	v4 =	vsel vm10, s18, v4  }
0x11f: {  	v6 =	vperm.xlane v6, v2;
	v4 =	vperm.xlane v4, v2;
	_ =	sdelay $0x1  }
0x120: {  	v5 =	vsel vm8, v6, v5;
	v4 =	vsel vm8, v4, v7  }
0x121: {  	v4 =	vadd.s32 v5, v4  }
0x122: {  	v4 =	vmul.u32 $0xF4240, v4;
	_ =	sdelay $0x1  }
0x123: {  	v3 =	vsub.s32 v3, v4  }
0x124: {  	vm9 =	vlt.s32 v3, $0x0;
	v4 =	vadd.s32 $0xF4240, v3  }
0x125: {  	v3 =	vsel vm9, v4, v3  }
0x126: {  	s19 =	rddreg [dreg:$0x9];
	[tilespmem:s30+$0x3430] =	vst v3  }
0x127: {  	v3 =	vld [tilespmem:s19+$0xFFFFFFE0]  }
0x128: {  	s20 =	rddreg [dreg:$0x9]  }
0x129: {  	v57 =	vld [tilespmem:s20+$0xFFFFFFE1];
	_ =	sdelay $0x2  }
0x12a: {  	v3 =	vmul.u32 $0x420, v3;
	_ =	sdelay $0x1  }
0x12b: {  	v3 =	vadd.s32 v57, v3  }
0x12c: {  	(v2sf) =	vpush v3, $0xD;
	_ =	sdelay $0x1  }
0x12d: {  	(v2sf) =	vpush v3, $0xC;
	_ =	sdelay $0x1  }
0x12e: {  	(v2sf) =	vpush v3, $0xE;
	_ =	sdelay $0x1  }
0x12f: {  	(v2sf) =	vpush v3, $0xF;
	_ =	sdelay $0x1  }
0x130: {  	(v2sf) =	vpush v3, $0x9;
	_ =	sdelay $0x1  }
0x131: {  	(v2sf) =	vpush v3, $0x8;
	_ =	sdelay $0x1  }
0x132: {  	(v2sf) =	vpush v3, $0xA;
	_ =	sdelay $0x1  }
0x133: {  	(v2sf) =	vpush v3, $0xB  }
0x134: {  	s21 =	spop (v2sf)  }
0x135: {  	(v2sf) =	vpush v3, $0x0;
	s22 =	smulhi.u32 $0x431BDE83, s21;
	s0 =	sshra.s32 s21, $0x1F  }
0x136: {  	s23 =	spop (v2sf);
	s0 =	smul.u32 $0x431BDE83, s0  }
0x137: {  	(v2sf) =	vpush v3, $0x1;
	s25 =	smulhi.u32 $0x431BDE83, s23;
	s2 =	sshra.s32 s23, $0x1F  }
0x138: {  	(v2sf) =	vpush v3, $0x2;
	s26 =	spop (v2sf);
	s2 =	smul.u32 $0x431BDE83, s2  }
0x139: {  	(v2sf) =	vpush v3, $0x3;
	s28 =	smulhi.u32 $0x431BDE83, s26;
	s5 =	sshra.s32 s26, $0x1F  }
0x13a: {  	(v2sf) =	vpush v3, $0x4;
	s29 =	spop (v2sf);
	s5 =	smul.u32 $0x431BDE83, s5  }
0x13b: {  	(v2sf) =	vpush v3, $0x5;
	s31 =	smulhi.u32 $0x431BDE83, s29;
	s7 =	sshra.s32 s29, $0x1F  }
0x13c: {  	(v2sf) =	vpush v3, $0x6;
	s12 =	spop (v2sf);
	s7 =	smul.u32 $0x431BDE83, s7  }
0x13d: {  	(v2sf) =	vpush v3, $0x7;
	s13 =	smulhi.u32 $0x431BDE83, s12;
	s9 =	sshra.s32 s12, $0x1F  }
0x13e: {  	s1 =	sadd.s32 s0, s22;
	s19 =	spop (v2sf);
	s14 =	smul.u32 $0x431BDE83, s9  }
0x13f: {  	s11 =	sadd.s32 s2, s25;
	s20 =	smulhi.u32 $0x431BDE83, s19;
	s0 =	sshra.s32 s19, $0x1F  }
0x140: {  	s9 =	sshrl.u32 s1, $0x1F;
	s23 =	spop (v2sf);
	s21 =	smul.u32 $0x431BDE83, s0  }
0x141: {  	s4 =	sshrl.u32 s11, $0x1F;
	s15 =	smulhi.u32 $0x431BDE83, s23;
	s25 =	sshra.s32 s23, $0x1F  }
0x142: {  	s0 =	sadd.s32 s5, s28;
	s26 =	spop (v2sf);
	s5 =	smul.u32 $0x431BDE83, s25  }
0x143: {  	s1 =	sshra.s32 s1, $0x12;
	s17 =	smulhi.u32 $0x431BDE83, s26;
	s6 =	sshra.s32 s26, $0x1F  }
0x144: {  	s31 =	sadd.s32 s7, s31;
	s28 =	spop (v2sf);
	s7 =	smul.u32 $0x431BDE83, s6  }
0x145: {  	s16 =	sshrl.u32 s0, $0x1F;
	s18 =	smulhi.u32 $0x431BDE83, s28;
	s6 =	sshra.s32 s28, $0x1F  }
0x146: {  	s8 =	sshrl.u32 s31, $0x1F;
	s22 =	spop (v2sf);
	s29 =	smul.u32 $0x431BDE83, s6  }
0x147: {  	s13 =	sadd.s32 s14, s13;
	s19 =	smulhi.u32 $0x431BDE83, s22;
	s25 =	spop (v2sf)  }
0x148: {  	s23 =	sshra.s32 s22, $0x1F;
	s6 =	sadd.s32 s21, s20;
	s26 =	spop (v2sf)  }
0x149: {  	s2 =	smul.u32 $0x431BDE83, s23;
	s21 =	sshra.s32 s25, $0x1F;
	s22 =	spop (v2sf)  }
0x14a: {  	s15 =	sadd.s32 s5, s15;
	s5 =	smul.u32 $0x431BDE83, s21;
	s21 =	spop (v2sf)  }
0x14b: {  	s20 =	smulhi.u32 $0x431BDE83, s25;
	s14 =	sshra.s32 s26, $0x1F;
	s25 =	spop (v2sf)  }
0x14c: {  	s17 =	sadd.s32 s7, s17;
	s7 =	smul.u32 $0x431BDE83, s14;
	s28 =	spop (v2sf)  }
0x14d: {  	s12 =	sadd.s32 s29, s18;
	s29 =	smulhi.u32 $0x431BDE83, s28;
	s14 =	sshra.s32 s28, $0x1F  }
0x14e: {  	s0 =	sshra.s32 s0, $0x12;
	s2 =	sadd.s32 s2, s19;
	s14 =	smul.u32 $0x431BDE83, s14  }
0x14f: {  	v59 =	vmov s4;
	s19 =	sshrl.u32 s6, $0x1F;
	s4 =	sshra.s32 s12, $0x1F;
	s20 =	sadd.s32 s5, s20  }
0x150: {  	s6 =	sshra.s32 s6, $0x12;
	v61 =	vmov s19;
	s19 =	sshra.s32 s20, $0x1F;
	s5 =	sadd.s32 s14, s29  }
0x151: {  	s23 =	smulhi.u32 $0x431BDE83, s26;
	s18 =	sshra.s32 s22, $0x1F;
	s29 =	sshra.s32 s5, $0x1F  }
0x152: {  	vm9 =	vcmask $0x704;
	s26 =	sshrl.u32 s13, $0x1F;
	s18 =	smul.u32 $0x431BDE83, s18;
	v58 =	vmov s29;
	s29 =	sshra.s32 s12, $0x12  }
0x153: {  	v5 =	vsel vm0, s9, v59;
	v7 =	vsel vm0, s26, v61;
	s26 =	sshra.s32 s11, $0x12;
	s14 =	smulhi.u32 $0x431BDE83, s22;
	s22 =	sshrl.u32 s12, $0x1F;
	v4 =	vsel vm4, s29, v58  }
0x154: {  	v5 =	vsel vm1, s16, v5;
	s9 =	sshra.s32 s21, $0x1F;
	s7 =	sadd.s32 s7, s23;
	v60 =	vmov s22;
	s22 =	sshra.s32 s2, $0x12;
	v4 =	vsel vm9, s4, v4  }
0x155: {  	v5 =	vsel vm2, s8, v5;
	s8 =	smulhi.u32 $0x431BDE83, s25;
	s12 =	sshrl.u32 s2, $0x1F;
	v6 =	vnsel vm4, $0x0, v60;
	s2 =	sshra.s32 s2, $0x1F;
	v4 =	vsel vm0, s22, v4  }
0x156: {  	s29 =	sshrl.u32 s20, $0x1F;
	v6 =	vsel vm0, s12, v6;
	s22 =	sshra.s32 s25, $0x1F;
	s25 =	sshra.s32 s20, $0x12;
	v4 =	vsel vm11, s2, v4  }
0x157: {  	s28 =	sshrl.u32 s15, $0x1F;
	s4 =	smulhi.u32 $0x431BDE83, s21;
	s21 =	sshrl.u32 s7, $0x1F;
	v6 =	vsel vm1, s29, v6;
	v4 =	vsel vm1, s25, v4  }
0x158: {  	s23 =	sshrl.u32 s17, $0x1F;
	s9 =	smul.u32 $0x431BDE83, s9;
	v7 =	vsel vm1, s28, v7;
	v6 =	vsel vm2, s21, v6;
	s21 =	sshra.s32 s7, $0x12;
	v4 =	vsel vm13, s19, v4  }
0x159: {  	v63 =	vmov s6;
	v7 =	vsel vm2, s23, v7;
	s14 =	sadd.s32 s18, s14;
	s12 =	smul.u32 $0x431BDE83, s22;
	s22 =	sshra.s32 s7, $0x1F;
	v4 =	vsel vm2, s21, v4  }
0x15a: {  	v62 =	vmov s26;
	v5 =	vcombine.low v7, v5;
	s20 =	sshrl.u32 s14, $0x1F;
	s4 =	sadd.s32 s9, s4;
	s25 =	sshra.s32 s14, $0x12;
	v4 =	vsel vm14, s22, v4  }
0x15b: {  	v7 =	vsel vm0, s1, v62;
	s28 =	sshra.s32 s14, $0x1F;
	s29 =	sshra.s32 s13, $0x12;
	v6 =	vsel vm5, s20, v6;
	s9 =	sshrl.u32 s4, $0x1F;
	v4 =	vsel vm5, s25, v4  }
0x15c: {  	s11 =	sshra.s32 s15, $0x12;
	s13 =	sshra.s32 s31, $0x12;
	v8 =	vsel vm0, s29, v63;
	v6 =	vsel vm6, s9, v6;
	s9 =	sshra.s32 s4, $0x12;
	v4 =	vsel vm15, s28, v4  }
0x15d: {  	v7 =	vsel vm1, s0, v7;
	v8 =	vsel vm1, s11, v8;
	s14 =	sshra.s32 s17, $0x12;
	s8 =	sadd.s32 s12, s8;
	s12 =	sshra.s32 s4, $0x1F;
	v4 =	vsel vm6, s9, v4  }
0x15e: {  	v7 =	vsel vm2, s13, v7;
	v8 =	vsel vm2, s14, v8;
	s15 =	sshra.s32 s8, $0x12;
	v4 =	vsel vm12, s12, v4  }
0x15f: {  	s23 =	sshrl.u32 s8, $0x1F;
	s17 =	sshra.s32 s8, $0x1F;
	v7 =	vcombine.low v8, v7;
	v4 =	vsel vm7, s15, v4  }
0x160: {  	s16 =	sshrl.u32 s5, $0x1F;
	s18 =	sshra.s32 s5, $0x12;
	v5 =	vperm.xlane v5, v1;
	v6 =	vsel vm7, s23, v6;
	v4 =	vsel vm3, s17, v4  }
0x161: {  	v6 =	vsel vm10, s16, v6;
	v7 =	vperm.xlane v7, v1;
	v4 =	vsel vm10, s18, v4  }
0x162: {  	v6 =	vperm.xlane v6, v2;
	v4 =	vperm.xlane v4, v2;
	_ =	sdelay $0x1  }
0x163: {  	v5 =	vsel vm8, v6, v5;
	v4 =	vsel vm8, v4, v7  }
0x164: {  	v4 =	vadd.s32 v5, v4  }
0x165: {  	v4 =	vmul.u32 $0xF4240, v4;
	_ =	sdelay $0x1  }
0x166: {  	v3 =	vsub.s32 v3, v4  }
0x167: {  	vm9 =	vlt.s32 v3, $0x0;
	v4 =	vadd.s32 $0xF4240, v3  }
0x168: {  	v3 =	vsel vm9, v4, v3  }
0x169: {  	s19 =	rddreg [dreg:$0x9];
	[tilespmem:s30+$0x3440] =	vst v3  }
0x16a: {  	v3 =	vld [tilespmem:s19+$0xFFFFFFF0]  }
0x16b: {  	s20 =	rddreg [dreg:$0x9]  }
0x16c: {  	v8 =	vld [tilespmem:s20+$0xFFFFFFF1];
	_ =	sdelay $0x2  }
0x16d: {  	v3 =	vmul.u32 $0x420, v3;
	_ =	sdelay $0x1  }
0x16e: {  	v3 =	vadd.s32 v8, v3  }
0x16f: {  	(v2sf) =	vpush v3, $0xD;
	_ =	sdelay $0x1  }
0x170: {  	(v2sf) =	vpush v3, $0xC;
	_ =	sdelay $0x1  }
0x171: {  	(v2sf) =	vpush v3, $0xE;
	_ =	sdelay $0x1  }
0x172: {  	(v2sf) =	vpush v3, $0xF;
	_ =	sdelay $0x1  }
0x173: {  	(v2sf) =	vpush v3, $0x9;
	_ =	sdelay $0x1  }
0x174: {  	(v2sf) =	vpush v3, $0x8;
	_ =	sdelay $0x1  }
0x175: {  	(v2sf) =	vpush v3, $0xA;
	_ =	sdelay $0x1  }
0x176: {  	(v2sf) =	vpush v3, $0xB  }
0x177: {  	s21 =	spop (v2sf)  }
0x178: {  	(v2sf) =	vpush v3, $0x0;
	s22 =	smulhi.u32 $0x431BDE83, s21;
	s0 =	sshra.s32 s21, $0x1F  }
0x179: {  	s23 =	spop (v2sf);
	s0 =	smul.u32 $0x431BDE83, s0  }
0x17a: {  	(v2sf) =	vpush v3, $0x1;
	s25 =	smulhi.u32 $0x431BDE83, s23;
	s2 =	sshra.s32 s23, $0x1F  }
0x17b: {  	(v2sf) =	vpush v3, $0x2;
	s26 =	spop (v2sf);
	s2 =	smul.u32 $0x431BDE83, s2  }
0x17c: {  	(v2sf) =	vpush v3, $0x3;
	s28 =	smulhi.u32 $0x431BDE83, s26;
	s5 =	sshra.s32 s26, $0x1F  }
0x17d: {  	(v2sf) =	vpush v3, $0x4;
	s29 =	spop (v2sf);
	s5 =	smul.u32 $0x431BDE83, s5  }
0x17e: {  	(v2sf) =	vpush v3, $0x5;
	s31 =	smulhi.u32 $0x431BDE83, s29;
	s7 =	sshra.s32 s29, $0x1F  }
0x17f: {  	(v2sf) =	vpush v3, $0x6;
	s12 =	spop (v2sf);
	s7 =	smul.u32 $0x431BDE83, s7  }
0x180: {  	(v2sf) =	vpush v3, $0x7;
	s13 =	smulhi.u32 $0x431BDE83, s12;
	s9 =	sshra.s32 s12, $0x1F  }
0x181: {  	s1 =	sadd.s32 s0, s22;
	s19 =	spop (v2sf);
	s14 =	smul.u32 $0x431BDE83, s9  }
0x182: {  	s11 =	sadd.s32 s2, s25;
	s20 =	smulhi.u32 $0x431BDE83, s19;
	s0 =	sshra.s32 s19, $0x1F  }
0x183: {  	s9 =	sshrl.u32 s1, $0x1F;
	s23 =	spop (v2sf);
	s21 =	smul.u32 $0x431BDE83, s0  }
0x184: {  	s4 =	sshrl.u32 s11, $0x1F;
	s15 =	smulhi.u32 $0x431BDE83, s23;
	s25 =	sshra.s32 s23, $0x1F  }
0x185: {  	s0 =	sadd.s32 s5, s28;
	s26 =	spop (v2sf);
	s5 =	smul.u32 $0x431BDE83, s25  }
0x186: {  	s1 =	sshra.s32 s1, $0x12;
	s17 =	smulhi.u32 $0x431BDE83, s26;
	s6 =	sshra.s32 s26, $0x1F  }
0x187: {  	s31 =	sadd.s32 s7, s31;
	s28 =	spop (v2sf);
	s7 =	smul.u32 $0x431BDE83, s6  }
0x188: {  	s16 =	sshrl.u32 s0, $0x1F;
	s18 =	smulhi.u32 $0x431BDE83, s28;
	s6 =	sshra.s32 s28, $0x1F  }
0x189: {  	s8 =	sshrl.u32 s31, $0x1F;
	s22 =	spop (v2sf);
	s29 =	smul.u32 $0x431BDE83, s6  }
0x18a: {  	s13 =	sadd.s32 s14, s13;
	s19 =	smulhi.u32 $0x431BDE83, s22;
	s25 =	spop (v2sf)  }
0x18b: {  	s23 =	sshra.s32 s22, $0x1F;
	s6 =	sadd.s32 s21, s20;
	s26 =	spop (v2sf)  }
0x18c: {  	s2 =	smul.u32 $0x431BDE83, s23;
	s21 =	sshra.s32 s25, $0x1F;
	s22 =	spop (v2sf)  }
0x18d: {  	s15 =	sadd.s32 s5, s15;
	s5 =	smul.u32 $0x431BDE83, s21;
	s21 =	spop (v2sf)  }
0x18e: {  	s20 =	smulhi.u32 $0x431BDE83, s25;
	s14 =	sshra.s32 s26, $0x1F;
	s25 =	spop (v2sf)  }
0x18f: {  	s17 =	sadd.s32 s7, s17;
	s7 =	smul.u32 $0x431BDE83, s14;
	s28 =	spop (v2sf)  }
0x190: {  	s12 =	sadd.s32 s29, s18;
	s29 =	smulhi.u32 $0x431BDE83, s28;
	s14 =	sshra.s32 s28, $0x1F  }
0x191: {  	s0 =	sshra.s32 s0, $0x12;
	s2 =	sadd.s32 s2, s19;
	s14 =	smul.u32 $0x431BDE83, s14  }
0x192: {  	v10 =	vmov s4;
	s19 =	sshrl.u32 s6, $0x1F;
	s4 =	sshra.s32 s12, $0x1F;
	s20 =	sadd.s32 s5, s20  }
0x193: {  	s6 =	sshra.s32 s6, $0x12;
	v12 =	vmov s19;
	s19 =	sshra.s32 s20, $0x1F;
	s5 =	sadd.s32 s14, s29  }
0x194: {  	s23 =	smulhi.u32 $0x431BDE83, s26;
	s18 =	sshra.s32 s22, $0x1F;
	s29 =	sshra.s32 s5, $0x1F  }
0x195: {  	vm3 =	vcmask $0x704;
	s26 =	sshrl.u32 s13, $0x1F;
	s18 =	smul.u32 $0x431BDE83, s18;
	v9 =	vmov s29;
	s29 =	sshra.s32 s12, $0x12  }
0x196: {  	v5 =	vsel vm0, s9, v10;
	v7 =	vsel vm0, s26, v12;
	s26 =	sshra.s32 s11, $0x12;
	s14 =	smulhi.u32 $0x431BDE83, s22;
	s22 =	sshrl.u32 s12, $0x1F;
	v4 =	vsel vm4, s29, v9  }
0x197: {  	v5 =	vsel vm1, s16, v5;
	s9 =	sshra.s32 s21, $0x1F;
	s7 =	sadd.s32 s7, s23;
	v11 =	vmov s22;
	s22 =	sshra.s32 s2, $0x12;
	v4 =	vsel vm3, s4, v4  }
0x198: {  	v5 =	vsel vm2, s8, v5;
	s8 =	smulhi.u32 $0x431BDE83, s25;
	s12 =	sshrl.u32 s2, $0x1F;
	v6 =	vnsel vm4, $0x0, v11;
	s2 =	sshra.s32 s2, $0x1F;
	v4 =	vsel vm0, s22, v4  }
0x199: {  	s29 =	sshrl.u32 s20, $0x1F;
	v6 =	vsel vm0, s12, v6;
	s22 =	sshra.s32 s25, $0x1F;
	s25 =	sshra.s32 s20, $0x12;
	v4 =	vsel vm11, s2, v4  }
0x19a: {  	s28 =	sshrl.u32 s15, $0x1F;
	s4 =	smulhi.u32 $0x431BDE83, s21;
	s21 =	sshrl.u32 s7, $0x1F;
	v6 =	vsel vm1, s29, v6;
	v4 =	vsel vm1, s25, v4  }
0x19b: {  	s23 =	sshrl.u32 s17, $0x1F;
	s9 =	smul.u32 $0x431BDE83, s9;
	v7 =	vsel vm1, s28, v7;
	v6 =	vsel vm2, s21, v6;
	s21 =	sshra.s32 s7, $0x12;
	v4 =	vsel vm13, s19, v4  }
0x19c: {  	v14 =	vmov s6;
	v7 =	vsel vm2, s23, v7;
	s14 =	sadd.s32 s18, s14;
	s12 =	smul.u32 $0x431BDE83, s22;
	s22 =	sshra.s32 s7, $0x1F;
	v4 =	vsel vm2, s21, v4  }
0x19d: {  	v13 =	vmov s26;
	v5 =	vcombine.low v7, v5;
	s20 =	sshrl.u32 s14, $0x1F;
	s4 =	sadd.s32 s9, s4;
	s25 =	sshra.s32 s14, $0x12;
	v4 =	vsel vm14, s22, v4  }
0x19e: {  	v7 =	vsel vm0, s1, v13;
	s28 =	sshra.s32 s14, $0x1F;
	s29 =	sshra.s32 s13, $0x12;
	v6 =	vsel vm5, s20, v6;
	s9 =	sshrl.u32 s4, $0x1F;
	v4 =	vsel vm5, s25, v4  }
0x19f: {  	s11 =	sshra.s32 s15, $0x12;
	s13 =	sshra.s32 s31, $0x12;
	v8 =	vsel vm0, s29, v14;
	v6 =	vsel vm6, s9, v6;
	s9 =	sshra.s32 s4, $0x12;
	v4 =	vsel vm15, s28, v4  }
0x1a0: {  	v7 =	vsel vm1, s0, v7;
	v8 =	vsel vm1, s11, v8;
	s14 =	sshra.s32 s17, $0x12;
	s8 =	sadd.s32 s12, s8;
	s12 =	sshra.s32 s4, $0x1F;
	v4 =	vsel vm6, s9, v4  }
0x1a1: {  	v7 =	vsel vm2, s13, v7;
	v8 =	vsel vm2, s14, v8;
	s15 =	sshra.s32 s8, $0x12;
	v4 =	vsel vm12, s12, v4  }
0x1a2: {  	vm9 =	vcmask $0x3734;
	s23 =	sshrl.u32 s8, $0x1F;
	s17 =	sshra.s32 s8, $0x1F;
	v7 =	vcombine.low v8, v7;
	v4 =	vsel vm7, s15, v4  }
0x1a3: {  	s16 =	sshrl.u32 s5, $0x1F;
	s18 =	sshra.s32 s5, $0x12;
	v5 =	vperm.xlane v5, v1;
	v6 =	vsel vm7, s23, v6;
	v4 =	vsel vm9, s17, v4  }
0x1a4: {  	v6 =	vsel vm10, s16, v6;
	v7 =	vperm.xlane v7, v1;
	v4 =	vsel vm10, s18, v4  }
0x1a5: {  	v6 =	vperm.xlane v6, v2;
	v4 =	vperm.xlane v4, v2;
	_ =	sdelay $0x1  }
0x1a6: {  	v5 =	vsel vm8, v6, v5;
	v4 =	vsel vm8, v4, v7  }
0x1a7: {  	v4 =	vadd.s32 v5, v4  }
0x1a8: {  	v4 =	vmul.u32 $0xF4240, v4;
	_ =	sdelay $0x1  }
0x1a9: {  	v3 =	vsub.s32 v3, v4  }
0x1aa: {  	vm9 =	vlt.s32 v3, $0x0;
	v4 =	vadd.s32 $0xF4240, v3  }
0x1ab: {  	v3 =	vsel vm9, v4, v3  }
0x1ac: {  	s19 =	rddreg [dreg:$0x9];
	[tilespmem:s30+$0x3450] =	vst v3  }
0x1ad: {  	v3 =	vld [tilespmem:s19+$0x0]  }
0x1ae: {  	s20 =	rddreg [dreg:$0x9]  }
0x1af: {  	v15 =	vld [tilespmem:s20+$0x1];
	_ =	sdelay $0x2  }
0x1b0: {  	v3 =	vmul.u32 $0x420, v3;
	_ =	sdelay $0x1  }
0x1b1: {  	v3 =	vadd.s32 v15, v3  }
0x1b2: {  	(v2sf) =	vpush v3, $0xD;
	_ =	sdelay $0x1  }
0x1b3: {  	(v2sf) =	vpush v3, $0xC;
	_ =	sdelay $0x1  }
0x1b4: {  	(v2sf) =	vpush v3, $0xE;
	_ =	sdelay $0x1  }
0x1b5: {  	(v2sf) =	vpush v3, $0xF;
	_ =	sdelay $0x1  }
0x1b6: {  	(v2sf) =	vpush v3, $0x9;
	_ =	sdelay $0x1  }
0x1b7: {  	(v2sf) =	vpush v3, $0x8;
	_ =	sdelay $0x1  }
0x1b8: {  	(v2sf) =	vpush v3, $0xA;
	_ =	sdelay $0x1  }
0x1b9: {  	(v2sf) =	vpush v3, $0xB  }
0x1ba: {  	s21 =	spop (v2sf)  }
0x1bb: {  	(v2sf) =	vpush v3, $0x0;
	s22 =	smulhi.u32 $0x431BDE83, s21;
	s0 =	sshra.s32 s21, $0x1F  }
0x1bc: {  	s23 =	spop (v2sf);
	s0 =	smul.u32 $0x431BDE83, s0  }
0x1bd: {  	(v2sf) =	vpush v3, $0x1;
	s25 =	smulhi.u32 $0x431BDE83, s23;
	s2 =	sshra.s32 s23, $0x1F  }
0x1be: {  	(v2sf) =	vpush v3, $0x2;
	s26 =	spop (v2sf);
	s2 =	smul.u32 $0x431BDE83, s2  }
0x1bf: {  	(v2sf) =	vpush v3, $0x3;
	s28 =	smulhi.u32 $0x431BDE83, s26;
	s5 =	sshra.s32 s26, $0x1F  }
0x1c0: {  	(v2sf) =	vpush v3, $0x4;
	s29 =	spop (v2sf);
	s5 =	smul.u32 $0x431BDE83, s5  }
0x1c1: {  	(v2sf) =	vpush v3, $0x5;
	s31 =	smulhi.u32 $0x431BDE83, s29;
	s7 =	sshra.s32 s29, $0x1F  }
0x1c2: {  	(v2sf) =	vpush v3, $0x6;
	s12 =	spop (v2sf);
	s7 =	smul.u32 $0x431BDE83, s7  }
0x1c3: {  	(v2sf) =	vpush v3, $0x7;
	s13 =	smulhi.u32 $0x431BDE83, s12;
	s9 =	sshra.s32 s12, $0x1F  }
0x1c4: {  	s1 =	sadd.s32 s0, s22;
	s19 =	spop (v2sf);
	s14 =	smul.u32 $0x431BDE83, s9  }
0x1c5: {  	s11 =	sadd.s32 s2, s25;
	s20 =	smulhi.u32 $0x431BDE83, s19;
	s0 =	sshra.s32 s19, $0x1F  }
0x1c6: {  	s9 =	sshrl.u32 s1, $0x1F;
	s23 =	spop (v2sf);
	s21 =	smul.u32 $0x431BDE83, s0  }
0x1c7: {  	s4 =	sshrl.u32 s11, $0x1F;
	s15 =	smulhi.u32 $0x431BDE83, s23;
	s25 =	sshra.s32 s23, $0x1F  }
0x1c8: {  	s0 =	sadd.s32 s5, s28;
	s26 =	spop (v2sf);
	s5 =	smul.u32 $0x431BDE83, s25  }
0x1c9: {  	s1 =	sshra.s32 s1, $0x12;
	s17 =	smulhi.u32 $0x431BDE83, s26;
	s6 =	sshra.s32 s26, $0x1F  }
0x1ca: {  	s31 =	sadd.s32 s7, s31;
	s28 =	spop (v2sf);
	s7 =	smul.u32 $0x431BDE83, s6  }
0x1cb: {  	s16 =	sshrl.u32 s0, $0x1F;
	s18 =	smulhi.u32 $0x431BDE83, s28;
	s6 =	sshra.s32 s28, $0x1F  }
0x1cc: {  	s8 =	sshrl.u32 s31, $0x1F;
	s22 =	spop (v2sf);
	s29 =	smul.u32 $0x431BDE83, s6  }
0x1cd: {  	s13 =	sadd.s32 s14, s13;
	s19 =	smulhi.u32 $0x431BDE83, s22;
	s25 =	spop (v2sf)  }
0x1ce: {  	s23 =	sshra.s32 s22, $0x1F;
	s6 =	sadd.s32 s21, s20;
	s26 =	spop (v2sf)  }
0x1cf: {  	s2 =	smul.u32 $0x431BDE83, s23;
	s21 =	sshra.s32 s25, $0x1F;
	s22 =	spop (v2sf)  }
0x1d0: {  	s15 =	sadd.s32 s5, s15;
	s5 =	smul.u32 $0x431BDE83, s21;
	s21 =	spop (v2sf)  }
0x1d1: {  	s20 =	smulhi.u32 $0x431BDE83, s25;
	s14 =	sshra.s32 s26, $0x1F;
	s25 =	spop (v2sf)  }
0x1d2: {  	s17 =	sadd.s32 s7, s17;
	s7 =	smul.u32 $0x431BDE83, s14;
	s28 =	spop (v2sf)  }
0x1d3: {  	s12 =	sadd.s32 s29, s18;
	s29 =	smulhi.u32 $0x431BDE83, s28;
	s14 =	sshra.s32 s28, $0x1F  }
0x1d4: {  	s0 =	sshra.s32 s0, $0x12;
	s2 =	sadd.s32 s2, s19;
	s14 =	smul.u32 $0x431BDE83, s14  }
0x1d5: {  	v17 =	vmov s4;
	s19 =	sshrl.u32 s6, $0x1F;
	s4 =	sshra.s32 s12, $0x1F;
	s20 =	sadd.s32 s5, s20  }
0x1d6: {  	s6 =	sshra.s32 s6, $0x12;
	v19 =	vmov s19;
	s19 =	sshra.s32 s20, $0x1F;
	s5 =	sadd.s32 s14, s29  }
0x1d7: {  	s23 =	smulhi.u32 $0x431BDE83, s26;
	s18 =	sshra.s32 s22, $0x1F;
	s29 =	sshra.s32 s5, $0x1F  }
0x1d8: {  	s26 =	sshrl.u32 s13, $0x1F;
	s18 =	smul.u32 $0x431BDE83, s18;
	v16 =	vmov s29;
	s29 =	sshra.s32 s12, $0x12  }
0x1d9: {  	v5 =	vsel vm0, s9, v17;
	v7 =	vsel vm0, s26, v19;
	s26 =	sshra.s32 s11, $0x12;
	s14 =	smulhi.u32 $0x431BDE83, s22;
	s22 =	sshrl.u32 s12, $0x1F;
	v4 =	vsel vm4, s29, v16  }
0x1da: {  	v5 =	vsel vm1, s16, v5;
	s9 =	sshra.s32 s21, $0x1F;
	s7 =	sadd.s32 s7, s23;
	v18 =	vmov s22;
	s22 =	sshra.s32 s2, $0x12;
	v4 =	vsel vm3, s4, v4  }
0x1db: {  	v5 =	vsel vm2, s8, v5;
	s8 =	smulhi.u32 $0x431BDE83, s25;
	s12 =	sshrl.u32 s2, $0x1F;
	v6 =	vnsel vm4, $0x0, v18;
	s2 =	sshra.s32 s2, $0x1F;
	v4 =	vsel vm0, s22, v4  }
0x1dc: {  	s29 =	sshrl.u32 s20, $0x1F;
	v6 =	vsel vm0, s12, v6;
	s22 =	sshra.s32 s25, $0x1F;
	s25 =	sshra.s32 s20, $0x12;
	v4 =	vsel vm11, s2, v4  }
0x1dd: {  	s28 =	sshrl.u32 s15, $0x1F;
	s4 =	smulhi.u32 $0x431BDE83, s21;
	s21 =	sshrl.u32 s7, $0x1F;
	v6 =	vsel vm1, s29, v6;
	v4 =	vsel vm1, s25, v4  }
0x1de: {  	s23 =	sshrl.u32 s17, $0x1F;
	s9 =	smul.u32 $0x431BDE83, s9;
	v7 =	vsel vm1, s28, v7;
	v6 =	vsel vm2, s21, v6;
	s21 =	sshra.s32 s7, $0x12;
	v4 =	vsel vm13, s19, v4  }
0x1df: {  	v21 =	vmov s6;
	v7 =	vsel vm2, s23, v7;
	s14 =	sadd.s32 s18, s14;
	s12 =	smul.u32 $0x431BDE83, s22;
	s22 =	sshra.s32 s7, $0x1F;
	v4 =	vsel vm2, s21, v4  }
0x1e0: {  	v20 =	vmov s26;
	v5 =	vcombine.low v7, v5;
	s20 =	sshrl.u32 s14, $0x1F;
	s4 =	sadd.s32 s9, s4;
	s25 =	sshra.s32 s14, $0x12;
	v4 =	vsel vm14, s22, v4  }
0x1e1: {  	v7 =	vsel vm0, s1, v20;
	s28 =	sshra.s32 s14, $0x1F;
	s29 =	sshra.s32 s13, $0x12;
	v6 =	vsel vm5, s20, v6;
	s9 =	sshrl.u32 s4, $0x1F;
	v4 =	vsel vm5, s25, v4  }
0x1e2: {  	s11 =	sshra.s32 s15, $0x12;
	s13 =	sshra.s32 s31, $0x12;
	v8 =	vsel vm0, s29, v21;
	v6 =	vsel vm6, s9, v6;
	s9 =	sshra.s32 s4, $0x12;
	v4 =	vsel vm15, s28, v4  }
0x1e3: {  	v7 =	vsel vm1, s0, v7;
	v8 =	vsel vm1, s11, v8;
	s14 =	sshra.s32 s17, $0x12;
	s8 =	sadd.s32 s12, s8;
	s12 =	sshra.s32 s4, $0x1F;
	v4 =	vsel vm6, s9, v4  }
0x1e4: {  	v7 =	vsel vm2, s13, v7;
	v8 =	vsel vm2, s14, v8;
	s15 =	sshra.s32 s8, $0x12;
	v4 =	vsel vm12, s12, v4  }
0x1e5: {  	vm3 =	vcmask $0x3734;
	s23 =	sshrl.u32 s8, $0x1F;
	s17 =	sshra.s32 s8, $0x1F;
	v7 =	vcombine.low v8, v7;
	v4 =	vsel vm7, s15, v4  }
0x1e6: {  	s16 =	sshrl.u32 s5, $0x1F;
	s18 =	sshra.s32 s5, $0x12;
	v5 =	vperm.xlane v5, v1;
	v6 =	vsel vm7, s23, v6;
	v4 =	vsel vm3, s17, v4  }
0x1e7: {  	v6 =	vsel vm10, s16, v6;
	v7 =	vperm.xlane v7, v1;
	v4 =	vsel vm10, s18, v4  }
0x1e8: {  	v6 =	vperm.xlane v6, v2;
	v4 =	vperm.xlane v4, v2;
	_ =	sdelay $0x1  }
0x1e9: {  	v5 =	vsel vm8, v6, v5;
	v4 =	vsel vm8, v4, v7  }
0x1ea: {  	v4 =	vadd.s32 v5, v4  }
0x1eb: {  	v4 =	vmul.u32 $0xF4240, v4;
	_ =	sdelay $0x1  }
0x1ec: {  	v3 =	vsub.s32 v3, v4  }
0x1ed: {  	vm9 =	vlt.s32 v3, $0x0;
	v4 =	vadd.s32 $0xF4240, v3  }
0x1ee: {  	v3 =	vsel vm9, v4, v3  }
0x1ef: {  	s19 =	rddreg [dreg:$0x9];
	[tilespmem:s30+$0x3460] =	vst v3  }
0x1f0: {  	v3 =	vld [tilespmem:s19+$0x10]  }
0x1f1: {  	s20 =	rddreg [dreg:$0x9]  }
0x1f2: {  	v22 =	vld [tilespmem:s20+$0x11];
	_ =	sdelay $0x2  }
0x1f3: {  	v3 =	vmul.u32 $0x420, v3;
	_ =	sdelay $0x1  }
0x1f4: {  	v3 =	vadd.s32 v22, v3  }
0x1f5: {  	(v2sf) =	vpush v3, $0xD;
	_ =	sdelay $0x1  }
0x1f6: {  	(v2sf) =	vpush v3, $0xC;
	_ =	sdelay $0x1  }
0x1f7: {  	(v2sf) =	vpush v3, $0xE;
	_ =	sdelay $0x1  }
0x1f8: {  	(v2sf) =	vpush v3, $0xF;
	_ =	sdelay $0x1  }
0x1f9: {  	(v2sf) =	vpush v3, $0x9;
	_ =	sdelay $0x1  }
0x1fa: {  	(v2sf) =	vpush v3, $0x8;
	_ =	sdelay $0x1  }
0x1fb: {  	(v2sf) =	vpush v3, $0xA;
	_ =	sdelay $0x1  }
0x1fc: {  	(v2sf) =	vpush v3, $0xB  }
0x1fd: {  	s21 =	spop (v2sf)  }
0x1fe: {  	(v2sf) =	vpush v3, $0x0;
	s22 =	smulhi.u32 $0x431BDE83, s21;
	s0 =	sshra.s32 s21, $0x1F  }
0x1ff: {  	s23 =	spop (v2sf);
	s0 =	smul.u32 $0x431BDE83, s0  }
0x200: {  	(v2sf) =	vpush v3, $0x1;
	s25 =	smulhi.u32 $0x431BDE83, s23;
	s2 =	sshra.s32 s23, $0x1F  }
0x201: {  	(v2sf) =	vpush v3, $0x2;
	s26 =	spop (v2sf);
	s2 =	smul.u32 $0x431BDE83, s2  }
0x202: {  	(v2sf) =	vpush v3, $0x3;
	s28 =	smulhi.u32 $0x431BDE83, s26;
	s5 =	sshra.s32 s26, $0x1F  }
0x203: {  	(v2sf) =	vpush v3, $0x4;
	s29 =	spop (v2sf);
	s5 =	smul.u32 $0x431BDE83, s5  }
0x204: {  	(v2sf) =	vpush v3, $0x5;
	s31 =	smulhi.u32 $0x431BDE83, s29;
	s7 =	sshra.s32 s29, $0x1F  }
0x205: {  	(v2sf) =	vpush v3, $0x6;
	s12 =	spop (v2sf);
	s7 =	smul.u32 $0x431BDE83, s7  }
0x206: {  	(v2sf) =	vpush v3, $0x7;
	s13 =	smulhi.u32 $0x431BDE83, s12;
	s9 =	sshra.s32 s12, $0x1F  }
0x207: {  	s1 =	sadd.s32 s0, s22;
	s19 =	spop (v2sf);
	s14 =	smul.u32 $0x431BDE83, s9  }
0x208: {  	s11 =	sadd.s32 s2, s25;
	s20 =	smulhi.u32 $0x431BDE83, s19;
	s0 =	sshra.s32 s19, $0x1F  }
0x209: {  	s9 =	sshrl.u32 s1, $0x1F;
	s23 =	spop (v2sf);
	s21 =	smul.u32 $0x431BDE83, s0  }
0x20a: {  	s4 =	sshrl.u32 s11, $0x1F;
	s15 =	smulhi.u32 $0x431BDE83, s23;
	s25 =	sshra.s32 s23, $0x1F  }
0x20b: {  	s0 =	sadd.s32 s5, s28;
	s26 =	spop (v2sf);
	s5 =	smul.u32 $0x431BDE83, s25  }
0x20c: {  	s1 =	sshra.s32 s1, $0x12;
	s17 =	smulhi.u32 $0x431BDE83, s26;
	s6 =	sshra.s32 s26, $0x1F  }
0x20d: {  	s31 =	sadd.s32 s7, s31;
	s28 =	spop (v2sf);
	s7 =	smul.u32 $0x431BDE83, s6  }
0x20e: {  	s16 =	sshrl.u32 s0, $0x1F;
	s18 =	smulhi.u32 $0x431BDE83, s28;
	s6 =	sshra.s32 s28, $0x1F  }
0x20f: {  	s8 =	sshrl.u32 s31, $0x1F;
	s22 =	spop (v2sf);
	s29 =	smul.u32 $0x431BDE83, s6  }
0x210: {  	s13 =	sadd.s32 s14, s13;
	s19 =	smulhi.u32 $0x431BDE83, s22;
	s25 =	spop (v2sf)  }
0x211: {  	s23 =	sshra.s32 s22, $0x1F;
	s6 =	sadd.s32 s21, s20;
	s26 =	spop (v2sf)  }
0x212: {  	s2 =	smul.u32 $0x431BDE83, s23;
	s21 =	sshra.s32 s25, $0x1F;
	s22 =	spop (v2sf)  }
0x213: {  	s15 =	sadd.s32 s5, s15;
	s5 =	smul.u32 $0x431BDE83, s21;
	s21 =	spop (v2sf)  }
0x214: {  	s20 =	smulhi.u32 $0x431BDE83, s25;
	s14 =	sshra.s32 s26, $0x1F;
	s25 =	spop (v2sf)  }
0x215: {  	s17 =	sadd.s32 s7, s17;
	s7 =	smul.u32 $0x431BDE83, s14;
	s28 =	spop (v2sf)  }
0x216: {  	s12 =	sadd.s32 s29, s18;
	s29 =	smulhi.u32 $0x431BDE83, s28;
	s14 =	sshra.s32 s28, $0x1F  }
0x217: {  	s0 =	sshra.s32 s0, $0x12;
	s2 =	sadd.s32 s2, s19;
	s14 =	smul.u32 $0x431BDE83, s14  }
0x218: {  	v24 =	vmov s4;
	s19 =	sshrl.u32 s6, $0x1F;
	s4 =	sshra.s32 s12, $0x1F;
	s20 =	sadd.s32 s5, s20  }
0x219: {  	s6 =	sshra.s32 s6, $0x12;
	v26 =	vmov s19;
	s19 =	sshra.s32 s20, $0x1F;
	s5 =	sadd.s32 s14, s29  }
0x21a: {  	s23 =	smulhi.u32 $0x431BDE83, s26;
	s18 =	sshra.s32 s22, $0x1F;
	s29 =	sshra.s32 s5, $0x1F  }
0x21b: {  	vm9 =	vcmask $0x704;
	s26 =	sshrl.u32 s13, $0x1F;
	s18 =	smul.u32 $0x431BDE83, s18;
	v23 =	vmov s29;
	s29 =	sshra.s32 s12, $0x12  }
0x21c: {  	v5 =	vsel vm0, s9, v24;
	v7 =	vsel vm0, s26, v26;
	s26 =	sshra.s32 s11, $0x12;
	s14 =	smulhi.u32 $0x431BDE83, s22;
	s22 =	sshrl.u32 s12, $0x1F;
	v4 =	vsel vm4, s29, v23  }
0x21d: {  	v5 =	vsel vm1, s16, v5;
	s9 =	sshra.s32 s21, $0x1F;
	s7 =	sadd.s32 s7, s23;
	v25 =	vmov s22;
	s22 =	sshra.s32 s2, $0x12;
	v4 =	vsel vm9, s4, v4  }
0x21e: {  	v5 =	vsel vm2, s8, v5;
	s8 =	smulhi.u32 $0x431BDE83, s25;
	s12 =	sshrl.u32 s2, $0x1F;
	v6 =	vnsel vm4, $0x0, v25;
	s2 =	sshra.s32 s2, $0x1F;
	v4 =	vsel vm0, s22, v4  }
0x21f: {  	s29 =	sshrl.u32 s20, $0x1F;
	v6 =	vsel vm0, s12, v6;
	s22 =	sshra.s32 s25, $0x1F;
	s25 =	sshra.s32 s20, $0x12;
	v4 =	vsel vm11, s2, v4  }
0x220: {  	s28 =	sshrl.u32 s15, $0x1F;
	s4 =	smulhi.u32 $0x431BDE83, s21;
	s21 =	sshrl.u32 s7, $0x1F;
	v6 =	vsel vm1, s29, v6;
	v4 =	vsel vm1, s25, v4  }
0x221: {  	s23 =	sshrl.u32 s17, $0x1F;
	s9 =	smul.u32 $0x431BDE83, s9;
	v7 =	vsel vm1, s28, v7;
	v6 =	vsel vm2, s21, v6;
	s21 =	sshra.s32 s7, $0x12;
	v4 =	vsel vm13, s19, v4  }
0x222: {  	v28 =	vmov s6;
	v7 =	vsel vm2, s23, v7;
	s14 =	sadd.s32 s18, s14;
	s12 =	smul.u32 $0x431BDE83, s22;
	s22 =	sshra.s32 s7, $0x1F;
	v4 =	vsel vm2, s21, v4  }
0x223: {  	v27 =	vmov s26;
	v5 =	vcombine.low v7, v5;
	s20 =	sshrl.u32 s14, $0x1F;
	s4 =	sadd.s32 s9, s4;
	s25 =	sshra.s32 s14, $0x12;
	v4 =	vsel vm14, s22, v4  }
0x224: {  	v7 =	vsel vm0, s1, v27;
	s28 =	sshra.s32 s14, $0x1F;
	s29 =	sshra.s32 s13, $0x12;
	v6 =	vsel vm5, s20, v6;
	s9 =	sshrl.u32 s4, $0x1F;
	v4 =	vsel vm5, s25, v4  }
0x225: {  	s11 =	sshra.s32 s15, $0x12;
	s13 =	sshra.s32 s31, $0x12;
	v8 =	vsel vm0, s29, v28;
	v6 =	vsel vm6, s9, v6;
	s9 =	sshra.s32 s4, $0x12;
	v4 =	vsel vm15, s28, v4  }
0x226: {  	v7 =	vsel vm1, s0, v7;
	v8 =	vsel vm1, s11, v8;
	s14 =	sshra.s32 s17, $0x12;
	s8 =	sadd.s32 s12, s8;
	s12 =	sshra.s32 s4, $0x1F;
	v4 =	vsel vm6, s9, v4  }
0x227: {  	v7 =	vsel vm2, s13, v7;
	v8 =	vsel vm2, s14, v8;
	s15 =	sshra.s32 s8, $0x12;
	v4 =	vsel vm12, s12, v4  }
0x228: {  	s23 =	sshrl.u32 s8, $0x1F;
	s17 =	sshra.s32 s8, $0x1F;
	v7 =	vcombine.low v8, v7;
	v4 =	vsel vm7, s15, v4  }
0x229: {  	s16 =	sshrl.u32 s5, $0x1F;
	s18 =	sshra.s32 s5, $0x12;
	v5 =	vperm.xlane v5, v1;
	v6 =	vsel vm7, s23, v6;
	v4 =	vsel vm3, s17, v4  }
0x22a: {  	v6 =	vsel vm10, s16, v6;
	v7 =	vperm.xlane v7, v1;
	v4 =	vsel vm10, s18, v4  }
0x22b: {  	v6 =	vperm.xlane v6, v2;
	v4 =	vperm.xlane v4, v2;
	_ =	sdelay $0x1  }
0x22c: {  	v5 =	vsel vm8, v6, v5;
	v4 =	vsel vm8, v4, v7  }
0x22d: {  	v4 =	vadd.s32 v5, v4  }
0x22e: {  	v4 =	vmul.u32 $0xF4240, v4;
	_ =	sdelay $0x1  }
0x22f: {  	v3 =	vsub.s32 v3, v4  }
0x230: {  	vm9 =	vlt.s32 v3, $0x0;
	v4 =	vadd.s32 $0xF4240, v3  }
0x231: {  	v3 =	vsel vm9, v4, v3  }
0x232: {  	s19 =	rddreg [dreg:$0x9];
	[tilespmem:s30+$0x3470] =	vst v3  }
0x233: {  	v3 =	vld [tilespmem:s19+$0x20]  }
0x234: {  	s20 =	rddreg [dreg:$0x9]  }
0x235: {  	v29 =	vld [tilespmem:s20+$0x21];
	_ =	sdelay $0x2  }
0x236: {  	v3 =	vmul.u32 $0x420, v3;
	_ =	sdelay $0x1  }
0x237: {  	v3 =	vadd.s32 v29, v3  }
0x238: {  	(v2sf) =	vpush v3, $0xD;
	_ =	sdelay $0x1  }
0x239: {  	(v2sf) =	vpush v3, $0xC;
	_ =	sdelay $0x1  }
0x23a: {  	(v2sf) =	vpush v3, $0xE;
	_ =	sdelay $0x1  }
0x23b: {  	(v2sf) =	vpush v3, $0xF;
	_ =	sdelay $0x1  }
0x23c: {  	(v2sf) =	vpush v3, $0x9;
	_ =	sdelay $0x1  }
0x23d: {  	(v2sf) =	vpush v3, $0x8;
	_ =	sdelay $0x1  }
0x23e: {  	(v2sf) =	vpush v3, $0xA;
	_ =	sdelay $0x1  }
0x23f: {  	(v2sf) =	vpush v3, $0xB  }
0x240: {  	s21 =	spop (v2sf)  }
0x241: {  	(v2sf) =	vpush v3, $0x0;
	s22 =	smulhi.u32 $0x431BDE83, s21;
	s0 =	sshra.s32 s21, $0x1F  }
0x242: {  	s23 =	spop (v2sf);
	s0 =	smul.u32 $0x431BDE83, s0  }
0x243: {  	(v2sf) =	vpush v3, $0x1;
	s25 =	smulhi.u32 $0x431BDE83, s23;
	s2 =	sshra.s32 s23, $0x1F  }
0x244: {  	(v2sf) =	vpush v3, $0x2;
	s26 =	spop (v2sf);
	s2 =	smul.u32 $0x431BDE83, s2  }
0x245: {  	(v2sf) =	vpush v3, $0x3;
	s28 =	smulhi.u32 $0x431BDE83, s26;
	s5 =	sshra.s32 s26, $0x1F  }
0x246: {  	(v2sf) =	vpush v3, $0x4;
	s29 =	spop (v2sf);
	s5 =	smul.u32 $0x431BDE83, s5  }
0x247: {  	(v2sf) =	vpush v3, $0x5;
	s31 =	smulhi.u32 $0x431BDE83, s29;
	s7 =	sshra.s32 s29, $0x1F  }
0x248: {  	(v2sf) =	vpush v3, $0x6;
	s12 =	spop (v2sf);
	s7 =	smul.u32 $0x431BDE83, s7  }
0x249: {  	(v2sf) =	vpush v3, $0x7;
	s13 =	smulhi.u32 $0x431BDE83, s12;
	s9 =	sshra.s32 s12, $0x1F  }
0x24a: {  	s1 =	sadd.s32 s0, s22;
	s19 =	spop (v2sf);
	s14 =	smul.u32 $0x431BDE83, s9  }
0x24b: {  	s11 =	sadd.s32 s2, s25;
	s20 =	smulhi.u32 $0x431BDE83, s19;
	s0 =	sshra.s32 s19, $0x1F  }
0x24c: {  	s9 =	sshrl.u32 s1, $0x1F;
	s23 =	spop (v2sf);
	s21 =	smul.u32 $0x431BDE83, s0  }
0x24d: {  	s4 =	sshrl.u32 s11, $0x1F;
	s15 =	smulhi.u32 $0x431BDE83, s23;
	s25 =	sshra.s32 s23, $0x1F  }
0x24e: {  	s0 =	sadd.s32 s5, s28;
	s26 =	spop (v2sf);
	s5 =	smul.u32 $0x431BDE83, s25  }
0x24f: {  	s1 =	sshra.s32 s1, $0x12;
	s17 =	smulhi.u32 $0x431BDE83, s26;
	s6 =	sshra.s32 s26, $0x1F  }
0x250: {  	s31 =	sadd.s32 s7, s31;
	s28 =	spop (v2sf);
	s7 =	smul.u32 $0x431BDE83, s6  }
0x251: {  	s16 =	sshrl.u32 s0, $0x1F;
	s18 =	smulhi.u32 $0x431BDE83, s28;
	s6 =	sshra.s32 s28, $0x1F  }
0x252: {  	s8 =	sshrl.u32 s31, $0x1F;
	s22 =	spop (v2sf);
	s29 =	smul.u32 $0x431BDE83, s6  }
0x253: {  	s13 =	sadd.s32 s14, s13;
	s19 =	smulhi.u32 $0x431BDE83, s22;
	s25 =	spop (v2sf)  }
0x254: {  	s23 =	sshra.s32 s22, $0x1F;
	s6 =	sadd.s32 s21, s20;
	s26 =	spop (v2sf)  }
0x255: {  	s2 =	smul.u32 $0x431BDE83, s23;
	s21 =	sshra.s32 s25, $0x1F;
	s22 =	spop (v2sf)  }
0x256: {  	s15 =	sadd.s32 s5, s15;
	s5 =	smul.u32 $0x431BDE83, s21;
	s21 =	spop (v2sf)  }
0x257: {  	s20 =	smulhi.u32 $0x431BDE83, s25;
	s14 =	sshra.s32 s26, $0x1F;
	s25 =	spop (v2sf)  }
0x258: {  	s17 =	sadd.s32 s7, s17;
	s7 =	smul.u32 $0x431BDE83, s14;
	s28 =	spop (v2sf)  }
0x259: {  	s12 =	sadd.s32 s29, s18;
	s29 =	smulhi.u32 $0x431BDE83, s28;
	s14 =	sshra.s32 s28, $0x1F  }
0x25a: {  	s0 =	sshra.s32 s0, $0x12;
	s2 =	sadd.s32 s2, s19;
	s14 =	smul.u32 $0x431BDE83, s14  }
0x25b: {  	v31 =	vmov s4;
	s19 =	sshrl.u32 s6, $0x1F;
	s4 =	sshra.s32 s12, $0x1F;
	s20 =	sadd.s32 s5, s20  }
0x25c: {  	s6 =	sshra.s32 s6, $0x12;
	v33 =	vmov s19;
	s19 =	sshra.s32 s20, $0x1F;
	s5 =	sadd.s32 s14, s29  }
0x25d: {  	vm13 =	vmmov vm12;
	s23 =	smulhi.u32 $0x431BDE83, s26;
	s18 =	sshra.s32 s22, $0x1F;
	s29 =	sshra.s32 s5, $0x1F  }
0x25e: {  	vm12 =	vmmov vm3;
	vm3 =	vcmask $0x704;
	s26 =	sshrl.u32 s13, $0x1F;
	s18 =	smul.u32 $0x431BDE83, s18;
	v30 =	vmov s29;
	s29 =	sshra.s32 s12, $0x12  }
0x25f: {  	v5 =	vsel vm0, s9, v31;
	v7 =	vsel vm0, s26, v33;
	s26 =	sshra.s32 s11, $0x12;
	s14 =	smulhi.u32 $0x431BDE83, s22;
	s22 =	sshrl.u32 s12, $0x1F;
	v4 =	vsel vm4, s29, v30  }
0x260: {  	v5 =	vsel vm1, s16, v5;
	s9 =	sshra.s32 s21, $0x1F;
	s7 =	sadd.s32 s7, s23;
	v32 =	vmov s22;
	s22 =	sshra.s32 s2, $0x12;
	v4 =	vsel vm3, s4, v4  }
0x261: {  	v5 =	vsel vm2, s8, v5;
	s8 =	smulhi.u32 $0x431BDE83, s25;
	s12 =	sshrl.u32 s2, $0x1F;
	v6 =	vnsel vm4, $0x0, v32;
	s2 =	sshra.s32 s2, $0x1F;
	v4 =	vsel vm0, s22, v4  }
0x262: {  	s29 =	sshrl.u32 s20, $0x1F;
	v6 =	vsel vm0, s12, v6;
	s22 =	sshra.s32 s25, $0x1F;
	s25 =	sshra.s32 s20, $0x12;
	v4 =	vsel vm11, s2, v4  }
0x263: {  	vm9 =	vcmask $0x1714;
	s28 =	sshrl.u32 s15, $0x1F;
	s4 =	smulhi.u32 $0x431BDE83, s21;
	s21 =	sshrl.u32 s7, $0x1F;
	v6 =	vsel vm1, s29, v6;
	v4 =	vsel vm1, s25, v4  }
0x264: {  	s23 =	sshrl.u32 s17, $0x1F;
	s9 =	smul.u32 $0x431BDE83, s9;
	v7 =	vsel vm1, s28, v7;
	v6 =	vsel vm2, s21, v6;
	s21 =	sshra.s32 s7, $0x12;
	v4 =	vsel vm9, s19, v4  }
0x265: {  	v35 =	vmov s6;
	v7 =	vsel vm2, s23, v7;
	s14 =	sadd.s32 s18, s14;
	s12 =	smul.u32 $0x431BDE83, s22;
	s22 =	sshra.s32 s7, $0x1F;
	v4 =	vsel vm2, s21, v4  }
0x266: {  	v34 =	vmov s26;
	v5 =	vcombine.low v7, v5;
	s20 =	sshrl.u32 s14, $0x1F;
	s4 =	sadd.s32 s9, s4;
	s25 =	sshra.s32 s14, $0x12;
	v4 =	vsel vm14, s22, v4  }
0x267: {  	v7 =	vsel vm0, s1, v34;
	s28 =	sshra.s32 s14, $0x1F;
	s29 =	sshra.s32 s13, $0x12;
	v6 =	vsel vm5, s20, v6;
	s9 =	sshrl.u32 s4, $0x1F;
	v4 =	vsel vm5, s25, v4  }
0x268: {  	s11 =	sshra.s32 s15, $0x12;
	s13 =	sshra.s32 s31, $0x12;
	v8 =	vsel vm0, s29, v35;
	v6 =	vsel vm6, s9, v6;
	s9 =	sshra.s32 s4, $0x12;
	v4 =	vsel vm15, s28, v4  }
0x269: {  	v7 =	vsel vm1, s0, v7;
	v8 =	vsel vm1, s11, v8;
	s14 =	sshra.s32 s17, $0x12;
	s8 =	sadd.s32 s12, s8;
	s12 =	sshra.s32 s4, $0x1F;
	v4 =	vsel vm6, s9, v4  }
0x26a: {  	v7 =	vsel vm2, s13, v7;
	v8 =	vsel vm2, s14, v8;
	s15 =	sshra.s32 s8, $0x12;
	v4 =	vsel vm13, s12, v4  }
0x26b: {  	s23 =	sshrl.u32 s8, $0x1F;
	s17 =	sshra.s32 s8, $0x1F;
	v7 =	vcombine.low v8, v7;
	v4 =	vsel vm7, s15, v4  }
0x26c: {  	s16 =	sshrl.u32 s5, $0x1F;
	s18 =	sshra.s32 s5, $0x12;
	v5 =	vperm.xlane v5, v1;
	v6 =	vsel vm7, s23, v6;
	v4 =	vsel vm12, s17, v4  }
0x26d: {  	v6 =	vsel vm10, s16, v6;
	v7 =	vperm.xlane v7, v1;
	v4 =	vsel vm10, s18, v4  }
0x26e: {  	v6 =	vperm.xlane v6, v2;
	v4 =	vperm.xlane v4, v2;
	_ =	sdelay $0x1  }
0x26f: {  	v5 =	vsel vm8, v6, v5;
	v4 =	vsel vm8, v4, v7  }
0x270: {  	v4 =	vadd.s32 v5, v4  }
0x271: {  	v4 =	vmul.u32 $0xF4240, v4;
	_ =	sdelay $0x1  }
0x272: {  	v3 =	vsub.s32 v3, v4  }
0x273: {  	vm9 =	vlt.s32 v3, $0x0;
	v4 =	vadd.s32 $0xF4240, v3  }
0x274: {  	v3 =	vsel vm9, v4, v3  }
0x275: {  	s19 =	rddreg [dreg:$0x9];
	[tilespmem:s30+$0x3480] =	vst v3  }
0x276: {  	v3 =	vld [tilespmem:s19+$0x30]  }
0x277: {  	s20 =	rddreg [dreg:$0x9]  }
0x278: {  	v36 =	vld [tilespmem:s20+$0x31];
	_ =	sdelay $0x2  }
0x279: {  	v3 =	vmul.u32 $0x420, v3;
	_ =	sdelay $0x1  }
0x27a: {  	v3 =	vadd.s32 v36, v3  }
0x27b: {  	(v2sf) =	vpush v3, $0xD;
	_ =	sdelay $0x1  }
0x27c: {  	(v2sf) =	vpush v3, $0xC;
	_ =	sdelay $0x1  }
0x27d: {  	(v2sf) =	vpush v3, $0xE;
	_ =	sdelay $0x1  }
0x27e: {  	(v2sf) =	vpush v3, $0xF;
	_ =	sdelay $0x1  }
0x27f: {  	(v2sf) =	vpush v3, $0x9;
	_ =	sdelay $0x1  }
0x280: {  	(v2sf) =	vpush v3, $0x8;
	_ =	sdelay $0x1  }
0x281: {  	(v2sf) =	vpush v3, $0xA;
	_ =	sdelay $0x1  }
0x282: {  	(v2sf) =	vpush v3, $0xB  }
0x283: {  	s21 =	spop (v2sf)  }
0x284: {  	(v2sf) =	vpush v3, $0x0;
	s22 =	smulhi.u32 $0x431BDE83, s21;
	s0 =	sshra.s32 s21, $0x1F  }
0x285: {  	s23 =	spop (v2sf);
	s0 =	smul.u32 $0x431BDE83, s0  }
0x286: {  	(v2sf) =	vpush v3, $0x1;
	s25 =	smulhi.u32 $0x431BDE83, s23;
	s2 =	sshra.s32 s23, $0x1F  }
0x287: {  	(v2sf) =	vpush v3, $0x2;
	s26 =	spop (v2sf);
	s2 =	smul.u32 $0x431BDE83, s2  }
0x288: {  	(v2sf) =	vpush v3, $0x3;
	s28 =	smulhi.u32 $0x431BDE83, s26;
	s5 =	sshra.s32 s26, $0x1F  }
0x289: {  	(v2sf) =	vpush v3, $0x4;
	s29 =	spop (v2sf);
	s5 =	smul.u32 $0x431BDE83, s5  }
0x28a: {  	(v2sf) =	vpush v3, $0x5;
	s31 =	smulhi.u32 $0x431BDE83, s29;
	s7 =	sshra.s32 s29, $0x1F  }
0x28b: {  	(v2sf) =	vpush v3, $0x6;
	s12 =	spop (v2sf);
	s7 =	smul.u32 $0x431BDE83, s7  }
0x28c: {  	(v2sf) =	vpush v3, $0x7;
	s13 =	smulhi.u32 $0x431BDE83, s12;
	s9 =	sshra.s32 s12, $0x1F  }
0x28d: {  	s1 =	sadd.s32 s0, s22;
	s19 =	spop (v2sf);
	s14 =	smul.u32 $0x431BDE83, s9  }
0x28e: {  	s11 =	sadd.s32 s2, s25;
	s20 =	smulhi.u32 $0x431BDE83, s19;
	s0 =	sshra.s32 s19, $0x1F  }
0x28f: {  	s9 =	sshrl.u32 s1, $0x1F;
	s23 =	spop (v2sf);
	s21 =	smul.u32 $0x431BDE83, s0  }
0x290: {  	s4 =	sshrl.u32 s11, $0x1F;
	s15 =	smulhi.u32 $0x431BDE83, s23;
	s25 =	sshra.s32 s23, $0x1F  }
0x291: {  	s0 =	sadd.s32 s5, s28;
	s26 =	spop (v2sf);
	s5 =	smul.u32 $0x431BDE83, s25  }
0x292: {  	s1 =	sshra.s32 s1, $0x12;
	s17 =	smulhi.u32 $0x431BDE83, s26;
	s6 =	sshra.s32 s26, $0x1F  }
0x293: {  	s31 =	sadd.s32 s7, s31;
	s28 =	spop (v2sf);
	s7 =	smul.u32 $0x431BDE83, s6  }
0x294: {  	s16 =	sshrl.u32 s0, $0x1F;
	s18 =	smulhi.u32 $0x431BDE83, s28;
	s6 =	sshra.s32 s28, $0x1F  }
0x295: {  	s8 =	sshrl.u32 s31, $0x1F;
	s22 =	spop (v2sf);
	s29 =	smul.u32 $0x431BDE83, s6  }
0x296: {  	s13 =	sadd.s32 s14, s13;
	s19 =	smulhi.u32 $0x431BDE83, s22;
	s25 =	spop (v2sf)  }
0x297: {  	s23 =	sshra.s32 s22, $0x1F;
	s6 =	sadd.s32 s21, s20;
	s26 =	spop (v2sf)  }
0x298: {  	s2 =	smul.u32 $0x431BDE83, s23;
	s21 =	sshra.s32 s25, $0x1F;
	s22 =	spop (v2sf)  }
0x299: {  	s15 =	sadd.s32 s5, s15;
	s5 =	smul.u32 $0x431BDE83, s21;
	s21 =	spop (v2sf)  }
0x29a: {  	s20 =	smulhi.u32 $0x431BDE83, s25;
	s14 =	sshra.s32 s26, $0x1F;
	s25 =	spop (v2sf)  }
0x29b: {  	s17 =	sadd.s32 s7, s17;
	s7 =	smul.u32 $0x431BDE83, s14;
	s28 =	spop (v2sf)  }
0x29c: {  	s12 =	sadd.s32 s29, s18;
	s29 =	smulhi.u32 $0x431BDE83, s28;
	s14 =	sshra.s32 s28, $0x1F  }
0x29d: {  	s0 =	sshra.s32 s0, $0x12;
	s2 =	sadd.s32 s2, s19;
	s14 =	smul.u32 $0x431BDE83, s14  }
0x29e: {  	v38 =	vmov s4;
	s19 =	sshrl.u32 s6, $0x1F;
	s4 =	sshra.s32 s12, $0x1F;
	s20 =	sadd.s32 s5, s20  }
0x29f: {  	s6 =	sshra.s32 s6, $0x12;
	v40 =	vmov s19;
	s19 =	sshra.s32 s20, $0x1F;
	s5 =	sadd.s32 s14, s29  }
0x2a0: {  	s23 =	smulhi.u32 $0x431BDE83, s26;
	s18 =	sshra.s32 s22, $0x1F;
	s29 =	sshra.s32 s5, $0x1F  }
0x2a1: {  	s26 =	sshrl.u32 s13, $0x1F;
	s18 =	smul.u32 $0x431BDE83, s18;
	v37 =	vmov s29;
	s29 =	sshra.s32 s12, $0x12  }
0x2a2: {  	v5 =	vsel vm0, s9, v38;
	v7 =	vsel vm0, s26, v40;
	s26 =	sshra.s32 s11, $0x12;
	s14 =	smulhi.u32 $0x431BDE83, s22;
	s22 =	sshrl.u32 s12, $0x1F;
	v4 =	vsel vm4, s29, v37  }
0x2a3: {  	v5 =	vsel vm1, s16, v5;
	s9 =	sshra.s32 s21, $0x1F;
	s7 =	sadd.s32 s7, s23;
	v39 =	vmov s22;
	s22 =	sshra.s32 s2, $0x12;
	v4 =	vsel vm3, s4, v4  }
0x2a4: {  	v5 =	vsel vm2, s8, v5;
	s8 =	smulhi.u32 $0x431BDE83, s25;
	s12 =	sshrl.u32 s2, $0x1F;
	v6 =	vnsel vm4, $0x0, v39;
	s2 =	sshra.s32 s2, $0x1F;
	v4 =	vsel vm0, s22, v4  }
0x2a5: {  	s29 =	sshrl.u32 s20, $0x1F;
	v6 =	vsel vm0, s12, v6;
	s22 =	sshra.s32 s25, $0x1F;
	s25 =	sshra.s32 s20, $0x12;
	v4 =	vsel vm11, s2, v4  }
0x2a6: {  	vm9 =	vcmask $0x1714;
	s28 =	sshrl.u32 s15, $0x1F;
	s4 =	smulhi.u32 $0x431BDE83, s21;
	s21 =	sshrl.u32 s7, $0x1F;
	v6 =	vsel vm1, s29, v6;
	v4 =	vsel vm1, s25, v4  }
0x2a7: {  	s23 =	sshrl.u32 s17, $0x1F;
	s9 =	smul.u32 $0x431BDE83, s9;
	v7 =	vsel vm1, s28, v7;
	v6 =	vsel vm2, s21, v6;
	s21 =	sshra.s32 s7, $0x12;
	v4 =	vsel vm9, s19, v4  }
0x2a8: {  	v42 =	vmov s6;
	v7 =	vsel vm2, s23, v7;
	s14 =	sadd.s32 s18, s14;
	s12 =	smul.u32 $0x431BDE83, s22;
	s22 =	sshra.s32 s7, $0x1F;
	v4 =	vsel vm2, s21, v4  }
0x2a9: {  	v41 =	vmov s26;
	v5 =	vcombine.low v7, v5;
	s20 =	sshrl.u32 s14, $0x1F;
	s4 =	sadd.s32 s9, s4;
	s25 =	sshra.s32 s14, $0x12;
	v4 =	vsel vm14, s22, v4  }
0x2aa: {  	v7 =	vsel vm0, s1, v41;
	s28 =	sshra.s32 s14, $0x1F;
	s29 =	sshra.s32 s13, $0x12;
	v6 =	vsel vm5, s20, v6;
	s9 =	sshrl.u32 s4, $0x1F;
	v4 =	vsel vm5, s25, v4  }
0x2ab: {  	s11 =	sshra.s32 s15, $0x12;
	s13 =	sshra.s32 s31, $0x12;
	v8 =	vsel vm0, s29, v42;
	v6 =	vsel vm6, s9, v6;
	s9 =	sshra.s32 s4, $0x12;
	v4 =	vsel vm15, s28, v4  }
0x2ac: {  	v7 =	vsel vm1, s0, v7;
	v8 =	vsel vm1, s11, v8;
	s14 =	sshra.s32 s17, $0x12;
	s8 =	sadd.s32 s12, s8;
	s12 =	sshra.s32 s4, $0x1F;
	v4 =	vsel vm6, s9, v4  }
0x2ad: {  	v7 =	vsel vm2, s13, v7;
	v8 =	vsel vm2, s14, v8;
	s15 =	sshra.s32 s8, $0x12;
	v4 =	vsel vm13, s12, v4  }
0x2ae: {  	s23 =	sshrl.u32 s8, $0x1F;
	s17 =	sshra.s32 s8, $0x1F;
	v7 =	vcombine.low v8, v7;
	v4 =	vsel vm7, s15, v4  }
0x2af: {  	s16 =	sshrl.u32 s5, $0x1F;
	s18 =	sshra.s32 s5, $0x12;
	v5 =	vperm.xlane v5, v1;
	v6 =	vsel vm7, s23, v6;
	v4 =	vsel vm12, s17, v4  }
0x2b0: {  	v6 =	vsel vm10, s16, v6;
	v7 =	vperm.xlane v7, v1;
	v4 =	vsel vm10, s18, v4  }
0x2b1: {  	v6 =	vperm.xlane v6, v2;
	v4 =	vperm.xlane v4, v2;
	_ =	sdelay $0x1  }
0x2b2: {  	v5 =	vsel vm8, v6, v5;
	v4 =	vsel vm8, v4, v7  }
0x2b3: {  	v4 =	vadd.s32 v5, v4  }
0x2b4: {  	v4 =	vmul.u32 $0xF4240, v4;
	_ =	sdelay $0x1  }
0x2b5: {  	v3 =	vsub.s32 v3, v4  }
0x2b6: {  	vm9 =	vlt.s32 v3, $0x0;
	v4 =	vadd.s32 $0xF4240, v3  }
0x2b7: {  	v3 =	vsel vm9, v4, v3  }
0x2b8: {  	s19 =	rddreg [dreg:$0x9];
	[tilespmem:s30+$0x3490] =	vst v3  }
0x2b9: {  	v3 =	vld [tilespmem:s19+$0x40]  }
0x2ba: {  	s20 =	rddreg [dreg:$0x9]  }
0x2bb: {  	v43 =	vld [tilespmem:s20+$0x41];
	_ =	sdelay $0x2  }
0x2bc: {  	v3 =	vmul.u32 $0x420, v3;
	_ =	sdelay $0x1  }
0x2bd: {  	v3 =	vadd.s32 v43, v3  }
0x2be: {  	(v2sf) =	vpush v3, $0xD;
	_ =	sdelay $0x1  }
0x2bf: {  	(v2sf) =	vpush v3, $0xC;
	_ =	sdelay $0x1  }
0x2c0: {  	(v2sf) =	vpush v3, $0xE;
	_ =	sdelay $0x1  }
0x2c1: {  	(v2sf) =	vpush v3, $0xF;
	_ =	sdelay $0x1  }
0x2c2: {  	(v2sf) =	vpush v3, $0x9;
	_ =	sdelay $0x1  }
0x2c3: {  	(v2sf) =	vpush v3, $0x8;
	_ =	sdelay $0x1  }
0x2c4: {  	(v2sf) =	vpush v3, $0xA;
	_ =	sdelay $0x1  }
0x2c5: {  	(v2sf) =	vpush v3, $0xB  }
0x2c6: {  	s21 =	spop (v2sf)  }
0x2c7: {  	(v2sf) =	vpush v3, $0x0;
	s22 =	smulhi.u32 $0x431BDE83, s21;
	s0 =	sshra.s32 s21, $0x1F  }
0x2c8: {  	s23 =	spop (v2sf);
	s0 =	smul.u32 $0x431BDE83, s0  }
0x2c9: {  	(v2sf) =	vpush v3, $0x1;
	s25 =	smulhi.u32 $0x431BDE83, s23;
	s2 =	sshra.s32 s23, $0x1F  }
0x2ca: {  	(v2sf) =	vpush v3, $0x2;
	s26 =	spop (v2sf);
	s2 =	smul.u32 $0x431BDE83, s2  }
0x2cb: {  	(v2sf) =	vpush v3, $0x3;
	s28 =	smulhi.u32 $0x431BDE83, s26;
	s5 =	sshra.s32 s26, $0x1F  }
0x2cc: {  	(v2sf) =	vpush v3, $0x4;
	s29 =	spop (v2sf);
	s5 =	smul.u32 $0x431BDE83, s5  }
0x2cd: {  	(v2sf) =	vpush v3, $0x5;
	s31 =	smulhi.u32 $0x431BDE83, s29;
	s7 =	sshra.s32 s29, $0x1F  }
0x2ce: {  	(v2sf) =	vpush v3, $0x6;
	s12 =	spop (v2sf);
	s7 =	smul.u32 $0x431BDE83, s7  }
0x2cf: {  	(v2sf) =	vpush v3, $0x7;
	s13 =	smulhi.u32 $0x431BDE83, s12;
	s9 =	sshra.s32 s12, $0x1F  }
0x2d0: {  	s1 =	sadd.s32 s0, s22;
	s19 =	spop (v2sf);
	s14 =	smul.u32 $0x431BDE83, s9  }
0x2d1: {  	s11 =	sadd.s32 s2, s25;
	s20 =	smulhi.u32 $0x431BDE83, s19;
	s0 =	sshra.s32 s19, $0x1F  }
0x2d2: {  	s9 =	sshrl.u32 s1, $0x1F;
	s23 =	spop (v2sf);
	s21 =	smul.u32 $0x431BDE83, s0  }
0x2d3: {  	s4 =	sshrl.u32 s11, $0x1F;
	s15 =	smulhi.u32 $0x431BDE83, s23;
	s25 =	sshra.s32 s23, $0x1F  }
0x2d4: {  	s0 =	sadd.s32 s5, s28;
	s26 =	spop (v2sf);
	s5 =	smul.u32 $0x431BDE83, s25  }
0x2d5: {  	s1 =	sshra.s32 s1, $0x12;
	s17 =	smulhi.u32 $0x431BDE83, s26;
	s6 =	sshra.s32 s26, $0x1F  }
0x2d6: {  	s31 =	sadd.s32 s7, s31;
	s28 =	spop (v2sf);
	s7 =	smul.u32 $0x431BDE83, s6  }
0x2d7: {  	s16 =	sshrl.u32 s0, $0x1F;
	s18 =	smulhi.u32 $0x431BDE83, s28;
	s6 =	sshra.s32 s28, $0x1F  }
0x2d8: {  	s8 =	sshrl.u32 s31, $0x1F;
	s22 =	spop (v2sf);
	s29 =	smul.u32 $0x431BDE83, s6  }
0x2d9: {  	s13 =	sadd.s32 s14, s13;
	s19 =	smulhi.u32 $0x431BDE83, s22;
	s25 =	spop (v2sf)  }
0x2da: {  	s23 =	sshra.s32 s22, $0x1F;
	s6 =	sadd.s32 s21, s20;
	s26 =	spop (v2sf)  }
0x2db: {  	s2 =	smul.u32 $0x431BDE83, s23;
	s21 =	sshra.s32 s25, $0x1F;
	s22 =	spop (v2sf)  }
0x2dc: {  	s15 =	sadd.s32 s5, s15;
	s5 =	smul.u32 $0x431BDE83, s21;
	s21 =	spop (v2sf)  }
0x2dd: {  	s20 =	smulhi.u32 $0x431BDE83, s25;
	s14 =	sshra.s32 s26, $0x1F;
	s25 =	spop (v2sf)  }
0x2de: {  	s17 =	sadd.s32 s7, s17;
	s7 =	smul.u32 $0x431BDE83, s14;
	s28 =	spop (v2sf)  }
0x2df: {  	s12 =	sadd.s32 s29, s18;
	s29 =	smulhi.u32 $0x431BDE83, s28;
	s14 =	sshra.s32 s28, $0x1F  }
0x2e0: {  	s0 =	sshra.s32 s0, $0x12;
	s2 =	sadd.s32 s2, s19;
	s14 =	smul.u32 $0x431BDE83, s14  }
0x2e1: {  	v45 =	vmov s4;
	s19 =	sshrl.u32 s6, $0x1F;
	s4 =	sshra.s32 s12, $0x1F;
	s20 =	sadd.s32 s5, s20  }
0x2e2: {  	s6 =	sshra.s32 s6, $0x12;
	v47 =	vmov s19;
	s19 =	sshra.s32 s20, $0x1F;
	s5 =	sadd.s32 s14, s29  }
0x2e3: {  	s23 =	smulhi.u32 $0x431BDE83, s26;
	s18 =	sshra.s32 s22, $0x1F;
	s29 =	sshra.s32 s5, $0x1F  }
0x2e4: {  	s26 =	sshrl.u32 s13, $0x1F;
	s18 =	smul.u32 $0x431BDE83, s18;
	v44 =	vmov s29;
	s29 =	sshra.s32 s12, $0x12  }
0x2e5: {  	v5 =	vsel vm0, s9, v45;
	v7 =	vsel vm0, s26, v47;
	s26 =	sshra.s32 s11, $0x12;
	s14 =	smulhi.u32 $0x431BDE83, s22;
	s22 =	sshrl.u32 s12, $0x1F;
	v4 =	vsel vm4, s29, v44  }
0x2e6: {  	v5 =	vsel vm1, s16, v5;
	s9 =	sshra.s32 s21, $0x1F;
	s7 =	sadd.s32 s7, s23;
	v46 =	vmov s22;
	s22 =	sshra.s32 s2, $0x12;
	v4 =	vsel vm3, s4, v4  }
0x2e7: {  	v5 =	vsel vm2, s8, v5;
	s8 =	smulhi.u32 $0x431BDE83, s25;
	s12 =	sshrl.u32 s2, $0x1F;
	v6 =	vnsel vm4, $0x0, v46;
	s2 =	sshra.s32 s2, $0x1F;
	v4 =	vsel vm0, s22, v4  }
0x2e8: {  	s29 =	sshrl.u32 s20, $0x1F;
	v6 =	vsel vm0, s12, v6;
	s22 =	sshra.s32 s25, $0x1F;
	s25 =	sshra.s32 s20, $0x12;
	v4 =	vsel vm11, s2, v4  }
0x2e9: {  	s28 =	sshrl.u32 s15, $0x1F;
	s4 =	smulhi.u32 $0x431BDE83, s21;
	s21 =	sshrl.u32 s7, $0x1F;
	v6 =	vsel vm1, s29, v6;
	vm3 =	vcmask $0x1714;
	v4 =	vsel vm1, s25, v4  }
0x2ea: {  	s23 =	sshrl.u32 s17, $0x1F;
	s9 =	smul.u32 $0x431BDE83, s9;
	v7 =	vsel vm1, s28, v7;
	v6 =	vsel vm2, s21, v6;
	s21 =	sshra.s32 s7, $0x12;
	v4 =	vsel vm3, s19, v4  }
0x2eb: {  	v49 =	vmov s6;
	v7 =	vsel vm2, s23, v7;
	s14 =	sadd.s32 s18, s14;
	s12 =	smul.u32 $0x431BDE83, s22;
	s22 =	sshra.s32 s7, $0x1F;
	v4 =	vsel vm2, s21, v4  }
0x2ec: {  	v48 =	vmov s26;
	v5 =	vcombine.low v7, v5;
	s20 =	sshrl.u32 s14, $0x1F;
	s4 =	sadd.s32 s9, s4;
	s25 =	sshra.s32 s14, $0x12;
	v4 =	vsel vm14, s22, v4  }
0x2ed: {  	v7 =	vsel vm0, s1, v48;
	s28 =	sshra.s32 s14, $0x1F;
	s29 =	sshra.s32 s13, $0x12;
	v6 =	vsel vm5, s20, v6;
	s9 =	sshrl.u32 s4, $0x1F;
	v4 =	vsel vm5, s25, v4  }
0x2ee: {  	s11 =	sshra.s32 s15, $0x12;
	s13 =	sshra.s32 s31, $0x12;
	v8 =	vsel vm0, s29, v49;
	v6 =	vsel vm6, s9, v6;
	s9 =	sshra.s32 s4, $0x12;
	v4 =	vsel vm15, s28, v4  }
0x2ef: {  	v7 =	vsel vm1, s0, v7;
	v8 =	vsel vm1, s11, v8;
	s14 =	sshra.s32 s17, $0x12;
	s8 =	sadd.s32 s12, s8;
	s12 =	sshra.s32 s4, $0x1F;
	v4 =	vsel vm6, s9, v4  }
0x2f0: {  	v7 =	vsel vm2, s13, v7;
	v8 =	vsel vm2, s14, v8;
	s15 =	sshra.s32 s8, $0x12;
	v4 =	vsel vm13, s12, v4  }
0x2f1: {  	s23 =	sshrl.u32 s8, $0x1F;
	s17 =	sshra.s32 s8, $0x1F;
	v7 =	vcombine.low v8, v7;
	v4 =	vsel vm7, s15, v4  }
0x2f2: {  	s16 =	sshrl.u32 s5, $0x1F;
	s18 =	sshra.s32 s5, $0x12;
	v5 =	vperm.xlane v5, v1;
	v6 =	vsel vm7, s23, v6;
	v4 =	vsel vm12, s17, v4  }
0x2f3: {  	v6 =	vsel vm10, s16, v6;
	v7 =	vperm.xlane v7, v1;
	v4 =	vsel vm10, s18, v4  }
0x2f4: {  	v6 =	vperm.xlane v6, v2;
	v4 =	vperm.xlane v4, v2;
	_ =	sdelay $0x1  }
0x2f5: {  	v5 =	vsel vm8, v6, v5;
	v4 =	vsel vm8, v4, v7  }
0x2f6: {  	v4 =	vadd.s32 v5, v4  }
0x2f7: {  	v4 =	vmul.u32 $0xF4240, v4;
	_ =	sdelay $0x1  }
0x2f8: {  	v3 =	vsub.s32 v3, v4  }
0x2f9: {  	vm9 =	vlt.s32 v3, $0x0;
	v4 =	vadd.s32 $0xF4240, v3  }
0x2fa: {  	v3 =	vsel vm9, v4, v3  }
0x2fb: {  	s19 =	rddreg [dreg:$0x9];
	[tilespmem:s30+$0x34A0] =	vst v3  }
0x2fc: {  	v3 =	vld [tilespmem:s19+$0x50]  }
0x2fd: {  	s20 =	rddreg [dreg:$0x9]  }
0x2fe: {  	v50 =	vld [tilespmem:s20+$0x51];
	_ =	sdelay $0x2  }
0x2ff: {  	v3 =	vmul.u32 $0x420, v3;
	_ =	sdelay $0x1  }
0x300: {  	v3 =	vadd.s32 v50, v3  }
0x301: {  	(v2sf) =	vpush v3, $0xD;
	_ =	sdelay $0x1  }
0x302: {  	(v2sf) =	vpush v3, $0xC;
	_ =	sdelay $0x1  }
0x303: {  	(v2sf) =	vpush v3, $0xE;
	_ =	sdelay $0x1  }
0x304: {  	(v2sf) =	vpush v3, $0xF;
	_ =	sdelay $0x1  }
0x305: {  	(v2sf) =	vpush v3, $0x9;
	_ =	sdelay $0x1  }
0x306: {  	(v2sf) =	vpush v3, $0x8;
	_ =	sdelay $0x1  }
0x307: {  	(v2sf) =	vpush v3, $0xA;
	_ =	sdelay $0x1  }
0x308: {  	(v2sf) =	vpush v3, $0xB  }
0x309: {  	s21 =	spop (v2sf)  }
0x30a: {  	(v2sf) =	vpush v3, $0x0;
	s22 =	smulhi.u32 $0x431BDE83, s21;
	s0 =	sshra.s32 s21, $0x1F  }
0x30b: {  	s23 =	spop (v2sf);
	s0 =	smul.u32 $0x431BDE83, s0  }
0x30c: {  	(v2sf) =	vpush v3, $0x1;
	s25 =	smulhi.u32 $0x431BDE83, s23;
	s2 =	sshra.s32 s23, $0x1F  }
0x30d: {  	(v2sf) =	vpush v3, $0x2;
	s26 =	spop (v2sf);
	s2 =	smul.u32 $0x431BDE83, s2  }
0x30e: {  	(v2sf) =	vpush v3, $0x3;
	s28 =	smulhi.u32 $0x431BDE83, s26;
	s5 =	sshra.s32 s26, $0x1F  }
0x30f: {  	(v2sf) =	vpush v3, $0x4;
	s29 =	spop (v2sf);
	s5 =	smul.u32 $0x431BDE83, s5  }
0x310: {  	(v2sf) =	vpush v3, $0x5;
	s31 =	smulhi.u32 $0x431BDE83, s29;
	s7 =	sshra.s32 s29, $0x1F  }
0x311: {  	s12 =	spop (v2sf);
	(v2sf) =	vpush v3, $0x6;
	s7 =	smul.u32 $0x431BDE83, s7  }
0x312: {  	s13 =	smulhi.u32 $0x431BDE83, s12;
	s9 =	sshra.s32 s12, $0x1F;
	(v2sf) =	vpush v3, $0x7  }
0x313: {  	s19 =	spop (v2sf);
	s14 =	smul.u32 $0x431BDE83, s9  }
0x314: {  	s1 =	sadd.s32 s0, s22;
	s20 =	smulhi.u32 $0x431BDE83, s19;
	s0 =	sshra.s32 s19, $0x1F  }
0x315: {  	s11 =	sadd.s32 s2, s25;
	s23 =	spop (v2sf);
	s21 =	smul.u32 $0x431BDE83, s0  }
0x316: {  	s9 =	sshrl.u32 s1, $0x1F;
	s15 =	smulhi.u32 $0x431BDE83, s23;
	s25 =	sshra.s32 s23, $0x1F  }
0x317: {  	s0 =	sadd.s32 s5, s28;
	s26 =	spop (v2sf);
	s5 =	smul.u32 $0x431BDE83, s25  }
0x318: {  	s4 =	sshrl.u32 s11, $0x1F;
	s17 =	smulhi.u32 $0x431BDE83, s26;
	s6 =	sshra.s32 s26, $0x1F  }
0x319: {  	s31 =	sadd.s32 s7, s31;
	s28 =	spop (v2sf);
	s7 =	smul.u32 $0x431BDE83, s6  }
0x31a: {  	s16 =	sshrl.u32 s0, $0x1F;
	s18 =	smulhi.u32 $0x431BDE83, s28;
	s6 =	sshra.s32 s28, $0x1F  }
0x31b: {  	s8 =	sshrl.u32 s31, $0x1F;
	s22 =	spop (v2sf);
	s29 =	smul.u32 $0x431BDE83, s6  }
0x31c: {  	s13 =	sadd.s32 s14, s13;
	s19 =	smulhi.u32 $0x431BDE83, s22;
	s25 =	spop (v2sf)  }
0x31d: {  	s23 =	sshra.s32 s22, $0x1F;
	s6 =	sadd.s32 s21, s20;
	s26 =	spop (v2sf)  }
0x31e: {  	s2 =	smul.u32 $0x431BDE83, s23;
	s21 =	sshra.s32 s25, $0x1F;
	s22 =	spop (v2sf)  }
0x31f: {  	s15 =	sadd.s32 s5, s15;
	s5 =	smul.u32 $0x431BDE83, s21;
	s21 =	spop (v2sf)  }
0x320: {  	s20 =	smulhi.u32 $0x431BDE83, s25;
	s14 =	sshra.s32 s26, $0x1F;
	s25 =	spop (v2sf)  }
0x321: {  	s17 =	sadd.s32 s7, s17;
	s7 =	smul.u32 $0x431BDE83, s14;
	s28 =	spop (v2sf)  }
0x322: {  	s12 =	sadd.s32 s29, s18;
	s29 =	smulhi.u32 $0x431BDE83, s28;
	s14 =	sshra.s32 s28, $0x1F  }
0x323: {  	s2 =	sadd.s32 s2, s19;
	s19 =	sshrl.u32 s6, $0x1F;
	s14 =	smul.u32 $0x431BDE83, s14  }
0x324: {  	v52 =	vmov s4;
	s23 =	smulhi.u32 $0x431BDE83, s26;
	s18 =	sshra.s32 s22, $0x1F;
	s20 =	sadd.s32 s5, s20  }
0x325: {  	v5 =	vsel vm0, s9, v52;
	s18 =	smul.u32 $0x431BDE83, s18;
	s9 =	sshra.s32 s21, $0x1F;
	s5 =	sadd.s32 s14, s29  }
0x326: {  	v5 =	vsel vm1, s16, v5;
	s4 =	sshra.s32 s12, $0x1F;
	s9 =	smul.u32 $0x431BDE83, s9;
	s29 =	sshra.s32 s5, $0x1F  }
0x327: {  	v5 =	vsel vm2, s8, v5;
	s26 =	sshrl.u32 s13, $0x1F;
	s8 =	smulhi.u32 $0x431BDE83, s25;
	v51 =	vmov s29;
	s29 =	sshra.s32 s12, $0x12  }
0x328: {  	vm9 =	vcmask $0x704;
	s7 =	sadd.s32 s7, s23;
	s14 =	smulhi.u32 $0x431BDE83, s22;
	s22 =	sshrl.u32 s12, $0x1F;
	v4 =	vsel vm4, s29, v51  }
0x329: {  	s25 =	sshra.s32 s25, $0x1F;
	s28 =	sshrl.u32 s15, $0x1F;
	v53 =	vmov s22;
	s22 =	sshra.s32 s2, $0x12;
	v4 =	vsel vm9, s4, v4  }
0x32a: {  	s16 =	sshrl.u32 s7, $0x1F;
	s12 =	sshrl.u32 s2, $0x1F;
	v6 =	vnsel vm4, $0x0, v53;
	s2 =	sshra.s32 s2, $0x1F;
	v4 =	vsel vm0, s22, v4  }
0x32b: {  	v54 =	vmov s19;
	s29 =	sshrl.u32 s20, $0x1F;
	v6 =	vsel vm0, s12, v6;
	s4 =	smulhi.u32 $0x431BDE83, s21;
	s21 =	sshra.s32 s20, $0x12;
	v4 =	vsel vm11, s2, v4  }
0x32c: {  	v7 =	vsel vm0, s26, v54;
	s26 =	sshra.s32 s7, $0x12;
	s14 =	sadd.s32 s18, s14;
	v6 =	vsel vm1, s29, v6;
	s22 =	sshra.s32 s20, $0x1F;
	v4 =	vsel vm1, s21, v4  }
0x32d: {  	s12 =	smul.u32 $0x431BDE83, s25;
	s25 =	sshrl.u32 s14, $0x1F;
	v6 =	vsel vm2, s16, v6;
	s4 =	sadd.s32 s9, s4;
	v4 =	vsel vm3, s22, v4  }
0x32e: {  	s23 =	sshrl.u32 s17, $0x1F;
	v7 =	vsel vm1, s28, v7;
	s28 =	sshra.s32 s7, $0x1F;
	v6 =	vsel vm5, s25, v6;
	s9 =	sshrl.u32 s4, $0x1F;
	v4 =	vsel vm2, s26, v4  }
0x32f: {  	s6 =	sshra.s32 s6, $0x12;
	v7 =	vsel vm2, s23, v7;
	s18 =	sshra.s32 s13, $0x12;
	v6 =	vsel vm6, s9, v6;
	s9 =	sshra.s32 s14, $0x12;
	v4 =	vsel vm14, s28, v4  }
0x330: {  	v56 =	vmov s6;
	v5 =	vcombine.low v7, v5;
	s8 =	sadd.s32 s12, s8;
	s12 =	sshra.s32 s11, $0x12;
	s16 =	sshra.s32 s14, $0x1F;
	v4 =	vsel vm5, s9, v4  }
0x331: {  	s1 =	sshra.s32 s1, $0x12;
	v8 =	vsel vm0, s18, v56;
	s20 =	sshra.s32 s15, $0x12;
	v55 =	vmov s12;
	s19 =	sshra.s32 s4, $0x12;
	v4 =	vsel vm15, s16, v4  }
0x332: {  	s0 =	sshra.s32 s0, $0x12;
	s23 =	sshra.s32 s17, $0x12;
	v8 =	vsel vm1, s20, v8;
	v7 =	vsel vm0, s1, v55;
	s21 =	sshra.s32 s4, $0x1F;
	v4 =	vsel vm6, s19, v4  }
0x333: {  	s29 =	sshrl.u32 s8, $0x1F;
	s25 =	sshra.s32 s8, $0x12;
	v8 =	vsel vm2, s23, v8;
	v7 =	vsel vm1, s0, v7;
	s22 =	sshra.s32 s31, $0x12;
	v4 =	vsel vm13, s21, v4  }
0x334: {  	v6 =	vsel vm7, s29, v6;
	s26 =	sshrl.u32 s5, $0x1F;
	v7 =	vsel vm2, s22, v7;
	s28 =	sshra.s32 s8, $0x1F;
	v4 =	vsel vm7, s25, v4  }
0x335: {  	s29 =	sshra.s32 s5, $0x12;
	v6 =	vsel vm10, s26, v6;
	v7 =	vcombine.low v8, v7;
	v4 =	vsel vm12, s28, v4  }
0x336: {  	v5 =	vperm.xlane v5, v1;
	v6 =	vperm.xlane v6, v2;
	v4 =	vsel vm10, s29, v4  }
0x337: {  	v7 =	vperm.xlane v7, v1;
	v4 =	vperm.xlane v4, v2;
	_ =	sdelay $0x1  }
0x338: {  	v5 =	vsel vm8, v6, v5;
	v4 =	vsel vm8, v4, v7  }
0x339: {  	v4 =	vadd.s32 v5, v4  }
0x33a: {  	v4 =	vmul.u32 $0xF4240, v4;
	_ =	sdelay $0x1  }
0x33b: {  	v3 =	vsub.s32 v3, v4  }
0x33c: {  	vm9 =	vlt.s32 v3, $0x0;
	v4 =	vadd.s32 $0xF4240, v3  }
0x33d: {  	v3 =	vsel vm9, v4, v3  }
0x33e: {  	s31 =	rddreg [dreg:$0x9];
	[tilespmem:s30+$0x34B0] =	vst v3  }
0x33f: {  	v3 =	vld [tilespmem:s31+$0x58]  }
0x340: {  	s1 =	rddreg [dreg:$0x9]  }
0x341: {  	v57 =	vld [tilespmem:s1+$0x59];
	_ =	sdelay $0x2  }
0x342: {  	v3 =	vmul.u32 $0x420, v3;
	_ =	sdelay $0x1  }
0x343: {  	v3 =	vadd.s32 v57, v3  }
0x344: {  	(v2sf) =	vpush v3, $0xD;
	_ =	sdelay $0x1  }
0x345: {  	(v2sf) =	vpush v3, $0xC;
	_ =	sdelay $0x1  }
0x346: {  	(v2sf) =	vpush v3, $0xE;
	_ =	sdelay $0x1  }
0x347: {  	(v2sf) =	vpush v3, $0xF;
	_ =	sdelay $0x1  }
0x348: {  	(v2sf) =	vpush v3, $0x9;
	_ =	sdelay $0x1  }
0x349: {  	(v2sf) =	vpush v3, $0x8;
	_ =	sdelay $0x1  }
0x34a: {  	(v2sf) =	vpush v3, $0xA;
	_ =	sdelay $0x1  }
0x34b: {  	(v2sf) =	vpush v3, $0xB  }
0x34c: {  	(v2sf) =	vpush v3, $0x0;
	s2 =	spop (v2sf)  }
0x34d: {  	(v2sf) =	vpush v3, $0x1;
	s4 =	smulhi.u32 $0x431BDE83, s2;
	s0 =	sshra.s32 s2, $0x1F  }
0x34e: {  	s6 =	spop (v2sf);
	s0 =	smul.u32 $0x431BDE83, s0  }
0x34f: {  	s7 =	smulhi.u32 $0x431BDE83, s6;
	s2 =	sshra.s32 s6, $0x1F  }
0x350: {  	(v2sf) =	vpush v3, $0x2;
	s14 =	spop (v2sf);
	s2 =	smul.u32 $0x431BDE83, s2  }
0x351: {  	(v2sf) =	vpush v3, $0x3;
	s16 =	smulhi.u32 $0x431BDE83, s14;
	s5 =	sshra.s32 s14, $0x1F  }
0x352: {  	(v2sf) =	vpush v3, $0x4;
	s15 =	spop (v2sf);
	s5 =	smul.u32 $0x431BDE83, s5  }
0x353: {  	(v2sf) =	vpush v3, $0x5;
	s12 =	smulhi.u32 $0x431BDE83, s15;
	s6 =	sshra.s32 s15, $0x1F  }
0x354: {  	(v2sf) =	vpush v3, $0x6;
	s23 =	spop (v2sf);
	s6 =	smul.u32 $0x431BDE83, s6  }
0x355: {  	(v2sf) =	vpush v3, $0x7;
	s14 =	smulhi.u32 $0x431BDE83, s23;
	s8 =	sshra.s32 s23, $0x1F  }
0x356: {  	s25 =	spop (v2sf);
	s8 =	smul.u32 $0x431BDE83, s8  }
0x357: {  	s1 =	sadd.s32 s0, s4;
	s17 =	smulhi.u32 $0x431BDE83, s25;
	s9 =	sshra.s32 s25, $0x1F  }
0x358: {  	s4 =	sshrl.u32 s1, $0x1F;
	s26 =	spop (v2sf);
	s19 =	smul.u32 $0x431BDE83, s9  }
0x359: {  	s1 =	sshra.s32 s1, $0x12;
	s21 =	smulhi.u32 $0x431BDE83, s26;
	s11 =	sshra.s32 s26, $0x1F  }
0x35a: {  	s28 =	spop (v2sf);
	s12 =	sadd.s32 s6, s12;
	s23 =	smul.u32 $0x431BDE83, s11  }
0x35b: {  	s29 =	spop (v2sf);
	s26 =	smulhi.u32 $0x431BDE83, s28;
	s13 =	sshra.s32 s28, $0x1F  }
0x35c: {  	s11 =	sadd.s32 s5, s16;
	s31 =	spop (v2sf);
	s28 =	smul.u32 $0x431BDE83, s13  }
0x35d: {  	s13 =	sadd.s32 s2, s7;
	s2 =	smulhi.u32 $0x431BDE83, s29;
	s15 =	sshra.s32 s29, $0x1F  }
0x35e: {  	s16 =	sshrl.u32 s11, $0x1F;
	s6 =	sadd.s32 s19, s17;
	s0 =	smul.u32 $0x431BDE83, s15  }
0x35f: {  	s18 =	spop (v2sf);
	s29 =	sshrl.u32 s13, $0x1F;
	s7 =	smulhi.u32 $0x431BDE83, s31  }
0x360: {  	s31 =	sshra.s32 s31, $0x1F;
	s5 =	sadd.s32 s23, s21;
	s20 =	spop (v2sf)  }
0x361: {  	s15 =	smul.u32 $0x431BDE83, s31;
	s31 =	sadd.s32 s8, s14;
	s22 =	spop (v2sf)  }
0x362: {  	s14 =	smulhi.u32 $0x431BDE83, s18;
	s8 =	sshra.s32 s18, $0x1F;
	s25 =	spop (v2sf)  }
0x363: {  	s18 =	sshrl.u32 s12, $0x1F;
	s17 =	smul.u32 $0x431BDE83, s8;
	s9 =	spop (v2sf)  }
0x364: {  	s19 =	smulhi.u32 $0x431BDE83, s20;
	s8 =	sadd.s32 s28, s26;
	s26 =	spop (v2sf)  }
0x365: {  	s0 =	sadd.s32 s0, s2;
	s2 =	smulhi.u32 $0x431BDE83, s26;
	s21 =	sshra.s32 s26, $0x1F  }
0x366: {  	s20 =	sshra.s32 s20, $0x1F;
	s23 =	sshrl.u32 s31, $0x1F;
	s28 =	smul.u32 $0x431BDE83, s21  }
0x367: {  	v59 =	vmov s29;
	s20 =	smul.u32 $0x431BDE83, s20;
	s7 =	sadd.s32 s15, s7;
	s29 =	sshrl.u32 s0, $0x1F  }
0x368: {  	v5 =	vsel vm0, s4, v59;
	s14 =	sadd.s32 s17, s14;
	s4 =	smulhi.u32 $0x431BDE83, s25;
	s17 =	sadd.s32 s28, s2  }
0x369: {  	v60 =	vmov s29;
	s25 =	sshra.s32 s25, $0x1F;
	s29 =	sshra.s32 s7, $0x12;
	s28 =	sshra.s32 s17, $0x1F  }
0x36a: {  	s15 =	sadd.s32 s20, s19;
	s25 =	smul.u32 $0x431BDE83, s25;
	v58 =	vmov s28;
	s28 =	sshra.s32 s0, $0x12  }
0x36b: {  	vm9 =	vcmask $0x704;
	s26 =	sshra.s32 s22, $0x1F;
	s21 =	smulhi.u32 $0x431BDE83, s22;
	s0 =	sshra.s32 s0, $0x1F;
	v4 =	vsel vm4, s28, v58  }
0x36c: {  	v5 =	vsel vm1, s16, v5;
	s16 =	sshrl.u32 s14, $0x1F;
	s19 =	sshra.s32 s14, $0x1F;
	s26 =	smul.u32 $0x431BDE83, s26;
	v4 =	vsel vm9, s0, v4  }
0x36d: {  	v5 =	vsel vm2, s18, v5;
	s22 =	sshrl.u32 s6, $0x1F;
	s28 =	sshrl.u32 s7, $0x1F;
	s7 =	sshra.s32 s7, $0x1F;
	v4 =	vsel vm0, s29, v4  }
0x36e: {  	v6 =	vnsel vm4, $0x0, v60;
	s6 =	sshra.s32 s6, $0x12;
	v61 =	vmov s22;
	s20 =	sadd.s32 s26, s21;
	s26 =	sshra.s32 s14, $0x12;
	v4 =	vsel vm11, s7, v4  }
0x36f: {  	s18 =	smulhi.u32 $0x431BDE83, s9;
	s9 =	sshra.s32 s9, $0x1F;
	v63 =	vmov s6;
	s2 =	sshrl.u32 s5, $0x1F;
	v6 =	vsel vm0, s28, v6;
	v4 =	vsel vm1, s26, v4  }
0x370: {  	s21 =	sshrl.u32 s8, $0x1F;
	v7 =	vsel vm0, s23, v61;
	s23 =	sshra.s32 s15, $0x12;
	s28 =	sshrl.u32 s15, $0x1F;
	v6 =	vsel vm1, s16, v6;
	v4 =	vsel vm3, s19, v4  }
0x371: {  	s14 =	sshra.s32 s13, $0x12;
	s22 =	sshrl.u32 s20, $0x1F;
	v7 =	vsel vm1, s2, v7;
	v6 =	vsel vm2, s28, v6;
	s28 =	sshra.s32 s15, $0x1F;
	v4 =	vsel vm2, s23, v4  }
0x372: {  	v62 =	vmov s14;
	v7 =	vsel vm2, s21, v7;
	s0 =	sadd.s32 s25, s4;
	s29 =	smul.u32 $0x431BDE83, s9;
	s9 =	sshra.s32 s20, $0x12;
	v4 =	vsel vm14, s28, v4  }
0x373: {  	v5 =	vcombine.low v7, v5;
	v7 =	vsel vm0, s1, v62;
	s25 =	sshrl.u32 s0, $0x1F;
	s16 =	sshra.s32 s31, $0x12;
	s15 =	sshra.s32 s20, $0x1F;
	v4 =	vsel vm5, s9, v4  }
0x374: {  	v8 =	vsel vm0, s16, v63;
	s20 =	sshra.s32 s5, $0x12;
	v6 =	vsel vm5, s22, v6;
	s26 =	sadd.s32 s29, s18;
	s18 =	sshra.s32 s0, $0x12;
	v4 =	vsel vm15, s15, v4  }
0x375: {  	s0 =	sshra.s32 s0, $0x1F;
	v8 =	vsel vm1, s20, v8;
	s22 =	sshra.s32 s8, $0x12;
	v6 =	vsel vm6, s25, v6;
	s19 =	sshra.s32 s11, $0x12;
	v4 =	vsel vm6, s18, v4  }
0x376: {  	s21 =	sshra.s32 s12, $0x12;
	s29 =	sshrl.u32 s26, $0x1F;
	v8 =	vsel vm2, s22, v8;
	v7 =	vsel vm1, s19, v7;
	s23 =	sshra.s32 s26, $0x12;
	v4 =	vsel vm13, s0, v4  }
0x377: {  	s25 =	sshrl.u32 s17, $0x1F;
	v6 =	vsel vm7, s29, v6;
	s26 =	sshra.s32 s26, $0x1F;
	v7 =	vsel vm2, s21, v7;
	v4 =	vsel vm7, s23, v4  }
0x378: {  	v6 =	vsel vm10, s25, v6;
	s28 =	sshra.s32 s17, $0x12;
	v7 =	vcombine.low v8, v7;
	v4 =	vsel vm12, s26, v4  }
0x379: {  	v5 =	vperm.xlane v5, v1;
	v6 =	vperm.xlane v6, v2;
	v4 =	vsel vm10, s28, v4  }
0x37a: {  	v7 =	vperm.xlane v7, v1;
	v4 =	vperm.xlane v4, v2;
	_ =	sdelay $0x1  }
0x37b: {  	v5 =	vsel vm8, v6, v5;
	v4 =	vsel vm8, v4, v7  }
0x37c: {  	s31 =	rddreg [dreg:$0x8];
	v4 =	vadd.s32 v5, v4  }
0x37d: {  	p0 =	sne.s32 s31, $0xC4E0;
	v4 =	vmul.u32 $0xF4240, v4  }
.Ltmp1:
0x37e: {  	_ = 	snop;
	(pc) =	sbr.rel @p0 .LBB2_4-.Ltmp1, $4  }
0x37f: {  	v3 =	vsub.s32 v3, v4  }
0x380: {  	vm9 =	vlt.s32 v3, $0x0;
	v4 =	vadd.s32 $0xF4240, v3  }
0x381: {  	s1 =	sadd.s32 $0x320, s31;
	s29 =	rddreg [dreg:$0x9];
	v3 =	vsel vm9, v4, v3  }
0x382: {  	[dreg:$0x8] =	wrdreg s1;
	s0 =	sadd.s32 $0xD0, s29;
	[tilespmem:s30+$0x34B8] =	vst v3  }
0x383: {  	s0 =	simm.s32 $0x3400;
	s9 =	simm.s32 $0x6600  }
0x384: {  	[tilespmem:s9], [sflag:$0x1] =	stream.indirect.gather [hbm4b:s3+s10], $0x20, s0, s10, $0xb8;
	[tilespmem:$0xE600] =	vst v63  }
0x385: {  	s17 =	simm.s32 $0x3480;
	s11 =	simm.s32 $0x7600  }
0x386: {  	[tilespmem:s11], [sflag:$0x1] =	stream.indirect.gather [hbm4b:s3+s10], $0x20, s17, s10, $0xb8;
	[tilespmem:$0xE600] =	vst v63  }
0x387: {  	s18 =	simm.s32 $0x3500;
	s13 =	simm.s32 $0x8600  }
0x388: {  	[tilespmem:s13], [sflag:$0x1] =	stream.indirect.gather [hbm4b:s3+s10], $0x20, s18, s10, $0xb8;
	[tilespmem:$0xE600] =	vst v63  }
0x389: {  	s19 =	simm.s32 $0x3580;
	s14 =	simm.s32 $0x9600  }
0x38a: {  	[tilespmem:s14], [sflag:$0x1] =	stream.indirect.gather [hbm4b:s3+s10], $0x20, s19, s10, $0xb8;
	[tilespmem:$0xE600] =	vst v63  }
0x38b: {  	s20 =	simm.s32 $0x3600;
	s15 =	simm.s32 $0xA600  }
0x38c: {  	[tilespmem:s15], [sflag:$0x2] =	stream.indirect.gather [hbm4b:s3+s10], $0x20, s20, s10, $0xb8;
	[tilespmem:$0xE600] =	vst v63  }
0x38d: {  	s21 =	simm.s32 $0x3680;
	s16 =	simm.s32 $0xB600  }
0x38e: {  	[tilespmem:s16], [sflag:$0x2] =	stream.indirect.gather [hbm4b:s3+s10], $0x20, s21, s10, $0xb8;
	[tilespmem:$0xE600] =	vst v63  }
0x38f: {  	s22 =	simm.s32 $0x3700;
	s17 =	simm.s32 $0xC600  }
0x390: {  	[tilespmem:s17], [sflag:$0x2] =	stream.indirect.gather [hbm4b:s3+s10], $0x20, s22, s10, $0xb8;
	[tilespmem:$0xE600] =	vst v63  }
0x391: {  	s23 =	simm.s32 $0x3780;
	s18 =	simm.s32 $0xD600;
	s19 =	simm.s32 $0x1  }
0x392: {  	[tilespmem:s18], [sflag:$0x2] =	stream.indirect.gather [hbm4b:s3+s10], $0x20, s23, s10, $0xb8;
	[tilespmem:$0xE600] =	vst v63  }
0x393: {  	_ =	swait.ge [sflag:s19], $0x4000  }
0x394: {  	[sflag:s19] =	ssyncset.done $0x0;
	s7 =	rddreg [dreg:$0x5]  }
0x395: {  	s12 =	simm.s32 $0x0;
	[sflag:s19] =	ssyncadd.s32 $0xFFFFC000;
	s25 =	sadd.s32 $0x0, s7  }
0x396: {  	[hbm4b:s25+s12] =	stream.linear.scatter [tilespmem:s9], [sflag:$0x4], $0x4000, $0x38;
	[tilespmem:$0xE600] =	vst v63  }
0x397: {  	_ =	swait.ge [sflag:s24], $0x4000  }
0x398: {  	[sflag:s24] =	ssyncset.done $0x0  }
0x399: {  	s26 =	simm.s32 $0x3800;
	[sflag:s24] =	ssyncadd.s32 $0xFFFFC000  }
0x39a: {  	[tilespmem:s9], [sflag:$0x1] =	stream.indirect.gather [hbm4b:s3+s10], $0x20, s26, s10, $0xb8;
	[tilespmem:$0xE600] =	vst v63  }
0x39b: {  	s28 =	simm.s32 $0x3880  }
0x39c: {  	[tilespmem:s11], [sflag:$0x1] =	stream.indirect.gather [hbm4b:s3+s10], $0x20, s28, s10, $0xb8;
	[tilespmem:$0xE600] =	vst v63  }
0x39d: {  	s29 =	simm.s32 $0x3900  }
0x39e: {  	[tilespmem:s13], [sflag:$0x1] =	stream.indirect.gather [hbm4b:s3+s10], $0x20, s29, s10, $0xb8;
	[tilespmem:$0xE600] =	vst v63  }
0x39f: {  	s30 =	simm.s32 $0x3980;
	s20 =	simm.s32 $0x2  }
0x3a0: {  	[tilespmem:s14], [sflag:$0x1] =	stream.indirect.gather [hbm4b:s3+s10], $0x20, s30, s10, $0xb8;
	[tilespmem:$0xE600] =	vst v63  }
0x3a1: {  	_ =	swait.ge [sflag:s20], $0x4000  }
0x3a2: {  	[sflag:s20] =	ssyncset.done $0x0;
	s8 =	rddreg [dreg:$0x6]  }
0x3a3: {  	[sflag:s20] =	ssyncadd.s32 $0xFFFFC000;
	s31 =	sadd.s32 $0x0, s8  }
0x3a4: {  	[hbm4b:s31+s12] =	stream.linear.scatter [tilespmem:s15], [sflag:$0x4], $0x4000, $0x38;
	[tilespmem:$0xE600] =	vst v63  }
0x3a5: {  	s5 =	simm.s32 $0x2000;
	_ =	swait.ge [sflag:s24], $0x4000  }
0x3a6: {  	s1 =	simm.s32 $0x400;
	s0 =	simm.s32 $0x1000;
	[sflag:s24] =	ssyncset.done $0x0  }
.LBB2_6:
0x3a7: {  	s2 =	sadd.s32 $0x3600, s1  }
0x3a8: {  	[sflag:s24] =	ssyncadd.s32 $0xFFFFC000;
	s4 =	smov.u32 s5;
	s6 =	sadd.s32 $0x1000, s5  }
0x3a9: {  	[tilespmem:s15], [sflag:$0x2] =	stream.indirect.gather [hbm4b:s3+s10], $0x20, s2, s10, $0xb8;
	[tilespmem:$0xE600] =	vst v63  }
0x3aa: {  	p0 =	sne.s32 s5, $0xB000;
	s2 =	sadd.s32 $0x3680, s1  }
0x3ab: {  	[tilespmem:s16], [sflag:$0x2] =	stream.indirect.gather [hbm4b:s3+s10], $0x20, s2, s10, $0xb8;
	[tilespmem:$0xE600] =	vst v63  }
0x3ac: {  	s2 =	sadd.s32 $0x3700, s1  }
0x3ad: {  	[tilespmem:s17], [sflag:$0x2] =	stream.indirect.gather [hbm4b:s3+s10], $0x20, s2, s10, $0xb8;
	[tilespmem:$0xE600] =	vst v63  }
0x3ae: {  	s2 =	sadd.s32 $0x3780, s1  }
0x3af: {  	[tilespmem:s18], [sflag:$0x2] =	stream.indirect.gather [hbm4b:s3+s10], $0x20, s2, s10, $0xb8;
	[tilespmem:$0xE600] =	vst v63  }
0x3b0: {  	_ =	swait.ge [sflag:s19], $0x4000  }
0x3b1: {  	[sflag:s19] =	ssyncset.done $0x0  }
0x3b2: {  	s2 =	sadd.s32 s0, s7;
	[sflag:s19] =	ssyncadd.s32 $0xFFFFC000  }
0x3b3: {  	[hbm4b:s2+s12] =	stream.linear.scatter [tilespmem:s9], [sflag:$0x4], $0x4000, $0x38;
	[tilespmem:$0xE600] =	vst v63  }
0x3b4: {  	_ =	swait.ge [sflag:s24], $0x4000  }
0x3b5: {  	[sflag:s24] =	ssyncset.done $0x0  }
0x3b6: {  	s2 =	sadd.s32 $0x3800, s1;
	[sflag:s24] =	ssyncadd.s32 $0xFFFFC000  }
0x3b7: {  	[tilespmem:s9], [sflag:$0x1] =	stream.indirect.gather [hbm4b:s3+s10], $0x20, s2, s10, $0xb8;
	[tilespmem:$0xE600] =	vst v63  }
0x3b8: {  	s2 =	sadd.s32 $0x3880, s1  }
0x3b9: {  	[tilespmem:s11], [sflag:$0x1] =	stream.indirect.gather [hbm4b:s3+s10], $0x20, s2, s10, $0xb8;
	[tilespmem:$0xE600] =	vst v63  }
0x3ba: {  	s2 =	sadd.s32 $0x3900, s1  }
0x3bb: {  	[tilespmem:s13], [sflag:$0x1] =	stream.indirect.gather [hbm4b:s3+s10], $0x20, s2, s10, $0xb8;
	[tilespmem:$0xE600] =	vst v63  }
0x3bc: {  	s1 =	sadd.s32 $0x3980, s1  }
0x3bd: {  	[tilespmem:s14], [sflag:$0x1] =	stream.indirect.gather [hbm4b:s3+s10], $0x20, s1, s10, $0xb8;
	[tilespmem:$0xE600] =	vst v63  }
0x3be: {  	_ =	swait.ge [sflag:s20], $0x4000  }
.Ltmp2:
0x3bf: {  	[sflag:s20] =	ssyncset.done $0x0;
	(pc) =	sbr.rel @p0 .LBB2_6-.Ltmp2, $4  }
0x3c0: {  	s1 =	sadd.s32 s0, s8;
	s0 =	smov.u32 s4;
	[sflag:s20] =	ssyncadd.s32 $0xFFFFC000  }
0x3c1: {  	[hbm4b:s1+s12] =	stream.linear.scatter [tilespmem:s15], [sflag:$0x4], $0x4000, $0x38;
	[tilespmem:$0xE600] =	vst v63  }
0x3c2: {  	_ =	swait.ge [sflag:s24], $0x4000  }
0x3c3: {  	s5 =	smov.u32 s6;
	s1 =	sshra.s32 s0, $0x2;
	[sflag:s24] =	ssyncset.done $0x0  }
0x3c4: {  	s2 =	sadd.s32 $0x3600, s1;
	[sflag:s24] =	ssyncadd.s32 $0xFFFFC000  }
0x3c5: {  	[tilespmem:s15], [sflag:$0x2] =	stream.indirect.gather [hbm4b:s3+s10], $0x20, s2, s10, $0xb8;
	[tilespmem:$0xE600] =	vst v63  }
0x3c6: {  	s6 =	sadd.s32 $0x3680, s1  }
0x3c7: {  	[tilespmem:s16], [sflag:$0x2] =	stream.indirect.gather [hbm4b:s3+s10], $0x20, s6, s10, $0xb8;
	[tilespmem:$0xE600] =	vst v63  }
0x3c8: {  	s16 =	sadd.s32 $0x3700, s1  }
0x3c9: {  	[tilespmem:s17], [sflag:$0x2] =	stream.indirect.gather [hbm4b:s3+s10], $0x20, s16, s10, $0xb8;
	[tilespmem:$0xE600] =	vst v63  }
0x3ca: {  	s17 =	sadd.s32 $0x3780, s1  }
0x3cb: {  	[tilespmem:s18], [sflag:$0x2] =	stream.indirect.gather [hbm4b:s3+s10], $0x20, s17, s10, $0xb8;
	[tilespmem:$0xE600] =	vst v63  }
0x3cc: {  	_ =	swait.ge [sflag:s19], $0x4000  }
0x3cd: {  	[sflag:s19] =	ssyncset.done $0x0  }
0x3ce: {  	s21 =	sadd.s32 s0, s7;
	[sflag:s19] =	ssyncadd.s32 $0xFFFFC000  }
0x3cf: {  	[hbm4b:s21+s12] =	stream.linear.scatter [tilespmem:s9], [sflag:$0x4], $0x4000, $0x38;
	[tilespmem:$0xE600] =	vst v63  }
0x3d0: {  	_ =	swait.ge [sflag:s24], $0x4000  }
0x3d1: {  	[sflag:s24] =	ssyncset.done $0x0  }
0x3d2: {  	s22 =	sadd.s32 $0x3800, s1;
	[sflag:s24] =	ssyncadd.s32 $0xFFFFC000  }
0x3d3: {  	[tilespmem:s9], [sflag:$0x1] =	stream.indirect.gather [hbm4b:s3+s10], $0x20, s22, s10, $0xb8;
	[tilespmem:$0xE600] =	vst v63  }
0x3d4: {  	s23 =	sadd.s32 $0x3880, s1  }
0x3d5: {  	[tilespmem:s11], [sflag:$0x1] =	stream.indirect.gather [hbm4b:s3+s10], $0x20, s23, s10, $0xb8;
	[tilespmem:$0xE600] =	vst v63  }
0x3d6: {  	s25 =	sadd.s32 $0x3900, s1  }
0x3d7: {  	[tilespmem:s13], [sflag:$0x1] =	stream.indirect.gather [hbm4b:s3+s10], $0x20, s25, s10, $0xb8;
	[tilespmem:$0xE600] =	vst v63  }
0x3d8: {  	s26 =	sadd.s32 $0x3980, s1  }
0x3d9: {  	[tilespmem:s14], [sflag:$0x1] =	stream.indirect.gather [hbm4b:s3+s10], $0x20, s26, s10, $0xb8;
	[tilespmem:$0xE600] =	vst v63  }
0x3da: {  	_ =	swait.ge [sflag:s20], $0x4000  }
0x3db: {  	[sflag:s20] =	ssyncset.done $0x0  }
0x3dc: {  	s28 =	sadd.s32 s0, s8;
	[sflag:s20] =	ssyncadd.s32 $0xFFFFC000  }
0x3dd: {  	[hbm4b:s28+s12] =	stream.linear.scatter [tilespmem:s15], [sflag:$0x4], $0x4000, $0x38;
	[tilespmem:$0xE600] =	vst v63  }
0x3de: {  	_ =	swait.ge [sflag:s24], $0x4000  }
0x3df: {  	[sflag:s24] =	ssyncset.done $0x0  }
0x3e0: {  	[sflag:s24] =	ssyncadd.s32 $0xFFFFC000  }
0x3e1: {  	_ =	swait.ge [sflag:s19], $0x4000  }
0x3e2: {  	[sflag:s19] =	ssyncset.done $0x0  }
0x3e3: {  	s29 =	rddreg [dreg:$0x3];
	[sflag:s19] =	ssyncadd.s32 $0xFFFFC000  }
0x3e4: {  	[hbm4b:s29+s12] =	stream.linear.scatter [tilespmem:s9], [sflag:$0x4], $0x4000, $0x38;
	[tilespmem:$0xE600] =	vst v63  }
0x3e5: {  	_ =	swait.ge [sflag:s24], $0x4000  }
0x3e6: {  	s30 =	rddreg [dreg:$0x7]  }
0x3e7: {  	s31 =	rddreg [dreg:$0x4];
	s1 =	sadd.s32 $0x1, s30  }
0x3e8: {  	p0 =	sne.s32 s1, s31  }
.Ltmp3:
0x3e9: {  	_ = 	snop;
	(pc) =	sbr.rel @p0 .LBB2_1-.Ltmp3, $3  }
0x3ea: {  	_ =	sdelay $0x1  }
0x3eb: {  	[sflag:s24] =	ssyncset.done $0x0  }
0x3ec: {  	s2 =	rddreg [dreg:$0x2];
	[sflag:s24] =	ssyncadd.s32 $0xFFFFC000  }
0x3ed: {  	_ =	sfence.sel $0x180000  }
0x3ee: {  	[bflag:$0x0] =	sbarrier.arrive $0xFFFF  }
0x3ef: {  	_ =	strace $0x90000047  }
0x3f0: {  	s0 =	stileid.u32;
	[bflag:$0x2] =	sbarrier.arrive $0xFFFF  }
0x3f1: {  	p0 =	sne.s32 s0, $0x0;
	s0 =	rddreg [dreg:$0x1]  }
0x3f2: {  	s0 =	sadd.s32 @!p0 $0x100000, s0  }
0x3f3: {  	[sflag:s0] =	ssyncadd.tile.s32 @!p0 $0x1;
	_ =	shalt  }
.Lfunc_end2:
_tile_overlayer_lowered:
.L_overlay_start_2:
0x3f4: {  	(tag) =	ssettag $0x2  }
0x3f5: {  	s0 =	rddreg [dreg:$0x0];
	s2 =	stileid.u32  }
0x3f6: {  	s1 =	rddreg [dreg:$0x1];
	p0 =	sne.s32 s2, $0x0  }
0x3f7: {  	s3 =	rddreg [dreg:$0x2];
	[bflag:$0x3] =	sbarrier.arrive $0xFFFF;
	s2 =	simm.s32 @!p0 $0x1C04  }
0x3f8: {  	[timem:s3], [sflag:s2] =	dma.local @!p0 [hbm:s0], s1  }
0x3f9: {  	s0 =	simm.s32 @!p0 $0x4  }
0x3fa: {  	_ =	swait.ge @!p0 [sflag:s0], s1  }
0x3fb: {  	s1 =	ssub.s32 @!p0 $0x0, s1;
	[sflag:s0] =	ssyncset.done @!p0 $0x0  }
0x3fc: {  	[sflag:s0] =	ssyncadd.s32 @!p0 s1  }
0x3fd: {  	[bflag:$0x3] =	sbarrier.arrive $0xFFFF  }
0x3fe: {  	_ =	shalt  }

// kernel: kernel.9.cloned.1.call-start
scs
__scs_entry_jumppad:
0x0: {  	(pc) =	sbr.rel $0x88, $3  }
0x1: {  	(tag) =	ssettag $0x0;
	lr =	simm.s32 $0x1  }
0x2: {  	[smem:$0x3F9E] =	sst lr;
	_ =	strace $0xD0000000  }
0x3: {  	_ = 	snop  }
0x4: {  	_ = 	snop  }
0x5: {  	_ = 	snop  }
0x6: {  	_ = 	snop  }
0x7: {  	_ = 	snop  }
__scs_overlays_trampoline_lowered:
0x8: {  	[smem:$0x3FAD] =	sst s0  }
0x9: {  	[smem:$0x3FAE] =	sst s1  }
0xa: {  	[smem:$0x3FAF] =	sst s2  }
0xb: {  	[smem:$0x3FB0] =	sst s3  }
0xc: {  	[smem:$0x3FB1] =	sst s4  }
0xd: {  	[smem:$0x3FB2] =	sst s5  }
0xe: {  	[smem:$0x3FB3] =	sst s6  }
0xf: {  	[smem:$0x3FB4] =	sst s7  }
0x10: {  	[smem:$0x3FB5] =	sst s8  }
0x11: {  	[smem:$0x3FB6] =	sst s9;
	s0 =	simm.s32 @!p0 $0x0  }
0x12: {  	s1 =	sld [smem:$0x3F9C];
	s0 =	simm.s32 @p0 $0x1  }
0x13: {  	[smem:$0x3FB7] =	sst s0;
	s0 =	simm.s32 @!p1 $0x0  }
0x14: {  	s2 =	sld [smem:$0x3F9B];
	s0 =	simm.s32 @p1 $0x1  }
0x15: {  	[smem:$0x3FB8] =	sst s0;
	s0 =	simm.s32 @!p2 $0x0  }
0x16: {  	s3 =	sld [smem:$0x3FDB];
	s0 =	simm.s32 @p2 $0x1  }
0x17: {  	s4 =	simm.s32 $0x1BF5;
	[smem:$0x3FBA] =	sst s0  }
0x18: {  	s0 =	sld [smem:$0x3F9D];
	_ =	swait.ge [sflag:s4], $0x0  }
0x19: {  	s7 =	sld [smem:$0x3F9E]  }
0x1a: {  	s8 =	sadd.s32 $0xFFFFE003, lr  }
0x1b: {  	s9 =	sadd.s32 $0xFFFFFEF7, lr;
	s5 =	simm.s32 $0xFFFFFFFF;
	p2 =	slt.u32 s8, $0xFFFFF086  }
0x1c: {  	p1 =	slt.u32 s9, $0xF7A;
	s5 =	simm.s32 @!p2 $0x0  }
0x1d: {  	s5 =	simm.s32 @p1 $0x1;
	p0 =	seq.s32 s7, s2  }
0x1e: {  	s7 =	smul.u32 @!p0 $0xF7A, s2;
	p2 =	seq.s32 @!p0 s5, $0x0  }
0x1f: {  	s9 =	smul.u32 $0xF7A, s1;
	s8 =	simm.s32 @!p0 $0x1BF5;
	p2 =	por !p2, p0  }
0x20: {  	[sflag:s8] =	ssyncset.s32 @!p0 $0xFFFFF086;
	s6 =	sadd.s32 @!p0 s3, s7;
	s7 =	simm.s32 @!p0 $0x108  }
0x21: {  	s3 =	sadd.s32 s3, s9;
	s6 =	sadd.s32 @!p0 $0x88, s6;
	s7 =	simm.s32 @p2 $0x1082  }
0x22: {  	[simem:s7], [sflag:s8] =	dma.local @!p0 [hbm:s6], $0xF7A  }
0x23: {  	s9 =	sor.u32 $0xD0000000, s2;
	s6 =	simm.s32 $0x108;
	_ =	swait.ge @!p0 [sflag:s8], $0x0  }
0x24: {  	s3 =	sadd.s32 $0x88, s3;
	s6 =	simm.s32 @!p1 $0x1082;
	[sflag:s4] =	ssyncset.s32 $0xFFFFF086  }
0x25: {  	[simem:s6], [sflag:s4] =	dma.local [hbm:s3], $0xF7A  }
0x26: {  	[smem:$0x3F9E] =	sst s1;
	(tag) =	ssettag s2;
	_ =	strace s9  }
0x27: {  	s1 =	sld [smem:$0x3FAE]  }
0x28: {  	s2 =	sld [smem:$0x3FAF]  }
0x29: {  	s4 =	sld [smem:$0x3FB1]  }
0x2a: {  	p0 =	seq.s32 s5, $0x0;
	s5 =	sld [smem:$0x3FB2]  }
0x2b: {  	s6 =	sld [smem:$0x3FB3]  }
0x2c: {  	s7 =	sld [smem:$0x3FB4]  }
0x2d: {  	s3 =	simm.s32 $0x108;
	s8 =	sld [smem:$0x3FB5]  }
0x2e: {  	s3 =	simm.s32 @!p0 $0x1082;
	s9 =	sld [smem:$0x3FB6]  }
0x2f: {  	lr =	sadd.s32 s0, s3;
	s0 =	sld [smem:$0x3FAD]  }
0x30: {  	s3 =	sld [smem:$0x3FB0]  }
0x31: {  	[smem:$0x3FB9] =	sst s10  }
0x32: {  	s10 =	sld [smem:$0x3FB7];
	_ =	sdelay $0x3  }
0x33: {  	p0 =	seq.s32 s10, $0x1;
	s10 =	sld [smem:$0x3FB9];
	_ =	sdelay $0x3  }
0x34: {  	[smem:$0x3FB9] =	sst s10  }
0x35: {  	s10 =	sld [smem:$0x3FB8];
	_ =	sdelay $0x3  }
0x36: {  	p1 =	seq.s32 s10, $0x1;
	s10 =	sld [smem:$0x3FB9];
	_ =	sdelay $0x3  }
0x37: {  	[smem:$0x3FB9] =	sst s10  }
0x38: {  	s10 =	sld [smem:$0x3FBA]  }
0x39: {  	_ = 	snop;
	(pc) =	sbr.ind lr, $3  }
0x3a: {  	_ = 	snop  }
0x3b: {  	_ = 	snop  }
0x3c: {  	p2 =	seq.s32 s10, $0x1;
	s10 =	sld [smem:$0x3FB9]  }
0x3d: {  	_ =	shalt  }
0x3e: {  	_ =	shalt  }
0x3f: {  	_ =	shalt  }
0x40: {  	_ =	shalt  }
0x41: {  	_ =	shalt  }
0x42: {  	_ =	shalt  }
0x43: {  	_ =	shalt  }
0x44: {  	_ =	shalt  }
0x45: {  	_ =	shalt  }
0x46: {  	_ =	shalt  }
0x47: {  	_ =	shalt  }
0x48: {  	_ =	shalt  }
0x49: {  	_ =	shalt  }
0x4a: {  	_ =	shalt  }
0x4b: {  	_ =	shalt  }
0x4c: {  	_ =	shalt  }
0x4d: {  	_ =	shalt  }
0x4e: {  	_ =	shalt  }
0x4f: {  	_ =	shalt  }
0x50: {  	_ =	shalt  }
0x51: {  	_ =	shalt  }
0x52: {  	_ =	shalt  }
0x53: {  	_ =	shalt  }
0x54: {  	_ =	shalt  }
0x55: {  	_ =	shalt  }
0x56: {  	_ =	shalt  }
0x57: {  	_ =	shalt  }
0x58: {  	_ =	shalt  }
0x59: {  	_ =	shalt  }
0x5a: {  	_ =	shalt  }
0x5b: {  	_ =	shalt  }
0x5c: {  	_ =	shalt  }
0x5d: {  	_ =	shalt  }
0x5e: {  	_ =	shalt  }
0x5f: {  	_ =	shalt  }
0x60: {  	_ =	shalt  }
0x61: {  	_ =	shalt  }
0x62: {  	_ =	shalt  }
0x63: {  	_ =	shalt  }
0x64: {  	_ =	shalt  }
0x65: {  	_ =	shalt  }
0x66: {  	_ =	shalt  }
0x67: {  	_ =	shalt  }
0x68: {  	_ =	shalt  }
0x69: {  	_ =	shalt  }
0x6a: {  	_ =	shalt  }
0x6b: {  	_ =	shalt  }
0x6c: {  	_ =	shalt  }
0x6d: {  	_ =	shalt  }
0x6e: {  	_ =	shalt  }
0x6f: {  	_ =	shalt  }
0x70: {  	_ =	shalt  }
0x71: {  	_ =	shalt  }
0x72: {  	_ =	shalt  }
0x73: {  	_ =	shalt  }
0x74: {  	_ =	shalt  }
0x75: {  	_ =	shalt  }
0x76: {  	_ =	shalt  }
0x77: {  	_ =	shalt  }
0x78: {  	_ =	shalt  }
0x79: {  	_ =	shalt  }
0x7a: {  	_ =	shalt  }
0x7b: {  	_ =	shalt  }
0x7c: {  	_ =	shalt  }
0x7d: {  	_ =	shalt  }
0x7e: {  	_ =	shalt  }
0x7f: {  	_ =	shalt  }
0x80: {  	_ =	shalt  }
0x81: {  	_ =	shalt  }
0x82: {  	_ =	shalt  }
0x83: {  	_ =	shalt  }
0x84: {  	_ =	shalt  }
0x85: {  	_ =	shalt  }
0x86: {  	_ =	shalt  }
0x87: {  	_ =	shalt  }
.Lfunc_end0:
.L_simem_size_0:
called_computation.1_lowered:
.L_overlay_start_0:
0x88: {  	s2 =	sld [smem:$0x3FD9]  }
0x89: {  	s3 =	sld [smem:$0x3FFE];
	_ =	sdelay $0x1  }
0x8a: {  	s1 =	srdreg.scid  }
0x8b: {  	s0 =	sand.u32 $0x1, s1  }
0x8c: {  	s17 =	sshll.u32 s0, $0xA;
	s2 =	sadd.s32 s3, s2  }
0x8d: {  	s2 =	sadd.s32 s2, s17  }
0x8e: {  	[smem:$0x3FC5] =	sst s2  }
0x8f: {  	_ = 	snop  }
0x90: {  	(tm) =	ssettm $0x1  }
0x91: {  	s18 =	sld [smem:$0x3FFB];
	_ =	sdelay $0x3  }
0x92: {  	_ =	strace s18  }
0x93: {  	s2 =	sld [smem:$0x3FFC];
	_ =	sdelay $0x3  }
0x94: {  	_ =	strace s2  }
0x95: {  	s2 =	sld [smem:$0x3FFD];
	_ =	sdelay $0x3  }
0x96: {  	_ =	strace s2  }
0x97: {  	_ =	strace $0x8FFFFFFF  }
0x98: {  	s19 =	sld [smem:$0x3FDB];
	_ =	sdelay $0x1  }
0x99: {  	s20 =	simm.s32 $_scs_section_size  }
0x9a: {  	s4 =	simm.s32 $_size__tile_overlayer_lowered;
	s5 =	simm.s32 $_tile_overlayer_lowered  }
0x9b: {  	s6 =	simm.s32 $0x1BFF;
	s21 =	sshll.u32 s5, $0x1;
	s3 =	sadd.s32 s20, s19  }
0x9c: {  	s22 =	simm.s32 $0x0;
	s4 =	sshll.u32 s4, $0x1;
	s5 =	sadd.s32 s21, s3  }
0x9d: {  	[timem:s22], [sflag:s6] =	dma.local [hbm:s5], s4  }
0x9e: {  	_ =	swait.ge [sflag:s6], s4  }
0x9f: {  	s4 =	ssub.s32 $0x0, s4;
	[sflag:s6] =	ssyncset.done $0x0  }
0xa0: {  	[sflag:s6] =	ssyncadd.s32 s4;
	_ =	sdelay $0x1  }
0xa1: {  	s23 =	simm.s32 $0x1B8B  }
0xa2: {  	_ =	swait.ge [sflag:s23], $0x1  }
0xa3: {  	[sflag:s23] =	ssyncset.done $0x0  }
0xa4: {  	[sflag:s23] =	ssyncadd.s32 $0xFFFFFFFF  }
0xa5: {  	s4 =	sld [smem:$0x0]  }
0xa6: {  	s5 =	sand.u32 $0xFFFFFFFE, s1  }
0xa7: {  	p0 =	sne.s32 s1, s5  }
0xa8: {  	s5 =	sshll.u32 @p0 s5, $0xE  }
0xa9: {  	s5 =	sadd.s32 @p0 $0x11B8D, s5;
	s6 =	sshll.u32 @p0 s4, $0x11  }
0xaa: {  	s5 =	sor.u32 @p0 s6, s5  }
0xab: {  	[sflag:s5] =	ssyncadd.remote.s32 @p0 $0x1;
	_ =	sdelay $0x1  }
0xac: {  	s5 =	simm.s32 @p0 $0x1B8D  }
0xad: {  	_ =	swait.eq @p0 [sflag:s5], $0x1  }
0xae: {  	[sflag:s5] =	ssyncadd.s32 @p0 $0xFFFFFFFF  }
0xaf: {  	s6 =	sshll.u32 @!p0 s1, $0xE  }
0xb0: {  	s6 =	sor.u32 @!p0 $0x4000, s6;
	s5 =	simm.s32 @!p0 $0x1B8D  }
0xb1: {  	s4 =	sshll.u32 @!p0 s4, $0x11;
	s6 =	sadd.s32 @!p0 $0x11B8D, s6;
	_ =	swait.eq @!p0 [sflag:s5], $0x1  }
0xb2: {  	s4 =	sor.u32 @!p0 s4, s6;
	[sflag:s5] =	ssyncadd.s32 @!p0 $0xFFFFFFFF  }
0xb3: {  	s25 =	simm.s32 $0x1B8E;
	s24 =	sld [smem:$0x3FFE];
	[sflag:s4] =	ssyncadd.remote.s32 @!p0 $0x1  }
0xb4: {  	s26 =	simm.s32 $execute0_lowered;
	[smem:$0x3FD2] =	sst s25  }
0xb5: {  	s5 =	sshll.u32 s26, $0x1;
	_ =	strace $0x80000049;
	[dreg:$0x1] =	wrdreg $0xFFFFFFFF  }
0xb6: {  	s28 =	simm.s32 $_size_execute0_lowered;
	s3 =	sadd.s32 s3, s5;
	[dreg:$0x0] =	wrdreg $0x0  }
0xb7: {  	s5 =	sshll.u32 s28, $0x1;
	[dreg:$0x2] =	wrdreg s3  }
0xb8: {  	[dreg:$0x3] =	wrdreg s5  }
0xb9: {  	[dreg:$0x4] =	wrdreg $0xC0  }
0xba: {  	_ =	task [dreg:s22], $0x5FFFF  }
0xbb: {  	[dreg:$0x1] =	wrdreg $0xFFFFFFFF  }
0xbc: {  	[dreg:$0x0] =	wrdreg $0x60  }
0xbd: {  	[dreg:$0x2] =	wrdreg s24  }
0xbe: {  	[dreg:$0x3] =	wrdreg $0xA  }
0xbf: {  	_ =	task.clear_ibuf [dreg:s22], $0x4FFFF;
	_ =	strace $0x90000049  }
0xc0: {  	s29 =	simm.s32 $0xA;
	_ =	strace $0x8000004B  }
0xc1: {  	_ =	swait.ge [sflag:s29], $0x1  }
0xc2: {  	[sflag:s29] =	ssyncadd.s32 $0xFFFFFFFF  }
0xc3: {  	_ =	strace $0x9000004B  }
0xc4: {  	_ =	sfence  }
0xc5: {  	s30 =	sld [smem:$0x0];
	_ =	sdelay $0x2  }
0xc6: {  	s31 =	sshll.u32 s1, $0xD;
	s1 =	sshrl.u32 s1, $0x2  }
0xc7: {  	s4 =	sand.u32 $0x4000, s31;
	s1 =	sadd.s32 s1, s30  }
0xc8: {  	s0 =	sor.u32 s4, s0;
	s1 =	sshll.u32 s1, $0x11  }
0xc9: {  	s0 =	sor.u32 s1, s0  }
0xca: {  	s0 =	sadd.s32 $0x8F2B, s0  }
0xcb: {  	[sflag:s0] =	ssyncadd.remote.s32 $0x1  }
0xcc: {  	_ =	sfence.sel $0xFFFF  }
0xcd: {  	[dreg:$0x0] =	wrdreg $0xFFFFFFFF;
	(pc) =	sbr.abs _section_cstart, $3  }
0xce: {  	[dreg:$0x1] =	wrdreg $0xFFFFFFFF  }
0xcf: {  	_ =	task.clear_ibuf [dreg:s22], $0x2FFFF;
	_ =	strace $0x9FFFFFFF  }
0xd0: {  	(tm) =	ssettm $0x7FFFFFFF  }
0xd1: {  	_ =	shalt  }
tec
execute0_lowered:
.L_overlay_start_1:
0x0: {  	(tag) =	ssettag $0x1  }
0x1: {  	s0 =	srdreg.scid;
	s2 =	stileid.u32  }
0x2: {  	s4 =	rddreg [dreg:$0x0];
	s12 =	simm.s32 $0x0;
	s5 =	smul.u32 $0xC8000, s2  }
0x3: {  	s24 =	simm.s32 $0x4;
	s0 =	sand.u32 $0x1, s0;
	s8 =	smul.u32 $0x6400, s2  }
0x4: {  	s1 =	sshll.u32 s2, $0x1;
	[smem:$0x7FF] =	sst s12;
	s10 =	smul.u32 $0x3200, s0  }
0x5: {  	s1 =	sor.u32 s0, s1;
	s7 =	ssub.s32 $0x2, s0;
	s0 =	smul.u32 $0x64000, s0  }
0x6: {  	s11 =	sadd.s32 $0x1A9E00, s4;
	s3 =	smul.u32 $0x640, s1;
	s9 =	sshrl.u32 s7, $0x1  }
0x7: {  	_ =	strace $0x8000004A;
	s1 =	smul.u32 $0x64000, s1;
	s7 =	ssub.s32 s7, s9  }
0x8: {  	s25 =	sadd.s32 s10, s8;
	s0 =	sadd.s32 s0, s5;
	s6 =	sadd.s32 s3, s4  }
0x9: {  	v1 =	vimm.s32 $0xECA86420;
	s1 =	sshrl.u32 s1, $0x3;
	s26 =	sshll.u32 s25, $0x2;
	s29 =	smax.u32 s7, $0x1  }
0xa: {  	v0 =	vlaneseq.u32;
	vm0 =	vcmask $0xB08;
	vm1 =	vcmask $0x1310;
	s0 =	sshrl.u32 s0, $0x3;
	s2 =	sadd.s32 $0x19D600, s6;
	[dreg:$0x4] =	wrdreg s29  }
0xb: {  	vm2 =	vcmask $0x1B18;
	vm8 =	vmmov $0xff;
	vm4 =	vcmask $0x300;
	s1 =	sadd.s32 s11, s1;
	s30 =	sadd.s32 s0, s11;
	[dreg:$0x2] =	wrdreg s2  }
0xc: {  	vm5 =	vcmask $0x2320;
	vm6 =	vcmask $0x2B28;
	v1 =	vunpack.c.l.s4.s8 v1;
	s28 =	sadd.s32 s11, s26;
	s1 =	sadd.s32 $0xC000, s1;
	[dreg:$0x5] =	wrdreg s30  }
0xd: {  	vm7 =	vcmask $0x3330;
	vm10 =	vcmask $0x3B38;
	vm14 =	vcmask $0x1F1C;
	s10 =	simm.s32 $0x80;
	s31 =	sadd.s32 $0x800, s28;
	[dreg:$0x3] =	wrdreg s1  }
0xe: {  	vm15 =	vcmask $0x2724;
	v2 =	vmul.u32 $0x2, v0;
	v1 =	vunpack.c.0.s8.s32 v1;
	s3 =	sadd.s32 $0xF4FA00, s4;
	s1 =	simm.s32 $0x0;
	[dreg:$0x6] =	wrdreg s31  }
.LBB2_1:
0xf: {  	[dreg:$0x7] =	wrdreg s1;
	s0 =	simm.s32 $0x8  }
0x10: {  	s1 =	simm.s32 $0x19;
	s6 =	sadd.s32 $0x0, s2;
	s5 =	simm.s32 $0xD8  }
.LBB2_2:
0x11: {  	[tilespmem:s0], [sflag:$0x3] =	stream.linear.gather [hbm4b:s6+s12], $0xC8, $0x38;
	[tilespmem:$0xE600] =	vst v63  }
0x12: {  	s6 =	smov.u32 s1;
	s0 =	smov.u32 s5;
	p0 =	sne.s32 s1, $0x627  }
.Ltmp0:
0x13: {  	s1 =	sadd.s32 $0x19, s1;
	(pc) =	sbr.rel @p0 .LBB2_2-.Ltmp0, $2  }
0x14: {  	_ =	sdelay $0x2  }
0x15: {  	s5 =	sadd.s32 $0xD0, s5;
	s6 =	sadd.s32 s6, s2  }
0x16: {  	[tilespmem:s0], [sflag:$0x3] =	stream.linear.gather [hbm4b:s6+s12], $0xC8, $0x38;
	[tilespmem:$0xE600] =	vst v63  }
0x17: {  	s30 =	simm.s32 $0x3  }
0x18: {  	_ =	swait.ge [sflag:s30], $0x3200  }
0x19: {  	s31 =	simm.s32 $0x0;
	[sflag:s30] =	ssyncset.done $0x0  }
0x1a: {  	s0 =	simm.s32 $0x67;
	[dreg:$0x8] =	wrdreg s31;
	[sflag:s30] =	ssyncadd.s32 $0xFFFFCE00  }
.LBB2_4:
0x1b: {  	v3 =	vld [tilespmem:s0+$0xFFFFFFA0];
	_ =	sdelay $0x2  }
0x1c: {  	v4 =	vld [tilespmem:s0+$0xFFFFFFA1]  }
0x1d: {  	vm9 =	veq.s32 v0, $0x0  }
0x1e: {  	v3 =	vsel vm9, $0x0, v3  }
0x1f: {  	v3 =	vmul.u32 $0x420, v3;
	_ =	sdelay $0x1  }
0x20: {  	v3 =	vadd.s32 v4, v3  }
0x21: {  	(v2sf) =	vpush v3, $0xD;
	_ =	sdelay $0x1  }
0x22: {  	(v2sf) =	vpush v3, $0xC;
	_ =	sdelay $0x1  }
0x23: {  	(v2sf) =	vpush v3, $0xE;
	_ =	sdelay $0x1  }
0x24: {  	(v2sf) =	vpush v3, $0xF;
	_ =	sdelay $0x1  }
0x25: {  	(v2sf) =	vpush v3, $0x9;
	_ =	sdelay $0x1  }
0x26: {  	(v2sf) =	vpush v3, $0x8;
	_ =	sdelay $0x1  }
0x27: {  	(v2sf) =	vpush v3, $0xA;
	_ =	sdelay $0x1  }
0x28: {  	(v2sf) =	vpush v3, $0xB  }
0x29: {  	s2 =	spop (v2sf)  }
0x2a: {  	[dreg:$0x9] =	wrdreg s0;
	(v2sf) =	vpush v3, $0x0;
	s1 =	smulhi.u32 $0x431BDE83, s2;
	s0 =	sshra.s32 s2, $0x1F  }
0x2b: {  	s5 =	spop (v2sf);
	(v2sf) =	vpush v3, $0x1;
	s0 =	smul.u32 $0x431BDE83, s0  }
0x2c: {  	s9 =	smulhi.u32 $0x431BDE83, s5;
	s5 =	sshra.s32 s5, $0x1F;
	(v2sf) =	vpush v3, $0x2  }
0x2d: {  	s6 =	spop (v2sf);
	s5 =	smul.u32 $0x431BDE83, s5;
	(v2sf) =	vpush v3, $0x3  }
0x2e: {  	s11 =	smulhi.u32 $0x431BDE83, s6;
	s6 =	sshra.s32 s6, $0x1F;
	(v2sf) =	vpush v3, $0x4  }
0x2f: {  	s4 =	spop (v2sf);
	s13 =	smul.u32 $0x431BDE83, s6;
	(v2sf) =	vpush v3, $0x5  }
0x30: {  	s7 =	smulhi.u32 $0x431BDE83, s4;
	s8 =	sshra.s32 s4, $0x1F;
	(v2sf) =	vpush v3, $0x6  }
0x31: {  	s30 =	sadd.s32 s0, s1;
	s17 =	spop (v2sf);
	s15 =	smul.u32 $0x431BDE83, s8;
	(v2sf) =	vpush v3, $0x7  }
0x32: {  	s6 =	sshrl.u32 s30, $0x1F;
	s12 =	smulhi.u32 $0x431BDE83, s17;
	s17 =	sshra.s32 s17, $0x1F  }
0x33: {  	s0 =	sadd.s32 s5, s9;
	s18 =	spop (v2sf);
	s9 =	smul.u32 $0x431BDE83, s17  }
0x34: {  	s14 =	sshrl.u32 s0, $0x1F;
	s19 =	smulhi.u32 $0x431BDE83, s18;
	s22 =	sshra.s32 s18, $0x1F  }
0x35: {  	s31 =	sadd.s32 s13, s11;
	s23 =	spop (v2sf);
	s17 =	smul.u32 $0x431BDE83, s22  }
0x36: {  	s1 =	sadd.s32 s15, s7;
	s15 =	smulhi.u32 $0x431BDE83, s23;
	s11 =	sshra.s32 s23, $0x1F  }
0x37: {  	s0 =	sshra.s32 s0, $0x12;
	s20 =	spop (v2sf);
	s16 =	smul.u32 $0x431BDE83, s11  }
0x38: {  	s26 =	sshrl.u32 s31, $0x1F;
	s18 =	smulhi.u32 $0x431BDE83, s20;
	s25 =	sshra.s32 s20, $0x1F  }
0x39: {  	s28 =	sshrl.u32 s1, $0x1F;
	s20 =	smul.u32 $0x431BDE83, s25;
	s29 =	spop (v2sf)  }
0x3a: {  	s21 =	smulhi.u32 $0x431BDE83, s29;
	s5 =	sshra.s32 s29, $0x1F;
	s22 =	spop (v2sf)  }
0x3b: {  	s11 =	sadd.s32 s9, s12;
	s4 =	smul.u32 $0x431BDE83, s5;
	s2 =	spop (v2sf)  }
0x3c: {  	s7 =	smulhi.u32 $0x431BDE83, s22;
	s23 =	sshra.s32 s22, $0x1F;
	s22 =	spop (v2sf)  }
0x3d: {  	s17 =	sadd.s32 s17, s19;
	s12 =	smul.u32 $0x431BDE83, s23;
	s19 =	spop (v2sf)  }
0x3e: {  	s29 =	smulhi.u32 $0x431BDE83, s2;
	s25 =	sshra.s32 s2, $0x1F;
	s2 =	spop (v2sf)  }
0x3f: {  	s5 =	sadd.s32 s16, s15;
	s15 =	smul.u32 $0x431BDE83, s25;
	s16 =	spop (v2sf)  }
0x40: {  	s13 =	sadd.s32 s20, s18;
	s18 =	smulhi.u32 $0x431BDE83, s22;
	s23 =	spop (v2sf)  }
0x41: {  	s9 =	sshrl.u32 s11, $0x1F;
	s25 =	smulhi.u32 $0x431BDE83, s23;
	s20 =	sshra.s32 s23, $0x1F  }
0x42: {  	v5 =	vmov s14;
	s8 =	sshrl.u32 s17, $0x1F;
	s4 =	sadd.s32 s4, s21;
	s20 =	smul.u32 $0x431BDE83, s20  }
0x43: {  	v5 =	vsel vm0, s6, v5;
	s7 =	sadd.s32 s12, s7;
	s6 =	smulhi.u32 $0x431BDE83, s2;
	s2 =	sshra.s32 s2, $0x1F  }
0x44: {  	s29 =	sadd.s32 s15, s29;
	s2 =	smul.u32 $0x431BDE83, s2;
	s15 =	sadd.s32 s20, s25  }
0x45: {  	v5 =	vsel vm1, s26, v5;
	s26 =	sshra.s32 s29, $0x12;
	s23 =	sshra.s32 s22, $0x1F;
	s21 =	sshra.s32 s15, $0x1F  }
0x46: {  	vm11 =	vcmask $0x704;
	s22 =	sshrl.u32 s5, $0x1F;
	s12 =	smul.u32 $0x431BDE83, s23;
	s25 =	sshra.s32 s4, $0x12;
	v34 =	vmov s21  }
0x47: {  	vm12 =	vcmask $0xF0C;
	vm13 =	vcmask $0x1714;
	s23 =	sshrl.u32 s13, $0x1F;
	s20 =	sshrl.u32 s4, $0x1F;
	s4 =	sshra.s32 s4, $0x1F;
	v4 =	vsel vm4, s25, v34  }
0x48: {  	vm3 =	vcmask $0x2F2C;
	s12 =	sadd.s32 s12, s18;
	s18 =	smulhi.u32 $0x431BDE83, s19;
	v6 =	vmov s20;
	s25 =	sshra.s32 s7, $0x12;
	v4 =	vsel vm11, s4, v4  }
0x49: {  	vm9 =	vcmask $0x3734;
	s19 =	sshra.s32 s19, $0x1F;
	s21 =	sshrl.u32 s7, $0x1F;
	v6 =	vnsel vm4, $0x0, v6;
	s7 =	sshra.s32 s7, $0x1F;
	v4 =	vsel vm0, s25, v4  }
0x4a: {  	v7 =	vmov s8;
	s2 =	sadd.s32 s2, s6;
	s14 =	smul.u32 $0x431BDE83, s19;
	s19 =	sshrl.u32 s29, $0x1F;
	v6 =	vsel vm0, s21, v6;
	v4 =	vsel vm12, s7, v4  }
0x4b: {  	v7 =	vsel vm0, s9, v7;
	v6 =	vsel vm1, s19, v6;
	s19 =	sshra.s32 s29, $0x1F;
	s25 =	smulhi.u32 $0x431BDE83, s16;
	s16 =	sshra.s32 s16, $0x1F;
	v4 =	vsel vm1, s26, v4  }
0x4c: {  	v5 =	vsel vm2, s28, v5;
	v7 =	vsel vm1, s22, v7;
	s28 =	sadd.s32 s14, s18;
	s21 =	sshra.s32 s12, $0x12;
	s18 =	smul.u32 $0x431BDE83, s16;
	v4 =	vsel vm13, s19, v4  }
0x4d: {  	v35 =	vmov s0;
	v7 =	vsel vm2, s23, v7;
	s20 =	sshrl.u32 s12, $0x1F;
	s22 =	sshra.s32 s12, $0x1F;
	s29 =	sshra.s32 s30, $0x12;
	v4 =	vsel vm2, s21, v4  }
0x4e: {  	v5 =	vcombine.low v7, v5;
	v6 =	vsel vm2, s20, v6;
	s20 =	sshrl.u32 s28, $0x1F;
	s7 =	sadd.s32 s18, s25;
	s25 =	sshra.s32 s28, $0x12;
	v4 =	vsel vm14, s22, v4  }
0x4f: {  	s6 =	sshrl.u32 s2, $0x1F;
	v7 =	vsel vm0, s29, v35;
	v6 =	vsel vm5, s20, v6;
	s26 =	sshra.s32 s17, $0x12;
	s28 =	sshra.s32 s28, $0x1F;
	v4 =	vsel vm5, s25, v4  }
0x50: {  	s9 =	sshra.s32 s31, $0x12;
	s30 =	sshra.s32 s11, $0x12;
	v6 =	vsel vm6, s6, v6;
	s6 =	sshra.s32 s2, $0x12;
	v8 =	vmov s26;
	v4 =	vsel vm15, s28, v4  }
0x51: {  	s1 =	sshra.s32 s1, $0x12;
	s11 =	sshra.s32 s5, $0x12;
	v7 =	vsel vm1, s9, v7;
	s2 =	sshra.s32 s2, $0x1F;
	v8 =	vsel vm0, s30, v8;
	v4 =	vsel vm6, s6, v4  }
0x52: {  	s12 =	sshra.s32 s13, $0x12;
	v7 =	vsel vm2, s1, v7;
	s23 =	sshrl.u32 s7, $0x1F;
	s13 =	sshra.s32 s7, $0x12;
	v8 =	vsel vm1, s11, v8;
	v4 =	vsel vm3, s2, v4  }
0x53: {  	s14 =	sshrl.u32 s15, $0x1F;
	s16 =	sshra.s32 s7, $0x1F;
	v6 =	vsel vm7, s23, v6;
	v8 =	vsel vm2, s12, v8;
	v4 =	vsel vm7, s13, v4  }
0x54: {  	s17 =	sshra.s32 s15, $0x12;
	v6 =	vsel vm10, s14, v6;
	v7 =	vcombine.low v8, v7;
	v4 =	vsel vm9, s16, v4  }
0x55: {  	v5 =	vperm.xlane v5, v1;
	v6 =	vperm.xlane v6, v2;
	v4 =	vsel vm10, s17, v4  }
0x56: {  	v7 =	vperm.xlane v7, v1;
	v4 =	vperm.xlane v4, v2;
	_ =	sdelay $0x1  }
0x57: {  	v5 =	vsel vm8, v6, v5;
	v4 =	vsel vm8, v4, v7  }
0x58: {  	v4 =	vadd.s32 v5, v4  }
0x59: {  	v4 =	vmul.u32 $0xF4240, v4;
	_ =	sdelay $0x1  }
0x5a: {  	v3 =	vsub.s32 v3, v4  }
0x5b: {  	s18 =	rddreg [dreg:$0x8];
	vm9 =	vlt.s32 v3, $0x0;
	v4 =	vadd.s32 $0xF4240, v3  }
0x5c: {  	s30 =	sshra.s32 s18, $0x2;
	v3 =	vsel vm9, v4, v3  }
0x5d: {  	s19 =	rddreg [dreg:$0x9];
	[tilespmem:s30+$0x3400] =	vst v3  }
0x5e: {  	v3 =	vld [tilespmem:s19+$0xFFFFFFB0]  }
0x5f: {  	s20 =	rddreg [dreg:$0x9]  }
0x60: {  	v36 =	vld [tilespmem:s20+$0xFFFFFFB1];
	_ =	sdelay $0x2  }
0x61: {  	v3 =	vmul.u32 $0x420, v3;
	_ =	sdelay $0x1  }
0x62: {  	v3 =	vadd.s32 v36, v3  }
0x63: {  	(v2sf) =	vpush v3, $0xD;
	_ =	sdelay $0x1  }
0x64: {  	(v2sf) =	vpush v3, $0xC;
	_ =	sdelay $0x1  }
0x65: {  	(v2sf) =	vpush v3, $0xE;
	_ =	sdelay $0x1  }
0x66: {  	(v2sf) =	vpush v3, $0xF;
	_ =	sdelay $0x1  }
0x67: {  	(v2sf) =	vpush v3, $0x9;
	_ =	sdelay $0x1  }
0x68: {  	(v2sf) =	vpush v3, $0x8;
	_ =	sdelay $0x1  }
0x69: {  	(v2sf) =	vpush v3, $0xA;
	_ =	sdelay $0x1  }
0x6a: {  	(v2sf) =	vpush v3, $0xB  }
0x6b: {  	s21 =	spop (v2sf)  }
0x6c: {  	(v2sf) =	vpush v3, $0x0;
	s22 =	smulhi.u32 $0x431BDE83, s21;
	s0 =	sshra.s32 s21, $0x1F  }
0x6d: {  	s23 =	spop (v2sf);
	s0 =	smul.u32 $0x431BDE83, s0  }
0x6e: {  	(v2sf) =	vpush v3, $0x1;
	s25 =	smulhi.u32 $0x431BDE83, s23;
	s2 =	sshra.s32 s23, $0x1F  }
0x6f: {  	(v2sf) =	vpush v3, $0x2;
	s26 =	spop (v2sf);
	s2 =	smul.u32 $0x431BDE83, s2  }
0x70: {  	(v2sf) =	vpush v3, $0x3;
	s28 =	smulhi.u32 $0x431BDE83, s26;
	s5 =	sshra.s32 s26, $0x1F  }
0x71: {  	(v2sf) =	vpush v3, $0x4;
	s29 =	spop (v2sf);
	s5 =	smul.u32 $0x431BDE83, s5  }
0x72: {  	(v2sf) =	vpush v3, $0x5;
	s31 =	smulhi.u32 $0x431BDE83, s29;
	s7 =	sshra.s32 s29, $0x1F  }
0x73: {  	(v2sf) =	vpush v3, $0x6;
	s12 =	spop (v2sf);
	s7 =	smul.u32 $0x431BDE83, s7  }
0x74: {  	[dreg:$0x8] =	wrdreg s18;
	(v2sf) =	vpush v3, $0x7;
	s13 =	smulhi.u32 $0x431BDE83, s12;
	s9 =	sshra.s32 s12, $0x1F  }
0x75: {  	s1 =	sadd.s32 s0, s22;
	s19 =	spop (v2sf);
	s14 =	smul.u32 $0x431BDE83, s9  }
0x76: {  	s11 =	sadd.s32 s2, s25;
	s20 =	smulhi.u32 $0x431BDE83, s19;
	s0 =	sshra.s32 s19, $0x1F  }
0x77: {  	s9 =	sshrl.u32 s1, $0x1F;
	s23 =	spop (v2sf);
	s21 =	smul.u32 $0x431BDE83, s0  }
0x78: {  	s4 =	sshrl.u32 s11, $0x1F;
	s15 =	smulhi.u32 $0x431BDE83, s23;
	s25 =	sshra.s32 s23, $0x1F  }
0x79: {  	s0 =	sadd.s32 s5, s28;
	s26 =	spop (v2sf);
	s5 =	smul.u32 $0x431BDE83, s25  }
0x7a: {  	s1 =	sshra.s32 s1, $0x12;
	s17 =	smulhi.u32 $0x431BDE83, s26;
	s6 =	sshra.s32 s26, $0x1F  }
0x7b: {  	s31 =	sadd.s32 s7, s31;
	s28 =	spop (v2sf);
	s7 =	smul.u32 $0x431BDE83, s6  }
0x7c: {  	s16 =	sshrl.u32 s0, $0x1F;
	s18 =	smulhi.u32 $0x431BDE83, s28;
	s6 =	sshra.s32 s28, $0x1F  }
0x7d: {  	s8 =	sshrl.u32 s31, $0x1F;
	s22 =	spop (v2sf);
	s29 =	smul.u32 $0x431BDE83, s6  }
0x7e: {  	s13 =	sadd.s32 s14, s13;
	s19 =	smulhi.u32 $0x431BDE83, s22;
	s25 =	spop (v2sf)  }
0x7f: {  	s23 =	sshra.s32 s22, $0x1F;
	s6 =	sadd.s32 s21, s20;
	s26 =	spop (v2sf)  }
0x80: {  	s2 =	smul.u32 $0x431BDE83, s23;
	s21 =	sshra.s32 s25, $0x1F;
	s22 =	spop (v2sf)  }
0x81: {  	s15 =	sadd.s32 s5, s15;
	s5 =	smul.u32 $0x431BDE83, s21;
	s21 =	spop (v2sf)  }
0x82: {  	s20 =	smulhi.u32 $0x431BDE83, s25;
	s14 =	sshra.s32 s26, $0x1F;
	s25 =	spop (v2sf)  }
0x83: {  	s17 =	sadd.s32 s7, s17;
	s7 =	smul.u32 $0x431BDE83, s14;
	s28 =	spop (v2sf)  }
0x84: {  	s12 =	sadd.s32 s29, s18;
	s29 =	smulhi.u32 $0x431BDE83, s28;
	s14 =	sshra.s32 s28, $0x1F  }
0x85: {  	s0 =	sshra.s32 s0, $0x12;
	s2 =	sadd.s32 s2, s19;
	s14 =	smul.u32 $0x431BDE83, s14  }
0x86: {  	v38 =	vmov s4;
	s19 =	sshrl.u32 s6, $0x1F;
	s4 =	sshra.s32 s12, $0x1F;
	s20 =	sadd.s32 s5, s20  }
0x87: {  	s6 =	sshra.s32 s6, $0x12;
	v40 =	vmov s19;
	s19 =	sshra.s32 s20, $0x1F;
	s5 =	sadd.s32 s14, s29  }
0x88: {  	s23 =	smulhi.u32 $0x431BDE83, s26;
	s18 =	sshra.s32 s22, $0x1F;
	s29 =	sshra.s32 s5, $0x1F  }
0x89: {  	s26 =	sshrl.u32 s13, $0x1F;
	s18 =	smul.u32 $0x431BDE83, s18;
	v37 =	vmov s29;
	s29 =	sshra.s32 s12, $0x12  }
0x8a: {  	v5 =	vsel vm0, s9, v38;
	v7 =	vsel vm0, s26, v40;
	s26 =	sshra.s32 s11, $0x12;
	s14 =	smulhi.u32 $0x431BDE83, s22;
	s22 =	sshrl.u32 s12, $0x1F;
	v4 =	vsel vm4, s29, v37  }
0x8b: {  	v5 =	vsel vm1, s16, v5;
	s9 =	sshra.s32 s21, $0x1F;
	s7 =	sadd.s32 s7, s23;
	v39 =	vmov s22;
	s22 =	sshra.s32 s2, $0x12;
	v4 =	vsel vm11, s4, v4  }
0x8c: {  	v5 =	vsel vm2, s8, v5;
	s8 =	smulhi.u32 $0x431BDE83, s25;
	s12 =	sshrl.u32 s2, $0x1F;
	v6 =	vnsel vm4, $0x0, v39;
	s2 =	sshra.s32 s2, $0x1F;
	v4 =	vsel vm0, s22, v4  }
0x8d: {  	s29 =	sshrl.u32 s20, $0x1F;
	v6 =	vsel vm0, s12, v6;
	s22 =	sshra.s32 s25, $0x1F;
	s25 =	sshra.s32 s20, $0x12;
	v4 =	vsel vm12, s2, v4  }
0x8e: {  	v42 =	vmov s6;
	s28 =	sshrl.u32 s15, $0x1F;
	s4 =	smulhi.u32 $0x431BDE83, s21;
	s21 =	sshrl.u32 s7, $0x1F;
	v6 =	vsel vm1, s29, v6;
	v4 =	vsel vm1, s25, v4  }
0x8f: {  	s23 =	sshrl.u32 s17, $0x1F;
	s9 =	smul.u32 $0x431BDE83, s9;
	v7 =	vsel vm1, s28, v7;
	v6 =	vsel vm2, s21, v6;
	s21 =	sshra.s32 s7, $0x12;
	v4 =	vsel vm13, s19, v4  }
0x90: {  	v41 =	vmov s26;
	v7 =	vsel vm2, s23, v7;
	s14 =	sadd.s32 s18, s14;
	s12 =	smul.u32 $0x431BDE83, s22;
	s22 =	sshra.s32 s7, $0x1F;
	v4 =	vsel vm2, s21, v4  }
0x91: {  	v5 =	vcombine.low v7, v5;
	v7 =	vsel vm0, s1, v41;
	s20 =	sshrl.u32 s14, $0x1F;
	s4 =	sadd.s32 s9, s4;
	s25 =	sshra.s32 s14, $0x12;
	v4 =	vsel vm14, s22, v4  }
0x92: {  	v7 =	vsel vm1, s0, v7;
	s28 =	sshra.s32 s14, $0x1F;
	s29 =	sshra.s32 s13, $0x12;
	v6 =	vsel vm5, s20, v6;
	s9 =	sshrl.u32 s4, $0x1F;
	v4 =	vsel vm5, s25, v4  }
0x93: {  	s11 =	sshra.s32 s15, $0x12;
	s13 =	sshra.s32 s31, $0x12;
	v8 =	vsel vm0, s29, v42;
	v6 =	vsel vm6, s9, v6;
	s9 =	sshra.s32 s4, $0x12;
	v4 =	vsel vm15, s28, v4  }
0x94: {  	v7 =	vsel vm2, s13, v7;
	v8 =	vsel vm1, s11, v8;
	s14 =	sshra.s32 s17, $0x12;
	s8 =	sadd.s32 s12, s8;
	s12 =	sshra.s32 s4, $0x1F;
	v4 =	vsel vm6, s9, v4  }
0x95: {  	vm12 =	vmmov vm3;
	v8 =	vsel vm2, s14, v8;
	s15 =	sshra.s32 s8, $0x12;
	v4 =	vsel vm3, s12, v4  }
0x96: {  	s23 =	sshrl.u32 s8, $0x1F;
	s17 =	sshra.s32 s8, $0x1F;
	v7 =	vcombine.low v8, v7;
	vm3 =	vcmask $0x3734;
	v4 =	vsel vm7, s15, v4  }
0x97: {  	s16 =	sshrl.u32 s5, $0x1F;
	s18 =	sshra.s32 s5, $0x12;
	v5 =	vperm.xlane v5, v1;
	v6 =	vsel vm7, s23, v6;
	v4 =	vsel vm3, s17, v4  }
0x98: {  	v6 =	vsel vm10, s16, v6;
	v7 =	vperm.xlane v7, v1;
	v4 =	vsel vm10, s18, v4  }
0x99: {  	v6 =	vperm.xlane v6, v2;
	v4 =	vperm.xlane v4, v2;
	_ =	sdelay $0x1  }
0x9a: {  	v5 =	vsel vm8, v6, v5;
	v4 =	vsel vm8, v4, v7  }
0x9b: {  	v4 =	vadd.s32 v5, v4  }
0x9c: {  	v4 =	vmul.u32 $0xF4240, v4;
	_ =	sdelay $0x1  }
0x9d: {  	v3 =	vsub.s32 v3, v4  }
0x9e: {  	vm9 =	vlt.s32 v3, $0x0;
	v4 =	vadd.s32 $0xF4240, v3  }
0x9f: {  	v3 =	vsel vm9, v4, v3  }
0xa0: {  	s19 =	rddreg [dreg:$0x9];
	[tilespmem:s30+$0x3410] =	vst v3  }
0xa1: {  	v3 =	vld [tilespmem:s19+$0xFFFFFFC0]  }
0xa2: {  	s20 =	rddreg [dreg:$0x9]  }
0xa3: {  	v43 =	vld [tilespmem:s20+$0xFFFFFFC1];
	_ =	sdelay $0x2  }
0xa4: {  	v3 =	vmul.u32 $0x420, v3;
	_ =	sdelay $0x1  }
0xa5: {  	v3 =	vadd.s32 v43, v3  }
0xa6: {  	(v2sf) =	vpush v3, $0xD;
	_ =	sdelay $0x1  }
0xa7: {  	(v2sf) =	vpush v3, $0xC;
	_ =	sdelay $0x1  }
0xa8: {  	(v2sf) =	vpush v3, $0xE;
	_ =	sdelay $0x1  }
0xa9: {  	(v2sf) =	vpush v3, $0xF;
	_ =	sdelay $0x1  }
0xaa: {  	(v2sf) =	vpush v3, $0x9;
	_ =	sdelay $0x1  }
0xab: {  	(v2sf) =	vpush v3, $0x8;
	_ =	sdelay $0x1  }
0xac: {  	(v2sf) =	vpush v3, $0xA;
	_ =	sdelay $0x1  }
0xad: {  	(v2sf) =	vpush v3, $0xB  }
0xae: {  	s21 =	spop (v2sf)  }
0xaf: {  	(v2sf) =	vpush v3, $0x0;
	s22 =	smulhi.u32 $0x431BDE83, s21;
	s0 =	sshra.s32 s21, $0x1F  }
0xb0: {  	s23 =	spop (v2sf);
	s0 =	smul.u32 $0x431BDE83, s0  }
0xb1: {  	(v2sf) =	vpush v3, $0x1;
	s25 =	smulhi.u32 $0x431BDE83, s23;
	s2 =	sshra.s32 s23, $0x1F  }
0xb2: {  	(v2sf) =	vpush v3, $0x2;
	s26 =	spop (v2sf);
	s2 =	smul.u32 $0x431BDE83, s2  }
0xb3: {  	(v2sf) =	vpush v3, $0x3;
	s28 =	smulhi.u32 $0x431BDE83, s26;
	s5 =	sshra.s32 s26, $0x1F  }
0xb4: {  	(v2sf) =	vpush v3, $0x4;
	s29 =	spop (v2sf);
	s5 =	smul.u32 $0x431BDE83, s5  }
0xb5: {  	(v2sf) =	vpush v3, $0x5;
	s31 =	smulhi.u32 $0x431BDE83, s29;
	s7 =	sshra.s32 s29, $0x1F  }
0xb6: {  	(v2sf) =	vpush v3, $0x6;
	s12 =	spop (v2sf);
	s7 =	smul.u32 $0x431BDE83, s7  }
0xb7: {  	(v2sf) =	vpush v3, $0x7;
	s13 =	smulhi.u32 $0x431BDE83, s12;
	s9 =	sshra.s32 s12, $0x1F  }
0xb8: {  	s1 =	sadd.s32 s0, s22;
	s19 =	spop (v2sf);
	s14 =	smul.u32 $0x431BDE83, s9  }
0xb9: {  	s11 =	sadd.s32 s2, s25;
	s20 =	smulhi.u32 $0x431BDE83, s19;
	s0 =	sshra.s32 s19, $0x1F  }
0xba: {  	s9 =	sshrl.u32 s1, $0x1F;
	s23 =	spop (v2sf);
	s21 =	smul.u32 $0x431BDE83, s0  }
0xbb: {  	s4 =	sshrl.u32 s11, $0x1F;
	s15 =	smulhi.u32 $0x431BDE83, s23;
	s25 =	sshra.s32 s23, $0x1F  }
0xbc: {  	s0 =	sadd.s32 s5, s28;
	s26 =	spop (v2sf);
	s5 =	smul.u32 $0x431BDE83, s25  }
0xbd: {  	s1 =	sshra.s32 s1, $0x12;
	s17 =	smulhi.u32 $0x431BDE83, s26;
	s6 =	sshra.s32 s26, $0x1F  }
0xbe: {  	s31 =	sadd.s32 s7, s31;
	s28 =	spop (v2sf);
	s7 =	smul.u32 $0x431BDE83, s6  }
0xbf: {  	s16 =	sshrl.u32 s0, $0x1F;
	s18 =	smulhi.u32 $0x431BDE83, s28;
	s6 =	sshra.s32 s28, $0x1F  }
0xc0: {  	s8 =	sshrl.u32 s31, $0x1F;
	s22 =	spop (v2sf);
	s29 =	smul.u32 $0x431BDE83, s6  }
0xc1: {  	s13 =	sadd.s32 s14, s13;
	s19 =	smulhi.u32 $0x431BDE83, s22;
	s25 =	spop (v2sf)  }
0xc2: {  	s23 =	sshra.s32 s22, $0x1F;
	s6 =	sadd.s32 s21, s20;
	s26 =	spop (v2sf)  }
0xc3: {  	s2 =	smul.u32 $0x431BDE83, s23;
	s21 =	sshra.s32 s25, $0x1F;
	s22 =	spop (v2sf)  }
0xc4: {  	s15 =	sadd.s32 s5, s15;
	s5 =	smul.u32 $0x431BDE83, s21;
	s21 =	spop (v2sf)  }
0xc5: {  	s20 =	smulhi.u32 $0x431BDE83, s25;
	s14 =	sshra.s32 s26, $0x1F;
	s25 =	spop (v2sf)  }
0xc6: {  	s17 =	sadd.s32 s7, s17;
	s7 =	smul.u32 $0x431BDE83, s14;
	s28 =	spop (v2sf)  }
0xc7: {  	s12 =	sadd.s32 s29, s18;
	s29 =	smulhi.u32 $0x431BDE83, s28;
	s14 =	sshra.s32 s28, $0x1F  }
0xc8: {  	s0 =	sshra.s32 s0, $0x12;
	s2 =	sadd.s32 s2, s19;
	s14 =	smul.u32 $0x431BDE83, s14  }
0xc9: {  	v45 =	vmov s4;
	s19 =	sshrl.u32 s6, $0x1F;
	s4 =	sshra.s32 s12, $0x1F;
	s20 =	sadd.s32 s5, s20  }
0xca: {  	s6 =	sshra.s32 s6, $0x12;
	v47 =	vmov s19;
	s19 =	sshra.s32 s20, $0x1F;
	s5 =	sadd.s32 s14, s29  }
0xcb: {  	s23 =	smulhi.u32 $0x431BDE83, s26;
	s18 =	sshra.s32 s22, $0x1F;
	s29 =	sshra.s32 s5, $0x1F  }
0xcc: {  	v5 =	vsel vm0, s9, v45;
	s26 =	sshrl.u32 s13, $0x1F;
	s18 =	smul.u32 $0x431BDE83, s18;
	v44 =	vmov s29;
	s29 =	sshra.s32 s12, $0x12  }
0xcd: {  	v5 =	vsel vm1, s16, v5;
	v7 =	vsel vm0, s26, v47;
	s26 =	sshra.s32 s11, $0x12;
	s14 =	smulhi.u32 $0x431BDE83, s22;
	s22 =	sshrl.u32 s12, $0x1F;
	v4 =	vsel vm4, s29, v44  }
0xce: {  	v5 =	vsel vm2, s8, v5;
	s9 =	sshra.s32 s21, $0x1F;
	s7 =	sadd.s32 s7, s23;
	v46 =	vmov s22;
	s22 =	sshra.s32 s2, $0x12;
	v4 =	vsel vm11, s4, v4  }
0xcf: {  	s8 =	smulhi.u32 $0x431BDE83, s25;
	s12 =	sshrl.u32 s2, $0x1F;
	v6 =	vnsel vm4, $0x0, v46;
	s2 =	sshra.s32 s2, $0x1F;
	vm11 =	vcmask $0xF0C;
	v4 =	vsel vm0, s22, v4  }
0xd0: {  	s29 =	sshrl.u32 s20, $0x1F;
	v6 =	vsel vm0, s12, v6;
	s22 =	sshra.s32 s25, $0x1F;
	s25 =	sshra.s32 s20, $0x12;
	v4 =	vsel vm11, s2, v4  }
0xd1: {  	s28 =	sshrl.u32 s15, $0x1F;
	s4 =	smulhi.u32 $0x431BDE83, s21;
	s21 =	sshrl.u32 s7, $0x1F;
	v6 =	vsel vm1, s29, v6;
	v4 =	vsel vm1, s25, v4  }
0xd2: {  	s23 =	sshrl.u32 s17, $0x1F;
	s9 =	smul.u32 $0x431BDE83, s9;
	v7 =	vsel vm1, s28, v7;
	v6 =	vsel vm2, s21, v6;
	s21 =	sshra.s32 s7, $0x12;
	v4 =	vsel vm13, s19, v4  }
0xd3: {  	v49 =	vmov s6;
	v7 =	vsel vm2, s23, v7;
	s14 =	sadd.s32 s18, s14;
	s12 =	smul.u32 $0x431BDE83, s22;
	s22 =	sshra.s32 s7, $0x1F;
	v4 =	vsel vm2, s21, v4  }
0xd4: {  	v48 =	vmov s26;
	v5 =	vcombine.low v7, v5;
	s20 =	sshrl.u32 s14, $0x1F;
	s4 =	sadd.s32 s9, s4;
	s25 =	sshra.s32 s14, $0x12;
	v4 =	vsel vm14, s22, v4  }
0xd5: {  	v7 =	vsel vm0, s1, v48;
	s28 =	sshra.s32 s14, $0x1F;
	s29 =	sshra.s32 s13, $0x12;
	v6 =	vsel vm5, s20, v6;
	s9 =	sshrl.u32 s4, $0x1F;
	v4 =	vsel vm5, s25, v4  }
0xd6: {  	s11 =	sshra.s32 s15, $0x12;
	s13 =	sshra.s32 s31, $0x12;
	v8 =	vsel vm0, s29, v49;
	v6 =	vsel vm6, s9, v6;
	s9 =	sshra.s32 s4, $0x12;
	v4 =	vsel vm15, s28, v4  }
0xd7: {  	v7 =	vsel vm1, s0, v7;
	v8 =	vsel vm1, s11, v8;
	s14 =	sshra.s32 s17, $0x12;
	s8 =	sadd.s32 s12, s8;
	s12 =	sshra.s32 s4, $0x1F;
	v4 =	vsel vm6, s9, v4  }
0xd8: {  	v7 =	vsel vm2, s13, v7;
	v8 =	vsel vm2, s14, v8;
	s15 =	sshra.s32 s8, $0x12;
	v4 =	vsel vm12, s12, v4  }
0xd9: {  	s23 =	sshrl.u32 s8, $0x1F;
	s17 =	sshra.s32 s8, $0x1F;
	v7 =	vcombine.low v8, v7;
	v4 =	vsel vm7, s15, v4  }
0xda: {  	s16 =	sshrl.u32 s5, $0x1F;
	s18 =	sshra.s32 s5, $0x12;
	v5 =	vperm.xlane v5, v1;
	v6 =	vsel vm7, s23, v6;
	v4 =	vsel vm3, s17, v4  }
0xdb: {  	v6 =	vsel vm10, s16, v6;
	v7 =	vperm.xlane v7, v1;
	v4 =	vsel vm10, s18, v4  }
0xdc: {  	v6 =	vperm.xlane v6, v2;
	v4 =	vperm.xlane v4, v2;
	_ =	sdelay $0x1  }
0xdd: {  	v5 =	vsel vm8, v6, v5;
	v4 =	vsel vm8, v4, v7  }
0xde: {  	v4 =	vadd.s32 v5, v4  }
0xdf: {  	v4 =	vmul.u32 $0xF4240, v4;
	_ =	sdelay $0x1  }
0xe0: {  	v3 =	vsub.s32 v3, v4  }
0xe1: {  	vm9 =	vlt.s32 v3, $0x0;
	v4 =	vadd.s32 $0xF4240, v3  }
0xe2: {  	v3 =	vsel vm9, v4, v3  }
0xe3: {  	s19 =	rddreg [dreg:$0x9];
	[tilespmem:s30+$0x3420] =	vst v3  }
0xe4: {  	v3 =	vld [tilespmem:s19+$0xFFFFFFD0]  }
0xe5: {  	s20 =	rddreg [dreg:$0x9]  }
0xe6: {  	v50 =	vld [tilespmem:s20+$0xFFFFFFD1];
	_ =	sdelay $0x2  }
0xe7: {  	v3 =	vmul.u32 $0x420, v3;
	_ =	sdelay $0x1  }
0xe8: {  	v3 =	vadd.s32 v50, v3  }
0xe9: {  	(v2sf) =	vpush v3, $0xD;
	_ =	sdelay $0x1  }
0xea: {  	(v2sf) =	vpush v3, $0xC;
	_ =	sdelay $0x1  }
0xeb: {  	(v2sf) =	vpush v3, $0xE;
	_ =	sdelay $0x1  }
0xec: {  	(v2sf) =	vpush v3, $0xF;
	_ =	sdelay $0x1  }
0xed: {  	(v2sf) =	vpush v3, $0x9;
	_ =	sdelay $0x1  }
0xee: {  	(v2sf) =	vpush v3, $0x8;
	_ =	sdelay $0x1  }
0xef: {  	(v2sf) =	vpush v3, $0xA;
	_ =	sdelay $0x1  }
0xf0: {  	(v2sf) =	vpush v3, $0xB  }
0xf1: {  	s21 =	spop (v2sf)  }
0xf2: {  	(v2sf) =	vpush v3, $0x0;
	s22 =	smulhi.u32 $0x431BDE83, s21;
	s0 =	sshra.s32 s21, $0x1F  }
0xf3: {  	s23 =	spop (v2sf);
	s0 =	smul.u32 $0x431BDE83, s0  }
0xf4: {  	(v2sf) =	vpush v3, $0x1;
	s25 =	smulhi.u32 $0x431BDE83, s23;
	s2 =	sshra.s32 s23, $0x1F  }
0xf5: {  	(v2sf) =	vpush v3, $0x2;
	s26 =	spop (v2sf);
	s2 =	smul.u32 $0x431BDE83, s2  }
0xf6: {  	(v2sf) =	vpush v3, $0x3;
	s28 =	smulhi.u32 $0x431BDE83, s26;
	s5 =	sshra.s32 s26, $0x1F  }
0xf7: {  	(v2sf) =	vpush v3, $0x4;
	s29 =	spop (v2sf);
	s5 =	smul.u32 $0x431BDE83, s5  }
0xf8: {  	(v2sf) =	vpush v3, $0x5;
	s31 =	smulhi.u32 $0x431BDE83, s29;
	s7 =	sshra.s32 s29, $0x1F  }
0xf9: {  	(v2sf) =	vpush v3, $0x6;
	s12 =	spop (v2sf);
	s7 =	smul.u32 $0x431BDE83, s7  }
0xfa: {  	(v2sf) =	vpush v3, $0x7;
	s13 =	smulhi.u32 $0x431BDE83, s12;
	s9 =	sshra.s32 s12, $0x1F  }
0xfb: {  	s1 =	sadd.s32 s0, s22;
	s19 =	spop (v2sf);
	s14 =	smul.u32 $0x431BDE83, s9  }
0xfc: {  	s11 =	sadd.s32 s2, s25;
	s20 =	smulhi.u32 $0x431BDE83, s19;
	s0 =	sshra.s32 s19, $0x1F  }
0xfd: {  	s9 =	sshrl.u32 s1, $0x1F;
	s23 =	spop (v2sf);
	s21 =	smul.u32 $0x431BDE83, s0  }
0xfe: {  	s4 =	sshrl.u32 s11, $0x1F;
	s15 =	smulhi.u32 $0x431BDE83, s23;
	s25 =	sshra.s32 s23, $0x1F  }
0xff: {  	s0 =	sadd.s32 s5, s28;
	s26 =	spop (v2sf);
	s5 =	smul.u32 $0x431BDE83, s25  }
0x100: {  	s1 =	sshra.s32 s1, $0x12;
	s17 =	smulhi.u32 $0x431BDE83, s26;
	s6 =	sshra.s32 s26, $0x1F  }
0x101: {  	s31 =	sadd.s32 s7, s31;
	s28 =	spop (v2sf);
	s7 =	smul.u32 $0x431BDE83, s6  }
0x102: {  	s16 =	sshrl.u32 s0, $0x1F;
	s18 =	smulhi.u32 $0x431BDE83, s28;
	s6 =	sshra.s32 s28, $0x1F  }
0x103: {  	s8 =	sshrl.u32 s31, $0x1F;
	s22 =	spop (v2sf);
	s29 =	smul.u32 $0x431BDE83, s6  }
0x104: {  	s13 =	sadd.s32 s14, s13;
	s19 =	smulhi.u32 $0x431BDE83, s22;
	s25 =	spop (v2sf)  }
0x105: {  	s23 =	sshra.s32 s22, $0x1F;
	s6 =	sadd.s32 s21, s20;
	s26 =	spop (v2sf)  }
0x106: {  	s2 =	smul.u32 $0x431BDE83, s23;
	s21 =	sshra.s32 s25, $0x1F;
	s22 =	spop (v2sf)  }
0x107: {  	s15 =	sadd.s32 s5, s15;
	s5 =	smul.u32 $0x431BDE83, s21;
	s21 =	spop (v2sf)  }
0x108: {  	s20 =	smulhi.u32 $0x431BDE83, s25;
	s14 =	sshra.s32 s26, $0x1F;
	s25 =	spop (v2sf)  }
0x109: {  	s17 =	sadd.s32 s7, s17;
	s7 =	smul.u32 $0x431BDE83, s14;
	s28 =	spop (v2sf)  }
0x10a: {  	s12 =	sadd.s32 s29, s18;
	s29 =	smulhi.u32 $0x431BDE83, s28;
	s14 =	sshra.s32 s28, $0x1F  }
0x10b: {  	s0 =	sshra.s32 s0, $0x12;
	s2 =	sadd.s32 s2, s19;
	s14 =	smul.u32 $0x431BDE83, s14  }
0x10c: {  	v52 =	vmov s4;
	s19 =	sshrl.u32 s6, $0x1F;
	s4 =	sshra.s32 s12, $0x1F;
	s20 =	sadd.s32 s5, s20  }
0x10d: {  	s6 =	sshra.s32 s6, $0x12;
	v54 =	vmov s19;
	s19 =	sshra.s32 s20, $0x1F;
	s5 =	sadd.s32 s14, s29  }
0x10e: {  	s23 =	smulhi.u32 $0x431BDE83, s26;
	s18 =	sshra.s32 s22, $0x1F;
	s29 =	sshra.s32 s5, $0x1F  }
0x10f: {  	vm9 =	vcmask $0x704;
	s26 =	sshrl.u32 s13, $0x1F;
	s18 =	smul.u32 $0x431BDE83, s18;
	v51 =	vmov s29;
	s29 =	sshra.s32 s12, $0x12  }
0x110: {  	v5 =	vsel vm0, s9, v52;
	v7 =	vsel vm0, s26, v54;
	s26 =	sshra.s32 s11, $0x12;
	s14 =	smulhi.u32 $0x431BDE83, s22;
	s22 =	sshrl.u32 s12, $0x1F;
	v4 =	vsel vm4, s29, v51  }
0x111: {  	v5 =	vsel vm1, s16, v5;
	s9 =	sshra.s32 s21, $0x1F;
	s7 =	sadd.s32 s7, s23;
	v53 =	vmov s22;
	s22 =	sshra.s32 s2, $0x12;
	v4 =	vsel vm9, s4, v4  }
0x112: {  	v5 =	vsel vm2, s8, v5;
	s8 =	smulhi.u32 $0x431BDE83, s25;
	s12 =	sshrl.u32 s2, $0x1F;
	v6 =	vnsel vm4, $0x0, v53;
	s2 =	sshra.s32 s2, $0x1F;
	v4 =	vsel vm0, s22, v4  }
0x113: {  	s29 =	sshrl.u32 s20, $0x1F;
	v6 =	vsel vm0, s12, v6;
	s22 =	sshra.s32 s25, $0x1F;
	s25 =	sshra.s32 s20, $0x12;
	v4 =	vsel vm11, s2, v4  }
0x114: {  	s28 =	sshrl.u32 s15, $0x1F;
	s4 =	smulhi.u32 $0x431BDE83, s21;
	s21 =	sshrl.u32 s7, $0x1F;
	v6 =	vsel vm1, s29, v6;
	v4 =	vsel vm1, s25, v4  }
0x115: {  	s23 =	sshrl.u32 s17, $0x1F;
	s9 =	smul.u32 $0x431BDE83, s9;
	v7 =	vsel vm1, s28, v7;
	v6 =	vsel vm2, s21, v6;
	s21 =	sshra.s32 s7, $0x12;
	v4 =	vsel vm13, s19, v4  }
0x116: {  	v56 =	vmov s6;
	v7 =	vsel vm2, s23, v7;
	s14 =	sadd.s32 s18, s14;
	s12 =	smul.u32 $0x431BDE83, s22;
	s22 =	sshra.s32 s7, $0x1F;
	v4 =	vsel vm2, s21, v4  }
0x117: {  	v55 =	vmov s26;
	v5 =	vcombine.low v7, v5;
	s20 =	sshrl.u32 s14, $0x1F;
	s4 =	sadd.s32 s9, s4;
	s25 =	sshra.s32 s14, $0x12;
	v4 =	vsel vm14, s22, v4  }
0x118: {  	v7 =	vsel vm0, s1, v55;
	s28 =	sshra.s32 s14, $0x1F;
	s29 =	sshra.s32 s13, $0x12;
	v6 =	vsel vm5, s20, v6;
	s9 =	sshrl.u32 s4, $0x1F;
	v4 =	vsel vm5, s25, v4  }
0x119: {  	s11 =	sshra.s32 s15, $0x12;
	s13 =	sshra.s32 s31, $0x12;
	v8 =	vsel vm0, s29, v56;
	v6 =	vsel vm6, s9, v6;
	s9 =	sshra.s32 s4, $0x12;
	v4 =	vsel vm15, s28, v4  }
0x11a: {  	v7 =	vsel vm1, s0, v7;
	v8 =	vsel vm1, s11, v8;
	s14 =	sshra.s32 s17, $0x12;
	s8 =	sadd.s32 s12, s8;
	s12 =	sshra.s32 s4, $0x1F;
	v4 =	vsel vm6, s9, v4  }
0x11b: {  	v7 =	vsel vm2, s13, v7;
	v8 =	vsel vm2, s14, v8;
	s15 =	sshra.s32 s8, $0x12;
	v4 =	vsel vm12, s12, v4  }
0x11c: {  	s23 =	sshrl.u32 s8, $0x1F;
	s17 =	sshra.s32 s8, $0x1F;
	v7 =	vcombine.low v8, v7;
	v4 =	vsel vm7, s15, v4  }
0x11d: {  	s16 =	sshrl.u32 s5, $0x1F;
	s18 =	sshra.s32 s5, $0x12;
	v5 =	vperm.xlane v5, v1;
	v6 =	vsel vm7, s23, v6;
	v4 =	vsel vm3, s17, v4  }
0x11e: {  	v6 =	vsel vm10, s16, v6;
	v7 =	vperm.xlane v7, v1;
	v4 =	vsel vm10, s18, v4  }
0x11f: {  	v6 =	vperm.xlane v6, v2;
	v4 =	vperm.xlane v4, v2;
	_ =	sdelay $0x1  }
0x120: {  	v5 =	vsel vm8, v6, v5;
	v4 =	vsel vm8, v4, v7  }
0x121: {  	v4 =	vadd.s32 v5, v4  }
0x122: {  	v4 =	vmul.u32 $0xF4240, v4;
	_ =	sdelay $0x1  }
0x123: {  	v3 =	vsub.s32 v3, v4  }
0x124: {  	vm9 =	vlt.s32 v3, $0x0;
	v4 =	vadd.s32 $0xF4240, v3  }
0x125: {  	v3 =	vsel vm9, v4, v3  }
0x126: {  	s19 =	rddreg [dreg:$0x9];
	[tilespmem:s30+$0x3430] =	vst v3  }
0x127: {  	v3 =	vld [tilespmem:s19+$0xFFFFFFE0]  }
0x128: {  	s20 =	rddreg [dreg:$0x9]  }
0x129: {  	v57 =	vld [tilespmem:s20+$0xFFFFFFE1];
	_ =	sdelay $0x2  }
0x12a: {  	v3 =	vmul.u32 $0x420, v3;
	_ =	sdelay $0x1  }
0x12b: {  	v3 =	vadd.s32 v57, v3  }
0x12c: {  	(v2sf) =	vpush v3, $0xD;
	_ =	sdelay $0x1  }
0x12d: {  	(v2sf) =	vpush v3, $0xC;
	_ =	sdelay $0x1  }
0x12e: {  	(v2sf) =	vpush v3, $0xE;
	_ =	sdelay $0x1  }
0x12f: {  	(v2sf) =	vpush v3, $0xF;
	_ =	sdelay $0x1  }
0x130: {  	(v2sf) =	vpush v3, $0x9;
	_ =	sdelay $0x1  }
0x131: {  	(v2sf) =	vpush v3, $0x8;
	_ =	sdelay $0x1  }
0x132: {  	(v2sf) =	vpush v3, $0xA;
	_ =	sdelay $0x1  }
0x133: {  	(v2sf) =	vpush v3, $0xB  }
0x134: {  	s21 =	spop (v2sf)  }
0x135: {  	(v2sf) =	vpush v3, $0x0;
	s22 =	smulhi.u32 $0x431BDE83, s21;
	s0 =	sshra.s32 s21, $0x1F  }
0x136: {  	s23 =	spop (v2sf);
	s0 =	smul.u32 $0x431BDE83, s0  }
0x137: {  	(v2sf) =	vpush v3, $0x1;
	s25 =	smulhi.u32 $0x431BDE83, s23;
	s2 =	sshra.s32 s23, $0x1F  }
0x138: {  	(v2sf) =	vpush v3, $0x2;
	s26 =	spop (v2sf);
	s2 =	smul.u32 $0x431BDE83, s2  }
0x139: {  	(v2sf) =	vpush v3, $0x3;
	s28 =	smulhi.u32 $0x431BDE83, s26;
	s5 =	sshra.s32 s26, $0x1F  }
0x13a: {  	(v2sf) =	vpush v3, $0x4;
	s29 =	spop (v2sf);
	s5 =	smul.u32 $0x431BDE83, s5  }
0x13b: {  	(v2sf) =	vpush v3, $0x5;
	s31 =	smulhi.u32 $0x431BDE83, s29;
	s7 =	sshra.s32 s29, $0x1F  }
0x13c: {  	(v2sf) =	vpush v3, $0x6;
	s12 =	spop (v2sf);
	s7 =	smul.u32 $0x431BDE83, s7  }
0x13d: {  	(v2sf) =	vpush v3, $0x7;
	s13 =	smulhi.u32 $0x431BDE83, s12;
	s9 =	sshra.s32 s12, $0x1F  }
0x13e: {  	s1 =	sadd.s32 s0, s22;
	s19 =	spop (v2sf);
	s14 =	smul.u32 $0x431BDE83, s9  }
0x13f: {  	s11 =	sadd.s32 s2, s25;
	s20 =	smulhi.u32 $0x431BDE83, s19;
	s0 =	sshra.s32 s19, $0x1F  }
0x140: {  	s9 =	sshrl.u32 s1, $0x1F;
	s23 =	spop (v2sf);
	s21 =	smul.u32 $0x431BDE83, s0  }
0x141: {  	s4 =	sshrl.u32 s11, $0x1F;
	s15 =	smulhi.u32 $0x431BDE83, s23;
	s25 =	sshra.s32 s23, $0x1F  }
0x142: {  	s0 =	sadd.s32 s5, s28;
	s26 =	spop (v2sf);
	s5 =	smul.u32 $0x431BDE83, s25  }
0x143: {  	s1 =	sshra.s32 s1, $0x12;
	s17 =	smulhi.u32 $0x431BDE83, s26;
	s6 =	sshra.s32 s26, $0x1F  }
0x144: {  	s31 =	sadd.s32 s7, s31;
	s28 =	spop (v2sf);
	s7 =	smul.u32 $0x431BDE83, s6  }
0x145: {  	s16 =	sshrl.u32 s0, $0x1F;
	s18 =	smulhi.u32 $0x431BDE83, s28;
	s6 =	sshra.s32 s28, $0x1F  }
0x146: {  	s8 =	sshrl.u32 s31, $0x1F;
	s22 =	spop (v2sf);
	s29 =	smul.u32 $0x431BDE83, s6  }
0x147: {  	s13 =	sadd.s32 s14, s13;
	s19 =	smulhi.u32 $0x431BDE83, s22;
	s25 =	spop (v2sf)  }
0x148: {  	s23 =	sshra.s32 s22, $0x1F;
	s6 =	sadd.s32 s21, s20;
	s26 =	spop (v2sf)  }
0x149: {  	s2 =	smul.u32 $0x431BDE83, s23;
	s21 =	sshra.s32 s25, $0x1F;
	s22 =	spop (v2sf)  }
0x14a: {  	s15 =	sadd.s32 s5, s15;
	s5 =	smul.u32 $0x431BDE83, s21;
	s21 =	spop (v2sf)  }
0x14b: {  	s20 =	smulhi.u32 $0x431BDE83, s25;
	s14 =	sshra.s32 s26, $0x1F;
	s25 =	spop (v2sf)  }
0x14c: {  	s17 =	sadd.s32 s7, s17;
	s7 =	smul.u32 $0x431BDE83, s14;
	s28 =	spop (v2sf)  }
0x14d: {  	s12 =	sadd.s32 s29, s18;
	s29 =	smulhi.u32 $0x431BDE83, s28;
	s14 =	sshra.s32 s28, $0x1F  }
0x14e: {  	s0 =	sshra.s32 s0, $0x12;
	s2 =	sadd.s32 s2, s19;
	s14 =	smul.u32 $0x431BDE83, s14  }
0x14f: {  	v59 =	vmov s4;
	s19 =	sshrl.u32 s6, $0x1F;
	s4 =	sshra.s32 s12, $0x1F;
	s20 =	sadd.s32 s5, s20  }
0x150: {  	s6 =	sshra.s32 s6, $0x12;
	v61 =	vmov s19;
	s19 =	sshra.s32 s20, $0x1F;
	s5 =	sadd.s32 s14, s29  }
0x151: {  	s23 =	smulhi.u32 $0x431BDE83, s26;
	s18 =	sshra.s32 s22, $0x1F;
	s29 =	sshra.s32 s5, $0x1F  }
0x152: {  	vm9 =	vcmask $0x704;
	s26 =	sshrl.u32 s13, $0x1F;
	s18 =	smul.u32 $0x431BDE83, s18;
	v58 =	vmov s29;
	s29 =	sshra.s32 s12, $0x12  }
0x153: {  	v5 =	vsel vm0, s9, v59;
	v7 =	vsel vm0, s26, v61;
	s26 =	sshra.s32 s11, $0x12;
	s14 =	smulhi.u32 $0x431BDE83, s22;
	s22 =	sshrl.u32 s12, $0x1F;
	v4 =	vsel vm4, s29, v58  }
0x154: {  	v5 =	vsel vm1, s16, v5;
	s9 =	sshra.s32 s21, $0x1F;
	s7 =	sadd.s32 s7, s23;
	v60 =	vmov s22;
	s22 =	sshra.s32 s2, $0x12;
	v4 =	vsel vm9, s4, v4  }
0x155: {  	v5 =	vsel vm2, s8, v5;
	s8 =	smulhi.u32 $0x431BDE83, s25;
	s12 =	sshrl.u32 s2, $0x1F;
	v6 =	vnsel vm4, $0x0, v60;
	s2 =	sshra.s32 s2, $0x1F;
	v4 =	vsel vm0, s22, v4  }
0x156: {  	s29 =	sshrl.u32 s20, $0x1F;
	v6 =	vsel vm0, s12, v6;
	s22 =	sshra.s32 s25, $0x1F;
	s25 =	sshra.s32 s20, $0x12;
	v4 =	vsel vm11, s2, v4  }
0x157: {  	s28 =	sshrl.u32 s15, $0x1F;
	s4 =	smulhi.u32 $0x431BDE83, s21;
	s21 =	sshrl.u32 s7, $0x1F;
	v6 =	vsel vm1, s29, v6;
	v4 =	vsel vm1, s25, v4  }
0x158: {  	s23 =	sshrl.u32 s17, $0x1F;
	s9 =	smul.u32 $0x431BDE83, s9;
	v7 =	vsel vm1, s28, v7;
	v6 =	vsel vm2, s21, v6;
	s21 =	sshra.s32 s7, $0x12;
	v4 =	vsel vm13, s19, v4  }
0x159: {  	v63 =	vmov s6;
	v7 =	vsel vm2, s23, v7;
	s14 =	sadd.s32 s18, s14;
	s12 =	smul.u32 $0x431BDE83, s22;
	s22 =	sshra.s32 s7, $0x1F;
	v4 =	vsel vm2, s21, v4  }
0x15a: {  	v62 =	vmov s26;
	v5 =	vcombine.low v7, v5;
	s20 =	sshrl.u32 s14, $0x1F;
	s4 =	sadd.s32 s9, s4;
	s25 =	sshra.s32 s14, $0x12;
	v4 =	vsel vm14, s22, v4  }
0x15b: {  	v7 =	vsel vm0, s1, v62;
	s28 =	sshra.s32 s14, $0x1F;
	s29 =	sshra.s32 s13, $0x12;
	v6 =	vsel vm5, s20, v6;
	s9 =	sshrl.u32 s4, $0x1F;
	v4 =	vsel vm5, s25, v4  }
0x15c: {  	s11 =	sshra.s32 s15, $0x12;
	s13 =	sshra.s32 s31, $0x12;
	v8 =	vsel vm0, s29, v63;
	v6 =	vsel vm6, s9, v6;
	s9 =	sshra.s32 s4, $0x12;
	v4 =	vsel vm15, s28, v4  }
0x15d: {  	v7 =	vsel vm1, s0, v7;
	v8 =	vsel vm1, s11, v8;
	s14 =	sshra.s32 s17, $0x12;
	s8 =	sadd.s32 s12, s8;
	s12 =	sshra.s32 s4, $0x1F;
	v4 =	vsel vm6, s9, v4  }
0x15e: {  	v7 =	vsel vm2, s13, v7;
	v8 =	vsel vm2, s14, v8;
	s15 =	sshra.s32 s8, $0x12;
	v4 =	vsel vm12, s12, v4  }
0x15f: {  	s23 =	sshrl.u32 s8, $0x1F;
	s17 =	sshra.s32 s8, $0x1F;
	v7 =	vcombine.low v8, v7;
	v4 =	vsel vm7, s15, v4  }
0x160: {  	s16 =	sshrl.u32 s5, $0x1F;
	s18 =	sshra.s32 s5, $0x12;
	v5 =	vperm.xlane v5, v1;
	v6 =	vsel vm7, s23, v6;
	v4 =	vsel vm3, s17, v4  }
0x161: {  	v6 =	vsel vm10, s16, v6;
	v7 =	vperm.xlane v7, v1;
	v4 =	vsel vm10, s18, v4  }
0x162: {  	v6 =	vperm.xlane v6, v2;
	v4 =	vperm.xlane v4, v2;
	_ =	sdelay $0x1  }
0x163: {  	v5 =	vsel vm8, v6, v5;
	v4 =	vsel vm8, v4, v7  }
0x164: {  	v4 =	vadd.s32 v5, v4  }
0x165: {  	v4 =	vmul.u32 $0xF4240, v4;
	_ =	sdelay $0x1  }
0x166: {  	v3 =	vsub.s32 v3, v4  }
0x167: {  	vm9 =	vlt.s32 v3, $0x0;
	v4 =	vadd.s32 $0xF4240, v3  }
0x168: {  	v3 =	vsel vm9, v4, v3  }
0x169: {  	s19 =	rddreg [dreg:$0x9];
	[tilespmem:s30+$0x3440] =	vst v3  }
0x16a: {  	v3 =	vld [tilespmem:s19+$0xFFFFFFF0]  }
0x16b: {  	s20 =	rddreg [dreg:$0x9]  }
0x16c: {  	v8 =	vld [tilespmem:s20+$0xFFFFFFF1];
	_ =	sdelay $0x2  }
0x16d: {  	v3 =	vmul.u32 $0x420, v3;
	_ =	sdelay $0x1  }
0x16e: {  	v3 =	vadd.s32 v8, v3  }
0x16f: {  	(v2sf) =	vpush v3, $0xD;
	_ =	sdelay $0x1  }
0x170: {  	(v2sf) =	vpush v3, $0xC;
	_ =	sdelay $0x1  }
0x171: {  	(v2sf) =	vpush v3, $0xE;
	_ =	sdelay $0x1  }
0x172: {  	(v2sf) =	vpush v3, $0xF;
	_ =	sdelay $0x1  }
0x173: {  	(v2sf) =	vpush v3, $0x9;
	_ =	sdelay $0x1  }
0x174: {  	(v2sf) =	vpush v3, $0x8;
	_ =	sdelay $0x1  }
0x175: {  	(v2sf) =	vpush v3, $0xA;
	_ =	sdelay $0x1  }
0x176: {  	(v2sf) =	vpush v3, $0xB  }
0x177: {  	s21 =	spop (v2sf)  }
0x178: {  	(v2sf) =	vpush v3, $0x0;
	s22 =	smulhi.u32 $0x431BDE83, s21;
	s0 =	sshra.s32 s21, $0x1F  }
0x179: {  	s23 =	spop (v2sf);
	s0 =	smul.u32 $0x431BDE83, s0  }
0x17a: {  	(v2sf) =	vpush v3, $0x1;
	s25 =	smulhi.u32 $0x431BDE83, s23;
	s2 =	sshra.s32 s23, $0x1F  }
0x17b: {  	(v2sf) =	vpush v3, $0x2;
	s26 =	spop (v2sf);
	s2 =	smul.u32 $0x431BDE83, s2  }
0x17c: {  	(v2sf) =	vpush v3, $0x3;
	s28 =	smulhi.u32 $0x431BDE83, s26;
	s5 =	sshra.s32 s26, $0x1F  }
0x17d: {  	(v2sf) =	vpush v3, $0x4;
	s29 =	spop (v2sf);
	s5 =	smul.u32 $0x431BDE83, s5  }
0x17e: {  	(v2sf) =	vpush v3, $0x5;
	s31 =	smulhi.u32 $0x431BDE83, s29;
	s7 =	sshra.s32 s29, $0x1F  }
0x17f: {  	(v2sf) =	vpush v3, $0x6;
	s12 =	spop (v2sf);
	s7 =	smul.u32 $0x431BDE83, s7  }
0x180: {  	(v2sf) =	vpush v3, $0x7;
	s13 =	smulhi.u32 $0x431BDE83, s12;
	s9 =	sshra.s32 s12, $0x1F  }
0x181: {  	s1 =	sadd.s32 s0, s22;
	s19 =	spop (v2sf);
	s14 =	smul.u32 $0x431BDE83, s9  }
0x182: {  	s11 =	sadd.s32 s2, s25;
	s20 =	smulhi.u32 $0x431BDE83, s19;
	s0 =	sshra.s32 s19, $0x1F  }
0x183: {  	s9 =	sshrl.u32 s1, $0x1F;
	s23 =	spop (v2sf);
	s21 =	smul.u32 $0x431BDE83, s0  }
0x184: {  	s4 =	sshrl.u32 s11, $0x1F;
	s15 =	smulhi.u32 $0x431BDE83, s23;
	s25 =	sshra.s32 s23, $0x1F  }
0x185: {  	s0 =	sadd.s32 s5, s28;
	s26 =	spop (v2sf);
	s5 =	smul.u32 $0x431BDE83, s25  }
0x186: {  	s1 =	sshra.s32 s1, $0x12;
	s17 =	smulhi.u32 $0x431BDE83, s26;
	s6 =	sshra.s32 s26, $0x1F  }
0x187: {  	s31 =	sadd.s32 s7, s31;
	s28 =	spop (v2sf);
	s7 =	smul.u32 $0x431BDE83, s6  }
0x188: {  	s16 =	sshrl.u32 s0, $0x1F;
	s18 =	smulhi.u32 $0x431BDE83, s28;
	s6 =	sshra.s32 s28, $0x1F  }
0x189: {  	s8 =	sshrl.u32 s31, $0x1F;
	s22 =	spop (v2sf);
	s29 =	smul.u32 $0x431BDE83, s6  }
0x18a: {  	s13 =	sadd.s32 s14, s13;
	s19 =	smulhi.u32 $0x431BDE83, s22;
	s25 =	spop (v2sf)  }
0x18b: {  	s23 =	sshra.s32 s22, $0x1F;
	s6 =	sadd.s32 s21, s20;
	s26 =	spop (v2sf)  }
0x18c: {  	s2 =	smul.u32 $0x431BDE83, s23;
	s21 =	sshra.s32 s25, $0x1F;
	s22 =	spop (v2sf)  }
0x18d: {  	s15 =	sadd.s32 s5, s15;
	s5 =	smul.u32 $0x431BDE83, s21;
	s21 =	spop (v2sf)  }
0x18e: {  	s20 =	smulhi.u32 $0x431BDE83, s25;
	s14 =	sshra.s32 s26, $0x1F;
	s25 =	spop (v2sf)  }
0x18f: {  	s17 =	sadd.s32 s7, s17;
	s7 =	smul.u32 $0x431BDE83, s14;
	s28 =	spop (v2sf)  }
0x190: {  	s12 =	sadd.s32 s29, s18;
	s29 =	smulhi.u32 $0x431BDE83, s28;
	s14 =	sshra.s32 s28, $0x1F  }
0x191: {  	s0 =	sshra.s32 s0, $0x12;
	s2 =	sadd.s32 s2, s19;
	s14 =	smul.u32 $0x431BDE83, s14  }
0x192: {  	v10 =	vmov s4;
	s19 =	sshrl.u32 s6, $0x1F;
	s4 =	sshra.s32 s12, $0x1F;
	s20 =	sadd.s32 s5, s20  }
0x193: {  	s6 =	sshra.s32 s6, $0x12;
	v12 =	vmov s19;
	s19 =	sshra.s32 s20, $0x1F;
	s5 =	sadd.s32 s14, s29  }
0x194: {  	s23 =	smulhi.u32 $0x431BDE83, s26;
	s18 =	sshra.s32 s22, $0x1F;
	s29 =	sshra.s32 s5, $0x1F  }
0x195: {  	vm3 =	vcmask $0x704;
	s26 =	sshrl.u32 s13, $0x1F;
	s18 =	smul.u32 $0x431BDE83, s18;
	v9 =	vmov s29;
	s29 =	sshra.s32 s12, $0x12  }
0x196: {  	v5 =	vsel vm0, s9, v10;
	v7 =	vsel vm0, s26, v12;
	s26 =	sshra.s32 s11, $0x12;
	s14 =	smulhi.u32 $0x431BDE83, s22;
	s22 =	sshrl.u32 s12, $0x1F;
	v4 =	vsel vm4, s29, v9  }
0x197: {  	v5 =	vsel vm1, s16, v5;
	s9 =	sshra.s32 s21, $0x1F;
	s7 =	sadd.s32 s7, s23;
	v11 =	vmov s22;
	s22 =	sshra.s32 s2, $0x12;
	v4 =	vsel vm3, s4, v4  }
0x198: {  	v5 =	vsel vm2, s8, v5;
	s8 =	smulhi.u32 $0x431BDE83, s25;
	s12 =	sshrl.u32 s2, $0x1F;
	v6 =	vnsel vm4, $0x0, v11;
	s2 =	sshra.s32 s2, $0x1F;
	v4 =	vsel vm0, s22, v4  }
0x199: {  	s29 =	sshrl.u32 s20, $0x1F;
	v6 =	vsel vm0, s12, v6;
	s22 =	sshra.s32 s25, $0x1F;
	s25 =	sshra.s32 s20, $0x12;
	v4 =	vsel vm11, s2, v4  }
0x19a: {  	s28 =	sshrl.u32 s15, $0x1F;
	s4 =	smulhi.u32 $0x431BDE83, s21;
	s21 =	sshrl.u32 s7, $0x1F;
	v6 =	vsel vm1, s29, v6;
	v4 =	vsel vm1, s25, v4  }
0x19b: {  	s23 =	sshrl.u32 s17, $0x1F;
	s9 =	smul.u32 $0x431BDE83, s9;
	v7 =	vsel vm1, s28, v7;
	v6 =	vsel vm2, s21, v6;
	s21 =	sshra.s32 s7, $0x12;
	v4 =	vsel vm13, s19, v4  }
0x19c: {  	v14 =	vmov s6;
	v7 =	vsel vm2, s23, v7;
	s14 =	sadd.s32 s18, s14;
	s12 =	smul.u32 $0x431BDE83, s22;
	s22 =	sshra.s32 s7, $0x1F;
	v4 =	vsel vm2, s21, v4  }
0x19d: {  	v13 =	vmov s26;
	v5 =	vcombine.low v7, v5;
	s20 =	sshrl.u32 s14, $0x1F;
	s4 =	sadd.s32 s9, s4;
	s25 =	sshra.s32 s14, $0x12;
	v4 =	vsel vm14, s22, v4  }
0x19e: {  	v7 =	vsel vm0, s1, v13;
	s28 =	sshra.s32 s14, $0x1F;
	s29 =	sshra.s32 s13, $0x12;
	v6 =	vsel vm5, s20, v6;
	s9 =	sshrl.u32 s4, $0x1F;
	v4 =	vsel vm5, s25, v4  }
0x19f: {  	s11 =	sshra.s32 s15, $0x12;
	s13 =	sshra.s32 s31, $0x12;
	v8 =	vsel vm0, s29, v14;
	v6 =	vsel vm6, s9, v6;
	s9 =	sshra.s32 s4, $0x12;
	v4 =	vsel vm15, s28, v4  }
0x1a0: {  	v7 =	vsel vm1, s0, v7;
	v8 =	vsel vm1, s11, v8;
	s14 =	sshra.s32 s17, $0x12;
	s8 =	sadd.s32 s12, s8;
	s12 =	sshra.s32 s4, $0x1F;
	v4 =	vsel vm6, s9, v4  }
0x1a1: {  	v7 =	vsel vm2, s13, v7;
	v8 =	vsel vm2, s14, v8;
	s15 =	sshra.s32 s8, $0x12;
	v4 =	vsel vm12, s12, v4  }
0x1a2: {  	vm9 =	vcmask $0x3734;
	s23 =	sshrl.u32 s8, $0x1F;
	s17 =	sshra.s32 s8, $0x1F;
	v7 =	vcombine.low v8, v7;
	v4 =	vsel vm7, s15, v4  }
0x1a3: {  	s16 =	sshrl.u32 s5, $0x1F;
	s18 =	sshra.s32 s5, $0x12;
	v5 =	vperm.xlane v5, v1;
	v6 =	vsel vm7, s23, v6;
	v4 =	vsel vm9, s17, v4  }
0x1a4: {  	v6 =	vsel vm10, s16, v6;
	v7 =	vperm.xlane v7, v1;
	v4 =	vsel vm10, s18, v4  }
0x1a5: {  	v6 =	vperm.xlane v6, v2;
	v4 =	vperm.xlane v4, v2;
	_ =	sdelay $0x1  }
0x1a6: {  	v5 =	vsel vm8, v6, v5;
	v4 =	vsel vm8, v4, v7  }
0x1a7: {  	v4 =	vadd.s32 v5, v4  }
0x1a8: {  	v4 =	vmul.u32 $0xF4240, v4;
	_ =	sdelay $0x1  }
0x1a9: {  	v3 =	vsub.s32 v3, v4  }
0x1aa: {  	vm9 =	vlt.s32 v3, $0x0;
	v4 =	vadd.s32 $0xF4240, v3  }
0x1ab: {  	v3 =	vsel vm9, v4, v3  }
0x1ac: {  	s19 =	rddreg [dreg:$0x9];
	[tilespmem:s30+$0x3450] =	vst v3  }
0x1ad: {  	v3 =	vld [tilespmem:s19+$0x0]  }
0x1ae: {  	s20 =	rddreg [dreg:$0x9]  }
0x1af: {  	v15 =	vld [tilespmem:s20+$0x1];
	_ =	sdelay $0x2  }
0x1b0: {  	v3 =	vmul.u32 $0x420, v3;
	_ =	sdelay $0x1  }
0x1b1: {  	v3 =	vadd.s32 v15, v3  }
0x1b2: {  	(v2sf) =	vpush v3, $0xD;
	_ =	sdelay $0x1  }
0x1b3: {  	(v2sf) =	vpush v3, $0xC;
	_ =	sdelay $0x1  }
0x1b4: {  	(v2sf) =	vpush v3, $0xE;
	_ =	sdelay $0x1  }
0x1b5: {  	(v2sf) =	vpush v3, $0xF;
	_ =	sdelay $0x1  }
0x1b6: {  	(v2sf) =	vpush v3, $0x9;
	_ =	sdelay $0x1  }
0x1b7: {  	(v2sf) =	vpush v3, $0x8;
	_ =	sdelay $0x1  }
0x1b8: {  	(v2sf) =	vpush v3, $0xA;
	_ =	sdelay $0x1  }
0x1b9: {  	(v2sf) =	vpush v3, $0xB  }
0x1ba: {  	s21 =	spop (v2sf)  }
0x1bb: {  	(v2sf) =	vpush v3, $0x0;
	s22 =	smulhi.u32 $0x431BDE83, s21;
	s0 =	sshra.s32 s21, $0x1F  }
0x1bc: {  	s23 =	spop (v2sf);
	s0 =	smul.u32 $0x431BDE83, s0  }
0x1bd: {  	(v2sf) =	vpush v3, $0x1;
	s25 =	smulhi.u32 $0x431BDE83, s23;
	s2 =	sshra.s32 s23, $0x1F  }
0x1be: {  	(v2sf) =	vpush v3, $0x2;
	s26 =	spop (v2sf);
	s2 =	smul.u32 $0x431BDE83, s2  }
0x1bf: {  	(v2sf) =	vpush v3, $0x3;
	s28 =	smulhi.u32 $0x431BDE83, s26;
	s5 =	sshra.s32 s26, $0x1F  }
0x1c0: {  	(v2sf) =	vpush v3, $0x4;
	s29 =	spop (v2sf);
	s5 =	smul.u32 $0x431BDE83, s5  }
0x1c1: {  	(v2sf) =	vpush v3, $0x5;
	s31 =	smulhi.u32 $0x431BDE83, s29;
	s7 =	sshra.s32 s29, $0x1F  }
0x1c2: {  	(v2sf) =	vpush v3, $0x6;
	s12 =	spop (v2sf);
	s7 =	smul.u32 $0x431BDE83, s7  }
0x1c3: {  	(v2sf) =	vpush v3, $0x7;
	s13 =	smulhi.u32 $0x431BDE83, s12;
	s9 =	sshra.s32 s12, $0x1F  }
0x1c4: {  	s1 =	sadd.s32 s0, s22;
	s19 =	spop (v2sf);
	s14 =	smul.u32 $0x431BDE83, s9  }
0x1c5: {  	s11 =	sadd.s32 s2, s25;
	s20 =	smulhi.u32 $0x431BDE83, s19;
	s0 =	sshra.s32 s19, $0x1F  }
0x1c6: {  	s9 =	sshrl.u32 s1, $0x1F;
	s23 =	spop (v2sf);
	s21 =	smul.u32 $0x431BDE83, s0  }
0x1c7: {  	s4 =	sshrl.u32 s11, $0x1F;
	s15 =	smulhi.u32 $0x431BDE83, s23;
	s25 =	sshra.s32 s23, $0x1F  }
0x1c8: {  	s0 =	sadd.s32 s5, s28;
	s26 =	spop (v2sf);
	s5 =	smul.u32 $0x431BDE83, s25  }
0x1c9: {  	s1 =	sshra.s32 s1, $0x12;
	s17 =	smulhi.u32 $0x431BDE83, s26;
	s6 =	sshra.s32 s26, $0x1F  }
0x1ca: {  	s31 =	sadd.s32 s7, s31;
	s28 =	spop (v2sf);
	s7 =	smul.u32 $0x431BDE83, s6  }
0x1cb: {  	s16 =	sshrl.u32 s0, $0x1F;
	s18 =	smulhi.u32 $0x431BDE83, s28;
	s6 =	sshra.s32 s28, $0x1F  }
0x1cc: {  	s8 =	sshrl.u32 s31, $0x1F;
	s22 =	spop (v2sf);
	s29 =	smul.u32 $0x431BDE83, s6  }
0x1cd: {  	s13 =	sadd.s32 s14, s13;
	s19 =	smulhi.u32 $0x431BDE83, s22;
	s25 =	spop (v2sf)  }
0x1ce: {  	s23 =	sshra.s32 s22, $0x1F;
	s6 =	sadd.s32 s21, s20;
	s26 =	spop (v2sf)  }
0x1cf: {  	s2 =	smul.u32 $0x431BDE83, s23;
	s21 =	sshra.s32 s25, $0x1F;
	s22 =	spop (v2sf)  }
0x1d0: {  	s15 =	sadd.s32 s5, s15;
	s5 =	smul.u32 $0x431BDE83, s21;
	s21 =	spop (v2sf)  }
0x1d1: {  	s20 =	smulhi.u32 $0x431BDE83, s25;
	s14 =	sshra.s32 s26, $0x1F;
	s25 =	spop (v2sf)  }
0x1d2: {  	s17 =	sadd.s32 s7, s17;
	s7 =	smul.u32 $0x431BDE83, s14;
	s28 =	spop (v2sf)  }
0x1d3: {  	s12 =	sadd.s32 s29, s18;
	s29 =	smulhi.u32 $0x431BDE83, s28;
	s14 =	sshra.s32 s28, $0x1F  }
0x1d4: {  	s0 =	sshra.s32 s0, $0x12;
	s2 =	sadd.s32 s2, s19;
	s14 =	smul.u32 $0x431BDE83, s14  }
0x1d5: {  	v17 =	vmov s4;
	s19 =	sshrl.u32 s6, $0x1F;
	s4 =	sshra.s32 s12, $0x1F;
	s20 =	sadd.s32 s5, s20  }
0x1d6: {  	s6 =	sshra.s32 s6, $0x12;
	v19 =	vmov s19;
	s19 =	sshra.s32 s20, $0x1F;
	s5 =	sadd.s32 s14, s29  }
0x1d7: {  	s23 =	smulhi.u32 $0x431BDE83, s26;
	s18 =	sshra.s32 s22, $0x1F;
	s29 =	sshra.s32 s5, $0x1F  }
0x1d8: {  	s26 =	sshrl.u32 s13, $0x1F;
	s18 =	smul.u32 $0x431BDE83, s18;
	v16 =	vmov s29;
	s29 =	sshra.s32 s12, $0x12  }
0x1d9: {  	v5 =	vsel vm0, s9, v17;
	v7 =	vsel vm0, s26, v19;
	s26 =	sshra.s32 s11, $0x12;
	s14 =	smulhi.u32 $0x431BDE83, s22;
	s22 =	sshrl.u32 s12, $0x1F;
	v4 =	vsel vm4, s29, v16  }
0x1da: {  	v5 =	vsel vm1, s16, v5;
	s9 =	sshra.s32 s21, $0x1F;
	s7 =	sadd.s32 s7, s23;
	v18 =	vmov s22;
	s22 =	sshra.s32 s2, $0x12;
	v4 =	vsel vm3, s4, v4  }
0x1db: {  	v5 =	vsel vm2, s8, v5;
	s8 =	smulhi.u32 $0x431BDE83, s25;
	s12 =	sshrl.u32 s2, $0x1F;
	v6 =	vnsel vm4, $0x0, v18;
	s2 =	sshra.s32 s2, $0x1F;
	v4 =	vsel vm0, s22, v4  }
0x1dc: {  	s29 =	sshrl.u32 s20, $0x1F;
	v6 =	vsel vm0, s12, v6;
	s22 =	sshra.s32 s25, $0x1F;
	s25 =	sshra.s32 s20, $0x12;
	v4 =	vsel vm11, s2, v4  }
0x1dd: {  	s28 =	sshrl.u32 s15, $0x1F;
	s4 =	smulhi.u32 $0x431BDE83, s21;
	s21 =	sshrl.u32 s7, $0x1F;
	v6 =	vsel vm1, s29, v6;
	v4 =	vsel vm1, s25, v4  }
0x1de: {  	s23 =	sshrl.u32 s17, $0x1F;
	s9 =	smul.u32 $0x431BDE83, s9;
	v7 =	vsel vm1, s28, v7;
	v6 =	vsel vm2, s21, v6;
	s21 =	sshra.s32 s7, $0x12;
	v4 =	vsel vm13, s19, v4  }
0x1df: {  	v21 =	vmov s6;
	v7 =	vsel vm2, s23, v7;
	s14 =	sadd.s32 s18, s14;
	s12 =	smul.u32 $0x431BDE83, s22;
	s22 =	sshra.s32 s7, $0x1F;
	v4 =	vsel vm2, s21, v4  }
0x1e0: {  	v20 =	vmov s26;
	v5 =	vcombine.low v7, v5;
	s20 =	sshrl.u32 s14, $0x1F;
	s4 =	sadd.s32 s9, s4;
	s25 =	sshra.s32 s14, $0x12;
	v4 =	vsel vm14, s22, v4  }
0x1e1: {  	v7 =	vsel vm0, s1, v20;
	s28 =	sshra.s32 s14, $0x1F;
	s29 =	sshra.s32 s13, $0x12;
	v6 =	vsel vm5, s20, v6;
	s9 =	sshrl.u32 s4, $0x1F;
	v4 =	vsel vm5, s25, v4  }
0x1e2: {  	s11 =	sshra.s32 s15, $0x12;
	s13 =	sshra.s32 s31, $0x12;
	v8 =	vsel vm0, s29, v21;
	v6 =	vsel vm6, s9, v6;
	s9 =	sshra.s32 s4, $0x12;
	v4 =	vsel vm15, s28, v4  }
0x1e3: {  	v7 =	vsel vm1, s0, v7;
	v8 =	vsel vm1, s11, v8;
	s14 =	sshra.s32 s17, $0x12;
	s8 =	sadd.s32 s12, s8;
	s12 =	sshra.s32 s4, $0x1F;
	v4 =	vsel vm6, s9, v4  }
0x1e4: {  	v7 =	vsel vm2, s13, v7;
	v8 =	vsel vm2, s14, v8;
	s15 =	sshra.s32 s8, $0x12;
	v4 =	vsel vm12, s12, v4  }
0x1e5: {  	vm3 =	vcmask $0x3734;
	s23 =	sshrl.u32 s8, $0x1F;
	s17 =	sshra.s32 s8, $0x1F;
	v7 =	vcombine.low v8, v7;
	v4 =	vsel vm7, s15, v4  }
0x1e6: {  	s16 =	sshrl.u32 s5, $0x1F;
	s18 =	sshra.s32 s5, $0x12;
	v5 =	vperm.xlane v5, v1;
	v6 =	vsel vm7, s23, v6;
	v4 =	vsel vm3, s17, v4  }
0x1e7: {  	v6 =	vsel vm10, s16, v6;
	v7 =	vperm.xlane v7, v1;
	v4 =	vsel vm10, s18, v4  }
0x1e8: {  	v6 =	vperm.xlane v6, v2;
	v4 =	vperm.xlane v4, v2;
	_ =	sdelay $0x1  }
0x1e9: {  	v5 =	vsel vm8, v6, v5;
	v4 =	vsel vm8, v4, v7  }
0x1ea: {  	v4 =	vadd.s32 v5, v4  }
0x1eb: {  	v4 =	vmul.u32 $0xF4240, v4;
	_ =	sdelay $0x1  }
0x1ec: {  	v3 =	vsub.s32 v3, v4  }
0x1ed: {  	vm9 =	vlt.s32 v3, $0x0;
	v4 =	vadd.s32 $0xF4240, v3  }
0x1ee: {  	v3 =	vsel vm9, v4, v3  }
0x1ef: {  	s19 =	rddreg [dreg:$0x9];
	[tilespmem:s30+$0x3460] =	vst v3  }
0x1f0: {  	v3 =	vld [tilespmem:s19+$0x10]  }
0x1f1: {  	s20 =	rddreg [dreg:$0x9]  }
0x1f2: {  	v22 =	vld [tilespmem:s20+$0x11];
	_ =	sdelay $0x2  }
0x1f3: {  	v3 =	vmul.u32 $0x420, v3;
	_ =	sdelay $0x1  }
0x1f4: {  	v3 =	vadd.s32 v22, v3  }
0x1f5: {  	(v2sf) =	vpush v3, $0xD;
	_ =	sdelay $0x1  }
0x1f6: {  	(v2sf) =	vpush v3, $0xC;
	_ =	sdelay $0x1  }
0x1f7: {  	(v2sf) =	vpush v3, $0xE;
	_ =	sdelay $0x1  }
0x1f8: {  	(v2sf) =	vpush v3, $0xF;
	_ =	sdelay $0x1  }
0x1f9: {  	(v2sf) =	vpush v3, $0x9;
	_ =	sdelay $0x1  }
0x1fa: {  	(v2sf) =	vpush v3, $0x8;
	_ =	sdelay $0x1  }
0x1fb: {  	(v2sf) =	vpush v3, $0xA;
	_ =	sdelay $0x1  }
0x1fc: {  	(v2sf) =	vpush v3, $0xB  }
0x1fd: {  	s21 =	spop (v2sf)  }
0x1fe: {  	(v2sf) =	vpush v3, $0x0;
	s22 =	smulhi.u32 $0x431BDE83, s21;
	s0 =	sshra.s32 s21, $0x1F  }
0x1ff: {  	s23 =	spop (v2sf);
	s0 =	smul.u32 $0x431BDE83, s0  }
0x200: {  	(v2sf) =	vpush v3, $0x1;
	s25 =	smulhi.u32 $0x431BDE83, s23;
	s2 =	sshra.s32 s23, $0x1F  }
0x201: {  	(v2sf) =	vpush v3, $0x2;
	s26 =	spop (v2sf);
	s2 =	smul.u32 $0x431BDE83, s2  }
0x202: {  	(v2sf) =	vpush v3, $0x3;
	s28 =	smulhi.u32 $0x431BDE83, s26;
	s5 =	sshra.s32 s26, $0x1F  }
0x203: {  	(v2sf) =	vpush v3, $0x4;
	s29 =	spop (v2sf);
	s5 =	smul.u32 $0x431BDE83, s5  }
0x204: {  	(v2sf) =	vpush v3, $0x5;
	s31 =	smulhi.u32 $0x431BDE83, s29;
	s7 =	sshra.s32 s29, $0x1F  }
0x205: {  	(v2sf) =	vpush v3, $0x6;
	s12 =	spop (v2sf);
	s7 =	smul.u32 $0x431BDE83, s7  }
0x206: {  	(v2sf) =	vpush v3, $0x7;
	s13 =	smulhi.u32 $0x431BDE83, s12;
	s9 =	sshra.s32 s12, $0x1F  }
0x207: {  	s1 =	sadd.s32 s0, s22;
	s19 =	spop (v2sf);
	s14 =	smul.u32 $0x431BDE83, s9  }
0x208: {  	s11 =	sadd.s32 s2, s25;
	s20 =	smulhi.u32 $0x431BDE83, s19;
	s0 =	sshra.s32 s19, $0x1F  }
0x209: {  	s9 =	sshrl.u32 s1, $0x1F;
	s23 =	spop (v2sf);
	s21 =	smul.u32 $0x431BDE83, s0  }
0x20a: {  	s4 =	sshrl.u32 s11, $0x1F;
	s15 =	smulhi.u32 $0x431BDE83, s23;
	s25 =	sshra.s32 s23, $0x1F  }
0x20b: {  	s0 =	sadd.s32 s5, s28;
	s26 =	spop (v2sf);
	s5 =	smul.u32 $0x431BDE83, s25  }
0x20c: {  	s1 =	sshra.s32 s1, $0x12;
	s17 =	smulhi.u32 $0x431BDE83, s26;
	s6 =	sshra.s32 s26, $0x1F  }
0x20d: {  	s31 =	sadd.s32 s7, s31;
	s28 =	spop (v2sf);
	s7 =	smul.u32 $0x431BDE83, s6  }
0x20e: {  	s16 =	sshrl.u32 s0, $0x1F;
	s18 =	smulhi.u32 $0x431BDE83, s28;
	s6 =	sshra.s32 s28, $0x1F  }
0x20f: {  	s8 =	sshrl.u32 s31, $0x1F;
	s22 =	spop (v2sf);
	s29 =	smul.u32 $0x431BDE83, s6  }
0x210: {  	s13 =	sadd.s32 s14, s13;
	s19 =	smulhi.u32 $0x431BDE83, s22;
	s25 =	spop (v2sf)  }
0x211: {  	s23 =	sshra.s32 s22, $0x1F;
	s6 =	sadd.s32 s21, s20;
	s26 =	spop (v2sf)  }
0x212: {  	s2 =	smul.u32 $0x431BDE83, s23;
	s21 =	sshra.s32 s25, $0x1F;
	s22 =	spop (v2sf)  }
0x213: {  	s15 =	sadd.s32 s5, s15;
	s5 =	smul.u32 $0x431BDE83, s21;
	s21 =	spop (v2sf)  }
0x214: {  	s20 =	smulhi.u32 $0x431BDE83, s25;
	s14 =	sshra.s32 s26, $0x1F;
	s25 =	spop (v2sf)  }
0x215: {  	s17 =	sadd.s32 s7, s17;
	s7 =	smul.u32 $0x431BDE83, s14;
	s28 =	spop (v2sf)  }
0x216: {  	s12 =	sadd.s32 s29, s18;
	s29 =	smulhi.u32 $0x431BDE83, s28;
	s14 =	sshra.s32 s28, $0x1F  }
0x217: {  	s0 =	sshra.s32 s0, $0x12;
	s2 =	sadd.s32 s2, s19;
	s14 =	smul.u32 $0x431BDE83, s14  }
0x218: {  	v24 =	vmov s4;
	s19 =	sshrl.u32 s6, $0x1F;
	s4 =	sshra.s32 s12, $0x1F;
	s20 =	sadd.s32 s5, s20  }
0x219: {  	s6 =	sshra.s32 s6, $0x12;
	v26 =	vmov s19;
	s19 =	sshra.s32 s20, $0x1F;
	s5 =	sadd.s32 s14, s29  }
0x21a: {  	s23 =	smulhi.u32 $0x431BDE83, s26;
	s18 =	sshra.s32 s22, $0x1F;
	s29 =	sshra.s32 s5, $0x1F  }
0x21b: {  	vm9 =	vcmask $0x704;
	s26 =	sshrl.u32 s13, $0x1F;
	s18 =	smul.u32 $0x431BDE83, s18;
	v23 =	vmov s29;
	s29 =	sshra.s32 s12, $0x12  }
0x21c: {  	v5 =	vsel vm0, s9, v24;
	v7 =	vsel vm0, s26, v26;
	s26 =	sshra.s32 s11, $0x12;
	s14 =	smulhi.u32 $0x431BDE83, s22;
	s22 =	sshrl.u32 s12, $0x1F;
	v4 =	vsel vm4, s29, v23  }
0x21d: {  	v5 =	vsel vm1, s16, v5;
	s9 =	sshra.s32 s21, $0x1F;
	s7 =	sadd.s32 s7, s23;
	v25 =	vmov s22;
	s22 =	sshra.s32 s2, $0x12;
	v4 =	vsel vm9, s4, v4  }
0x21e: {  	v5 =	vsel vm2, s8, v5;
	s8 =	smulhi.u32 $0x431BDE83, s25;
	s12 =	sshrl.u32 s2, $0x1F;
	v6 =	vnsel vm4, $0x0, v25;
	s2 =	sshra.s32 s2, $0x1F;
	v4 =	vsel vm0, s22, v4  }
0x21f: {  	s29 =	sshrl.u32 s20, $0x1F;
	v6 =	vsel vm0, s12, v6;
	s22 =	sshra.s32 s25, $0x1F;
	s25 =	sshra.s32 s20, $0x12;
	v4 =	vsel vm11, s2, v4  }
0x220: {  	s28 =	sshrl.u32 s15, $0x1F;
	s4 =	smulhi.u32 $0x431BDE83, s21;
	s21 =	sshrl.u32 s7, $0x1F;
	v6 =	vsel vm1, s29, v6;
	v4 =	vsel vm1, s25, v4  }
0x221: {  	s23 =	sshrl.u32 s17, $0x1F;
	s9 =	smul.u32 $0x431BDE83, s9;
	v7 =	vsel vm1, s28, v7;
	v6 =	vsel vm2, s21, v6;
	s21 =	sshra.s32 s7, $0x12;
	v4 =	vsel vm13, s19, v4  }
0x222: {  	v28 =	vmov s6;
	v7 =	vsel vm2, s23, v7;
	s14 =	sadd.s32 s18, s14;
	s12 =	smul.u32 $0x431BDE83, s22;
	s22 =	sshra.s32 s7, $0x1F;
	v4 =	vsel vm2, s21, v4  }
0x223: {  	v27 =	vmov s26;
	v5 =	vcombine.low v7, v5;
	s20 =	sshrl.u32 s14, $0x1F;
	s4 =	sadd.s32 s9, s4;
	s25 =	sshra.s32 s14, $0x12;
	v4 =	vsel vm14, s22, v4  }
0x224: {  	v7 =	vsel vm0, s1, v27;
	s28 =	sshra.s32 s14, $0x1F;
	s29 =	sshra.s32 s13, $0x12;
	v6 =	vsel vm5, s20, v6;
	s9 =	sshrl.u32 s4, $0x1F;
	v4 =	vsel vm5, s25, v4  }
0x225: {  	s11 =	sshra.s32 s15, $0x12;
	s13 =	sshra.s32 s31, $0x12;
	v8 =	vsel vm0, s29, v28;
	v6 =	vsel vm6, s9, v6;
	s9 =	sshra.s32 s4, $0x12;
	v4 =	vsel vm15, s28, v4  }
0x226: {  	v7 =	vsel vm1, s0, v7;
	v8 =	vsel vm1, s11, v8;
	s14 =	sshra.s32 s17, $0x12;
	s8 =	sadd.s32 s12, s8;
	s12 =	sshra.s32 s4, $0x1F;
	v4 =	vsel vm6, s9, v4  }
0x227: {  	v7 =	vsel vm2, s13, v7;
	v8 =	vsel vm2, s14, v8;
	s15 =	sshra.s32 s8, $0x12;
	v4 =	vsel vm12, s12, v4  }
0x228: {  	s23 =	sshrl.u32 s8, $0x1F;
	s17 =	sshra.s32 s8, $0x1F;
	v7 =	vcombine.low v8, v7;
	v4 =	vsel vm7, s15, v4  }
0x229: {  	s16 =	sshrl.u32 s5, $0x1F;
	s18 =	sshra.s32 s5, $0x12;
	v5 =	vperm.xlane v5, v1;
	v6 =	vsel vm7, s23, v6;
	v4 =	vsel vm3, s17, v4  }
0x22a: {  	v6 =	vsel vm10, s16, v6;
	v7 =	vperm.xlane v7, v1;
	v4 =	vsel vm10, s18, v4  }
0x22b: {  	v6 =	vperm.xlane v6, v2;
	v4 =	vperm.xlane v4, v2;
	_ =	sdelay $0x1  }
0x22c: {  	v5 =	vsel vm8, v6, v5;
	v4 =	vsel vm8, v4, v7  }
0x22d: {  	v4 =	vadd.s32 v5, v4  }
0x22e: {  	v4 =	vmul.u32 $0xF4240, v4;
	_ =	sdelay $0x1  }
0x22f: {  	v3 =	vsub.s32 v3, v4  }
0x230: {  	vm9 =	vlt.s32 v3, $0x0;
	v4 =	vadd.s32 $0xF4240, v3  }
0x231: {  	v3 =	vsel vm9, v4, v3  }
0x232: {  	s19 =	rddreg [dreg:$0x9];
	[tilespmem:s30+$0x3470] =	vst v3  }
0x233: {  	v3 =	vld [tilespmem:s19+$0x20]  }
0x234: {  	s20 =	rddreg [dreg:$0x9]  }
0x235: {  	v29 =	vld [tilespmem:s20+$0x21];
	_ =	sdelay $0x2  }
0x236: {  	v3 =	vmul.u32 $0x420, v3;
	_ =	sdelay $0x1  }
0x237: {  	v3 =	vadd.s32 v29, v3  }
0x238: {  	(v2sf) =	vpush v3, $0xD;
	_ =	sdelay $0x1  }
0x239: {  	(v2sf) =	vpush v3, $0xC;
	_ =	sdelay $0x1  }
0x23a: {  	(v2sf) =	vpush v3, $0xE;
	_ =	sdelay $0x1  }
0x23b: {  	(v2sf) =	vpush v3, $0xF;
	_ =	sdelay $0x1  }
0x23c: {  	(v2sf) =	vpush v3, $0x9;
	_ =	sdelay $0x1  }
0x23d: {  	(v2sf) =	vpush v3, $0x8;
	_ =	sdelay $0x1  }
0x23e: {  	(v2sf) =	vpush v3, $0xA;
	_ =	sdelay $0x1  }
0x23f: {  	(v2sf) =	vpush v3, $0xB  }
0x240: {  	s21 =	spop (v2sf)  }
0x241: {  	(v2sf) =	vpush v3, $0x0;
	s22 =	smulhi.u32 $0x431BDE83, s21;
	s0 =	sshra.s32 s21, $0x1F  }
0x242: {  	s23 =	spop (v2sf);
	s0 =	smul.u32 $0x431BDE83, s0  }
0x243: {  	(v2sf) =	vpush v3, $0x1;
	s25 =	smulhi.u32 $0x431BDE83, s23;
	s2 =	sshra.s32 s23, $0x1F  }
0x244: {  	(v2sf) =	vpush v3, $0x2;
	s26 =	spop (v2sf);
	s2 =	smul.u32 $0x431BDE83, s2  }
0x245: {  	(v2sf) =	vpush v3, $0x3;
	s28 =	smulhi.u32 $0x431BDE83, s26;
	s5 =	sshra.s32 s26, $0x1F  }
0x246: {  	(v2sf) =	vpush v3, $0x4;
	s29 =	spop (v2sf);
	s5 =	smul.u32 $0x431BDE83, s5  }
0x247: {  	(v2sf) =	vpush v3, $0x5;
	s31 =	smulhi.u32 $0x431BDE83, s29;
	s7 =	sshra.s32 s29, $0x1F  }
0x248: {  	(v2sf) =	vpush v3, $0x6;
	s12 =	spop (v2sf);
	s7 =	smul.u32 $0x431BDE83, s7  }
0x249: {  	(v2sf) =	vpush v3, $0x7;
	s13 =	smulhi.u32 $0x431BDE83, s12;
	s9 =	sshra.s32 s12, $0x1F  }
0x24a: {  	s1 =	sadd.s32 s0, s22;
	s19 =	spop (v2sf);
	s14 =	smul.u32 $0x431BDE83, s9  }
0x24b: {  	s11 =	sadd.s32 s2, s25;
	s20 =	smulhi.u32 $0x431BDE83, s19;
	s0 =	sshra.s32 s19, $0x1F  }
0x24c: {  	s9 =	sshrl.u32 s1, $0x1F;
	s23 =	spop (v2sf);
	s21 =	smul.u32 $0x431BDE83, s0  }
0x24d: {  	s4 =	sshrl.u32 s11, $0x1F;
	s15 =	smulhi.u32 $0x431BDE83, s23;
	s25 =	sshra.s32 s23, $0x1F  }
0x24e: {  	s0 =	sadd.s32 s5, s28;
	s26 =	spop (v2sf);
	s5 =	smul.u32 $0x431BDE83, s25  }
0x24f: {  	s1 =	sshra.s32 s1, $0x12;
	s17 =	smulhi.u32 $0x431BDE83, s26;
	s6 =	sshra.s32 s26, $0x1F  }
0x250: {  	s31 =	sadd.s32 s7, s31;
	s28 =	spop (v2sf);
	s7 =	smul.u32 $0x431BDE83, s6  }
0x251: {  	s16 =	sshrl.u32 s0, $0x1F;
	s18 =	smulhi.u32 $0x431BDE83, s28;
	s6 =	sshra.s32 s28, $0x1F  }
0x252: {  	s8 =	sshrl.u32 s31, $0x1F;
	s22 =	spop (v2sf);
	s29 =	smul.u32 $0x431BDE83, s6  }
0x253: {  	s13 =	sadd.s32 s14, s13;
	s19 =	smulhi.u32 $0x431BDE83, s22;
	s25 =	spop (v2sf)  }
0x254: {  	s23 =	sshra.s32 s22, $0x1F;
	s6 =	sadd.s32 s21, s20;
	s26 =	spop (v2sf)  }
0x255: {  	s2 =	smul.u32 $0x431BDE83, s23;
	s21 =	sshra.s32 s25, $0x1F;
	s22 =	spop (v2sf)  }
0x256: {  	s15 =	sadd.s32 s5, s15;
	s5 =	smul.u32 $0x431BDE83, s21;
	s21 =	spop (v2sf)  }
0x257: {  	s20 =	smulhi.u32 $0x431BDE83, s25;
	s14 =	sshra.s32 s26, $0x1F;
	s25 =	spop (v2sf)  }
0x258: {  	s17 =	sadd.s32 s7, s17;
	s7 =	smul.u32 $0x431BDE83, s14;
	s28 =	spop (v2sf)  }
0x259: {  	s12 =	sadd.s32 s29, s18;
	s29 =	smulhi.u32 $0x431BDE83, s28;
	s14 =	sshra.s32 s28, $0x1F  }
0x25a: {  	s0 =	sshra.s32 s0, $0x12;
	s2 =	sadd.s32 s2, s19;
	s14 =	smul.u32 $0x431BDE83, s14  }
0x25b: {  	v31 =	vmov s4;
	s19 =	sshrl.u32 s6, $0x1F;
	s4 =	sshra.s32 s12, $0x1F;
	s20 =	sadd.s32 s5, s20  }
0x25c: {  	s6 =	sshra.s32 s6, $0x12;
	v33 =	vmov s19;
	s19 =	sshra.s32 s20, $0x1F;
	s5 =	sadd.s32 s14, s29  }
0x25d: {  	vm13 =	vmmov vm12;
	s23 =	smulhi.u32 $0x431BDE83, s26;
	s18 =	sshra.s32 s22, $0x1F;
	s29 =	sshra.s32 s5, $0x1F  }
0x25e: {  	vm12 =	vmmov vm3;
	vm3 =	vcmask $0x704;
	s26 =	sshrl.u32 s13, $0x1F;
	s18 =	smul.u32 $0x431BDE83, s18;
	v30 =	vmov s29;
	s29 =	sshra.s32 s12, $0x12  }
0x25f: {  	v5 =	vsel vm0, s9, v31;
	v7 =	vsel vm0, s26, v33;
	s26 =	sshra.s32 s11, $0x12;
	s14 =	smulhi.u32 $0x431BDE83, s22;
	s22 =	sshrl.u32 s12, $0x1F;
	v4 =	vsel vm4, s29, v30  }
0x260: {  	v5 =	vsel vm1, s16, v5;
	s9 =	sshra.s32 s21, $0x1F;
	s7 =	sadd.s32 s7, s23;
	v32 =	vmov s22;
	s22 =	sshra.s32 s2, $0x12;
	v4 =	vsel vm3, s4, v4  }
0x261: {  	v5 =	vsel vm2, s8, v5;
	s8 =	smulhi.u32 $0x431BDE83, s25;
	s12 =	sshrl.u32 s2, $0x1F;
	v6 =	vnsel vm4, $0x0, v32;
	s2 =	sshra.s32 s2, $0x1F;
	v4 =	vsel vm0, s22, v4  }
0x262: {  	s29 =	sshrl.u32 s20, $0x1F;
	v6 =	vsel vm0, s12, v6;
	s22 =	sshra.s32 s25, $0x1F;
	s25 =	sshra.s32 s20, $0x12;
	v4 =	vsel vm11, s2, v4  }
0x263: {  	vm9 =	vcmask $0x1714;
	s28 =	sshrl.u32 s15, $0x1F;
	s4 =	smulhi.u32 $0x431BDE83, s21;
	s21 =	sshrl.u32 s7, $0x1F;
	v6 =	vsel vm1, s29, v6;
	v4 =	vsel vm1, s25, v4  }
0x264: {  	s23 =	sshrl.u32 s17, $0x1F;
	s9 =	smul.u32 $0x431BDE83, s9;
	v7 =	vsel vm1, s28, v7;
	v6 =	vsel vm2, s21, v6;
	s21 =	sshra.s32 s7, $0x12;
	v4 =	vsel vm9, s19, v4  }
0x265: {  	v35 =	vmov s6;
	v7 =	vsel vm2, s23, v7;
	s14 =	sadd.s32 s18, s14;
	s12 =	smul.u32 $0x431BDE83, s22;
	s22 =	sshra.s32 s7, $0x1F;
	v4 =	vsel vm2, s21, v4  }
0x266: {  	v34 =	vmov s26;
	v5 =	vcombine.low v7, v5;
	s20 =	sshrl.u32 s14, $0x1F;
	s4 =	sadd.s32 s9, s4;
	s25 =	sshra.s32 s14, $0x12;
	v4 =	vsel vm14, s22, v4  }
0x267: {  	v7 =	vsel vm0, s1, v34;
	s28 =	sshra.s32 s14, $0x1F;
	s29 =	sshra.s32 s13, $0x12;
	v6 =	vsel vm5, s20, v6;
	s9 =	sshrl.u32 s4, $0x1F;
	v4 =	vsel vm5, s25, v4  }
0x268: {  	s11 =	sshra.s32 s15, $0x12;
	s13 =	sshra.s32 s31, $0x12;
	v8 =	vsel vm0, s29, v35;
	v6 =	vsel vm6, s9, v6;
	s9 =	sshra.s32 s4, $0x12;
	v4 =	vsel vm15, s28, v4  }
0x269: {  	v7 =	vsel vm1, s0, v7;
	v8 =	vsel vm1, s11, v8;
	s14 =	sshra.s32 s17, $0x12;
	s8 =	sadd.s32 s12, s8;
	s12 =	sshra.s32 s4, $0x1F;
	v4 =	vsel vm6, s9, v4  }
0x26a: {  	v7 =	vsel vm2, s13, v7;
	v8 =	vsel vm2, s14, v8;
	s15 =	sshra.s32 s8, $0x12;
	v4 =	vsel vm13, s12, v4  }
0x26b: {  	s23 =	sshrl.u32 s8, $0x1F;
	s17 =	sshra.s32 s8, $0x1F;
	v7 =	vcombine.low v8, v7;
	v4 =	vsel vm7, s15, v4  }
0x26c: {  	s16 =	sshrl.u32 s5, $0x1F;
	s18 =	sshra.s32 s5, $0x12;
	v5 =	vperm.xlane v5, v1;
	v6 =	vsel vm7, s23, v6;
	v4 =	vsel vm12, s17, v4  }
0x26d: {  	v6 =	vsel vm10, s16, v6;
	v7 =	vperm.xlane v7, v1;
	v4 =	vsel vm10, s18, v4  }
0x26e: {  	v6 =	vperm.xlane v6, v2;
	v4 =	vperm.xlane v4, v2;
	_ =	sdelay $0x1  }
0x26f: {  	v5 =	vsel vm8, v6, v5;
	v4 =	vsel vm8, v4, v7  }
0x270: {  	v4 =	vadd.s32 v5, v4  }
0x271: {  	v4 =	vmul.u32 $0xF4240, v4;
	_ =	sdelay $0x1  }
0x272: {  	v3 =	vsub.s32 v3, v4  }
0x273: {  	vm9 =	vlt.s32 v3, $0x0;
	v4 =	vadd.s32 $0xF4240, v3  }
0x274: {  	v3 =	vsel vm9, v4, v3  }
0x275: {  	s19 =	rddreg [dreg:$0x9];
	[tilespmem:s30+$0x3480] =	vst v3  }
0x276: {  	v3 =	vld [tilespmem:s19+$0x30]  }
0x277: {  	s20 =	rddreg [dreg:$0x9]  }
0x278: {  	v36 =	vld [tilespmem:s20+$0x31];
	_ =	sdelay $0x2  }
0x279: {  	v3 =	vmul.u32 $0x420, v3;
	_ =	sdelay $0x1  }
0x27a: {  	v3 =	vadd.s32 v36, v3  }
0x27b: {  	(v2sf) =	vpush v3, $0xD;
	_ =	sdelay $0x1  }
0x27c: {  	(v2sf) =	vpush v3, $0xC;
	_ =	sdelay $0x1  }
0x27d: {  	(v2sf) =	vpush v3, $0xE;
	_ =	sdelay $0x1  }
0x27e: {  	(v2sf) =	vpush v3, $0xF;
	_ =	sdelay $0x1  }
0x27f: {  	(v2sf) =	vpush v3, $0x9;
	_ =	sdelay $0x1  }
0x280: {  	(v2sf) =	vpush v3, $0x8;
	_ =	sdelay $0x1  }
0x281: {  	(v2sf) =	vpush v3, $0xA;
	_ =	sdelay $0x1  }
0x282: {  	(v2sf) =	vpush v3, $0xB  }
0x283: {  	s21 =	spop (v2sf)  }
0x284: {  	(v2sf) =	vpush v3, $0x0;
	s22 =	smulhi.u32 $0x431BDE83, s21;
	s0 =	sshra.s32 s21, $0x1F  }
0x285: {  	s23 =	spop (v2sf);
	s0 =	smul.u32 $0x431BDE83, s0  }
0x286: {  	(v2sf) =	vpush v3, $0x1;
	s25 =	smulhi.u32 $0x431BDE83, s23;
	s2 =	sshra.s32 s23, $0x1F  }
0x287: {  	(v2sf) =	vpush v3, $0x2;
	s26 =	spop (v2sf);
	s2 =	smul.u32 $0x431BDE83, s2  }
0x288: {  	(v2sf) =	vpush v3, $0x3;
	s28 =	smulhi.u32 $0x431BDE83, s26;
	s5 =	sshra.s32 s26, $0x1F  }
0x289: {  	(v2sf) =	vpush v3, $0x4;
	s29 =	spop (v2sf);
	s5 =	smul.u32 $0x431BDE83, s5  }
0x28a: {  	(v2sf) =	vpush v3, $0x5;
	s31 =	smulhi.u32 $0x431BDE83, s29;
	s7 =	sshra.s32 s29, $0x1F  }
0x28b: {  	(v2sf) =	vpush v3, $0x6;
	s12 =	spop (v2sf);
	s7 =	smul.u32 $0x431BDE83, s7  }
0x28c: {  	(v2sf) =	vpush v3, $0x7;
	s13 =	smulhi.u32 $0x431BDE83, s12;
	s9 =	sshra.s32 s12, $0x1F  }
0x28d: {  	s1 =	sadd.s32 s0, s22;
	s19 =	spop (v2sf);
	s14 =	smul.u32 $0x431BDE83, s9  }
0x28e: {  	s11 =	sadd.s32 s2, s25;
	s20 =	smulhi.u32 $0x431BDE83, s19;
	s0 =	sshra.s32 s19, $0x1F  }
0x28f: {  	s9 =	sshrl.u32 s1, $0x1F;
	s23 =	spop (v2sf);
	s21 =	smul.u32 $0x431BDE83, s0  }
0x290: {  	s4 =	sshrl.u32 s11, $0x1F;
	s15 =	smulhi.u32 $0x431BDE83, s23;
	s25 =	sshra.s32 s23, $0x1F  }
0x291: {  	s0 =	sadd.s32 s5, s28;
	s26 =	spop (v2sf);
	s5 =	smul.u32 $0x431BDE83, s25  }
0x292: {  	s1 =	sshra.s32 s1, $0x12;
	s17 =	smulhi.u32 $0x431BDE83, s26;
	s6 =	sshra.s32 s26, $0x1F  }
0x293: {  	s31 =	sadd.s32 s7, s31;
	s28 =	spop (v2sf);
	s7 =	smul.u32 $0x431BDE83, s6  }
0x294: {  	s16 =	sshrl.u32 s0, $0x1F;
	s18 =	smulhi.u32 $0x431BDE83, s28;
	s6 =	sshra.s32 s28, $0x1F  }
0x295: {  	s8 =	sshrl.u32 s31, $0x1F;
	s22 =	spop (v2sf);
	s29 =	smul.u32 $0x431BDE83, s6  }
0x296: {  	s13 =	sadd.s32 s14, s13;
	s19 =	smulhi.u32 $0x431BDE83, s22;
	s25 =	spop (v2sf)  }
0x297: {  	s23 =	sshra.s32 s22, $0x1F;
	s6 =	sadd.s32 s21, s20;
	s26 =	spop (v2sf)  }
0x298: {  	s2 =	smul.u32 $0x431BDE83, s23;
	s21 =	sshra.s32 s25, $0x1F;
	s22 =	spop (v2sf)  }
0x299: {  	s15 =	sadd.s32 s5, s15;
	s5 =	smul.u32 $0x431BDE83, s21;
	s21 =	spop (v2sf)  }
0x29a: {  	s20 =	smulhi.u32 $0x431BDE83, s25;
	s14 =	sshra.s32 s26, $0x1F;
	s25 =	spop (v2sf)  }
0x29b: {  	s17 =	sadd.s32 s7, s17;
	s7 =	smul.u32 $0x431BDE83, s14;
	s28 =	spop (v2sf)  }
0x29c: {  	s12 =	sadd.s32 s29, s18;
	s29 =	smulhi.u32 $0x431BDE83, s28;
	s14 =	sshra.s32 s28, $0x1F  }
0x29d: {  	s0 =	sshra.s32 s0, $0x12;
	s2 =	sadd.s32 s2, s19;
	s14 =	smul.u32 $0x431BDE83, s14  }
0x29e: {  	v38 =	vmov s4;
	s19 =	sshrl.u32 s6, $0x1F;
	s4 =	sshra.s32 s12, $0x1F;
	s20 =	sadd.s32 s5, s20  }
0x29f: {  	s6 =	sshra.s32 s6, $0x12;
	v40 =	vmov s19;
	s19 =	sshra.s32 s20, $0x1F;
	s5 =	sadd.s32 s14, s29  }
0x2a0: {  	s23 =	smulhi.u32 $0x431BDE83, s26;
	s18 =	sshra.s32 s22, $0x1F;
	s29 =	sshra.s32 s5, $0x1F  }
0x2a1: {  	s26 =	sshrl.u32 s13, $0x1F;
	s18 =	smul.u32 $0x431BDE83, s18;
	v37 =	vmov s29;
	s29 =	sshra.s32 s12, $0x12  }
0x2a2: {  	v5 =	vsel vm0, s9, v38;
	v7 =	vsel vm0, s26, v40;
	s26 =	sshra.s32 s11, $0x12;
	s14 =	smulhi.u32 $0x431BDE83, s22;
	s22 =	sshrl.u32 s12, $0x1F;
	v4 =	vsel vm4, s29, v37  }
0x2a3: {  	v5 =	vsel vm1, s16, v5;
	s9 =	sshra.s32 s21, $0x1F;
	s7 =	sadd.s32 s7, s23;
	v39 =	vmov s22;
	s22 =	sshra.s32 s2, $0x12;
	v4 =	vsel vm3, s4, v4  }
0x2a4: {  	v5 =	vsel vm2, s8, v5;
	s8 =	smulhi.u32 $0x431BDE83, s25;
	s12 =	sshrl.u32 s2, $0x1F;
	v6 =	vnsel vm4, $0x0, v39;
	s2 =	sshra.s32 s2, $0x1F;
	v4 =	vsel vm0, s22, v4  }
0x2a5: {  	s29 =	sshrl.u32 s20, $0x1F;
	v6 =	vsel vm0, s12, v6;
	s22 =	sshra.s32 s25, $0x1F;
	s25 =	sshra.s32 s20, $0x12;
	v4 =	vsel vm11, s2, v4  }
0x2a6: {  	vm9 =	vcmask $0x1714;
	s28 =	sshrl.u32 s15, $0x1F;
	s4 =	smulhi.u32 $0x431BDE83, s21;
	s21 =	sshrl.u32 s7, $0x1F;
	v6 =	vsel vm1, s29, v6;
	v4 =	vsel vm1, s25, v4  }
0x2a7: {  	s23 =	sshrl.u32 s17, $0x1F;
	s9 =	smul.u32 $0x431BDE83, s9;
	v7 =	vsel vm1, s28, v7;
	v6 =	vsel vm2, s21, v6;
	s21 =	sshra.s32 s7, $0x12;
	v4 =	vsel vm9, s19, v4  }
0x2a8: {  	v42 =	vmov s6;
	v7 =	vsel vm2, s23, v7;
	s14 =	sadd.s32 s18, s14;
	s12 =	smul.u32 $0x431BDE83, s22;
	s22 =	sshra.s32 s7, $0x1F;
	v4 =	vsel vm2, s21, v4  }
0x2a9: {  	v41 =	vmov s26;
	v5 =	vcombine.low v7, v5;
	s20 =	sshrl.u32 s14, $0x1F;
	s4 =	sadd.s32 s9, s4;
	s25 =	sshra.s32 s14, $0x12;
	v4 =	vsel vm14, s22, v4  }
0x2aa: {  	v7 =	vsel vm0, s1, v41;
	s28 =	sshra.s32 s14, $0x1F;
	s29 =	sshra.s32 s13, $0x12;
	v6 =	vsel vm5, s20, v6;
	s9 =	sshrl.u32 s4, $0x1F;
	v4 =	vsel vm5, s25, v4  }
0x2ab: {  	s11 =	sshra.s32 s15, $0x12;
	s13 =	sshra.s32 s31, $0x12;
	v8 =	vsel vm0, s29, v42;
	v6 =	vsel vm6, s9, v6;
	s9 =	sshra.s32 s4, $0x12;
	v4 =	vsel vm15, s28, v4  }
0x2ac: {  	v7 =	vsel vm1, s0, v7;
	v8 =	vsel vm1, s11, v8;
	s14 =	sshra.s32 s17, $0x12;
	s8 =	sadd.s32 s12, s8;
	s12 =	sshra.s32 s4, $0x1F;
	v4 =	vsel vm6, s9, v4  }
0x2ad: {  	v7 =	vsel vm2, s13, v7;
	v8 =	vsel vm2, s14, v8;
	s15 =	sshra.s32 s8, $0x12;
	v4 =	vsel vm13, s12, v4  }
0x2ae: {  	s23 =	sshrl.u32 s8, $0x1F;
	s17 =	sshra.s32 s8, $0x1F;
	v7 =	vcombine.low v8, v7;
	v4 =	vsel vm7, s15, v4  }
0x2af: {  	s16 =	sshrl.u32 s5, $0x1F;
	s18 =	sshra.s32 s5, $0x12;
	v5 =	vperm.xlane v5, v1;
	v6 =	vsel vm7, s23, v6;
	v4 =	vsel vm12, s17, v4  }
0x2b0: {  	v6 =	vsel vm10, s16, v6;
	v7 =	vperm.xlane v7, v1;
	v4 =	vsel vm10, s18, v4  }
0x2b1: {  	v6 =	vperm.xlane v6, v2;
	v4 =	vperm.xlane v4, v2;
	_ =	sdelay $0x1  }
0x2b2: {  	v5 =	vsel vm8, v6, v5;
	v4 =	vsel vm8, v4, v7  }
0x2b3: {  	v4 =	vadd.s32 v5, v4  }
0x2b4: {  	v4 =	vmul.u32 $0xF4240, v4;
	_ =	sdelay $0x1  }
0x2b5: {  	v3 =	vsub.s32 v3, v4  }
0x2b6: {  	vm9 =	vlt.s32 v3, $0x0;
	v4 =	vadd.s32 $0xF4240, v3  }
0x2b7: {  	v3 =	vsel vm9, v4, v3  }
0x2b8: {  	s19 =	rddreg [dreg:$0x9];
	[tilespmem:s30+$0x3490] =	vst v3  }
0x2b9: {  	v3 =	vld [tilespmem:s19+$0x40]  }
0x2ba: {  	s20 =	rddreg [dreg:$0x9]  }
0x2bb: {  	v43 =	vld [tilespmem:s20+$0x41];
	_ =	sdelay $0x2  }
0x2bc: {  	v3 =	vmul.u32 $0x420, v3;
	_ =	sdelay $0x1  }
0x2bd: {  	v3 =	vadd.s32 v43, v3  }
0x2be: {  	(v2sf) =	vpush v3, $0xD;
	_ =	sdelay $0x1  }
0x2bf: {  	(v2sf) =	vpush v3, $0xC;
	_ =	sdelay $0x1  }
0x2c0: {  	(v2sf) =	vpush v3, $0xE;
	_ =	sdelay $0x1  }
0x2c1: {  	(v2sf) =	vpush v3, $0xF;
	_ =	sdelay $0x1  }
0x2c2: {  	(v2sf) =	vpush v3, $0x9;
	_ =	sdelay $0x1  }
0x2c3: {  	(v2sf) =	vpush v3, $0x8;
	_ =	sdelay $0x1  }
0x2c4: {  	(v2sf) =	vpush v3, $0xA;
	_ =	sdelay $0x1  }
0x2c5: {  	(v2sf) =	vpush v3, $0xB  }
0x2c6: {  	s21 =	spop (v2sf)  }
0x2c7: {  	(v2sf) =	vpush v3, $0x0;
	s22 =	smulhi.u32 $0x431BDE83, s21;
	s0 =	sshra.s32 s21, $0x1F  }
0x2c8: {  	s23 =	spop (v2sf);
	s0 =	smul.u32 $0x431BDE83, s0  }
0x2c9: {  	(v2sf) =	vpush v3, $0x1;
	s25 =	smulhi.u32 $0x431BDE83, s23;
	s2 =	sshra.s32 s23, $0x1F  }
0x2ca: {  	(v2sf) =	vpush v3, $0x2;
	s26 =	spop (v2sf);
	s2 =	smul.u32 $0x431BDE83, s2  }
0x2cb: {  	(v2sf) =	vpush v3, $0x3;
	s28 =	smulhi.u32 $0x431BDE83, s26;
	s5 =	sshra.s32 s26, $0x1F  }
0x2cc: {  	(v2sf) =	vpush v3, $0x4;
	s29 =	spop (v2sf);
	s5 =	smul.u32 $0x431BDE83, s5  }
0x2cd: {  	(v2sf) =	vpush v3, $0x5;
	s31 =	smulhi.u32 $0x431BDE83, s29;
	s7 =	sshra.s32 s29, $0x1F  }
0x2ce: {  	(v2sf) =	vpush v3, $0x6;
	s12 =	spop (v2sf);
	s7 =	smul.u32 $0x431BDE83, s7  }
0x2cf: {  	(v2sf) =	vpush v3, $0x7;
	s13 =	smulhi.u32 $0x431BDE83, s12;
	s9 =	sshra.s32 s12, $0x1F  }
0x2d0: {  	s1 =	sadd.s32 s0, s22;
	s19 =	spop (v2sf);
	s14 =	smul.u32 $0x431BDE83, s9  }
0x2d1: {  	s11 =	sadd.s32 s2, s25;
	s20 =	smulhi.u32 $0x431BDE83, s19;
	s0 =	sshra.s32 s19, $0x1F  }
0x2d2: {  	s9 =	sshrl.u32 s1, $0x1F;
	s23 =	spop (v2sf);
	s21 =	smul.u32 $0x431BDE83, s0  }
0x2d3: {  	s4 =	sshrl.u32 s11, $0x1F;
	s15 =	smulhi.u32 $0x431BDE83, s23;
	s25 =	sshra.s32 s23, $0x1F  }
0x2d4: {  	s0 =	sadd.s32 s5, s28;
	s26 =	spop (v2sf);
	s5 =	smul.u32 $0x431BDE83, s25  }
0x2d5: {  	s1 =	sshra.s32 s1, $0x12;
	s17 =	smulhi.u32 $0x431BDE83, s26;
	s6 =	sshra.s32 s26, $0x1F  }
0x2d6: {  	s31 =	sadd.s32 s7, s31;
	s28 =	spop (v2sf);
	s7 =	smul.u32 $0x431BDE83, s6  }
0x2d7: {  	s16 =	sshrl.u32 s0, $0x1F;
	s18 =	smulhi.u32 $0x431BDE83, s28;
	s6 =	sshra.s32 s28, $0x1F  }
0x2d8: {  	s8 =	sshrl.u32 s31, $0x1F;
	s22 =	spop (v2sf);
	s29 =	smul.u32 $0x431BDE83, s6  }
0x2d9: {  	s13 =	sadd.s32 s14, s13;
	s19 =	smulhi.u32 $0x431BDE83, s22;
	s25 =	spop (v2sf)  }
0x2da: {  	s23 =	sshra.s32 s22, $0x1F;
	s6 =	sadd.s32 s21, s20;
	s26 =	spop (v2sf)  }
0x2db: {  	s2 =	smul.u32 $0x431BDE83, s23;
	s21 =	sshra.s32 s25, $0x1F;
	s22 =	spop (v2sf)  }
0x2dc: {  	s15 =	sadd.s32 s5, s15;
	s5 =	smul.u32 $0x431BDE83, s21;
	s21 =	spop (v2sf)  }
0x2dd: {  	s20 =	smulhi.u32 $0x431BDE83, s25;
	s14 =	sshra.s32 s26, $0x1F;
	s25 =	spop (v2sf)  }
0x2de: {  	s17 =	sadd.s32 s7, s17;
	s7 =	smul.u32 $0x431BDE83, s14;
	s28 =	spop (v2sf)  }
0x2df: {  	s12 =	sadd.s32 s29, s18;
	s29 =	smulhi.u32 $0x431BDE83, s28;
	s14 =	sshra.s32 s28, $0x1F  }
0x2e0: {  	s0 =	sshra.s32 s0, $0x12;
	s2 =	sadd.s32 s2, s19;
	s14 =	smul.u32 $0x431BDE83, s14  }
0x2e1: {  	v45 =	vmov s4;
	s19 =	sshrl.u32 s6, $0x1F;
	s4 =	sshra.s32 s12, $0x1F;
	s20 =	sadd.s32 s5, s20  }
0x2e2: {  	s6 =	sshra.s32 s6, $0x12;
	v47 =	vmov s19;
	s19 =	sshra.s32 s20, $0x1F;
	s5 =	sadd.s32 s14, s29  }
0x2e3: {  	s23 =	smulhi.u32 $0x431BDE83, s26;
	s18 =	sshra.s32 s22, $0x1F;
	s29 =	sshra.s32 s5, $0x1F  }
0x2e4: {  	s26 =	sshrl.u32 s13, $0x1F;
	s18 =	smul.u32 $0x431BDE83, s18;
	v44 =	vmov s29;
	s29 =	sshra.s32 s12, $0x12  }
0x2e5: {  	v5 =	vsel vm0, s9, v45;
	v7 =	vsel vm0, s26, v47;
	s26 =	sshra.s32 s11, $0x12;
	s14 =	smulhi.u32 $0x431BDE83, s22;
	s22 =	sshrl.u32 s12, $0x1F;
	v4 =	vsel vm4, s29, v44  }
0x2e6: {  	v5 =	vsel vm1, s16, v5;
	s9 =	sshra.s32 s21, $0x1F;
	s7 =	sadd.s32 s7, s23;
	v46 =	vmov s22;
	s22 =	sshra.s32 s2, $0x12;
	v4 =	vsel vm3, s4, v4  }
0x2e7: {  	v5 =	vsel vm2, s8, v5;
	s8 =	smulhi.u32 $0x431BDE83, s25;
	s12 =	sshrl.u32 s2, $0x1F;
	v6 =	vnsel vm4, $0x0, v46;
	s2 =	sshra.s32 s2, $0x1F;
	v4 =	vsel vm0, s22, v4  }
0x2e8: {  	s29 =	sshrl.u32 s20, $0x1F;
	v6 =	vsel vm0, s12, v6;
	s22 =	sshra.s32 s25, $0x1F;
	s25 =	sshra.s32 s20, $0x12;
	v4 =	vsel vm11, s2, v4  }
0x2e9: {  	s28 =	sshrl.u32 s15, $0x1F;
	s4 =	smulhi.u32 $0x431BDE83, s21;
	s21 =	sshrl.u32 s7, $0x1F;
	v6 =	vsel vm1, s29, v6;
	vm3 =	vcmask $0x1714;
	v4 =	vsel vm1, s25, v4  }
0x2ea: {  	s23 =	sshrl.u32 s17, $0x1F;
	s9 =	smul.u32 $0x431BDE83, s9;
	v7 =	vsel vm1, s28, v7;
	v6 =	vsel vm2, s21, v6;
	s21 =	sshra.s32 s7, $0x12;
	v4 =	vsel vm3, s19, v4  }
0x2eb: {  	v49 =	vmov s6;
	v7 =	vsel vm2, s23, v7;
	s14 =	sadd.s32 s18, s14;
	s12 =	smul.u32 $0x431BDE83, s22;
	s22 =	sshra.s32 s7, $0x1F;
	v4 =	vsel vm2, s21, v4  }
0x2ec: {  	v48 =	vmov s26;
	v5 =	vcombine.low v7, v5;
	s20 =	sshrl.u32 s14, $0x1F;
	s4 =	sadd.s32 s9, s4;
	s25 =	sshra.s32 s14, $0x12;
	v4 =	vsel vm14, s22, v4  }
0x2ed: {  	v7 =	vsel vm0, s1, v48;
	s28 =	sshra.s32 s14, $0x1F;
	s29 =	sshra.s32 s13, $0x12;
	v6 =	vsel vm5, s20, v6;
	s9 =	sshrl.u32 s4, $0x1F;
	v4 =	vsel vm5, s25, v4  }
0x2ee: {  	s11 =	sshra.s32 s15, $0x12;
	s13 =	sshra.s32 s31, $0x12;
	v8 =	vsel vm0, s29, v49;
	v6 =	vsel vm6, s9, v6;
	s9 =	sshra.s32 s4, $0x12;
	v4 =	vsel vm15, s28, v4  }
0x2ef: {  	v7 =	vsel vm1, s0, v7;
	v8 =	vsel vm1, s11, v8;
	s14 =	sshra.s32 s17, $0x12;
	s8 =	sadd.s32 s12, s8;
	s12 =	sshra.s32 s4, $0x1F;
	v4 =	vsel vm6, s9, v4  }
0x2f0: {  	v7 =	vsel vm2, s13, v7;
	v8 =	vsel vm2, s14, v8;
	s15 =	sshra.s32 s8, $0x12;
	v4 =	vsel vm13, s12, v4  }
0x2f1: {  	s23 =	sshrl.u32 s8, $0x1F;
	s17 =	sshra.s32 s8, $0x1F;
	v7 =	vcombine.low v8, v7;
	v4 =	vsel vm7, s15, v4  }
0x2f2: {  	s16 =	sshrl.u32 s5, $0x1F;
	s18 =	sshra.s32 s5, $0x12;
	v5 =	vperm.xlane v5, v1;
	v6 =	vsel vm7, s23, v6;
	v4 =	vsel vm12, s17, v4  }
0x2f3: {  	v6 =	vsel vm10, s16, v6;
	v7 =	vperm.xlane v7, v1;
	v4 =	vsel vm10, s18, v4  }
0x2f4: {  	v6 =	vperm.xlane v6, v2;
	v4 =	vperm.xlane v4, v2;
	_ =	sdelay $0x1  }
0x2f5: {  	v5 =	vsel vm8, v6, v5;
	v4 =	vsel vm8, v4, v7  }
0x2f6: {  	v4 =	vadd.s32 v5, v4  }
0x2f7: {  	v4 =	vmul.u32 $0xF4240, v4;
	_ =	sdelay $0x1  }
0x2f8: {  	v3 =	vsub.s32 v3, v4  }
0x2f9: {  	vm9 =	vlt.s32 v3, $0x0;
	v4 =	vadd.s32 $0xF4240, v3  }
0x2fa: {  	v3 =	vsel vm9, v4, v3  }
0x2fb: {  	s19 =	rddreg [dreg:$0x9];
	[tilespmem:s30+$0x34A0] =	vst v3  }
0x2fc: {  	v3 =	vld [tilespmem:s19+$0x50]  }
0x2fd: {  	s20 =	rddreg [dreg:$0x9]  }
0x2fe: {  	v50 =	vld [tilespmem:s20+$0x51];
	_ =	sdelay $0x2  }
0x2ff: {  	v3 =	vmul.u32 $0x420, v3;
	_ =	sdelay $0x1  }
0x300: {  	v3 =	vadd.s32 v50, v3  }
0x301: {  	(v2sf) =	vpush v3, $0xD;
	_ =	sdelay $0x1  }
0x302: {  	(v2sf) =	vpush v3, $0xC;
	_ =	sdelay $0x1  }
0x303: {  	(v2sf) =	vpush v3, $0xE;
	_ =	sdelay $0x1  }
0x304: {  	(v2sf) =	vpush v3, $0xF;
	_ =	sdelay $0x1  }
0x305: {  	(v2sf) =	vpush v3, $0x9;
	_ =	sdelay $0x1  }
0x306: {  	(v2sf) =	vpush v3, $0x8;
	_ =	sdelay $0x1  }
0x307: {  	(v2sf) =	vpush v3, $0xA;
	_ =	sdelay $0x1  }
0x308: {  	(v2sf) =	vpush v3, $0xB  }
0x309: {  	s21 =	spop (v2sf)  }
0x30a: {  	(v2sf) =	vpush v3, $0x0;
	s22 =	smulhi.u32 $0x431BDE83, s21;
	s0 =	sshra.s32 s21, $0x1F  }
0x30b: {  	s23 =	spop (v2sf);
	s0 =	smul.u32 $0x431BDE83, s0  }
0x30c: {  	(v2sf) =	vpush v3, $0x1;
	s25 =	smulhi.u32 $0x431BDE83, s23;
	s2 =	sshra.s32 s23, $0x1F  }
0x30d: {  	(v2sf) =	vpush v3, $0x2;
	s26 =	spop (v2sf);
	s2 =	smul.u32 $0x431BDE83, s2  }
0x30e: {  	(v2sf) =	vpush v3, $0x3;
	s28 =	smulhi.u32 $0x431BDE83, s26;
	s5 =	sshra.s32 s26, $0x1F  }
0x30f: {  	(v2sf) =	vpush v3, $0x4;
	s29 =	spop (v2sf);
	s5 =	smul.u32 $0x431BDE83, s5  }
0x310: {  	(v2sf) =	vpush v3, $0x5;
	s31 =	smulhi.u32 $0x431BDE83, s29;
	s7 =	sshra.s32 s29, $0x1F  }
0x311: {  	s12 =	spop (v2sf);
	(v2sf) =	vpush v3, $0x6;
	s7 =	smul.u32 $0x431BDE83, s7  }
0x312: {  	s13 =	smulhi.u32 $0x431BDE83, s12;
	s9 =	sshra.s32 s12, $0x1F;
	(v2sf) =	vpush v3, $0x7  }
0x313: {  	s19 =	spop (v2sf);
	s14 =	smul.u32 $0x431BDE83, s9  }
0x314: {  	s1 =	sadd.s32 s0, s22;
	s20 =	smulhi.u32 $0x431BDE83, s19;
	s0 =	sshra.s32 s19, $0x1F  }
0x315: {  	s11 =	sadd.s32 s2, s25;
	s23 =	spop (v2sf);
	s21 =	smul.u32 $0x431BDE83, s0  }
0x316: {  	s9 =	sshrl.u32 s1, $0x1F;
	s15 =	smulhi.u32 $0x431BDE83, s23;
	s25 =	sshra.s32 s23, $0x1F  }
0x317: {  	s0 =	sadd.s32 s5, s28;
	s26 =	spop (v2sf);
	s5 =	smul.u32 $0x431BDE83, s25  }
0x318: {  	s4 =	sshrl.u32 s11, $0x1F;
	s17 =	smulhi.u32 $0x431BDE83, s26;
	s6 =	sshra.s32 s26, $0x1F  }
0x319: {  	s31 =	sadd.s32 s7, s31;
	s28 =	spop (v2sf);
	s7 =	smul.u32 $0x431BDE83, s6  }
0x31a: {  	s16 =	sshrl.u32 s0, $0x1F;
	s18 =	smulhi.u32 $0x431BDE83, s28;
	s6 =	sshra.s32 s28, $0x1F  }
0x31b: {  	s8 =	sshrl.u32 s31, $0x1F;
	s22 =	spop (v2sf);
	s29 =	smul.u32 $0x431BDE83, s6  }
0x31c: {  	s13 =	sadd.s32 s14, s13;
	s19 =	smulhi.u32 $0x431BDE83, s22;
	s25 =	spop (v2sf)  }
0x31d: {  	s23 =	sshra.s32 s22, $0x1F;
	s6 =	sadd.s32 s21, s20;
	s26 =	spop (v2sf)  }
0x31e: {  	s2 =	smul.u32 $0x431BDE83, s23;
	s21 =	sshra.s32 s25, $0x1F;
	s22 =	spop (v2sf)  }
0x31f: {  	s15 =	sadd.s32 s5, s15;
	s5 =	smul.u32 $0x431BDE83, s21;
	s21 =	spop (v2sf)  }
0x320: {  	s20 =	smulhi.u32 $0x431BDE83, s25;
	s14 =	sshra.s32 s26, $0x1F;
	s25 =	spop (v2sf)  }
0x321: {  	s17 =	sadd.s32 s7, s17;
	s7 =	smul.u32 $0x431BDE83, s14;
	s28 =	spop (v2sf)  }
0x322: {  	s12 =	sadd.s32 s29, s18;
	s29 =	smulhi.u32 $0x431BDE83, s28;
	s14 =	sshra.s32 s28, $0x1F  }
0x323: {  	s2 =	sadd.s32 s2, s19;
	s19 =	sshrl.u32 s6, $0x1F;
	s14 =	smul.u32 $0x431BDE83, s14  }
0x324: {  	v52 =	vmov s4;
	s23 =	smulhi.u32 $0x431BDE83, s26;
	s18 =	sshra.s32 s22, $0x1F;
	s20 =	sadd.s32 s5, s20  }
0x325: {  	v5 =	vsel vm0, s9, v52;
	s18 =	smul.u32 $0x431BDE83, s18;
	s9 =	sshra.s32 s21, $0x1F;
	s5 =	sadd.s32 s14, s29  }
0x326: {  	v5 =	vsel vm1, s16, v5;
	s4 =	sshra.s32 s12, $0x1F;
	s9 =	smul.u32 $0x431BDE83, s9;
	s29 =	sshra.s32 s5, $0x1F  }
0x327: {  	v5 =	vsel vm2, s8, v5;
	s26 =	sshrl.u32 s13, $0x1F;
	s8 =	smulhi.u32 $0x431BDE83, s25;
	v51 =	vmov s29;
	s29 =	sshra.s32 s12, $0x12  }
0x328: {  	vm9 =	vcmask $0x704;
	s7 =	sadd.s32 s7, s23;
	s14 =	smulhi.u32 $0x431BDE83, s22;
	s22 =	sshrl.u32 s12, $0x1F;
	v4 =	vsel vm4, s29, v51  }
0x329: {  	s25 =	sshra.s32 s25, $0x1F;
	s28 =	sshrl.u32 s15, $0x1F;
	v53 =	vmov s22;
	s22 =	sshra.s32 s2, $0x12;
	v4 =	vsel vm9, s4, v4  }
0x32a: {  	s16 =	sshrl.u32 s7, $0x1F;
	s12 =	sshrl.u32 s2, $0x1F;
	v6 =	vnsel vm4, $0x0, v53;
	s2 =	sshra.s32 s2, $0x1F;
	v4 =	vsel vm0, s22, v4  }
0x32b: {  	v54 =	vmov s19;
	s29 =	sshrl.u32 s20, $0x1F;
	v6 =	vsel vm0, s12, v6;
	s4 =	smulhi.u32 $0x431BDE83, s21;
	s21 =	sshra.s32 s20, $0x12;
	v4 =	vsel vm11, s2, v4  }
0x32c: {  	v7 =	vsel vm0, s26, v54;
	s26 =	sshra.s32 s7, $0x12;
	s14 =	sadd.s32 s18, s14;
	v6 =	vsel vm1, s29, v6;
	s22 =	sshra.s32 s20, $0x1F;
	v4 =	vsel vm1, s21, v4  }
0x32d: {  	s12 =	smul.u32 $0x431BDE83, s25;
	s25 =	sshrl.u32 s14, $0x1F;
	v6 =	vsel vm2, s16, v6;
	s4 =	sadd.s32 s9, s4;
	v4 =	vsel vm3, s22, v4  }
0x32e: {  	s23 =	sshrl.u32 s17, $0x1F;
	v7 =	vsel vm1, s28, v7;
	s28 =	sshra.s32 s7, $0x1F;
	v6 =	vsel vm5, s25, v6;
	s9 =	sshrl.u32 s4, $0x1F;
	v4 =	vsel vm2, s26, v4  }
0x32f: {  	s6 =	sshra.s32 s6, $0x12;
	v7 =	vsel vm2, s23, v7;
	s18 =	sshra.s32 s13, $0x12;
	v6 =	vsel vm6, s9, v6;
	s9 =	sshra.s32 s14, $0x12;
	v4 =	vsel vm14, s28, v4  }
0x330: {  	v56 =	vmov s6;
	v5 =	vcombine.low v7, v5;
	s8 =	sadd.s32 s12, s8;
	s12 =	sshra.s32 s11, $0x12;
	s16 =	sshra.s32 s14, $0x1F;
	v4 =	vsel vm5, s9, v4  }
0x331: {  	s1 =	sshra.s32 s1, $0x12;
	v8 =	vsel vm0, s18, v56;
	s20 =	sshra.s32 s15, $0x12;
	v55 =	vmov s12;
	s19 =	sshra.s32 s4, $0x12;
	v4 =	vsel vm15, s16, v4  }
0x332: {  	s0 =	sshra.s32 s0, $0x12;
	s23 =	sshra.s32 s17, $0x12;
	v8 =	vsel vm1, s20, v8;
	v7 =	vsel vm0, s1, v55;
	s21 =	sshra.s32 s4, $0x1F;
	v4 =	vsel vm6, s19, v4  }
0x333: {  	s29 =	sshrl.u32 s8, $0x1F;
	s25 =	sshra.s32 s8, $0x12;
	v8 =	vsel vm2, s23, v8;
	v7 =	vsel vm1, s0, v7;
	s22 =	sshra.s32 s31, $0x12;
	v4 =	vsel vm13, s21, v4  }
0x334: {  	v6 =	vsel vm7, s29, v6;
	s26 =	sshrl.u32 s5, $0x1F;
	v7 =	vsel vm2, s22, v7;
	s28 =	sshra.s32 s8, $0x1F;
	v4 =	vsel vm7, s25, v4  }
0x335: {  	s29 =	sshra.s32 s5, $0x12;
	v6 =	vsel vm10, s26, v6;
	v7 =	vcombine.low v8, v7;
	v4 =	vsel vm12, s28, v4  }
0x336: {  	v5 =	vperm.xlane v5, v1;
	v6 =	vperm.xlane v6, v2;
	v4 =	vsel vm10, s29, v4  }
0x337: {  	v7 =	vperm.xlane v7, v1;
	v4 =	vperm.xlane v4, v2;
	_ =	sdelay $0x1  }
0x338: {  	v5 =	vsel vm8, v6, v5;
	v4 =	vsel vm8, v4, v7  }
0x339: {  	v4 =	vadd.s32 v5, v4  }
0x33a: {  	v4 =	vmul.u32 $0xF4240, v4;
	_ =	sdelay $0x1  }
0x33b: {  	v3 =	vsub.s32 v3, v4  }
0x33c: {  	vm9 =	vlt.s32 v3, $0x0;
	v4 =	vadd.s32 $0xF4240, v3  }
0x33d: {  	v3 =	vsel vm9, v4, v3  }
0x33e: {  	s31 =	rddreg [dreg:$0x9];
	[tilespmem:s30+$0x34B0] =	vst v3  }
0x33f: {  	v3 =	vld [tilespmem:s31+$0x58]  }
0x340: {  	s1 =	rddreg [dreg:$0x9]  }
0x341: {  	v57 =	vld [tilespmem:s1+$0x59];
	_ =	sdelay $0x2  }
0x342: {  	v3 =	vmul.u32 $0x420, v3;
	_ =	sdelay $0x1  }
0x343: {  	v3 =	vadd.s32 v57, v3  }
0x344: {  	(v2sf) =	vpush v3, $0xD;
	_ =	sdelay $0x1  }
0x345: {  	(v2sf) =	vpush v3, $0xC;
	_ =	sdelay $0x1  }
0x346: {  	(v2sf) =	vpush v3, $0xE;
	_ =	sdelay $0x1  }
0x347: {  	(v2sf) =	vpush v3, $0xF;
	_ =	sdelay $0x1  }
0x348: {  	(v2sf) =	vpush v3, $0x9;
	_ =	sdelay $0x1  }
0x349: {  	(v2sf) =	vpush v3, $0x8;
	_ =	sdelay $0x1  }
0x34a: {  	(v2sf) =	vpush v3, $0xA;
	_ =	sdelay $0x1  }
0x34b: {  	(v2sf) =	vpush v3, $0xB  }
0x34c: {  	(v2sf) =	vpush v3, $0x0;
	s2 =	spop (v2sf)  }
0x34d: {  	(v2sf) =	vpush v3, $0x1;
	s4 =	smulhi.u32 $0x431BDE83, s2;
	s0 =	sshra.s32 s2, $0x1F  }
0x34e: {  	s6 =	spop (v2sf);
	s0 =	smul.u32 $0x431BDE83, s0  }
0x34f: {  	s7 =	smulhi.u32 $0x431BDE83, s6;
	s2 =	sshra.s32 s6, $0x1F  }
0x350: {  	(v2sf) =	vpush v3, $0x2;
	s14 =	spop (v2sf);
	s2 =	smul.u32 $0x431BDE83, s2  }
0x351: {  	(v2sf) =	vpush v3, $0x3;
	s16 =	smulhi.u32 $0x431BDE83, s14;
	s5 =	sshra.s32 s14, $0x1F  }
0x352: {  	(v2sf) =	vpush v3, $0x4;
	s15 =	spop (v2sf);
	s5 =	smul.u32 $0x431BDE83, s5  }
0x353: {  	(v2sf) =	vpush v3, $0x5;
	s12 =	smulhi.u32 $0x431BDE83, s15;
	s6 =	sshra.s32 s15, $0x1F  }
0x354: {  	(v2sf) =	vpush v3, $0x6;
	s23 =	spop (v2sf);
	s6 =	smul.u32 $0x431BDE83, s6  }
0x355: {  	(v2sf) =	vpush v3, $0x7;
	s14 =	smulhi.u32 $0x431BDE83, s23;
	s8 =	sshra.s32 s23, $0x1F  }
0x356: {  	s25 =	spop (v2sf);
	s8 =	smul.u32 $0x431BDE83, s8  }
0x357: {  	s1 =	sadd.s32 s0, s4;
	s17 =	smulhi.u32 $0x431BDE83, s25;
	s9 =	sshra.s32 s25, $0x1F  }
0x358: {  	s4 =	sshrl.u32 s1, $0x1F;
	s26 =	spop (v2sf);
	s19 =	smul.u32 $0x431BDE83, s9  }
0x359: {  	s1 =	sshra.s32 s1, $0x12;
	s21 =	smulhi.u32 $0x431BDE83, s26;
	s11 =	sshra.s32 s26, $0x1F  }
0x35a: {  	s28 =	spop (v2sf);
	s12 =	sadd.s32 s6, s12;
	s23 =	smul.u32 $0x431BDE83, s11  }
0x35b: {  	s29 =	spop (v2sf);
	s26 =	smulhi.u32 $0x431BDE83, s28;
	s13 =	sshra.s32 s28, $0x1F  }
0x35c: {  	s11 =	sadd.s32 s5, s16;
	s31 =	spop (v2sf);
	s28 =	smul.u32 $0x431BDE83, s13  }
0x35d: {  	s13 =	sadd.s32 s2, s7;
	s2 =	smulhi.u32 $0x431BDE83, s29;
	s15 =	sshra.s32 s29, $0x1F  }
0x35e: {  	s16 =	sshrl.u32 s11, $0x1F;
	s6 =	sadd.s32 s19, s17;
	s0 =	smul.u32 $0x431BDE83, s15  }
0x35f: {  	s18 =	spop (v2sf);
	s29 =	sshrl.u32 s13, $0x1F;
	s7 =	smulhi.u32 $0x431BDE83, s31  }
0x360: {  	s31 =	sshra.s32 s31, $0x1F;
	s5 =	sadd.s32 s23, s21;
	s20 =	spop (v2sf)  }
0x361: {  	s15 =	smul.u32 $0x431BDE83, s31;
	s31 =	sadd.s32 s8, s14;
	s22 =	spop (v2sf)  }
0x362: {  	s14 =	smulhi.u32 $0x431BDE83, s18;
	s8 =	sshra.s32 s18, $0x1F;
	s25 =	spop (v2sf)  }
0x363: {  	s18 =	sshrl.u32 s12, $0x1F;
	s17 =	smul.u32 $0x431BDE83, s8;
	s9 =	spop (v2sf)  }
0x364: {  	s19 =	smulhi.u32 $0x431BDE83, s20;
	s8 =	sadd.s32 s28, s26;
	s26 =	spop (v2sf)  }
0x365: {  	s0 =	sadd.s32 s0, s2;
	s2 =	smulhi.u32 $0x431BDE83, s26;
	s21 =	sshra.s32 s26, $0x1F  }
0x366: {  	s20 =	sshra.s32 s20, $0x1F;
	s23 =	sshrl.u32 s31, $0x1F;
	s28 =	smul.u32 $0x431BDE83, s21  }
0x367: {  	v59 =	vmov s29;
	s20 =	smul.u32 $0x431BDE83, s20;
	s7 =	sadd.s32 s15, s7;
	s29 =	sshrl.u32 s0, $0x1F  }
0x368: {  	v5 =	vsel vm0, s4, v59;
	s14 =	sadd.s32 s17, s14;
	s4 =	smulhi.u32 $0x431BDE83, s25;
	s17 =	sadd.s32 s28, s2  }
0x369: {  	v60 =	vmov s29;
	s25 =	sshra.s32 s25, $0x1F;
	s29 =	sshra.s32 s7, $0x12;
	s28 =	sshra.s32 s17, $0x1F  }
0x36a: {  	s15 =	sadd.s32 s20, s19;
	s25 =	smul.u32 $0x431BDE83, s25;
	v58 =	vmov s28;
	s28 =	sshra.s32 s0, $0x12  }
0x36b: {  	vm9 =	vcmask $0x704;
	s26 =	sshra.s32 s22, $0x1F;
	s21 =	smulhi.u32 $0x431BDE83, s22;
	s0 =	sshra.s32 s0, $0x1F;
	v4 =	vsel vm4, s28, v58  }
0x36c: {  	v5 =	vsel vm1, s16, v5;
	s16 =	sshrl.u32 s14, $0x1F;
	s19 =	sshra.s32 s14, $0x1F;
	s26 =	smul.u32 $0x431BDE83, s26;
	v4 =	vsel vm9, s0, v4  }
0x36d: {  	v5 =	vsel vm2, s18, v5;
	s22 =	sshrl.u32 s6, $0x1F;
	s28 =	sshrl.u32 s7, $0x1F;
	s7 =	sshra.s32 s7, $0x1F;
	v4 =	vsel vm0, s29, v4  }
0x36e: {  	v6 =	vnsel vm4, $0x0, v60;
	s6 =	sshra.s32 s6, $0x12;
	v61 =	vmov s22;
	s20 =	sadd.s32 s26, s21;
	s26 =	sshra.s32 s14, $0x12;
	v4 =	vsel vm11, s7, v4  }
0x36f: {  	s18 =	smulhi.u32 $0x431BDE83, s9;
	s9 =	sshra.s32 s9, $0x1F;
	v63 =	vmov s6;
	s2 =	sshrl.u32 s5, $0x1F;
	v6 =	vsel vm0, s28, v6;
	v4 =	vsel vm1, s26, v4  }
0x370: {  	s21 =	sshrl.u32 s8, $0x1F;
	v7 =	vsel vm0, s23, v61;
	s23 =	sshra.s32 s15, $0x12;
	s28 =	sshrl.u32 s15, $0x1F;
	v6 =	vsel vm1, s16, v6;
	v4 =	vsel vm3, s19, v4  }
0x371: {  	s14 =	sshra.s32 s13, $0x12;
	s22 =	sshrl.u32 s20, $0x1F;
	v7 =	vsel vm1, s2, v7;
	v6 =	vsel vm2, s28, v6;
	s28 =	sshra.s32 s15, $0x1F;
	v4 =	vsel vm2, s23, v4  }
0x372: {  	v62 =	vmov s14;
	v7 =	vsel vm2, s21, v7;
	s0 =	sadd.s32 s25, s4;
	s29 =	smul.u32 $0x431BDE83, s9;
	s9 =	sshra.s32 s20, $0x12;
	v4 =	vsel vm14, s28, v4  }
0x373: {  	v5 =	vcombine.low v7, v5;
	v7 =	vsel vm0, s1, v62;
	s25 =	sshrl.u32 s0, $0x1F;
	s16 =	sshra.s32 s31, $0x12;
	s15 =	sshra.s32 s20, $0x1F;
	v4 =	vsel vm5, s9, v4  }
0x374: {  	v8 =	vsel vm0, s16, v63;
	s20 =	sshra.s32 s5, $0x12;
	v6 =	vsel vm5, s22, v6;
	s26 =	sadd.s32 s29, s18;
	s18 =	sshra.s32 s0, $0x12;
	v4 =	vsel vm15, s15, v4  }
0x375: {  	s0 =	sshra.s32 s0, $0x1F;
	v8 =	vsel vm1, s20, v8;
	s22 =	sshra.s32 s8, $0x12;
	v6 =	vsel vm6, s25, v6;
	s19 =	sshra.s32 s11, $0x12;
	v4 =	vsel vm6, s18, v4  }
0x376: {  	s21 =	sshra.s32 s12, $0x12;
	s29 =	sshrl.u32 s26, $0x1F;
	v8 =	vsel vm2, s22, v8;
	v7 =	vsel vm1, s19, v7;
	s23 =	sshra.s32 s26, $0x12;
	v4 =	vsel vm13, s0, v4  }
0x377: {  	s25 =	sshrl.u32 s17, $0x1F;
	v6 =	vsel vm7, s29, v6;
	s26 =	sshra.s32 s26, $0x1F;
	v7 =	vsel vm2, s21, v7;
	v4 =	vsel vm7, s23, v4  }
0x378: {  	v6 =	vsel vm10, s25, v6;
	s28 =	sshra.s32 s17, $0x12;
	v7 =	vcombine.low v8, v7;
	v4 =	vsel vm12, s26, v4  }
0x379: {  	v5 =	vperm.xlane v5, v1;
	v6 =	vperm.xlane v6, v2;
	v4 =	vsel vm10, s28, v4  }
0x37a: {  	v7 =	vperm.xlane v7, v1;
	v4 =	vperm.xlane v4, v2;
	_ =	sdelay $0x1  }
0x37b: {  	v5 =	vsel vm8, v6, v5;
	v4 =	vsel vm8, v4, v7  }
0x37c: {  	s31 =	rddreg [dreg:$0x8];
	v4 =	vadd.s32 v5, v4  }
0x37d: {  	p0 =	sne.s32 s31, $0xC4E0;
	v4 =	vmul.u32 $0xF4240, v4  }
.Ltmp1:
0x37e: {  	_ = 	snop;
	(pc) =	sbr.rel @p0 .LBB2_4-.Ltmp1, $4  }
0x37f: {  	v3 =	vsub.s32 v3, v4  }
0x380: {  	vm9 =	vlt.s32 v3, $0x0;
	v4 =	vadd.s32 $0xF4240, v3  }
0x381: {  	s1 =	sadd.s32 $0x320, s31;
	s29 =	rddreg [dreg:$0x9];
	v3 =	vsel vm9, v4, v3  }
0x382: {  	[dreg:$0x8] =	wrdreg s1;
	s0 =	sadd.s32 $0xD0, s29;
	[tilespmem:s30+$0x34B8] =	vst v3  }
0x383: {  	s0 =	simm.s32 $0x3400;
	s9 =	simm.s32 $0x6600  }
0x384: {  	[tilespmem:s9], [sflag:$0x1] =	stream.indirect.gather [hbm4b:s3+s10], $0x20, s0, s10, $0xb8;
	[tilespmem:$0xE600] =	vst v63  }
0x385: {  	s17 =	simm.s32 $0x3480;
	s11 =	simm.s32 $0x7600  }
0x386: {  	[tilespmem:s11], [sflag:$0x1] =	stream.indirect.gather [hbm4b:s3+s10], $0x20, s17, s10, $0xb8;
	[tilespmem:$0xE600] =	vst v63  }
0x387: {  	s18 =	simm.s32 $0x3500;
	s13 =	simm.s32 $0x8600  }
0x388: {  	[tilespmem:s13], [sflag:$0x1] =	stream.indirect.gather [hbm4b:s3+s10], $0x20, s18, s10, $0xb8;
	[tilespmem:$0xE600] =	vst v63  }
0x389: {  	s19 =	simm.s32 $0x3580;
	s14 =	simm.s32 $0x9600  }
0x38a: {  	[tilespmem:s14], [sflag:$0x1] =	stream.indirect.gather [hbm4b:s3+s10], $0x20, s19, s10, $0xb8;
	[tilespmem:$0xE600] =	vst v63  }
0x38b: {  	s20 =	simm.s32 $0x3600;
	s15 =	simm.s32 $0xA600  }
0x38c: {  	[tilespmem:s15], [sflag:$0x2] =	stream.indirect.gather [hbm4b:s3+s10], $0x20, s20, s10, $0xb8;
	[tilespmem:$0xE600] =	vst v63  }
0x38d: {  	s21 =	simm.s32 $0x3680;
	s16 =	simm.s32 $0xB600  }
0x38e: {  	[tilespmem:s16], [sflag:$0x2] =	stream.indirect.gather [hbm4b:s3+s10], $0x20, s21, s10, $0xb8;
	[tilespmem:$0xE600] =	vst v63  }
0x38f: {  	s22 =	simm.s32 $0x3700;
	s17 =	simm.s32 $0xC600  }
0x390: {  	[tilespmem:s17], [sflag:$0x2] =	stream.indirect.gather [hbm4b:s3+s10], $0x20, s22, s10, $0xb8;
	[tilespmem:$0xE600] =	vst v63  }
0x391: {  	s23 =	simm.s32 $0x3780;
	s18 =	simm.s32 $0xD600;
	s19 =	simm.s32 $0x1  }
0x392: {  	[tilespmem:s18], [sflag:$0x2] =	stream.indirect.gather [hbm4b:s3+s10], $0x20, s23, s10, $0xb8;
	[tilespmem:$0xE600] =	vst v63  }
0x393: {  	_ =	swait.ge [sflag:s19], $0x4000  }
0x394: {  	[sflag:s19] =	ssyncset.done $0x0;
	s7 =	rddreg [dreg:$0x5]  }
0x395: {  	s12 =	simm.s32 $0x0;
	[sflag:s19] =	ssyncadd.s32 $0xFFFFC000;
	s25 =	sadd.s32 $0x0, s7  }
0x396: {  	[hbm4b:s25+s12] =	stream.linear.scatter [tilespmem:s9], [sflag:$0x4], $0x4000, $0x38;
	[tilespmem:$0xE600] =	vst v63  }
0x397: {  	_ =	swait.ge [sflag:s24], $0x4000  }
0x398: {  	[sflag:s24] =	ssyncset.done $0x0  }
0x399: {  	s26 =	simm.s32 $0x3800;
	[sflag:s24] =	ssyncadd.s32 $0xFFFFC000  }
0x39a: {  	[tilespmem:s9], [sflag:$0x1] =	stream.indirect.gather [hbm4b:s3+s10], $0x20, s26, s10, $0xb8;
	[tilespmem:$0xE600] =	vst v63  }
0x39b: {  	s28 =	simm.s32 $0x3880  }
0x39c: {  	[tilespmem:s11], [sflag:$0x1] =	stream.indirect.gather [hbm4b:s3+s10], $0x20, s28, s10, $0xb8;
	[tilespmem:$0xE600] =	vst v63  }
0x39d: {  	s29 =	simm.s32 $0x3900  }
0x39e: {  	[tilespmem:s13], [sflag:$0x1] =	stream.indirect.gather [hbm4b:s3+s10], $0x20, s29, s10, $0xb8;
	[tilespmem:$0xE600] =	vst v63  }
0x39f: {  	s30 =	simm.s32 $0x3980;
	s20 =	simm.s32 $0x2  }
0x3a0: {  	[tilespmem:s14], [sflag:$0x1] =	stream.indirect.gather [hbm4b:s3+s10], $0x20, s30, s10, $0xb8;
	[tilespmem:$0xE600] =	vst v63  }
0x3a1: {  	_ =	swait.ge [sflag:s20], $0x4000  }
0x3a2: {  	[sflag:s20] =	ssyncset.done $0x0;
	s8 =	rddreg [dreg:$0x6]  }
0x3a3: {  	[sflag:s20] =	ssyncadd.s32 $0xFFFFC000;
	s31 =	sadd.s32 $0x0, s8  }
0x3a4: {  	[hbm4b:s31+s12] =	stream.linear.scatter [tilespmem:s15], [sflag:$0x4], $0x4000, $0x38;
	[tilespmem:$0xE600] =	vst v63  }
0x3a5: {  	s5 =	simm.s32 $0x2000;
	_ =	swait.ge [sflag:s24], $0x4000  }
0x3a6: {  	s1 =	simm.s32 $0x400;
	s0 =	simm.s32 $0x1000;
	[sflag:s24] =	ssyncset.done $0x0  }
.LBB2_6:
0x3a7: {  	s2 =	sadd.s32 $0x3600, s1  }
0x3a8: {  	[sflag:s24] =	ssyncadd.s32 $0xFFFFC000;
	s4 =	smov.u32 s5;
	s6 =	sadd.s32 $0x1000, s5  }
0x3a9: {  	[tilespmem:s15], [sflag:$0x2] =	stream.indirect.gather [hbm4b:s3+s10], $0x20, s2, s10, $0xb8;
	[tilespmem:$0xE600] =	vst v63  }
0x3aa: {  	p0 =	sne.s32 s5, $0xB000;
	s2 =	sadd.s32 $0x3680, s1  }
0x3ab: {  	[tilespmem:s16], [sflag:$0x2] =	stream.indirect.gather [hbm4b:s3+s10], $0x20, s2, s10, $0xb8;
	[tilespmem:$0xE600] =	vst v63  }
0x3ac: {  	s2 =	sadd.s32 $0x3700, s1  }
0x3ad: {  	[tilespmem:s17], [sflag:$0x2] =	stream.indirect.gather [hbm4b:s3+s10], $0x20, s2, s10, $0xb8;
	[tilespmem:$0xE600] =	vst v63  }
0x3ae: {  	s2 =	sadd.s32 $0x3780, s1  }
0x3af: {  	[tilespmem:s18], [sflag:$0x2] =	stream.indirect.gather [hbm4b:s3+s10], $0x20, s2, s10, $0xb8;
	[tilespmem:$0xE600] =	vst v63  }
0x3b0: {  	_ =	swait.ge [sflag:s19], $0x4000  }
0x3b1: {  	[sflag:s19] =	ssyncset.done $0x0  }
0x3b2: {  	s2 =	sadd.s32 s0, s7;
	[sflag:s19] =	ssyncadd.s32 $0xFFFFC000  }
0x3b3: {  	[hbm4b:s2+s12] =	stream.linear.scatter [tilespmem:s9], [sflag:$0x4], $0x4000, $0x38;
	[tilespmem:$0xE600] =	vst v63  }
0x3b4: {  	_ =	swait.ge [sflag:s24], $0x4000  }
0x3b5: {  	[sflag:s24] =	ssyncset.done $0x0  }
0x3b6: {  	s2 =	sadd.s32 $0x3800, s1;
	[sflag:s24] =	ssyncadd.s32 $0xFFFFC000  }
0x3b7: {  	[tilespmem:s9], [sflag:$0x1] =	stream.indirect.gather [hbm4b:s3+s10], $0x20, s2, s10, $0xb8;
	[tilespmem:$0xE600] =	vst v63  }
0x3b8: {  	s2 =	sadd.s32 $0x3880, s1  }
0x3b9: {  	[tilespmem:s11], [sflag:$0x1] =	stream.indirect.gather [hbm4b:s3+s10], $0x20, s2, s10, $0xb8;
	[tilespmem:$0xE600] =	vst v63  }
0x3ba: {  	s2 =	sadd.s32 $0x3900, s1  }
0x3bb: {  	[tilespmem:s13], [sflag:$0x1] =	stream.indirect.gather [hbm4b:s3+s10], $0x20, s2, s10, $0xb8;
	[tilespmem:$0xE600] =	vst v63  }
0x3bc: {  	s1 =	sadd.s32 $0x3980, s1  }
0x3bd: {  	[tilespmem:s14], [sflag:$0x1] =	stream.indirect.gather [hbm4b:s3+s10], $0x20, s1, s10, $0xb8;
	[tilespmem:$0xE600] =	vst v63  }
0x3be: {  	_ =	swait.ge [sflag:s20], $0x4000  }
.Ltmp2:
0x3bf: {  	[sflag:s20] =	ssyncset.done $0x0;
	(pc) =	sbr.rel @p0 .LBB2_6-.Ltmp2, $4  }
0x3c0: {  	s1 =	sadd.s32 s0, s8;
	s0 =	smov.u32 s4;
	[sflag:s20] =	ssyncadd.s32 $0xFFFFC000  }
0x3c1: {  	[hbm4b:s1+s12] =	stream.linear.scatter [tilespmem:s15], [sflag:$0x4], $0x4000, $0x38;
	[tilespmem:$0xE600] =	vst v63  }
0x3c2: {  	_ =	swait.ge [sflag:s24], $0x4000  }
0x3c3: {  	s5 =	smov.u32 s6;
	s1 =	sshra.s32 s0, $0x2;
	[sflag:s24] =	ssyncset.done $0x0  }
0x3c4: {  	s2 =	sadd.s32 $0x3600, s1;
	[sflag:s24] =	ssyncadd.s32 $0xFFFFC000  }
0x3c5: {  	[tilespmem:s15], [sflag:$0x2] =	stream.indirect.gather [hbm4b:s3+s10], $0x20, s2, s10, $0xb8;
	[tilespmem:$0xE600] =	vst v63  }
0x3c6: {  	s6 =	sadd.s32 $0x3680, s1  }
0x3c7: {  	[tilespmem:s16], [sflag:$0x2] =	stream.indirect.gather [hbm4b:s3+s10], $0x20, s6, s10, $0xb8;
	[tilespmem:$0xE600] =	vst v63  }
0x3c8: {  	s16 =	sadd.s32 $0x3700, s1  }
0x3c9: {  	[tilespmem:s17], [sflag:$0x2] =	stream.indirect.gather [hbm4b:s3+s10], $0x20, s16, s10, $0xb8;
	[tilespmem:$0xE600] =	vst v63  }
0x3ca: {  	s17 =	sadd.s32 $0x3780, s1  }
0x3cb: {  	[tilespmem:s18], [sflag:$0x2] =	stream.indirect.gather [hbm4b:s3+s10], $0x20, s17, s10, $0xb8;
	[tilespmem:$0xE600] =	vst v63  }
0x3cc: {  	_ =	swait.ge [sflag:s19], $0x4000  }
0x3cd: {  	[sflag:s19] =	ssyncset.done $0x0  }
0x3ce: {  	s21 =	sadd.s32 s0, s7;
	[sflag:s19] =	ssyncadd.s32 $0xFFFFC000  }
0x3cf: {  	[hbm4b:s21+s12] =	stream.linear.scatter [tilespmem:s9], [sflag:$0x4], $0x4000, $0x38;
	[tilespmem:$0xE600] =	vst v63  }
0x3d0: {  	_ =	swait.ge [sflag:s24], $0x4000  }
0x3d1: {  	[sflag:s24] =	ssyncset.done $0x0  }
0x3d2: {  	s22 =	sadd.s32 $0x3800, s1;
	[sflag:s24] =	ssyncadd.s32 $0xFFFFC000  }
0x3d3: {  	[tilespmem:s9], [sflag:$0x1] =	stream.indirect.gather [hbm4b:s3+s10], $0x20, s22, s10, $0xb8;
	[tilespmem:$0xE600] =	vst v63  }
0x3d4: {  	s23 =	sadd.s32 $0x3880, s1  }
0x3d5: {  	[tilespmem:s11], [sflag:$0x1] =	stream.indirect.gather [hbm4b:s3+s10], $0x20, s23, s10, $0xb8;
	[tilespmem:$0xE600] =	vst v63  }
0x3d6: {  	s25 =	sadd.s32 $0x3900, s1  }
0x3d7: {  	[tilespmem:s13], [sflag:$0x1] =	stream.indirect.gather [hbm4b:s3+s10], $0x20, s25, s10, $0xb8;
	[tilespmem:$0xE600] =	vst v63  }
0x3d8: {  	s26 =	sadd.s32 $0x3980, s1  }
0x3d9: {  	[tilespmem:s14], [sflag:$0x1] =	stream.indirect.gather [hbm4b:s3+s10], $0x20, s26, s10, $0xb8;
	[tilespmem:$0xE600] =	vst v63  }
0x3da: {  	_ =	swait.ge [sflag:s20], $0x4000  }
0x3db: {  	[sflag:s20] =	ssyncset.done $0x0  }
0x3dc: {  	s28 =	sadd.s32 s0, s8;
	[sflag:s20] =	ssyncadd.s32 $0xFFFFC000  }
0x3dd: {  	[hbm4b:s28+s12] =	stream.linear.scatter [tilespmem:s15], [sflag:$0x4], $0x4000, $0x38;
	[tilespmem:$0xE600] =	vst v63  }
0x3de: {  	_ =	swait.ge [sflag:s24], $0x4000  }
0x3df: {  	[sflag:s24] =	ssyncset.done $0x0  }
0x3e0: {  	[sflag:s24] =	ssyncadd.s32 $0xFFFFC000  }
0x3e1: {  	_ =	swait.ge [sflag:s19], $0x4000  }
0x3e2: {  	[sflag:s19] =	ssyncset.done $0x0  }
0x3e3: {  	s29 =	rddreg [dreg:$0x3];
	[sflag:s19] =	ssyncadd.s32 $0xFFFFC000  }
0x3e4: {  	[hbm4b:s29+s12] =	stream.linear.scatter [tilespmem:s9], [sflag:$0x4], $0x4000, $0x38;
	[tilespmem:$0xE600] =	vst v63  }
0x3e5: {  	_ =	swait.ge [sflag:s24], $0x4000  }
0x3e6: {  	s30 =	rddreg [dreg:$0x7]  }
0x3e7: {  	s31 =	rddreg [dreg:$0x4];
	s1 =	sadd.s32 $0x1, s30  }
0x3e8: {  	p0 =	sne.s32 s1, s31  }
.Ltmp3:
0x3e9: {  	_ = 	snop;
	(pc) =	sbr.rel @p0 .LBB2_1-.Ltmp3, $3  }
0x3ea: {  	_ =	sdelay $0x1  }
0x3eb: {  	[sflag:s24] =	ssyncset.done $0x0  }
0x3ec: {  	s2 =	rddreg [dreg:$0x2];
	[sflag:s24] =	ssyncadd.s32 $0xFFFFC000  }
0x3ed: {  	_ =	sfence.sel $0x180000  }
0x3ee: {  	[bflag:$0x0] =	sbarrier.arrive $0xFFFF  }
0x3ef: {  	_ =	strace $0x9000004A  }
0x3f0: {  	s0 =	stileid.u32;
	[bflag:$0x2] =	sbarrier.arrive $0xFFFF  }
0x3f1: {  	p0 =	sne.s32 s0, $0x0;
	s0 =	rddreg [dreg:$0x1]  }
0x3f2: {  	s0 =	sadd.s32 @!p0 $0x100000, s0  }
0x3f3: {  	[sflag:s0] =	ssyncadd.tile.s32 @!p0 $0x1;
	_ =	shalt  }
.Lfunc_end2:
_tile_overlayer_lowered:
.L_overlay_start_2:
0x3f4: {  	(tag) =	ssettag $0x2  }
0x3f5: {  	s0 =	rddreg [dreg:$0x0];
	s2 =	stileid.u32  }
0x3f6: {  	s1 =	rddreg [dreg:$0x1];
	p0 =	sne.s32 s2, $0x0  }
0x3f7: {  	s3 =	rddreg [dreg:$0x2];
	[bflag:$0x3] =	sbarrier.arrive $0xFFFF;
	s2 =	simm.s32 @!p0 $0x1C04  }
0x3f8: {  	[timem:s3], [sflag:s2] =	dma.local @!p0 [hbm:s0], s1  }
0x3f9: {  	s0 =	simm.s32 @!p0 $0x4  }
0x3fa: {  	_ =	swait.ge @!p0 [sflag:s0], s1  }
0x3fb: {  	s1 =	ssub.s32 @!p0 $0x0, s1;
	[sflag:s0] =	ssyncset.done @!p0 $0x0  }
0x3fc: {  	[sflag:s0] =	ssyncadd.s32 @!p0 s1  }
0x3fd: {  	[bflag:$0x3] =	sbarrier.arrive $0xFFFF  }
0x3fe: {  	_ =	shalt  }

</sc_bundles>
